<compile_context>
chip_gen: v7x
topology: tpu7x:2x2x1
jax: 0.10.2.dev20260603
libtpu: 0.0.44.dev20260713+nightly
codegen_flags: <defaults>
</compile_context>

<pallas_src>
import functools

import jax
import jax.numpy as jnp
from jax import lax
from jax.experimental import pallas as pl
from jax.experimental.pallas import tpu as pltpu
from jax.experimental.pallas import tpu_sc as plsc

_S = 4


@functools.cache
def _gunpool_sc(B, V, E, d, NC, NS):
    NW = NC * NS
    EW = E // NW
    assert E % NW == 0
    K = 1
    for cand in (128, 120, 112, 104, 96, 88, 80, 72, 64, 56, 48, 40, 32, 24, 16, 8):
        if EW % cand == 0:
            K = cand
            break
    CPB = EW // K
    N = B * CPB
    assert N >= 12
    VO = V + E

    mesh = plsc.VectorSubcoreMesh(core_axis_name="c", subcore_axis_name="s")

    @functools.partial(
        pl.kernel,
        out_type=jax.ShapeDtypeStruct((B * VO, d), jnp.float32),
        mesh=mesh,
        scratch_types=(
            [pltpu.VMEM((2, K), jnp.int32) for _ in range(_S)]
            + [pltpu.VMEM((K, d), jnp.float32) for _ in range(_S)]
            + [pltpu.SemaphoreType.DMA] * (4 * _S)
        ),
    )
    def k(x_hbm, idxp_hbm, out_hbm, *scr):
        idxs = list(scr[:_S])
        ras = list(scr[_S:2 * _S])
        sems = list(scr[2 * _S:])
        isem = sems[0:_S]
        gsa = sems[_S:2 * _S]
        gsb = sems[2 * _S:3 * _S]
        osem = sems[3 * _S:4 * _S]
        wid = lax.axis_index("s") * NC + lax.axis_index("c")

        def split(c):
            if B == 2:
                b = (c >= CPB).astype(jnp.int32) if not isinstance(c, int) \
                    else int(c >= CPB)
            else:
                b = c // CPB
            return b, c - b * CPB

        def fire_idx(c, s):
            b, local = split(c)
            row = b * (E // K) + wid * CPB + local
            pltpu.async_copy(idxp_hbm.at[row], idxs[s], isem[s])

        def drain_idx(s):
            pltpu.make_async_copy(idxp_hbm.at[0], idxs[s], isem[s]).wait()

        def fire_a(s):
            pltpu.async_copy(x_hbm.at[idxs[s].at[0]], ras[s], gsa[s])

        def drain_a(s):
            pltpu.make_async_copy(x_hbm.at[idxs[s].at[0]], ras[s], gsa[s]).wait()

        def fire_b(s):
            pltpu.async_copy(x_hbm.at[idxs[s].at[1]], ras[s], gsb[s], add=True)

        def drain_b(s):
            pltpu.make_async_copy(x_hbm.at[idxs[s].at[1]], ras[s], gsb[s]).wait()

        def compute(s):
            def body(i, _):
                for j in range(d // 16):
                    sl = pl.ds(j * 16, 16)
                    ras[s][i, sl] = ras[s][i, sl] * 0.5
                return 0
            lax.fori_loop(0, K, body, 0)

        def fire_out(c, s):
            b, local = split(c)
            o0 = b * VO + V + wid * EW + local * K
            pltpu.async_copy(ras[s], out_hbm.at[pl.ds(o0, K)], osem[s])

        def drain_out(s):
            pltpu.make_async_copy(ras[s], out_hbm.at[pl.ds(0, K)], osem[s]).wait()

        def iter_body(c, p, b_next=True, a_2=True, o_wait=True, i_3=True):
            q1, q2, q3 = (p + 1) % _S, (p + 2) % _S, (p + 3) % _S
            if b_next:
                drain_a(q1)
                fire_b(q1)
            drain_b(p)
            if a_2:
                drain_idx(q2)
                if o_wait:
                    drain_out(q2)
                fire_a(q2)
            if i_3:
                fire_idx(c + 3, q3)
            compute(p)
            fire_out(c, p)

        CPY = 320
        n_full = V // CPY
        rem = V - n_full * CPY
        for b in range(B):
            @pl.when(wid < n_full)
            def _():
                r0 = wid * CPY
                pltpu.sync_copy(x_hbm.at[pl.ds(b * V + r0, CPY)],
                                out_hbm.at[pl.ds(b * VO + r0, CPY)])
            if rem:
                @pl.when(wid == n_full)
                def _():
                    r0 = n_full * CPY
                    pltpu.sync_copy(x_hbm.at[pl.ds(b * V + r0, rem)],
                                    out_hbm.at[pl.ds(b * VO + r0, rem)])

        fire_idx(0, 0)
        fire_idx(1, 1)
        fire_idx(2, 2)
        drain_idx(0)
        fire_a(0)
        drain_idx(1)
        fire_a(1)
        drain_a(0)
        fire_b(0)

        iter_body(0, 0, o_wait=False)
        iter_body(1, 1, o_wait=False)
        iter_body(2, 2)
        iter_body(3, 3)

        n_main = (N - 4 - 6) // _S * _S
        def step(i, _):
            c0 = 4 + _S * i
            for p in range(_S):
                iter_body(c0 + p, p)
            return 0
        lax.fori_loop(0, n_main // _S, step, 0)

        for c in range(4 + n_main, N):
            p = c % _S
            iter_body(c, p,
                      b_next=(c + 1 < N),
                      a_2=(c + 2 < N),
                      i_3=(c + 3 < N))

        for s in range(_S):
            drain_out(s)

    return k


def kernel(x, edge_index):
    B, V, d = x.shape
    E = edge_index.shape[1]
    idx = edge_index.astype(jnp.int32)
    offs = (jnp.arange(B, dtype=jnp.int32) * V)[:, None]
    src_all = (idx[0][None, :] + offs).reshape(-1)
    dst_all = (idx[1][None, :] + offs).reshape(-1)
    x2 = x.reshape(B * V, d)
    info = plsc.get_sparse_core_info()
    NC, NS = info.num_cores, info.num_subcores
    NW = NC * NS
    EW = E // NW
    K = 1
    for cand in (128, 120, 112, 104, 96, 88, 80, 72, 64, 56, 48, 40, 32, 24, 16, 8):
        if EW % cand == 0:
            K = cand
            break
    idx_packed = jnp.stack(
        [src_all.reshape(-1, K), dst_all.reshape(-1, K)], axis=1)
    out = _gunpool_sc(B, V, E, d, NC, NS)(x2, idx_packed)
    return out.reshape(B, V + E, d)

# --- scband reference (transcript-rebuilt; emitter-appended) ---
"""Pipeline reference for scband-gunpooling-86096914415860 (READ-ONLY COPY).

The authoritative reference and input builder live on the scoring server;
editing this copy changes nothing except your own understanding.
"""

import jax, jax.numpy as jnp
import numpy as np


def setup_inputs(seed: int = 0) -> dict:
    key = jax.random.key(seed)
    k1, k2 = jax.random.split(key)
    x = jax.random.normal(k1, (2, 10000, 128), dtype=jnp.float32)
    edge_index = jax.random.randint(k2, (2, 320000), 0, 10000, dtype=jnp.int64)
    return {"x": x, "edge_index": edge_index}


def reference(x, edge_index):
    # x: [B, V, d], edge_index: [2, E]
    # gather endpoint features: [B, E, 2, d]
    new_features = x[:, edge_index.T]
    # midpoint of each edge: [B, E, d]
    new_vertices = 0.5 * new_features.sum(axis=2)
    # concat original verts with new midpoint verts: [B, V+E, d]
    output = jnp.concatenate([x, new_vertices], axis=1)
    return output

if __name__ == "__main__":
    import jax
    _d = setup_inputs()
    print(jax.jit(kernel)(*tuple(_d.values())))

</pallas_src>

<mosaic_0001>
#map = affine_map<(d0, d1) -> (0, 0)>
#map1 = affine_map<(d0, d1) -> (0, 0, 0)>
module attributes {stable_mosaic.version = 14 : i64} {
  func.func @k(%arg0: i32, %arg1: i32, %arg2: memref<20000x128xf32, #tpu.memory_space<hbm>>, %arg3: memref<8000x2x80xi32, #tpu.memory_space<hbm>>, %arg4: memref<660000x128xf32, #tpu.memory_space<hbm>>, %arg5: memref<2x80xi32, #tpu.memory_space<vmem>>, %arg6: memref<2x80xi32, #tpu.memory_space<vmem>>, %arg7: memref<2x80xi32, #tpu.memory_space<vmem>>, %arg8: memref<2x80xi32, #tpu.memory_space<vmem>>, %arg9: memref<80x128xf32, #tpu.memory_space<vmem>>, %arg10: memref<80x128xf32, #tpu.memory_space<vmem>>, %arg11: memref<80x128xf32, #tpu.memory_space<vmem>>, %arg12: memref<80x128xf32, #tpu.memory_space<vmem>>, %arg13: memref<!tpu.dma_semaphore, #tpu.memory_space<semaphore_mem>>, %arg14: memref<!tpu.dma_semaphore, #tpu.memory_space<semaphore_mem>>, %arg15: memref<!tpu.dma_semaphore, #tpu.memory_space<semaphore_mem>>, %arg16: memref<!tpu.dma_semaphore, #tpu.memory_space<semaphore_mem>>, %arg17: memref<!tpu.dma_semaphore, #tpu.memory_space<semaphore_mem>>, %arg18: memref<!tpu.dma_semaphore, #tpu.memory_space<semaphore_mem>>, %arg19: memref<!tpu.dma_semaphore, #tpu.memory_space<semaphore_mem>>, %arg20: memref<!tpu.dma_semaphore, #tpu.memory_space<semaphore_mem>>, %arg21: memref<!tpu.dma_semaphore, #tpu.memory_space<semaphore_mem>>, %arg22: memref<!tpu.dma_semaphore, #tpu.memory_space<semaphore_mem>>, %arg23: memref<!tpu.dma_semaphore, #tpu.memory_space<semaphore_mem>>, %arg24: memref<!tpu.dma_semaphore, #tpu.memory_space<semaphore_mem>>, %arg25: memref<!tpu.dma_semaphore, #tpu.memory_space<semaphore_mem>>, %arg26: memref<!tpu.dma_semaphore, #tpu.memory_space<semaphore_mem>>, %arg27: memref<!tpu.dma_semaphore, #tpu.memory_space<semaphore_mem>>, %arg28: memref<!tpu.dma_semaphore, #tpu.memory_space<semaphore_mem>>) attributes {dimension_semantics = [#tpu.dimension_semantics<core_parallel>, #tpu.dimension_semantics<subcore_parallel>], iteration_bounds = array<i64: 2, 16>, scalar_prefetch = 0 : i64, scratch_operands = 24 : i64, tpu.core_type = #tpu.core_type<sc_vector_subcore>, window_params = [{transform_indices = #map}, {transform_indices = #map1}, {transform_indices = #map}]} {
    %mul3A = arith.constant 2 : i32
    %mul3A_0 = arith.muli %arg1, %mul3A : i32
    %add3A = arith.addi %mul3A_0, %arg0 : i32
    %lt3A = arith.constant 31 : i32
    %lt3A_1 = arith.cmpi slt, %add3A, %lt3A : i32
    %convert_element_type3A = arith.extui %lt3A_1 : i1 to i32
    %cond3A = arith.constant 0 : i32
    %cond3A_2 = arith.cmpi ne, %convert_element_type3A, %cond3A : i32
    scf.if %cond3A_2 {
      %mul3A_761 = arith.constant 320 : i32
      %mul3A_762 = arith.muli %add3A, %mul3A_761 : i32
      %add3A_763 = arith.constant 0 : i32
      %add3A_764 = arith.addi %add3A_763, %mul3A_762 : i32
      %add3A_765 = arith.constant 0 : i32
      %add3A_766 = arith.addi %add3A_765, %mul3A_762 : i32
      "tpu.region"() ({
        %run_scoped3A = tpu.sem_alloc : memref<!tpu.dma_semaphore, #tpu.memory_space<semaphore_mem>>
        %dma_start3A_767 = arith.constant 0 : i32
        %dma_start3A_768 = tpu.memref_slice %arg4[%add3A_766, %dma_start3A_767] : memref<660000x128xf32, #tpu.memory_space<hbm>> -> memref<320x128xf32, #tpu.memory_space<hbm>>
        %dma_start3A_769 = arith.constant 0 : i32
        %dma_start3A_770 = tpu.memref_slice %arg2[%add3A_764, %dma_start3A_769] : memref<20000x128xf32, #tpu.memory_space<hbm>> -> memref<320x128xf32, #tpu.memory_space<hbm>>
        tpu.enqueue_dma source(%dma_start3A_770 : memref<320x128xf32, #tpu.memory_space<hbm>>) target(%dma_start3A_768 : memref<320x128xf32, #tpu.memory_space<hbm>>) target_semaphore(%run_scoped3A : memref<!tpu.dma_semaphore, #tpu.memory_space<semaphore_mem>>)
        %dma_wait3A_771 = arith.constant 0 : i32
        %dma_wait3A_772 = tpu.memref_slice %arg4[%add3A_766, %dma_wait3A_771] : memref<660000x128xf32, #tpu.memory_space<hbm>> -> memref<320x128xf32, #tpu.memory_space<hbm>>
        %dma_wait3A_773 = arith.constant 0 : i32
        %dma_wait3A_774 = tpu.memref_slice %arg2[%add3A_764, %dma_wait3A_773] : memref<20000x128xf32, #tpu.memory_space<hbm>> -> memref<320x128xf32, #tpu.memory_space<hbm>>
        tpu.wait_dma2 semaphore(%run_scoped3A : memref<!tpu.dma_semaphore, #tpu.memory_space<semaphore_mem>>) src(%dma_wait3A_774 : memref<320x128xf32, #tpu.memory_space<hbm>>) dst(%dma_wait3A_772 : memref<320x128xf32, #tpu.memory_space<hbm>>)
        tpu.yield
      }) : () -> ()
    } else {
    }
    %eq3A = arith.constant 31 : i32
    %eq3A_3 = arith.cmpi eq, %add3A, %eq3A : i32
    %convert_element_type3A_4 = arith.extui %eq3A_3 : i1 to i32
    %cond3A_5 = arith.constant 0 : i32
    %cond3A_6 = arith.cmpi ne, %convert_element_type3A_4, %cond3A_5 : i32
    scf.if %cond3A_6 {
      "tpu.region"() ({
        %run_scoped3A = tpu.sem_alloc : memref<!tpu.dma_semaphore, #tpu.memory_space<semaphore_mem>>
        %dma_start3A_761 = arith.constant 9920 : i32
        %dma_start3A_762 = arith.constant 0 : i32
        %dma_start3A_763 = tpu.memref_slice %arg4[%dma_start3A_761, %dma_start3A_762] : memref<660000x128xf32, #tpu.memory_space<hbm>> -> memref<80x128xf32, #tpu.memory_space<hbm>>
        %dma_start3A_764 = arith.constant 9920 : i32
        %dma_start3A_765 = arith.constant 0 : i32
        %dma_start3A_766 = tpu.memref_slice %arg2[%dma_start3A_764, %dma_start3A_765] : memref<20000x128xf32, #tpu.memory_space<hbm>> -> memref<80x128xf32, #tpu.memory_space<hbm>>
        tpu.enqueue_dma source(%dma_start3A_766 : memref<80x128xf32, #tpu.memory_space<hbm>>) target(%dma_start3A_763 : memref<80x128xf32, #tpu.memory_space<hbm>>) target_semaphore(%run_scoped3A : memref<!tpu.dma_semaphore, #tpu.memory_space<semaphore_mem>>)
        %dma_wait3A_767 = arith.constant 9920 : i32
        %dma_wait3A_768 = arith.constant 0 : i32
        %dma_wait3A_769 = tpu.memref_slice %arg4[%dma_wait3A_767, %dma_wait3A_768] : memref<660000x128xf32, #tpu.memory_space<hbm>> -> memref<80x128xf32, #tpu.memory_space<hbm>>
        %dma_wait3A_770 = arith.constant 9920 : i32
        %dma_wait3A_771 = arith.constant 0 : i32
        %dma_wait3A_772 = tpu.memref_slice %arg2[%dma_wait3A_770, %dma_wait3A_771] : memref<20000x128xf32, #tpu.memory_space<hbm>> -> memref<80x128xf32, #tpu.memory_space<hbm>>
        tpu.wait_dma2 semaphore(%run_scoped3A : memref<!tpu.dma_semaphore, #tpu.memory_space<semaphore_mem>>) src(%dma_wait3A_772 : memref<80x128xf32, #tpu.memory_space<hbm>>) dst(%dma_wait3A_769 : memref<80x128xf32, #tpu.memory_space<hbm>>)
        tpu.yield
      }) : () -> ()
    } else {
    }
    %lt3A_7 = arith.constant 31 : i32
    %lt3A_8 = arith.cmpi slt, %add3A, %lt3A_7 : i32
    %convert_element_type3A_9 = arith.extui %lt3A_8 : i1 to i32
    %cond3A_10 = arith.constant 0 : i32
    %cond3A_11 = arith.cmpi ne, %convert_element_type3A_9, %cond3A_10 : i32
    scf.if %cond3A_11 {
      %mul3A_761 = arith.constant 320 : i32
      %mul3A_762 = arith.muli %add3A, %mul3A_761 : i32
      %add3A_763 = arith.constant 10000 : i32
      %add3A_764 = arith.addi %add3A_763, %mul3A_762 : i32
      %add3A_765 = arith.constant 330000 : i32
      %add3A_766 = arith.addi %add3A_765, %mul3A_762 : i32
      "tpu.region"() ({
        %run_scoped3A = tpu.sem_alloc : memref<!tpu.dma_semaphore, #tpu.memory_space<semaphore_mem>>
        %dma_start3A_767 = arith.constant 0 : i32
        %dma_start3A_768 = tpu.memref_slice %arg4[%add3A_766, %dma_start3A_767] : memref<660000x128xf32, #tpu.memory_space<hbm>> -> memref<320x128xf32, #tpu.memory_space<hbm>>
        %dma_start3A_769 = arith.constant 0 : i32
        %dma_start3A_770 = tpu.memref_slice %arg2[%add3A_764, %dma_start3A_769] : memref<20000x128xf32, #tpu.memory_space<hbm>> -> memref<320x128xf32, #tpu.memory_space<hbm>>
        tpu.enqueue_dma source(%dma_start3A_770 : memref<320x128xf32, #tpu.memory_space<hbm>>) target(%dma_start3A_768 : memref<320x128xf32, #tpu.memory_space<hbm>>) target_semaphore(%run_scoped3A : memref<!tpu.dma_semaphore, #tpu.memory_space<semaphore_mem>>)
        %dma_wait3A_771 = arith.constant 0 : i32
        %dma_wait3A_772 = tpu.memref_slice %arg4[%add3A_766, %dma_wait3A_771] : memref<660000x128xf32, #tpu.memory_space<hbm>> -> memref<320x128xf32, #tpu.memory_space<hbm>>
        %dma_wait3A_773 = arith.constant 0 : i32
        %dma_wait3A_774 = tpu.memref_slice %arg2[%add3A_764, %dma_wait3A_773] : memref<20000x128xf32, #tpu.memory_space<hbm>> -> memref<320x128xf32, #tpu.memory_space<hbm>>
        tpu.wait_dma2 semaphore(%run_scoped3A : memref<!tpu.dma_semaphore, #tpu.memory_space<semaphore_mem>>) src(%dma_wait3A_774 : memref<320x128xf32, #tpu.memory_space<hbm>>) dst(%dma_wait3A_772 : memref<320x128xf32, #tpu.memory_space<hbm>>)
        tpu.yield
      }) : () -> ()
    } else {
    }
    %eq3A_12 = arith.constant 31 : i32
    %eq3A_13 = arith.cmpi eq, %add3A, %eq3A_12 : i32
    %convert_element_type3A_14 = arith.extui %eq3A_13 : i1 to i32
    %cond3A_15 = arith.constant 0 : i32
    %cond3A_16 = arith.cmpi ne, %convert_element_type3A_14, %cond3A_15 : i32
    scf.if %cond3A_16 {
      "tpu.region"() ({
        %run_scoped3A = tpu.sem_alloc : memref<!tpu.dma_semaphore, #tpu.memory_space<semaphore_mem>>
        %dma_start3A_761 = arith.constant 339920 : i32
        %dma_start3A_762 = arith.constant 0 : i32
        %dma_start3A_763 = tpu.memref_slice %arg4[%dma_start3A_761, %dma_start3A_762] : memref<660000x128xf32, #tpu.memory_space<hbm>> -> memref<80x128xf32, #tpu.memory_space<hbm>>
        %dma_start3A_764 = arith.constant 19920 : i32
        %dma_start3A_765 = arith.constant 0 : i32
        %dma_start3A_766 = tpu.memref_slice %arg2[%dma_start3A_764, %dma_start3A_765] : memref<20000x128xf32, #tpu.memory_space<hbm>> -> memref<80x128xf32, #tpu.memory_space<hbm>>
        tpu.enqueue_dma source(%dma_start3A_766 : memref<80x128xf32, #tpu.memory_space<hbm>>) target(%dma_start3A_763 : memref<80x128xf32, #tpu.memory_space<hbm>>) target_semaphore(%run_scoped3A : memref<!tpu.dma_semaphore, #tpu.memory_space<semaphore_mem>>)
        %dma_wait3A_767 = arith.constant 339920 : i32
        %dma_wait3A_768 = arith.constant 0 : i32
        %dma_wait3A_769 = tpu.memref_slice %arg4[%dma_wait3A_767, %dma_wait3A_768] : memref<660000x128xf32, #tpu.memory_space<hbm>> -> memref<80x128xf32, #tpu.memory_space<hbm>>
        %dma_wait3A_770 = arith.constant 19920 : i32
        %dma_wait3A_771 = arith.constant 0 : i32
        %dma_wait3A_772 = tpu.memref_slice %arg2[%dma_wait3A_770, %dma_wait3A_771] : memref<20000x128xf32, #tpu.memory_space<hbm>> -> memref<80x128xf32, #tpu.memory_space<hbm>>
        tpu.wait_dma2 semaphore(%run_scoped3A : memref<!tpu.dma_semaphore, #tpu.memory_space<semaphore_mem>>) src(%dma_wait3A_772 : memref<80x128xf32, #tpu.memory_space<hbm>>) dst(%dma_wait3A_769 : memref<80x128xf32, #tpu.memory_space<hbm>>)
        tpu.yield
      }) : () -> ()
    } else {
    }
    %mul3A_17 = arith.constant 125 : i32
    %mul3A_18 = arith.muli %add3A, %mul3A_17 : i32
    %add3A_19 = arith.constant 0 : i32
    %add3A_20 = arith.addi %add3A_19, %mul3A_18 : i32
    %add3A_21 = arith.constant 0 : i32
    %add3A_22 = arith.addi %add3A_20, %add3A_21 : i32
    %dma_start3A = arith.constant 0 : i32
    %dma_start3A_23 = arith.constant 0 : i32
    %dma_start3A_24 = tpu.memref_slice %arg3[%add3A_22, %dma_start3A, %dma_start3A_23] : memref<8000x2x80xi32, #tpu.memory_space<hbm>> -> memref<1x2x80xi32, #tpu.memory_space<hbm>>
    %dma_start3A_25 = tpu.memref_squeeze %dma_start3A_24 : memref<1x2x80xi32, #tpu.memory_space<hbm>> -> memref<2x80xi32, #tpu.memory_space<hbm>>
    %dma_start3A_26 = arith.constant 0 : i32
    %dma_start3A_27 = arith.constant 0 : i32
    %dma_start3A_28 = tpu.memref_slice %arg3[%add3A_22, %dma_start3A_26, %dma_start3A_27] : memref<8000x2x80xi32, #tpu.memory_space<hbm>> -> memref<1x2x80xi32, #tpu.memory_space<hbm>>
    %dma_start3A_29 = tpu.memref_squeeze %dma_start3A_28 : memref<1x2x80xi32, #tpu.memory_space<hbm>> -> memref<2x80xi32, #tpu.memory_space<hbm>>
    tpu.enqueue_dma source(%dma_start3A_29 : memref<2x80xi32, #tpu.memory_space<hbm>>) target(%arg5 : memref<2x80xi32, #tpu.memory_space<vmem>>) target_semaphore(%arg13 : memref<!tpu.dma_semaphore, #tpu.memory_space<semaphore_mem>>)
    %mul3A_30 = arith.constant 125 : i32
    %mul3A_31 = arith.muli %add3A, %mul3A_30 : i32
    %add3A_32 = arith.constant 0 : i32
    %add3A_33 = arith.addi %add3A_32, %mul3A_31 : i32
    %add3A_34 = arith.constant 1 : i32
    %add3A_35 = arith.addi %add3A_33, %add3A_34 : i32
    %dma_start3A_36 = arith.constant 0 : i32
    %dma_start3A_37 = arith.constant 0 : i32
    %dma_start3A_38 = tpu.memref_slice %arg3[%add3A_35, %dma_start3A_36, %dma_start3A_37] : memref<8000x2x80xi32, #tpu.memory_space<hbm>> -> memref<1x2x80xi32, #tpu.memory_space<hbm>>
    %dma_start3A_39 = tpu.memref_squeeze %dma_start3A_38 : memref<1x2x80xi32, #tpu.memory_space<hbm>> -> memref<2x80xi32, #tpu.memory_space<hbm>>
    %dma_start3A_40 = arith.constant 0 : i32
    %dma_start3A_41 = arith.constant 0 : i32
    %dma_start3A_42 = tpu.memref_slice %arg3[%add3A_35, %dma_start3A_40, %dma_start3A_41] : memref<8000x2x80xi32, #tpu.memory_space<hbm>> -> memref<1x2x80xi32, #tpu.memory_space<hbm>>
    %dma_start3A_43 = tpu.memref_squeeze %dma_start3A_42 : memref<1x2x80xi32, #tpu.memory_space<hbm>> -> memref<2x80xi32, #tpu.memory_space<hbm>>
    tpu.enqueue_dma source(%dma_start3A_43 : memref<2x80xi32, #tpu.memory_space<hbm>>) target(%arg6 : memref<2x80xi32, #tpu.memory_space<vmem>>) target_semaphore(%arg14 : memref<!tpu.dma_semaphore, #tpu.memory_space<semaphore_mem>>)
    %mul3A_44 = arith.constant 125 : i32
    %mul3A_45 = arith.muli %add3A, %mul3A_44 : i32
    %add3A_46 = arith.constant 0 : i32
    %add3A_47 = arith.addi %add3A_46, %mul3A_45 : i32
    %add3A_48 = arith.constant 2 : i32
    %add3A_49 = arith.addi %add3A_47, %add3A_48 : i32
    %dma_start3A_50 = arith.constant 0 : i32
    %dma_start3A_51 = arith.constant 0 : i32
    %dma_start3A_52 = tpu.memref_slice %arg3[%add3A_49, %dma_start3A_50, %dma_start3A_51] : memref<8000x2x80xi32, #tpu.memory_space<hbm>> -> memref<1x2x80xi32, #tpu.memory_space<hbm>>
    %dma_start3A_53 = tpu.memref_squeeze %dma_start3A_52 : memref<1x2x80xi32, #tpu.memory_space<hbm>> -> memref<2x80xi32, #tpu.memory_space<hbm>>
    %dma_start3A_54 = arith.constant 0 : i32
    %dma_start3A_55 = arith.constant 0 : i32
    %dma_start3A_56 = tpu.memref_slice %arg3[%add3A_49, %dma_start3A_54, %dma_start3A_55] : memref<8000x2x80xi32, #tpu.memory_space<hbm>> -> memref<1x2x80xi32, #tpu.memory_space<hbm>>
    %dma_start3A_57 = tpu.memref_squeeze %dma_start3A_56 : memref<1x2x80xi32, #tpu.memory_space<hbm>> -> memref<2x80xi32, #tpu.memory_space<hbm>>
    tpu.enqueue_dma source(%dma_start3A_57 : memref<2x80xi32, #tpu.memory_space<hbm>>) target(%arg7 : memref<2x80xi32, #tpu.memory_space<vmem>>) target_semaphore(%arg15 : memref<!tpu.dma_semaphore, #tpu.memory_space<semaphore_mem>>)
    %dma_wait3A = arith.constant 0 : i32
    %dma_wait3A_58 = arith.constant 0 : i32
    %dma_wait3A_59 = arith.constant 0 : i32
    %dma_wait3A_60 = tpu.memref_slice %arg3[%dma_wait3A, %dma_wait3A_58, %dma_wait3A_59] : memref<8000x2x80xi32, #tpu.memory_space<hbm>> -> memref<1x2x80xi32, #tpu.memory_space<hbm>>
    %dma_wait3A_61 = tpu.memref_squeeze %dma_wait3A_60 : memref<1x2x80xi32, #tpu.memory_space<hbm>> -> memref<2x80xi32, #tpu.memory_space<hbm>>
    %dma_wait3A_62 = arith.constant 0 : i32
    %dma_wait3A_63 = arith.constant 0 : i32
    %dma_wait3A_64 = tpu.memref_slice %arg3[%dma_wait3A, %dma_wait3A_62, %dma_wait3A_63] : memref<8000x2x80xi32, #tpu.memory_space<hbm>> -> memref<1x2x80xi32, #tpu.memory_space<hbm>>
    %dma_wait3A_65 = tpu.memref_squeeze %dma_wait3A_64 : memref<1x2x80xi32, #tpu.memory_space<hbm>> -> memref<2x80xi32, #tpu.memory_space<hbm>>
    tpu.wait_dma2 semaphore(%arg13 : memref<!tpu.dma_semaphore, #tpu.memory_space<semaphore_mem>>) src(%dma_wait3A_65 : memref<2x80xi32, #tpu.memory_space<hbm>>) dst(%arg5 : memref<2x80xi32, #tpu.memory_space<vmem>>)
    %dma_start3A_66 = arith.constant 0 : i32
    %dma_start3A_67 = arith.constant 0 : i32
    %dma_start3A_68 = tpu.memref_slice %arg5[%dma_start3A_66, %dma_start3A_67] : memref<2x80xi32, #tpu.memory_space<vmem>> -> memref<1x80xi32, #tpu.memory_space<vmem>>
    %dma_start3A_69 = tpu.memref_squeeze %dma_start3A_68 : memref<1x80xi32, #tpu.memory_space<vmem>> -> memref<80xi32, #tpu.memory_space<vmem>>
    %dma_start3A_70 = arith.constant 0 : i32
    %dma_start3A_71 = arith.constant 0 : i32
    %dma_start3A_72 = tpu.memref_slice %arg2[%dma_start3A_70, %dma_start3A_71] : memref<20000x128xf32, #tpu.memory_space<hbm>> -> memref<20000x128xf32, #tpu.memory_space<hbm>>
    tpu.enqueue_indirect_dma source(%dma_start3A_72 : memref<20000x128xf32, #tpu.memory_space<hbm>>) target(%arg9 : memref<80x128xf32, #tpu.memory_space<vmem>>) offsets(%dma_start3A_69 : memref<80xi32, #tpu.memory_space<vmem>>) semaphore(%arg17 : memref<!tpu.dma_semaphore, #tpu.memory_space<semaphore_mem>>)
    %dma_wait3A_73 = arith.constant 0 : i32
    %dma_wait3A_74 = arith.constant 0 : i32
    %dma_wait3A_75 = arith.constant 0 : i32
    %dma_wait3A_76 = tpu.memref_slice %arg3[%dma_wait3A_73, %dma_wait3A_74, %dma_wait3A_75] : memref<8000x2x80xi32, #tpu.memory_space<hbm>> -> memref<1x2x80xi32, #tpu.memory_space<hbm>>
    %dma_wait3A_77 = tpu.memref_squeeze %dma_wait3A_76 : memref<1x2x80xi32, #tpu.memory_space<hbm>> -> memref<2x80xi32, #tpu.memory_space<hbm>>
    %dma_wait3A_78 = arith.constant 0 : i32
    %dma_wait3A_79 = arith.constant 0 : i32
    %dma_wait3A_80 = tpu.memref_slice %arg3[%dma_wait3A_73, %dma_wait3A_78, %dma_wait3A_79] : memref<8000x2x80xi32, #tpu.memory_space<hbm>> -> memref<1x2x80xi32, #tpu.memory_space<hbm>>
    %dma_wait3A_81 = tpu.memref_squeeze %dma_wait3A_80 : memref<1x2x80xi32, #tpu.memory_space<hbm>> -> memref<2x80xi32, #tpu.memory_space<hbm>>
    tpu.wait_dma2 semaphore(%arg14 : memref<!tpu.dma_semaphore, #tpu.memory_space<semaphore_mem>>) src(%dma_wait3A_81 : memref<2x80xi32, #tpu.memory_space<hbm>>) dst(%arg6 : memref<2x80xi32, #tpu.memory_space<vmem>>)
    %dma_start3A_82 = arith.constant 0 : i32
    %dma_start3A_83 = arith.constant 0 : i32
    %dma_start3A_84 = tpu.memref_slice %arg6[%dma_start3A_82, %dma_start3A_83] : memref<2x80xi32, #tpu.memory_space<vmem>> -> memref<1x80xi32, #tpu.memory_space<vmem>>
    %dma_start3A_85 = tpu.memref_squeeze %dma_start3A_84 : memref<1x80xi32, #tpu.memory_space<vmem>> -> memref<80xi32, #tpu.memory_space<vmem>>
    %dma_start3A_86 = arith.constant 0 : i32
    %dma_start3A_87 = arith.constant 0 : i32
    %dma_start3A_88 = tpu.memref_slice %arg2[%dma_start3A_86, %dma_start3A_87] : memref<20000x128xf32, #tpu.memory_space<hbm>> -> memref<20000x128xf32, #tpu.memory_space<hbm>>
    tpu.enqueue_indirect_dma source(%dma_start3A_88 : memref<20000x128xf32, #tpu.memory_space<hbm>>) target(%arg10 : memref<80x128xf32, #tpu.memory_space<vmem>>) offsets(%dma_start3A_85 : memref<80xi32, #tpu.memory_space<vmem>>) semaphore(%arg18 : memref<!tpu.dma_semaphore, #tpu.memory_space<semaphore_mem>>)
    %dma_wait3A_89 = arith.constant 0 : i32
    %dma_wait3A_90 = arith.constant 0 : i32
    %dma_wait3A_91 = tpu.memref_slice %arg5[%dma_wait3A_89, %dma_wait3A_90] : memref<2x80xi32, #tpu.memory_space<vmem>> -> memref<1x80xi32, #tpu.memory_space<vmem>>
    %dma_wait3A_92 = tpu.memref_squeeze %dma_wait3A_91 : memref<1x80xi32, #tpu.memory_space<vmem>> -> memref<80xi32, #tpu.memory_space<vmem>>
    %dma_wait3A_93 = arith.constant 0 : i32
    %dma_wait3A_94 = arith.constant 0 : i32
    %dma_wait3A_95 = tpu.memref_slice %arg2[%dma_wait3A_93, %dma_wait3A_94] : memref<20000x128xf32, #tpu.memory_space<hbm>> -> memref<20000x128xf32, #tpu.memory_space<hbm>>
    tpu.wait_indirect_dma semaphore(%arg17 : memref<!tpu.dma_semaphore, #tpu.memory_space<semaphore_mem>>) src(%dma_wait3A_95 : memref<20000x128xf32, #tpu.memory_space<hbm>>) dst(%arg9 : memref<80x128xf32, #tpu.memory_space<vmem>>)
    %dma_start3A_96 = arith.constant 1 : i32
    %dma_start3A_97 = arith.constant 0 : i32
    %dma_start3A_98 = tpu.memref_slice %arg5[%dma_start3A_96, %dma_start3A_97] : memref<2x80xi32, #tpu.memory_space<vmem>> -> memref<1x80xi32, #tpu.memory_space<vmem>>
    %dma_start3A_99 = tpu.memref_squeeze %dma_start3A_98 : memref<1x80xi32, #tpu.memory_space<vmem>> -> memref<80xi32, #tpu.memory_space<vmem>>
    %dma_start3A_100 = arith.constant 0 : i32
    %dma_start3A_101 = arith.constant 0 : i32
    %dma_start3A_102 = tpu.memref_slice %arg2[%dma_start3A_100, %dma_start3A_101] : memref<20000x128xf32, #tpu.memory_space<hbm>> -> memref<20000x128xf32, #tpu.memory_space<hbm>>
    tpu.enqueue_indirect_dma source(%dma_start3A_102 : memref<20000x128xf32, #tpu.memory_space<hbm>>) target(%arg9 : memref<80x128xf32, #tpu.memory_space<vmem>>) offsets(%dma_start3A_99 : memref<80xi32, #tpu.memory_space<vmem>>) semaphore(%arg21 : memref<!tpu.dma_semaphore, #tpu.memory_space<semaphore_mem>>) {add = true}
    %dma_wait3A_103 = arith.constant 0 : i32
    %dma_wait3A_104 = arith.constant 0 : i32
    %dma_wait3A_105 = tpu.memref_slice %arg6[%dma_wait3A_103, %dma_wait3A_104] : memref<2x80xi32, #tpu.memory_space<vmem>> -> memref<1x80xi32, #tpu.memory_space<vmem>>
    %dma_wait3A_106 = tpu.memref_squeeze %dma_wait3A_105 : memref<1x80xi32, #tpu.memory_space<vmem>> -> memref<80xi32, #tpu.memory_space<vmem>>
    %dma_wait3A_107 = arith.constant 0 : i32
    %dma_wait3A_108 = arith.constant 0 : i32
    %dma_wait3A_109 = tpu.memref_slice %arg2[%dma_wait3A_107, %dma_wait3A_108] : memref<20000x128xf32, #tpu.memory_space<hbm>> -> memref<20000x128xf32, #tpu.memory_space<hbm>>
    tpu.wait_indirect_dma semaphore(%arg18 : memref<!tpu.dma_semaphore, #tpu.memory_space<semaphore_mem>>) src(%dma_wait3A_109 : memref<20000x128xf32, #tpu.memory_space<hbm>>) dst(%arg10 : memref<80x128xf32, #tpu.memory_space<vmem>>)
    %dma_start3A_110 = arith.constant 1 : i32
    %dma_start3A_111 = arith.constant 0 : i32
    %dma_start3A_112 = tpu.memref_slice %arg6[%dma_start3A_110, %dma_start3A_111] : memref<2x80xi32, #tpu.memory_space<vmem>> -> memref<1x80xi32, #tpu.memory_space<vmem>>
    %dma_start3A_113 = tpu.memref_squeeze %dma_start3A_112 : memref<1x80xi32, #tpu.memory_space<vmem>> -> memref<80xi32, #tpu.memory_space<vmem>>
    %dma_start3A_114 = arith.constant 0 : i32
    %dma_start3A_115 = arith.constant 0 : i32
    %dma_start3A_116 = tpu.memref_slice %arg2[%dma_start3A_114, %dma_start3A_115] : memref<20000x128xf32, #tpu.memory_space<hbm>> -> memref<20000x128xf32, #tpu.memory_space<hbm>>
    tpu.enqueue_indirect_dma source(%dma_start3A_116 : memref<20000x128xf32, #tpu.memory_space<hbm>>) target(%arg10 : memref<80x128xf32, #tpu.memory_space<vmem>>) offsets(%dma_start3A_113 : memref<80xi32, #tpu.memory_space<vmem>>) semaphore(%arg22 : memref<!tpu.dma_semaphore, #tpu.memory_space<semaphore_mem>>) {add = true}
    %dma_wait3A_117 = arith.constant 1 : i32
    %dma_wait3A_118 = arith.constant 0 : i32
    %dma_wait3A_119 = tpu.memref_slice %arg5[%dma_wait3A_117, %dma_wait3A_118] : memref<2x80xi32, #tpu.memory_space<vmem>> -> memref<1x80xi32, #tpu.memory_space<vmem>>
    %dma_wait3A_120 = tpu.memref_squeeze %dma_wait3A_119 : memref<1x80xi32, #tpu.memory_space<vmem>> -> memref<80xi32, #tpu.memory_space<vmem>>
    %dma_wait3A_121 = arith.constant 0 : i32
    %dma_wait3A_122 = arith.constant 0 : i32
    %dma_wait3A_123 = tpu.memref_slice %arg2[%dma_wait3A_121, %dma_wait3A_122] : memref<20000x128xf32, #tpu.memory_space<hbm>> -> memref<20000x128xf32, #tpu.memory_space<hbm>>
    tpu.wait_indirect_dma semaphore(%arg21 : memref<!tpu.dma_semaphore, #tpu.memory_space<semaphore_mem>>) src(%dma_wait3A_123 : memref<20000x128xf32, #tpu.memory_space<hbm>>) dst(%arg9 : memref<80x128xf32, #tpu.memory_space<vmem>>)
    %dma_wait3A_124 = arith.constant 0 : i32
    %dma_wait3A_125 = arith.constant 0 : i32
    %dma_wait3A_126 = arith.constant 0 : i32
    %dma_wait3A_127 = tpu.memref_slice %arg3[%dma_wait3A_124, %dma_wait3A_125, %dma_wait3A_126] : memref<8000x2x80xi32, #tpu.memory_space<hbm>> -> memref<1x2x80xi32, #tpu.memory_space<hbm>>
    %dma_wait3A_128 = tpu.memref_squeeze %dma_wait3A_127 : memref<1x2x80xi32, #tpu.memory_space<hbm>> -> memref<2x80xi32, #tpu.memory_space<hbm>>
    %dma_wait3A_129 = arith.constant 0 : i32
    %dma_wait3A_130 = arith.constant 0 : i32
    %dma_wait3A_131 = tpu.memref_slice %arg3[%dma_wait3A_124, %dma_wait3A_129, %dma_wait3A_130] : memref<8000x2x80xi32, #tpu.memory_space<hbm>> -> memref<1x2x80xi32, #tpu.memory_space<hbm>>
    %dma_wait3A_132 = tpu.memref_squeeze %dma_wait3A_131 : memref<1x2x80xi32, #tpu.memory_space<hbm>> -> memref<2x80xi32, #tpu.memory_space<hbm>>
    tpu.wait_dma2 semaphore(%arg15 : memref<!tpu.dma_semaphore, #tpu.memory_space<semaphore_mem>>) src(%dma_wait3A_132 : memref<2x80xi32, #tpu.memory_space<hbm>>) dst(%arg7 : memref<2x80xi32, #tpu.memory_space<vmem>>)
    %dma_start3A_133 = arith.constant 0 : i32
    %dma_start3A_134 = arith.constant 0 : i32
    %dma_start3A_135 = tpu.memref_slice %arg7[%dma_start3A_133, %dma_start3A_134] : memref<2x80xi32, #tpu.memory_space<vmem>> -> memref<1x80xi32, #tpu.memory_space<vmem>>
    %dma_start3A_136 = tpu.memref_squeeze %dma_start3A_135 : memref<1x80xi32, #tpu.memory_space<vmem>> -> memref<80xi32, #tpu.memory_space<vmem>>
    %dma_start3A_137 = arith.constant 0 : i32
    %dma_start3A_138 = arith.constant 0 : i32
    %dma_start3A_139 = tpu.memref_slice %arg2[%dma_start3A_137, %dma_start3A_138] : memref<20000x128xf32, #tpu.memory_space<hbm>> -> memref<20000x128xf32, #tpu.memory_space<hbm>>
    tpu.enqueue_indirect_dma source(%dma_start3A_139 : memref<20000x128xf32, #tpu.memory_space<hbm>>) target(%arg11 : memref<80x128xf32, #tpu.memory_space<vmem>>) offsets(%dma_start3A_136 : memref<80xi32, #tpu.memory_space<vmem>>) semaphore(%arg19 : memref<!tpu.dma_semaphore, #tpu.memory_space<semaphore_mem>>)
    %mul3A_140 = arith.constant 125 : i32
    %mul3A_141 = arith.muli %add3A, %mul3A_140 : i32
    %add3A_142 = arith.constant 0 : i32
    %add3A_143 = arith.addi %add3A_142, %mul3A_141 : i32
    %add3A_144 = arith.constant 3 : i32
    %add3A_145 = arith.addi %add3A_143, %add3A_144 : i32
    %dma_start3A_146 = arith.constant 0 : i32
    %dma_start3A_147 = arith.constant 0 : i32
    %dma_start3A_148 = tpu.memref_slice %arg3[%add3A_145, %dma_start3A_146, %dma_start3A_147] : memref<8000x2x80xi32, #tpu.memory_space<hbm>> -> memref<1x2x80xi32, #tpu.memory_space<hbm>>
    %dma_start3A_149 = tpu.memref_squeeze %dma_start3A_148 : memref<1x2x80xi32, #tpu.memory_space<hbm>> -> memref<2x80xi32, #tpu.memory_space<hbm>>
    %dma_start3A_150 = arith.constant 0 : i32
    %dma_start3A_151 = arith.constant 0 : i32
    %dma_start3A_152 = tpu.memref_slice %arg3[%add3A_145, %dma_start3A_150, %dma_start3A_151] : memref<8000x2x80xi32, #tpu.memory_space<hbm>> -> memref<1x2x80xi32, #tpu.memory_space<hbm>>
    %dma_start3A_153 = tpu.memref_squeeze %dma_start3A_152 : memref<1x2x80xi32, #tpu.memory_space<hbm>> -> memref<2x80xi32, #tpu.memory_space<hbm>>
    tpu.enqueue_dma source(%dma_start3A_153 : memref<2x80xi32, #tpu.memory_space<hbm>>) target(%arg8 : memref<2x80xi32, #tpu.memory_space<vmem>>) target_semaphore(%arg16 : memref<!tpu.dma_semaphore, #tpu.memory_space<semaphore_mem>>)
    %scan3A = arith.constant 0 : i32
    %scan3A_154 = arith.constant 0 : i32
    %scan3A_155 = arith.constant 80 : i32
    %scan3A_156 = arith.addi %scan3A_154, %scan3A_155 : i32
    %scan3A_157 = arith.constant 1 : i32
    %scan3A_158 = scf.for %scan3A_761 = %scan3A_154 to %scan3A_156 step %scan3A_157 iter_args(%scan3A_762 = %scan3A) -> (i32)  : i32 {
      %get3A = arith.index_cast %scan3A_761 : i32 to index
      %get3A_763 = arith.constant 0 : index
      %get3A_764 = tpu.vector_load %arg9[%get3A, %get3A_763] {strides = array<i32>} : memref<80x128xf32, #tpu.memory_space<vmem>>, vector<1x16xf32>,
      %get3A_765 = vector.shape_cast %get3A_764 : vector<1x16xf32> to vector<16xf32>
      %mul3A_766 = arith.constant 5.000000e-01 : f32
      %mul3A_767 = vector.broadcast %mul3A_766 : f32 to vector<16xf32>
      %mul3A_768 = arith.mulf %get3A_765, %mul3A_767 : vector<16xf32>
      %swap3A = arith.index_cast %scan3A_761 : i32 to index
      %swap3A_769 = arith.constant 0 : index
      %swap3A_770 = tpu.vector_load %arg9[%swap3A, %swap3A_769] {strides = array<i32>} : memref<80x128xf32, #tpu.memory_space<vmem>>, vector<1x16xf32>,
      %swap3A_771 = vector.shape_cast %swap3A_770 : vector<1x16xf32> to vector<16xf32>
      %swap3A_772 = vector.shape_cast %mul3A_768 : vector<16xf32> to vector<1x16xf32>
      tpu.vector_store %arg9[%swap3A, %swap3A_769], %swap3A_772 {strides = array<i32>} : memref<80x128xf32, #tpu.memory_space<vmem>>, vector<1x16xf32>,
      %get3A_773 = arith.index_cast %scan3A_761 : i32 to index
      %get3A_774 = arith.constant 16 : index
      %get3A_775 = tpu.vector_load %arg9[%get3A_773, %get3A_774] {strides = array<i32>} : memref<80x128xf32, #tpu.memory_space<vmem>>, vector<1x16xf32>,
      %get3A_776 = vector.shape_cast %get3A_775 : vector<1x16xf32> to vector<16xf32>
      %mul3A_777 = arith.constant 5.000000e-01 : f32
      %mul3A_778 = vector.broadcast %mul3A_777 : f32 to vector<16xf32>
      %mul3A_779 = arith.mulf %get3A_776, %mul3A_778 : vector<16xf32>
      %swap3A_780 = arith.index_cast %scan3A_761 : i32 to index
      %swap3A_781 = arith.constant 16 : index
      %swap3A_782 = tpu.vector_load %arg9[%swap3A_780, %swap3A_781] {strides = array<i32>} : memref<80x128xf32, #tpu.memory_space<vmem>>, vector<1x16xf32>,
      %swap3A_783 = vector.shape_cast %swap3A_782 : vector<1x16xf32> to vector<16xf32>
      %swap3A_784 = vector.shape_cast %mul3A_779 : vector<16xf32> to vector<1x16xf32>
      tpu.vector_store %arg9[%swap3A_780, %swap3A_781], %swap3A_784 {strides = array<i32>} : memref<80x128xf32, #tpu.memory_space<vmem>>, vector<1x16xf32>,
      %get3A_785 = arith.index_cast %scan3A_761 : i32 to index
      %get3A_786 = arith.constant 32 : index
      %get3A_787 = tpu.vector_load %arg9[%get3A_785, %get3A_786] {strides = array<i32>} : memref<80x128xf32, #tpu.memory_space<vmem>>, vector<1x16xf32>,
      %get3A_788 = vector.shape_cast %get3A_787 : vector<1x16xf32> to vector<16xf32>
      %mul3A_789 = arith.constant 5.000000e-01 : f32
      %mul3A_790 = vector.broadcast %mul3A_789 : f32 to vector<16xf32>
      %mul3A_791 = arith.mulf %get3A_788, %mul3A_790 : vector<16xf32>
      %swap3A_792 = arith.index_cast %scan3A_761 : i32 to index
      %swap3A_793 = arith.constant 32 : index
      %swap3A_794 = tpu.vector_load %arg9[%swap3A_792, %swap3A_793] {strides = array<i32>} : memref<80x128xf32, #tpu.memory_space<vmem>>, vector<1x16xf32>,
      %swap3A_795 = vector.shape_cast %swap3A_794 : vector<1x16xf32> to vector<16xf32>
      %swap3A_796 = vector.shape_cast %mul3A_791 : vector<16xf32> to vector<1x16xf32>
      tpu.vector_store %arg9[%swap3A_792, %swap3A_793], %swap3A_796 {strides = array<i32>} : memref<80x128xf32, #tpu.memory_space<vmem>>, vector<1x16xf32>,
      %get3A_797 = arith.index_cast %scan3A_761 : i32 to index
      %get3A_798 = arith.constant 48 : index
      %get3A_799 = tpu.vector_load %arg9[%get3A_797, %get3A_798] {strides = array<i32>} : memref<80x128xf32, #tpu.memory_space<vmem>>, vector<1x16xf32>,
      %get3A_800 = vector.shape_cast %get3A_799 : vector<1x16xf32> to vector<16xf32>
      %mul3A_801 = arith.constant 5.000000e-01 : f32
      %mul3A_802 = vector.broadcast %mul3A_801 : f32 to vector<16xf32>
      %mul3A_803 = arith.mulf %get3A_800, %mul3A_802 : vector<16xf32>
      %swap3A_804 = arith.index_cast %scan3A_761 : i32 to index
      %swap3A_805 = arith.constant 48 : index
      %swap3A_806 = tpu.vector_load %arg9[%swap3A_804, %swap3A_805] {strides = array<i32>} : memref<80x128xf32, #tpu.memory_space<vmem>>, vector<1x16xf32>,
      %swap3A_807 = vector.shape_cast %swap3A_806 : vector<1x16xf32> to vector<16xf32>
      %swap3A_808 = vector.shape_cast %mul3A_803 : vector<16xf32> to vector<1x16xf32>
      tpu.vector_store %arg9[%swap3A_804, %swap3A_805], %swap3A_808 {strides = array<i32>} : memref<80x128xf32, #tpu.memory_space<vmem>>, vector<1x16xf32>,
      %get3A_809 = arith.index_cast %scan3A_761 : i32 to index
      %get3A_810 = arith.constant 64 : index
      %get3A_811 = tpu.vector_load %arg9[%get3A_809, %get3A_810] {strides = array<i32>} : memref<80x128xf32, #tpu.memory_space<vmem>>, vector<1x16xf32>,
      %get3A_812 = vector.shape_cast %get3A_811 : vector<1x16xf32> to vector<16xf32>
      %mul3A_813 = arith.constant 5.000000e-01 : f32
      %mul3A_814 = vector.broadcast %mul3A_813 : f32 to vector<16xf32>
      %mul3A_815 = arith.mulf %get3A_812, %mul3A_814 : vector<16xf32>
      %swap3A_816 = arith.index_cast %scan3A_761 : i32 to index
      %swap3A_817 = arith.constant 64 : index
      %swap3A_818 = tpu.vector_load %arg9[%swap3A_816, %swap3A_817] {strides = array<i32>} : memref<80x128xf32, #tpu.memory_space<vmem>>, vector<1x16xf32>,
      %swap3A_819 = vector.shape_cast %swap3A_818 : vector<1x16xf32> to vector<16xf32>
      %swap3A_820 = vector.shape_cast %mul3A_815 : vector<16xf32> to vector<1x16xf32>
      tpu.vector_store %arg9[%swap3A_816, %swap3A_817], %swap3A_820 {strides = array<i32>} : memref<80x128xf32, #tpu.memory_space<vmem>>, vector<1x16xf32>,
      %get3A_821 = arith.index_cast %scan3A_761 : i32 to index
      %get3A_822 = arith.constant 80 : index
      %get3A_823 = tpu.vector_load %arg9[%get3A_821, %get3A_822] {strides = array<i32>} : memref<80x128xf32, #tpu.memory_space<vmem>>, vector<1x16xf32>,
      %get3A_824 = vector.shape_cast %get3A_823 : vector<1x16xf32> to vector<16xf32>
      %mul3A_825 = arith.constant 5.000000e-01 : f32
      %mul3A_826 = vector.broadcast %mul3A_825 : f32 to vector<16xf32>
      %mul3A_827 = arith.mulf %get3A_824, %mul3A_826 : vector<16xf32>
      %swap3A_828 = arith.index_cast %scan3A_761 : i32 to index
      %swap3A_829 = arith.constant 80 : index
      %swap3A_830 = tpu.vector_load %arg9[%swap3A_828, %swap3A_829] {strides = array<i32>} : memref<80x128xf32, #tpu.memory_space<vmem>>, vector<1x16xf32>,
      %swap3A_831 = vector.shape_cast %swap3A_830 : vector<1x16xf32> to vector<16xf32>
      %swap3A_832 = vector.shape_cast %mul3A_827 : vector<16xf32> to vector<1x16xf32>
      tpu.vector_store %arg9[%swap3A_828, %swap3A_829], %swap3A_832 {strides = array<i32>} : memref<80x128xf32, #tpu.memory_space<vmem>>, vector<1x16xf32>,
      %get3A_833 = arith.index_cast %scan3A_761 : i32 to index
      %get3A_834 = arith.constant 96 : index
      %get3A_835 = tpu.vector_load %arg9[%get3A_833, %get3A_834] {strides = array<i32>} : memref<80x128xf32, #tpu.memory_space<vmem>>, vector<1x16xf32>,
      %get3A_836 = vector.shape_cast %get3A_835 : vector<1x16xf32> to vector<16xf32>
      %mul3A_837 = arith.constant 5.000000e-01 : f32
      %mul3A_838 = vector.broadcast %mul3A_837 : f32 to vector<16xf32>
      %mul3A_839 = arith.mulf %get3A_836, %mul3A_838 : vector<16xf32>
      %swap3A_840 = arith.index_cast %scan3A_761 : i32 to index
      %swap3A_841 = arith.constant 96 : index
      %swap3A_842 = tpu.vector_load %arg9[%swap3A_840, %swap3A_841] {strides = array<i32>} : memref<80x128xf32, #tpu.memory_space<vmem>>, vector<1x16xf32>,
      %swap3A_843 = vector.shape_cast %swap3A_842 : vector<1x16xf32> to vector<16xf32>
      %swap3A_844 = vector.shape_cast %mul3A_839 : vector<16xf32> to vector<1x16xf32>
      tpu.vector_store %arg9[%swap3A_840, %swap3A_841], %swap3A_844 {strides = array<i32>} : memref<80x128xf32, #tpu.memory_space<vmem>>, vector<1x16xf32>,
      %get3A_845 = arith.index_cast %scan3A_761 : i32 to index
      %get3A_846 = arith.constant 112 : index
      %get3A_847 = tpu.vector_load %arg9[%get3A_845, %get3A_846] {strides = array<i32>} : memref<80x128xf32, #tpu.memory_space<vmem>>, vector<1x16xf32>,
      %get3A_848 = vector.shape_cast %get3A_847 : vector<1x16xf32> to vector<16xf32>
      %mul3A_849 = arith.constant 5.000000e-01 : f32
      %mul3A_850 = vector.broadcast %mul3A_849 : f32 to vector<16xf32>
      %mul3A_851 = arith.mulf %get3A_848, %mul3A_850 : vector<16xf32>
      %swap3A_852 = arith.index_cast %scan3A_761 : i32 to index
      %swap3A_853 = arith.constant 112 : index
      %swap3A_854 = tpu.vector_load %arg9[%swap3A_852, %swap3A_853] {strides = array<i32>} : memref<80x128xf32, #tpu.memory_space<vmem>>, vector<1x16xf32>,
      %swap3A_855 = vector.shape_cast %swap3A_854 : vector<1x16xf32> to vector<16xf32>
      %swap3A_856 = vector.shape_cast %mul3A_851 : vector<16xf32> to vector<1x16xf32>
      tpu.vector_store %arg9[%swap3A_852, %swap3A_853], %swap3A_856 {strides = array<i32>} : memref<80x128xf32, #tpu.memory_space<vmem>>, vector<1x16xf32>,
      %scan3A_857 = arith.constant 0 : i32
      scf.yield %scan3A_857 : i32
    }
    %scan3A_159 = arith.constant 80 : i32
    %mul3A_160 = arith.constant 10000 : i32
    %mul3A_161 = arith.muli %add3A, %mul3A_160 : i32
    %add3A_162 = arith.constant 10000 : i32
    %add3A_163 = arith.addi %add3A_162, %mul3A_161 : i32
    %add3A_164 = arith.constant 0 : i32
    %add3A_165 = arith.addi %add3A_163, %add3A_164 : i32
    %dma_start3A_166 = arith.constant 0 : i32
    %dma_start3A_167 = tpu.memref_slice %arg4[%add3A_165, %dma_start3A_166] : memref<660000x128xf32, #tpu.memory_space<hbm>> -> memref<80x128xf32, #tpu.memory_space<hbm>>
    %dma_start3A_168 = arith.constant 0 : i32
    %dma_start3A_169 = tpu.memref_slice %arg4[%add3A_165, %dma_start3A_168] : memref<660000x128xf32, #tpu.memory_space<hbm>> -> memref<80x128xf32, #tpu.memory_space<hbm>>
    tpu.enqueue_dma source(%arg9 : memref<80x128xf32, #tpu.memory_space<vmem>>) target(%dma_start3A_169 : memref<80x128xf32, #tpu.memory_space<hbm>>) target_semaphore(%arg25 : memref<!tpu.dma_semaphore, #tpu.memory_space<semaphore_mem>>)
    %dma_wait3A_170 = arith.constant 0 : i32
    %dma_wait3A_171 = arith.constant 0 : i32
    %dma_wait3A_172 = tpu.memref_slice %arg7[%dma_wait3A_170, %dma_wait3A_171] : memref<2x80xi32, #tpu.memory_space<vmem>> -> memref<1x80xi32, #tpu.memory_space<vmem>>
    %dma_wait3A_173 = tpu.memref_squeeze %dma_wait3A_172 : memref<1x80xi32, #tpu.memory_space<vmem>> -> memref<80xi32, #tpu.memory_space<vmem>>
    %dma_wait3A_174 = arith.constant 0 : i32
    %dma_wait3A_175 = arith.constant 0 : i32
    %dma_wait3A_176 = tpu.memref_slice %arg2[%dma_wait3A_174, %dma_wait3A_175] : memref<20000x128xf32, #tpu.memory_space<hbm>> -> memref<20000x128xf32, #tpu.memory_space<hbm>>
    tpu.wait_indirect_dma semaphore(%arg19 : memref<!tpu.dma_semaphore, #tpu.memory_space<semaphore_mem>>) src(%dma_wait3A_176 : memref<20000x128xf32, #tpu.memory_space<hbm>>) dst(%arg11 : memref<80x128xf32, #tpu.memory_space<vmem>>)
    %dma_start3A_177 = arith.constant 1 : i32
    %dma_start3A_178 = arith.constant 0 : i32
    %dma_start3A_179 = tpu.memref_slice %arg7[%dma_start3A_177, %dma_start3A_178] : memref<2x80xi32, #tpu.memory_space<vmem>> -> memref<1x80xi32, #tpu.memory_space<vmem>>
    %dma_start3A_180 = tpu.memref_squeeze %dma_start3A_179 : memref<1x80xi32, #tpu.memory_space<vmem>> -> memref<80xi32, #tpu.memory_space<vmem>>
    %dma_start3A_181 = arith.constant 0 : i32
    %dma_start3A_182 = arith.constant 0 : i32
    %dma_start3A_183 = tpu.memref_slice %arg2[%dma_start3A_181, %dma_start3A_182] : memref<20000x128xf32, #tpu.memory_space<hbm>> -> memref<20000x128xf32, #tpu.memory_space<hbm>>
    tpu.enqueue_indirect_dma source(%dma_start3A_183 : memref<20000x128xf32, #tpu.memory_space<hbm>>) target(%arg11 : memref<80x128xf32, #tpu.memory_space<vmem>>) offsets(%dma_start3A_180 : memref<80xi32, #tpu.memory_space<vmem>>) semaphore(%arg23 : memref<!tpu.dma_semaphore, #tpu.memory_space<semaphore_mem>>) {add = true}
    %dma_wait3A_184 = arith.constant 1 : i32
    %dma_wait3A_185 = arith.constant 0 : i32
    %dma_wait3A_186 = tpu.memref_slice %arg6[%dma_wait3A_184, %dma_wait3A_185] : memref<2x80xi32, #tpu.memory_space<vmem>> -> memref<1x80xi32, #tpu.memory_space<vmem>>
    %dma_wait3A_187 = tpu.memref_squeeze %dma_wait3A_186 : memref<1x80xi32, #tpu.memory_space<vmem>> -> memref<80xi32, #tpu.memory_space<vmem>>
    %dma_wait3A_188 = arith.constant 0 : i32
    %dma_wait3A_189 = arith.constant 0 : i32
    %dma_wait3A_190 = tpu.memref_slice %arg2[%dma_wait3A_188, %dma_wait3A_189] : memref<20000x128xf32, #tpu.memory_space<hbm>> -> memref<20000x128xf32, #tpu.memory_space<hbm>>
    tpu.wait_indirect_dma semaphore(%arg22 : memref<!tpu.dma_semaphore, #tpu.memory_space<semaphore_mem>>) src(%dma_wait3A_190 : memref<20000x128xf32, #tpu.memory_space<hbm>>) dst(%arg10 : memref<80x128xf32, #tpu.memory_space<vmem>>)
    %dma_wait3A_191 = arith.constant 0 : i32
    %dma_wait3A_192 = arith.constant 0 : i32
    %dma_wait3A_193 = arith.constant 0 : i32
    %dma_wait3A_194 = tpu.memref_slice %arg3[%dma_wait3A_191, %dma_wait3A_192, %dma_wait3A_193] : memref<8000x2x80xi32, #tpu.memory_space<hbm>> -> memref<1x2x80xi32, #tpu.memory_space<hbm>>
    %dma_wait3A_195 = tpu.memref_squeeze %dma_wait3A_194 : memref<1x2x80xi32, #tpu.memory_space<hbm>> -> memref<2x80xi32, #tpu.memory_space<hbm>>
    %dma_wait3A_196 = arith.constant 0 : i32
    %dma_wait3A_197 = arith.constant 0 : i32
    %dma_wait3A_198 = tpu.memref_slice %arg3[%dma_wait3A_191, %dma_wait3A_196, %dma_wait3A_197] : memref<8000x2x80xi32, #tpu.memory_space<hbm>> -> memref<1x2x80xi32, #tpu.memory_space<hbm>>
    %dma_wait3A_199 = tpu.memref_squeeze %dma_wait3A_198 : memref<1x2x80xi32, #tpu.memory_space<hbm>> -> memref<2x80xi32, #tpu.memory_space<hbm>>
    tpu.wait_dma2 semaphore(%arg16 : memref<!tpu.dma_semaphore, #tpu.memory_space<semaphore_mem>>) src(%dma_wait3A_199 : memref<2x80xi32, #tpu.memory_space<hbm>>) dst(%arg8 : memref<2x80xi32, #tpu.memory_space<vmem>>)
    %dma_start3A_200 = arith.constant 0 : i32
    %dma_start3A_201 = arith.constant 0 : i32
    %dma_start3A_202 = tpu.memref_slice %arg8[%dma_start3A_200, %dma_start3A_201] : memref<2x80xi32, #tpu.memory_space<vmem>> -> memref<1x80xi32, #tpu.memory_space<vmem>>
    %dma_start3A_203 = tpu.memref_squeeze %dma_start3A_202 : memref<1x80xi32, #tpu.memory_space<vmem>> -> memref<80xi32, #tpu.memory_space<vmem>>
    %dma_start3A_204 = arith.constant 0 : i32
    %dma_start3A_205 = arith.constant 0 : i32
    %dma_start3A_206 = tpu.memref_slice %arg2[%dma_start3A_204, %dma_start3A_205] : memref<20000x128xf32, #tpu.memory_space<hbm>> -> memref<20000x128xf32, #tpu.memory_space<hbm>>
    tpu.enqueue_indirect_dma source(%dma_start3A_206 : memref<20000x128xf32, #tpu.memory_space<hbm>>) target(%arg12 : memref<80x128xf32, #tpu.memory_space<vmem>>) offsets(%dma_start3A_203 : memref<80xi32, #tpu.memory_space<vmem>>) semaphore(%arg20 : memref<!tpu.dma_semaphore, #tpu.memory_space<semaphore_mem>>)
    %mul3A_207 = arith.constant 125 : i32
    %mul3A_208 = arith.muli %add3A, %mul3A_207 : i32
    %add3A_209 = arith.constant 0 : i32
    %add3A_210 = arith.addi %add3A_209, %mul3A_208 : i32
    %add3A_211 = arith.constant 4 : i32
    %add3A_212 = arith.addi %add3A_210, %add3A_211 : i32
    %dma_start3A_213 = arith.constant 0 : i32
    %dma_start3A_214 = arith.constant 0 : i32
    %dma_start3A_215 = tpu.memref_slice %arg3[%add3A_212, %dma_start3A_213, %dma_start3A_214] : memref<8000x2x80xi32, #tpu.memory_space<hbm>> -> memref<1x2x80xi32, #tpu.memory_space<hbm>>
    %dma_start3A_216 = tpu.memref_squeeze %dma_start3A_215 : memref<1x2x80xi32, #tpu.memory_space<hbm>> -> memref<2x80xi32, #tpu.memory_space<hbm>>
    %dma_start3A_217 = arith.constant 0 : i32
    %dma_start3A_218 = arith.constant 0 : i32
    %dma_start3A_219 = tpu.memref_slice %arg3[%add3A_212, %dma_start3A_217, %dma_start3A_218] : memref<8000x2x80xi32, #tpu.memory_space<hbm>> -> memref<1x2x80xi32, #tpu.memory_space<hbm>>
    %dma_start3A_220 = tpu.memref_squeeze %dma_start3A_219 : memref<1x2x80xi32, #tpu.memory_space<hbm>> -> memref<2x80xi32, #tpu.memory_space<hbm>>
    tpu.enqueue_dma source(%dma_start3A_220 : memref<2x80xi32, #tpu.memory_space<hbm>>) target(%arg5 : memref<2x80xi32, #tpu.memory_space<vmem>>) target_semaphore(%arg13 : memref<!tpu.dma_semaphore, #tpu.memory_space<semaphore_mem>>)
    %scan3A_221 = arith.constant 0 : i32
    %scan3A_222 = arith.constant 0 : i32
    %scan3A_223 = arith.constant 80 : i32
    %scan3A_224 = arith.addi %scan3A_222, %scan3A_223 : i32
    %scan3A_225 = arith.constant 1 : i32
    %scan3A_226 = scf.for %scan3A_761 = %scan3A_222 to %scan3A_224 step %scan3A_225 iter_args(%scan3A_762 = %scan3A_221) -> (i32)  : i32 {
      %get3A = arith.index_cast %scan3A_761 : i32 to index
      %get3A_763 = arith.constant 0 : index
      %get3A_764 = tpu.vector_load %arg10[%get3A, %get3A_763] {strides = array<i32>} : memref<80x128xf32, #tpu.memory_space<vmem>>, vector<1x16xf32>,
      %get3A_765 = vector.shape_cast %get3A_764 : vector<1x16xf32> to vector<16xf32>
      %mul3A_766 = arith.constant 5.000000e-01 : f32
      %mul3A_767 = vector.broadcast %mul3A_766 : f32 to vector<16xf32>
      %mul3A_768 = arith.mulf %get3A_765, %mul3A_767 : vector<16xf32>
      %swap3A = arith.index_cast %scan3A_761 : i32 to index
      %swap3A_769 = arith.constant 0 : index
      %swap3A_770 = tpu.vector_load %arg10[%swap3A, %swap3A_769] {strides = array<i32>} : memref<80x128xf32, #tpu.memory_space<vmem>>, vector<1x16xf32>,
      %swap3A_771 = vector.shape_cast %swap3A_770 : vector<1x16xf32> to vector<16xf32>
      %swap3A_772 = vector.shape_cast %mul3A_768 : vector<16xf32> to vector<1x16xf32>
      tpu.vector_store %arg10[%swap3A, %swap3A_769], %swap3A_772 {strides = array<i32>} : memref<80x128xf32, #tpu.memory_space<vmem>>, vector<1x16xf32>,
      %get3A_773 = arith.index_cast %scan3A_761 : i32 to index
      %get3A_774 = arith.constant 16 : index
      %get3A_775 = tpu.vector_load %arg10[%get3A_773, %get3A_774] {strides = array<i32>} : memref<80x128xf32, #tpu.memory_space<vmem>>, vector<1x16xf32>,
      %get3A_776 = vector.shape_cast %get3A_775 : vector<1x16xf32> to vector<16xf32>
      %mul3A_777 = arith.constant 5.000000e-01 : f32
      %mul3A_778 = vector.broadcast %mul3A_777 : f32 to vector<16xf32>
      %mul3A_779 = arith.mulf %get3A_776, %mul3A_778 : vector<16xf32>
      %swap3A_780 = arith.index_cast %scan3A_761 : i32 to index
      %swap3A_781 = arith.constant 16 : index
      %swap3A_782 = tpu.vector_load %arg10[%swap3A_780, %swap3A_781] {strides = array<i32>} : memref<80x128xf32, #tpu.memory_space<vmem>>, vector<1x16xf32>,
      %swap3A_783 = vector.shape_cast %swap3A_782 : vector<1x16xf32> to vector<16xf32>
      %swap3A_784 = vector.shape_cast %mul3A_779 : vector<16xf32> to vector<1x16xf32>
      tpu.vector_store %arg10[%swap3A_780, %swap3A_781], %swap3A_784 {strides = array<i32>} : memref<80x128xf32, #tpu.memory_space<vmem>>, vector<1x16xf32>,
      %get3A_785 = arith.index_cast %scan3A_761 : i32 to index
      %get3A_786 = arith.constant 32 : index
      %get3A_787 = tpu.vector_load %arg10[%get3A_785, %get3A_786] {strides = array<i32>} : memref<80x128xf32, #tpu.memory_space<vmem>>, vector<1x16xf32>,
      %get3A_788 = vector.shape_cast %get3A_787 : vector<1x16xf32> to vector<16xf32>
      %mul3A_789 = arith.constant 5.000000e-01 : f32
      %mul3A_790 = vector.broadcast %mul3A_789 : f32 to vector<16xf32>
      %mul3A_791 = arith.mulf %get3A_788, %mul3A_790 : vector<16xf32>
      %swap3A_792 = arith.index_cast %scan3A_761 : i32 to index
      %swap3A_793 = arith.constant 32 : index
      %swap3A_794 = tpu.vector_load %arg10[%swap3A_792, %swap3A_793] {strides = array<i32>} : memref<80x128xf32, #tpu.memory_space<vmem>>, vector<1x16xf32>,
      %swap3A_795 = vector.shape_cast %swap3A_794 : vector<1x16xf32> to vector<16xf32>
      %swap3A_796 = vector.shape_cast %mul3A_791 : vector<16xf32> to vector<1x16xf32>
      tpu.vector_store %arg10[%swap3A_792, %swap3A_793], %swap3A_796 {strides = array<i32>} : memref<80x128xf32, #tpu.memory_space<vmem>>, vector<1x16xf32>,
      %get3A_797 = arith.index_cast %scan3A_761 : i32 to index
      %get3A_798 = arith.constant 48 : index
      %get3A_799 = tpu.vector_load %arg10[%get3A_797, %get3A_798] {strides = array<i32>} : memref<80x128xf32, #tpu.memory_space<vmem>>, vector<1x16xf32>,
      %get3A_800 = vector.shape_cast %get3A_799 : vector<1x16xf32> to vector<16xf32>
      %mul3A_801 = arith.constant 5.000000e-01 : f32
      %mul3A_802 = vector.broadcast %mul3A_801 : f32 to vector<16xf32>
      %mul3A_803 = arith.mulf %get3A_800, %mul3A_802 : vector<16xf32>
      %swap3A_804 = arith.index_cast %scan3A_761 : i32 to index
      %swap3A_805 = arith.constant 48 : index
      %swap3A_806 = tpu.vector_load %arg10[%swap3A_804, %swap3A_805] {strides = array<i32>} : memref<80x128xf32, #tpu.memory_space<vmem>>, vector<1x16xf32>,
      %swap3A_807 = vector.shape_cast %swap3A_806 : vector<1x16xf32> to vector<16xf32>
      %swap3A_808 = vector.shape_cast %mul3A_803 : vector<16xf32> to vector<1x16xf32>
      tpu.vector_store %arg10[%swap3A_804, %swap3A_805], %swap3A_808 {strides = array<i32>} : memref<80x128xf32, #tpu.memory_space<vmem>>, vector<1x16xf32>,
      %get3A_809 = arith.index_cast %scan3A_761 : i32 to index
      %get3A_810 = arith.constant 64 : index
      %get3A_811 = tpu.vector_load %arg10[%get3A_809, %get3A_810] {strides = array<i32>} : memref<80x128xf32, #tpu.memory_space<vmem>>, vector<1x16xf32>,
      %get3A_812 = vector.shape_cast %get3A_811 : vector<1x16xf32> to vector<16xf32>
      %mul3A_813 = arith.constant 5.000000e-01 : f32
      %mul3A_814 = vector.broadcast %mul3A_813 : f32 to vector<16xf32>
      %mul3A_815 = arith.mulf %get3A_812, %mul3A_814 : vector<16xf32>
      %swap3A_816 = arith.index_cast %scan3A_761 : i32 to index
      %swap3A_817 = arith.constant 64 : index
      %swap3A_818 = tpu.vector_load %arg10[%swap3A_816, %swap3A_817] {strides = array<i32>} : memref<80x128xf32, #tpu.memory_space<vmem>>, vector<1x16xf32>,
      %swap3A_819 = vector.shape_cast %swap3A_818 : vector<1x16xf32> to vector<16xf32>
      %swap3A_820 = vector.shape_cast %mul3A_815 : vector<16xf32> to vector<1x16xf32>
      tpu.vector_store %arg10[%swap3A_816, %swap3A_817], %swap3A_820 {strides = array<i32>} : memref<80x128xf32, #tpu.memory_space<vmem>>, vector<1x16xf32>,
      %get3A_821 = arith.index_cast %scan3A_761 : i32 to index
      %get3A_822 = arith.constant 80 : index
      %get3A_823 = tpu.vector_load %arg10[%get3A_821, %get3A_822] {strides = array<i32>} : memref<80x128xf32, #tpu.memory_space<vmem>>, vector<1x16xf32>,
      %get3A_824 = vector.shape_cast %get3A_823 : vector<1x16xf32> to vector<16xf32>
      %mul3A_825 = arith.constant 5.000000e-01 : f32
      %mul3A_826 = vector.broadcast %mul3A_825 : f32 to vector<16xf32>
      %mul3A_827 = arith.mulf %get3A_824, %mul3A_826 : vector<16xf32>
      %swap3A_828 = arith.index_cast %scan3A_761 : i32 to index
      %swap3A_829 = arith.constant 80 : index
      %swap3A_830 = tpu.vector_load %arg10[%swap3A_828, %swap3A_829] {strides = array<i32>} : memref<80x128xf32, #tpu.memory_space<vmem>>, vector<1x16xf32>,
      %swap3A_831 = vector.shape_cast %swap3A_830 : vector<1x16xf32> to vector<16xf32>
      %swap3A_832 = vector.shape_cast %mul3A_827 : vector<16xf32> to vector<1x16xf32>
      tpu.vector_store %arg10[%swap3A_828, %swap3A_829], %swap3A_832 {strides = array<i32>} : memref<80x128xf32, #tpu.memory_space<vmem>>, vector<1x16xf32>,
      %get3A_833 = arith.index_cast %scan3A_761 : i32 to index
      %get3A_834 = arith.constant 96 : index
      %get3A_835 = tpu.vector_load %arg10[%get3A_833, %get3A_834] {strides = array<i32>} : memref<80x128xf32, #tpu.memory_space<vmem>>, vector<1x16xf32>,
      %get3A_836 = vector.shape_cast %get3A_835 : vector<1x16xf32> to vector<16xf32>
      %mul3A_837 = arith.constant 5.000000e-01 : f32
      %mul3A_838 = vector.broadcast %mul3A_837 : f32 to vector<16xf32>
      %mul3A_839 = arith.mulf %get3A_836, %mul3A_838 : vector<16xf32>
      %swap3A_840 = arith.index_cast %scan3A_761 : i32 to index
      %swap3A_841 = arith.constant 96 : index
      %swap3A_842 = tpu.vector_load %arg10[%swap3A_840, %swap3A_841] {strides = array<i32>} : memref<80x128xf32, #tpu.memory_space<vmem>>, vector<1x16xf32>,
      %swap3A_843 = vector.shape_cast %swap3A_842 : vector<1x16xf32> to vector<16xf32>
      %swap3A_844 = vector.shape_cast %mul3A_839 : vector<16xf32> to vector<1x16xf32>
      tpu.vector_store %arg10[%swap3A_840, %swap3A_841], %swap3A_844 {strides = array<i32>} : memref<80x128xf32, #tpu.memory_space<vmem>>, vector<1x16xf32>,
      %get3A_845 = arith.index_cast %scan3A_761 : i32 to index
      %get3A_846 = arith.constant 112 : index
      %get3A_847 = tpu.vector_load %arg10[%get3A_845, %get3A_846] {strides = array<i32>} : memref<80x128xf32, #tpu.memory_space<vmem>>, vector<1x16xf32>,
      %get3A_848 = vector.shape_cast %get3A_847 : vector<1x16xf32> to vector<16xf32>
      %mul3A_849 = arith.constant 5.000000e-01 : f32
      %mul3A_850 = vector.broadcast %mul3A_849 : f32 to vector<16xf32>
      %mul3A_851 = arith.mulf %get3A_848, %mul3A_850 : vector<16xf32>
      %swap3A_852 = arith.index_cast %scan3A_761 : i32 to index
      %swap3A_853 = arith.constant 112 : index
      %swap3A_854 = tpu.vector_load %arg10[%swap3A_852, %swap3A_853] {strides = array<i32>} : memref<80x128xf32, #tpu.memory_space<vmem>>, vector<1x16xf32>,
      %swap3A_855 = vector.shape_cast %swap3A_854 : vector<1x16xf32> to vector<16xf32>
      %swap3A_856 = vector.shape_cast %mul3A_851 : vector<16xf32> to vector<1x16xf32>
      tpu.vector_store %arg10[%swap3A_852, %swap3A_853], %swap3A_856 {strides = array<i32>} : memref<80x128xf32, #tpu.memory_space<vmem>>, vector<1x16xf32>,
      %scan3A_857 = arith.constant 0 : i32
      scf.yield %scan3A_857 : i32
    }
    %scan3A_227 = arith.constant 80 : i32
    %mul3A_228 = arith.constant 10000 : i32
    %mul3A_229 = arith.muli %add3A, %mul3A_228 : i32
    %add3A_230 = arith.constant 10000 : i32
    %add3A_231 = arith.addi %add3A_230, %mul3A_229 : i32
    %add3A_232 = arith.constant 80 : i32
    %add3A_233 = arith.addi %add3A_231, %add3A_232 : i32
    %dma_start3A_234 = arith.constant 0 : i32
    %dma_start3A_235 = tpu.memref_slice %arg4[%add3A_233, %dma_start3A_234] : memref<660000x128xf32, #tpu.memory_space<hbm>> -> memref<80x128xf32, #tpu.memory_space<hbm>>
    %dma_start3A_236 = arith.constant 0 : i32
    %dma_start3A_237 = tpu.memref_slice %arg4[%add3A_233, %dma_start3A_236] : memref<660000x128xf32, #tpu.memory_space<hbm>> -> memref<80x128xf32, #tpu.memory_space<hbm>>
    tpu.enqueue_dma source(%arg10 : memref<80x128xf32, #tpu.memory_space<vmem>>) target(%dma_start3A_237 : memref<80x128xf32, #tpu.memory_space<hbm>>) target_semaphore(%arg26 : memref<!tpu.dma_semaphore, #tpu.memory_space<semaphore_mem>>)
    %dma_wait3A_238 = arith.constant 0 : i32
    %dma_wait3A_239 = arith.constant 0 : i32
    %dma_wait3A_240 = tpu.memref_slice %arg8[%dma_wait3A_238, %dma_wait3A_239] : memref<2x80xi32, #tpu.memory_space<vmem>> -> memref<1x80xi32, #tpu.memory_space<vmem>>
    %dma_wait3A_241 = tpu.memref_squeeze %dma_wait3A_240 : memref<1x80xi32, #tpu.memory_space<vmem>> -> memref<80xi32, #tpu.memory_space<vmem>>
    %dma_wait3A_242 = arith.constant 0 : i32
    %dma_wait3A_243 = arith.constant 0 : i32
    %dma_wait3A_244 = tpu.memref_slice %arg2[%dma_wait3A_242, %dma_wait3A_243] : memref<20000x128xf32, #tpu.memory_space<hbm>> -> memref<20000x128xf32, #tpu.memory_space<hbm>>
    tpu.wait_indirect_dma semaphore(%arg20 : memref<!tpu.dma_semaphore, #tpu.memory_space<semaphore_mem>>) src(%dma_wait3A_244 : memref<20000x128xf32, #tpu.memory_space<hbm>>) dst(%arg12 : memref<80x128xf32, #tpu.memory_space<vmem>>)
    %dma_start3A_245 = arith.constant 1 : i32
    %dma_start3A_246 = arith.constant 0 : i32
    %dma_start3A_247 = tpu.memref_slice %arg8[%dma_start3A_245, %dma_start3A_246] : memref<2x80xi32, #tpu.memory_space<vmem>> -> memref<1x80xi32, #tpu.memory_space<vmem>>
    %dma_start3A_248 = tpu.memref_squeeze %dma_start3A_247 : memref<1x80xi32, #tpu.memory_space<vmem>> -> memref<80xi32, #tpu.memory_space<vmem>>
    %dma_start3A_249 = arith.constant 0 : i32
    %dma_start3A_250 = arith.constant 0 : i32
    %dma_start3A_251 = tpu.memref_slice %arg2[%dma_start3A_249, %dma_start3A_250] : memref<20000x128xf32, #tpu.memory_space<hbm>> -> memref<20000x128xf32, #tpu.memory_space<hbm>>
    tpu.enqueue_indirect_dma source(%dma_start3A_251 : memref<20000x128xf32, #tpu.memory_space<hbm>>) target(%arg12 : memref<80x128xf32, #tpu.memory_space<vmem>>) offsets(%dma_start3A_248 : memref<80xi32, #tpu.memory_space<vmem>>) semaphore(%arg24 : memref<!tpu.dma_semaphore, #tpu.memory_space<semaphore_mem>>) {add = true}
    %dma_wait3A_252 = arith.constant 1 : i32
    %dma_wait3A_253 = arith.constant 0 : i32
    %dma_wait3A_254 = tpu.memref_slice %arg7[%dma_wait3A_252, %dma_wait3A_253] : memref<2x80xi32, #tpu.memory_space<vmem>> -> memref<1x80xi32, #tpu.memory_space<vmem>>
    %dma_wait3A_255 = tpu.memref_squeeze %dma_wait3A_254 : memref<1x80xi32, #tpu.memory_space<vmem>> -> memref<80xi32, #tpu.memory_space<vmem>>
    %dma_wait3A_256 = arith.constant 0 : i32
    %dma_wait3A_257 = arith.constant 0 : i32
    %dma_wait3A_258 = tpu.memref_slice %arg2[%dma_wait3A_256, %dma_wait3A_257] : memref<20000x128xf32, #tpu.memory_space<hbm>> -> memref<20000x128xf32, #tpu.memory_space<hbm>>
    tpu.wait_indirect_dma semaphore(%arg23 : memref<!tpu.dma_semaphore, #tpu.memory_space<semaphore_mem>>) src(%dma_wait3A_258 : memref<20000x128xf32, #tpu.memory_space<hbm>>) dst(%arg11 : memref<80x128xf32, #tpu.memory_space<vmem>>)
    %dma_wait3A_259 = arith.constant 0 : i32
    %dma_wait3A_260 = arith.constant 0 : i32
    %dma_wait3A_261 = arith.constant 0 : i32
    %dma_wait3A_262 = tpu.memref_slice %arg3[%dma_wait3A_259, %dma_wait3A_260, %dma_wait3A_261] : memref<8000x2x80xi32, #tpu.memory_space<hbm>> -> memref<1x2x80xi32, #tpu.memory_space<hbm>>
    %dma_wait3A_263 = tpu.memref_squeeze %dma_wait3A_262 : memref<1x2x80xi32, #tpu.memory_space<hbm>> -> memref<2x80xi32, #tpu.memory_space<hbm>>
    %dma_wait3A_264 = arith.constant 0 : i32
    %dma_wait3A_265 = arith.constant 0 : i32
    %dma_wait3A_266 = tpu.memref_slice %arg3[%dma_wait3A_259, %dma_wait3A_264, %dma_wait3A_265] : memref<8000x2x80xi32, #tpu.memory_space<hbm>> -> memref<1x2x80xi32, #tpu.memory_space<hbm>>
    %dma_wait3A_267 = tpu.memref_squeeze %dma_wait3A_266 : memref<1x2x80xi32, #tpu.memory_space<hbm>> -> memref<2x80xi32, #tpu.memory_space<hbm>>
    tpu.wait_dma2 semaphore(%arg13 : memref<!tpu.dma_semaphore, #tpu.memory_space<semaphore_mem>>) src(%dma_wait3A_267 : memref<2x80xi32, #tpu.memory_space<hbm>>) dst(%arg5 : memref<2x80xi32, #tpu.memory_space<vmem>>)
    %dma_wait3A_268 = arith.constant 0 : i32
    %dma_wait3A_269 = arith.constant 0 : i32
    %dma_wait3A_270 = tpu.memref_slice %arg4[%dma_wait3A_268, %dma_wait3A_269] : memref<660000x128xf32, #tpu.memory_space<hbm>> -> memref<80x128xf32, #tpu.memory_space<hbm>>
    %dma_wait3A_271 = arith.constant 0 : i32
    %dma_wait3A_272 = arith.constant 0 : i32
    %dma_wait3A_273 = tpu.memref_slice %arg4[%dma_wait3A_271, %dma_wait3A_272] : memref<660000x128xf32, #tpu.memory_space<hbm>> -> memref<80x128xf32, #tpu.memory_space<hbm>>
    tpu.wait_dma2 semaphore(%arg25 : memref<!tpu.dma_semaphore, #tpu.memory_space<semaphore_mem>>) src(%arg9 : memref<80x128xf32, #tpu.memory_space<vmem>>) dst(%dma_wait3A_273 : memref<80x128xf32, #tpu.memory_space<hbm>>)
    %dma_start3A_274 = arith.constant 0 : i32
    %dma_start3A_275 = arith.constant 0 : i32
    %dma_start3A_276 = tpu.memref_slice %arg5[%dma_start3A_274, %dma_start3A_275] : memref<2x80xi32, #tpu.memory_space<vmem>> -> memref<1x80xi32, #tpu.memory_space<vmem>>
    %dma_start3A_277 = tpu.memref_squeeze %dma_start3A_276 : memref<1x80xi32, #tpu.memory_space<vmem>> -> memref<80xi32, #tpu.memory_space<vmem>>
    %dma_start3A_278 = arith.constant 0 : i32
    %dma_start3A_279 = arith.constant 0 : i32
    %dma_start3A_280 = tpu.memref_slice %arg2[%dma_start3A_278, %dma_start3A_279] : memref<20000x128xf32, #tpu.memory_space<hbm>> -> memref<20000x128xf32, #tpu.memory_space<hbm>>
    tpu.enqueue_indirect_dma source(%dma_start3A_280 : memref<20000x128xf32, #tpu.memory_space<hbm>>) target(%arg9 : memref<80x128xf32, #tpu.memory_space<vmem>>) offsets(%dma_start3A_277 : memref<80xi32, #tpu.memory_space<vmem>>) semaphore(%arg17 : memref<!tpu.dma_semaphore, #tpu.memory_space<semaphore_mem>>)
    %mul3A_281 = arith.constant 125 : i32
    %mul3A_282 = arith.muli %add3A, %mul3A_281 : i32
    %add3A_283 = arith.constant 0 : i32
    %add3A_284 = arith.addi %add3A_283, %mul3A_282 : i32
    %add3A_285 = arith.constant 5 : i32
    %add3A_286 = arith.addi %add3A_284, %add3A_285 : i32
    %dma_start3A_287 = arith.constant 0 : i32
    %dma_start3A_288 = arith.constant 0 : i32
    %dma_start3A_289 = tpu.memref_slice %arg3[%add3A_286, %dma_start3A_287, %dma_start3A_288] : memref<8000x2x80xi32, #tpu.memory_space<hbm>> -> memref<1x2x80xi32, #tpu.memory_space<hbm>>
    %dma_start3A_290 = tpu.memref_squeeze %dma_start3A_289 : memref<1x2x80xi32, #tpu.memory_space<hbm>> -> memref<2x80xi32, #tpu.memory_space<hbm>>
    %dma_start3A_291 = arith.constant 0 : i32
    %dma_start3A_292 = arith.constant 0 : i32
    %dma_start3A_293 = tpu.memref_slice %arg3[%add3A_286, %dma_start3A_291, %dma_start3A_292] : memref<8000x2x80xi32, #tpu.memory_space<hbm>> -> memref<1x2x80xi32, #tpu.memory_space<hbm>>
    %dma_start3A_294 = tpu.memref_squeeze %dma_start3A_293 : memref<1x2x80xi32, #tpu.memory_space<hbm>> -> memref<2x80xi32, #tpu.memory_space<hbm>>
    tpu.enqueue_dma source(%dma_start3A_294 : memref<2x80xi32, #tpu.memory_space<hbm>>) target(%arg6 : memref<2x80xi32, #tpu.memory_space<vmem>>) target_semaphore(%arg14 : memref<!tpu.dma_semaphore, #tpu.memory_space<semaphore_mem>>)
    %scan3A_295 = arith.constant 0 : i32
    %scan3A_296 = arith.constant 0 : i32
    %scan3A_297 = arith.constant 80 : i32
    %scan3A_298 = arith.addi %scan3A_296, %scan3A_297 : i32
    %scan3A_299 = arith.constant 1 : i32
    %scan3A_300 = scf.for %scan3A_761 = %scan3A_296 to %scan3A_298 step %scan3A_299 iter_args(%scan3A_762 = %scan3A_295) -> (i32)  : i32 {
      %get3A = arith.index_cast %scan3A_761 : i32 to index
      %get3A_763 = arith.constant 0 : index
      %get3A_764 = tpu.vector_load %arg11[%get3A, %get3A_763] {strides = array<i32>} : memref<80x128xf32, #tpu.memory_space<vmem>>, vector<1x16xf32>,
      %get3A_765 = vector.shape_cast %get3A_764 : vector<1x16xf32> to vector<16xf32>
      %mul3A_766 = arith.constant 5.000000e-01 : f32
      %mul3A_767 = vector.broadcast %mul3A_766 : f32 to vector<16xf32>
      %mul3A_768 = arith.mulf %get3A_765, %mul3A_767 : vector<16xf32>
      %swap3A = arith.index_cast %scan3A_761 : i32 to index
      %swap3A_769 = arith.constant 0 : index
      %swap3A_770 = tpu.vector_load %arg11[%swap3A, %swap3A_769] {strides = array<i32>} : memref<80x128xf32, #tpu.memory_space<vmem>>, vector<1x16xf32>,
      %swap3A_771 = vector.shape_cast %swap3A_770 : vector<1x16xf32> to vector<16xf32>
      %swap3A_772 = vector.shape_cast %mul3A_768 : vector<16xf32> to vector<1x16xf32>
      tpu.vector_store %arg11[%swap3A, %swap3A_769], %swap3A_772 {strides = array<i32>} : memref<80x128xf32, #tpu.memory_space<vmem>>, vector<1x16xf32>,
      %get3A_773 = arith.index_cast %scan3A_761 : i32 to index
      %get3A_774 = arith.constant 16 : index
      %get3A_775 = tpu.vector_load %arg11[%get3A_773, %get3A_774] {strides = array<i32>} : memref<80x128xf32, #tpu.memory_space<vmem>>, vector<1x16xf32>,
      %get3A_776 = vector.shape_cast %get3A_775 : vector<1x16xf32> to vector<16xf32>
      %mul3A_777 = arith.constant 5.000000e-01 : f32
      %mul3A_778 = vector.broadcast %mul3A_777 : f32 to vector<16xf32>
      %mul3A_779 = arith.mulf %get3A_776, %mul3A_778 : vector<16xf32>
      %swap3A_780 = arith.index_cast %scan3A_761 : i32 to index
      %swap3A_781 = arith.constant 16 : index
      %swap3A_782 = tpu.vector_load %arg11[%swap3A_780, %swap3A_781] {strides = array<i32>} : memref<80x128xf32, #tpu.memory_space<vmem>>, vector<1x16xf32>,
      %swap3A_783 = vector.shape_cast %swap3A_782 : vector<1x16xf32> to vector<16xf32>
      %swap3A_784 = vector.shape_cast %mul3A_779 : vector<16xf32> to vector<1x16xf32>
      tpu.vector_store %arg11[%swap3A_780, %swap3A_781], %swap3A_784 {strides = array<i32>} : memref<80x128xf32, #tpu.memory_space<vmem>>, vector<1x16xf32>,
      %get3A_785 = arith.index_cast %scan3A_761 : i32 to index
      %get3A_786 = arith.constant 32 : index
      %get3A_787 = tpu.vector_load %arg11[%get3A_785, %get3A_786] {strides = array<i32>} : memref<80x128xf32, #tpu.memory_space<vmem>>, vector<1x16xf32>,
      %get3A_788 = vector.shape_cast %get3A_787 : vector<1x16xf32> to vector<16xf32>
      %mul3A_789 = arith.constant 5.000000e-01 : f32
      %mul3A_790 = vector.broadcast %mul3A_789 : f32 to vector<16xf32>
      %mul3A_791 = arith.mulf %get3A_788, %mul3A_790 : vector<16xf32>
      %swap3A_792 = arith.index_cast %scan3A_761 : i32 to index
      %swap3A_793 = arith.constant 32 : index
      %swap3A_794 = tpu.vector_load %arg11[%swap3A_792, %swap3A_793] {strides = array<i32>} : memref<80x128xf32, #tpu.memory_space<vmem>>, vector<1x16xf32>,
      %swap3A_795 = vector.shape_cast %swap3A_794 : vector<1x16xf32> to vector<16xf32>
      %swap3A_796 = vector.shape_cast %mul3A_791 : vector<16xf32> to vector<1x16xf32>
      tpu.vector_store %arg11[%swap3A_792, %swap3A_793], %swap3A_796 {strides = array<i32>} : memref<80x128xf32, #tpu.memory_space<vmem>>, vector<1x16xf32>,
      %get3A_797 = arith.index_cast %scan3A_761 : i32 to index
      %get3A_798 = arith.constant 48 : index
      %get3A_799 = tpu.vector_load %arg11[%get3A_797, %get3A_798] {strides = array<i32>} : memref<80x128xf32, #tpu.memory_space<vmem>>, vector<1x16xf32>,
      %get3A_800 = vector.shape_cast %get3A_799 : vector<1x16xf32> to vector<16xf32>
      %mul3A_801 = arith.constant 5.000000e-01 : f32
      %mul3A_802 = vector.broadcast %mul3A_801 : f32 to vector<16xf32>
      %mul3A_803 = arith.mulf %get3A_800, %mul3A_802 : vector<16xf32>
      %swap3A_804 = arith.index_cast %scan3A_761 : i32 to index
      %swap3A_805 = arith.constant 48 : index
      %swap3A_806 = tpu.vector_load %arg11[%swap3A_804, %swap3A_805] {strides = array<i32>} : memref<80x128xf32, #tpu.memory_space<vmem>>, vector<1x16xf32>,
      %swap3A_807 = vector.shape_cast %swap3A_806 : vector<1x16xf32> to vector<16xf32>
      %swap3A_808 = vector.shape_cast %mul3A_803 : vector<16xf32> to vector<1x16xf32>
      tpu.vector_store %arg11[%swap3A_804, %swap3A_805], %swap3A_808 {strides = array<i32>} : memref<80x128xf32, #tpu.memory_space<vmem>>, vector<1x16xf32>,
      %get3A_809 = arith.index_cast %scan3A_761 : i32 to index
      %get3A_810 = arith.constant 64 : index
      %get3A_811 = tpu.vector_load %arg11[%get3A_809, %get3A_810] {strides = array<i32>} : memref<80x128xf32, #tpu.memory_space<vmem>>, vector<1x16xf32>,
      %get3A_812 = vector.shape_cast %get3A_811 : vector<1x16xf32> to vector<16xf32>
      %mul3A_813 = arith.constant 5.000000e-01 : f32
      %mul3A_814 = vector.broadcast %mul3A_813 : f32 to vector<16xf32>
      %mul3A_815 = arith.mulf %get3A_812, %mul3A_814 : vector<16xf32>
      %swap3A_816 = arith.index_cast %scan3A_761 : i32 to index
      %swap3A_817 = arith.constant 64 : index
      %swap3A_818 = tpu.vector_load %arg11[%swap3A_816, %swap3A_817] {strides = array<i32>} : memref<80x128xf32, #tpu.memory_space<vmem>>, vector<1x16xf32>,
      %swap3A_819 = vector.shape_cast %swap3A_818 : vector<1x16xf32> to vector<16xf32>
      %swap3A_820 = vector.shape_cast %mul3A_815 : vector<16xf32> to vector<1x16xf32>
      tpu.vector_store %arg11[%swap3A_816, %swap3A_817], %swap3A_820 {strides = array<i32>} : memref<80x128xf32, #tpu.memory_space<vmem>>, vector<1x16xf32>,
      %get3A_821 = arith.index_cast %scan3A_761 : i32 to index
      %get3A_822 = arith.constant 80 : index
      %get3A_823 = tpu.vector_load %arg11[%get3A_821, %get3A_822] {strides = array<i32>} : memref<80x128xf32, #tpu.memory_space<vmem>>, vector<1x16xf32>,
      %get3A_824 = vector.shape_cast %get3A_823 : vector<1x16xf32> to vector<16xf32>
      %mul3A_825 = arith.constant 5.000000e-01 : f32
      %mul3A_826 = vector.broadcast %mul3A_825 : f32 to vector<16xf32>
      %mul3A_827 = arith.mulf %get3A_824, %mul3A_826 : vector<16xf32>
      %swap3A_828 = arith.index_cast %scan3A_761 : i32 to index
      %swap3A_829 = arith.constant 80 : index
      %swap3A_830 = tpu.vector_load %arg11[%swap3A_828, %swap3A_829] {strides = array<i32>} : memref<80x128xf32, #tpu.memory_space<vmem>>, vector<1x16xf32>,
      %swap3A_831 = vector.shape_cast %swap3A_830 : vector<1x16xf32> to vector<16xf32>
      %swap3A_832 = vector.shape_cast %mul3A_827 : vector<16xf32> to vector<1x16xf32>
      tpu.vector_store %arg11[%swap3A_828, %swap3A_829], %swap3A_832 {strides = array<i32>} : memref<80x128xf32, #tpu.memory_space<vmem>>, vector<1x16xf32>,
      %get3A_833 = arith.index_cast %scan3A_761 : i32 to index
      %get3A_834 = arith.constant 96 : index
      %get3A_835 = tpu.vector_load %arg11[%get3A_833, %get3A_834] {strides = array<i32>} : memref<80x128xf32, #tpu.memory_space<vmem>>, vector<1x16xf32>,
      %get3A_836 = vector.shape_cast %get3A_835 : vector<1x16xf32> to vector<16xf32>
      %mul3A_837 = arith.constant 5.000000e-01 : f32
      %mul3A_838 = vector.broadcast %mul3A_837 : f32 to vector<16xf32>
      %mul3A_839 = arith.mulf %get3A_836, %mul3A_838 : vector<16xf32>
      %swap3A_840 = arith.index_cast %scan3A_761 : i32 to index
      %swap3A_841 = arith.constant 96 : index
      %swap3A_842 = tpu.vector_load %arg11[%swap3A_840, %swap3A_841] {strides = array<i32>} : memref<80x128xf32, #tpu.memory_space<vmem>>, vector<1x16xf32>,
      %swap3A_843 = vector.shape_cast %swap3A_842 : vector<1x16xf32> to vector<16xf32>
      %swap3A_844 = vector.shape_cast %mul3A_839 : vector<16xf32> to vector<1x16xf32>
      tpu.vector_store %arg11[%swap3A_840, %swap3A_841], %swap3A_844 {strides = array<i32>} : memref<80x128xf32, #tpu.memory_space<vmem>>, vector<1x16xf32>,
      %get3A_845 = arith.index_cast %scan3A_761 : i32 to index
      %get3A_846 = arith.constant 112 : index
      %get3A_847 = tpu.vector_load %arg11[%get3A_845, %get3A_846] {strides = array<i32>} : memref<80x128xf32, #tpu.memory_space<vmem>>, vector<1x16xf32>,
      %get3A_848 = vector.shape_cast %get3A_847 : vector<1x16xf32> to vector<16xf32>
      %mul3A_849 = arith.constant 5.000000e-01 : f32
      %mul3A_850 = vector.broadcast %mul3A_849 : f32 to vector<16xf32>
      %mul3A_851 = arith.mulf %get3A_848, %mul3A_850 : vector<16xf32>
      %swap3A_852 = arith.index_cast %scan3A_761 : i32 to index
      %swap3A_853 = arith.constant 112 : index
      %swap3A_854 = tpu.vector_load %arg11[%swap3A_852, %swap3A_853] {strides = array<i32>} : memref<80x128xf32, #tpu.memory_space<vmem>>, vector<1x16xf32>,
      %swap3A_855 = vector.shape_cast %swap3A_854 : vector<1x16xf32> to vector<16xf32>
      %swap3A_856 = vector.shape_cast %mul3A_851 : vector<16xf32> to vector<1x16xf32>
      tpu.vector_store %arg11[%swap3A_852, %swap3A_853], %swap3A_856 {strides = array<i32>} : memref<80x128xf32, #tpu.memory_space<vmem>>, vector<1x16xf32>,
      %scan3A_857 = arith.constant 0 : i32
      scf.yield %scan3A_857 : i32
    }
    %scan3A_301 = arith.constant 80 : i32
    %mul3A_302 = arith.constant 10000 : i32
    %mul3A_303 = arith.muli %add3A, %mul3A_302 : i32
    %add3A_304 = arith.constant 10000 : i32
    %add3A_305 = arith.addi %add3A_304, %mul3A_303 : i32
    %add3A_306 = arith.constant 160 : i32
    %add3A_307 = arith.addi %add3A_305, %add3A_306 : i32
    %dma_start3A_308 = arith.constant 0 : i32
    %dma_start3A_309 = tpu.memref_slice %arg4[%add3A_307, %dma_start3A_308] : memref<660000x128xf32, #tpu.memory_space<hbm>> -> memref<80x128xf32, #tpu.memory_space<hbm>>
    %dma_start3A_310 = arith.constant 0 : i32
    %dma_start3A_311 = tpu.memref_slice %arg4[%add3A_307, %dma_start3A_310] : memref<660000x128xf32, #tpu.memory_space<hbm>> -> memref<80x128xf32, #tpu.memory_space<hbm>>
    tpu.enqueue_dma source(%arg11 : memref<80x128xf32, #tpu.memory_space<vmem>>) target(%dma_start3A_311 : memref<80x128xf32, #tpu.memory_space<hbm>>) target_semaphore(%arg27 : memref<!tpu.dma_semaphore, #tpu.memory_space<semaphore_mem>>)
    %dma_wait3A_312 = arith.constant 0 : i32
    %dma_wait3A_313 = arith.constant 0 : i32
    %dma_wait3A_314 = tpu.memref_slice %arg5[%dma_wait3A_312, %dma_wait3A_313] : memref<2x80xi32, #tpu.memory_space<vmem>> -> memref<1x80xi32, #tpu.memory_space<vmem>>
    %dma_wait3A_315 = tpu.memref_squeeze %dma_wait3A_314 : memref<1x80xi32, #tpu.memory_space<vmem>> -> memref<80xi32, #tpu.memory_space<vmem>>
    %dma_wait3A_316 = arith.constant 0 : i32
    %dma_wait3A_317 = arith.constant 0 : i32
    %dma_wait3A_318 = tpu.memref_slice %arg2[%dma_wait3A_316, %dma_wait3A_317] : memref<20000x128xf32, #tpu.memory_space<hbm>> -> memref<20000x128xf32, #tpu.memory_space<hbm>>
    tpu.wait_indirect_dma semaphore(%arg17 : memref<!tpu.dma_semaphore, #tpu.memory_space<semaphore_mem>>) src(%dma_wait3A_318 : memref<20000x128xf32, #tpu.memory_space<hbm>>) dst(%arg9 : memref<80x128xf32, #tpu.memory_space<vmem>>)
    %dma_start3A_319 = arith.constant 1 : i32
    %dma_start3A_320 = arith.constant 0 : i32
    %dma_start3A_321 = tpu.memref_slice %arg5[%dma_start3A_319, %dma_start3A_320] : memref<2x80xi32, #tpu.memory_space<vmem>> -> memref<1x80xi32, #tpu.memory_space<vmem>>
    %dma_start3A_322 = tpu.memref_squeeze %dma_start3A_321 : memref<1x80xi32, #tpu.memory_space<vmem>> -> memref<80xi32, #tpu.memory_space<vmem>>
    %dma_start3A_323 = arith.constant 0 : i32
    %dma_start3A_324 = arith.constant 0 : i32
    %dma_start3A_325 = tpu.memref_slice %arg2[%dma_start3A_323, %dma_start3A_324] : memref<20000x128xf32, #tpu.memory_space<hbm>> -> memref<20000x128xf32, #tpu.memory_space<hbm>>
    tpu.enqueue_indirect_dma source(%dma_start3A_325 : memref<20000x128xf32, #tpu.memory_space<hbm>>) target(%arg9 : memref<80x128xf32, #tpu.memory_space<vmem>>) offsets(%dma_start3A_322 : memref<80xi32, #tpu.memory_space<vmem>>) semaphore(%arg21 : memref<!tpu.dma_semaphore, #tpu.memory_space<semaphore_mem>>) {add = true}
    %dma_wait3A_326 = arith.constant 1 : i32
    %dma_wait3A_327 = arith.constant 0 : i32
    %dma_wait3A_328 = tpu.memref_slice %arg8[%dma_wait3A_326, %dma_wait3A_327] : memref<2x80xi32, #tpu.memory_space<vmem>> -> memref<1x80xi32, #tpu.memory_space<vmem>>
    %dma_wait3A_329 = tpu.memref_squeeze %dma_wait3A_328 : memref<1x80xi32, #tpu.memory_space<vmem>> -> memref<80xi32, #tpu.memory_space<vmem>>
    %dma_wait3A_330 = arith.constant 0 : i32
    %dma_wait3A_331 = arith.constant 0 : i32
    %dma_wait3A_332 = tpu.memref_slice %arg2[%dma_wait3A_330, %dma_wait3A_331] : memref<20000x128xf32, #tpu.memory_space<hbm>> -> memref<20000x128xf32, #tpu.memory_space<hbm>>
    tpu.wait_indirect_dma semaphore(%arg24 : memref<!tpu.dma_semaphore, #tpu.memory_space<semaphore_mem>>) src(%dma_wait3A_332 : memref<20000x128xf32, #tpu.memory_space<hbm>>) dst(%arg12 : memref<80x128xf32, #tpu.memory_space<vmem>>)
    %dma_wait3A_333 = arith.constant 0 : i32
    %dma_wait3A_334 = arith.constant 0 : i32
    %dma_wait3A_335 = arith.constant 0 : i32
    %dma_wait3A_336 = tpu.memref_slice %arg3[%dma_wait3A_333, %dma_wait3A_334, %dma_wait3A_335] : memref<8000x2x80xi32, #tpu.memory_space<hbm>> -> memref<1x2x80xi32, #tpu.memory_space<hbm>>
    %dma_wait3A_337 = tpu.memref_squeeze %dma_wait3A_336 : memref<1x2x80xi32, #tpu.memory_space<hbm>> -> memref<2x80xi32, #tpu.memory_space<hbm>>
    %dma_wait3A_338 = arith.constant 0 : i32
    %dma_wait3A_339 = arith.constant 0 : i32
    %dma_wait3A_340 = tpu.memref_slice %arg3[%dma_wait3A_333, %dma_wait3A_338, %dma_wait3A_339] : memref<8000x2x80xi32, #tpu.memory_space<hbm>> -> memref<1x2x80xi32, #tpu.memory_space<hbm>>
    %dma_wait3A_341 = tpu.memref_squeeze %dma_wait3A_340 : memref<1x2x80xi32, #tpu.memory_space<hbm>> -> memref<2x80xi32, #tpu.memory_space<hbm>>
    tpu.wait_dma2 semaphore(%arg14 : memref<!tpu.dma_semaphore, #tpu.memory_space<semaphore_mem>>) src(%dma_wait3A_341 : memref<2x80xi32, #tpu.memory_space<hbm>>) dst(%arg6 : memref<2x80xi32, #tpu.memory_space<vmem>>)
    %dma_wait3A_342 = arith.constant 0 : i32
    %dma_wait3A_343 = arith.constant 0 : i32
    %dma_wait3A_344 = tpu.memref_slice %arg4[%dma_wait3A_342, %dma_wait3A_343] : memref<660000x128xf32, #tpu.memory_space<hbm>> -> memref<80x128xf32, #tpu.memory_space<hbm>>
    %dma_wait3A_345 = arith.constant 0 : i32
    %dma_wait3A_346 = arith.constant 0 : i32
    %dma_wait3A_347 = tpu.memref_slice %arg4[%dma_wait3A_345, %dma_wait3A_346] : memref<660000x128xf32, #tpu.memory_space<hbm>> -> memref<80x128xf32, #tpu.memory_space<hbm>>
    tpu.wait_dma2 semaphore(%arg26 : memref<!tpu.dma_semaphore, #tpu.memory_space<semaphore_mem>>) src(%arg10 : memref<80x128xf32, #tpu.memory_space<vmem>>) dst(%dma_wait3A_347 : memref<80x128xf32, #tpu.memory_space<hbm>>)
    %dma_start3A_348 = arith.constant 0 : i32
    %dma_start3A_349 = arith.constant 0 : i32
    %dma_start3A_350 = tpu.memref_slice %arg6[%dma_start3A_348, %dma_start3A_349] : memref<2x80xi32, #tpu.memory_space<vmem>> -> memref<1x80xi32, #tpu.memory_space<vmem>>
    %dma_start3A_351 = tpu.memref_squeeze %dma_start3A_350 : memref<1x80xi32, #tpu.memory_space<vmem>> -> memref<80xi32, #tpu.memory_space<vmem>>
    %dma_start3A_352 = arith.constant 0 : i32
    %dma_start3A_353 = arith.constant 0 : i32
    %dma_start3A_354 = tpu.memref_slice %arg2[%dma_start3A_352, %dma_start3A_353] : memref<20000x128xf32, #tpu.memory_space<hbm>> -> memref<20000x128xf32, #tpu.memory_space<hbm>>
    tpu.enqueue_indirect_dma source(%dma_start3A_354 : memref<20000x128xf32, #tpu.memory_space<hbm>>) target(%arg10 : memref<80x128xf32, #tpu.memory_space<vmem>>) offsets(%dma_start3A_351 : memref<80xi32, #tpu.memory_space<vmem>>) semaphore(%arg18 : memref<!tpu.dma_semaphore, #tpu.memory_space<semaphore_mem>>)
    %mul3A_355 = arith.constant 125 : i32
    %mul3A_356 = arith.muli %add3A, %mul3A_355 : i32
    %add3A_357 = arith.constant 0 : i32
    %add3A_358 = arith.addi %add3A_357, %mul3A_356 : i32
    %add3A_359 = arith.constant 6 : i32
    %add3A_360 = arith.addi %add3A_358, %add3A_359 : i32
    %dma_start3A_361 = arith.constant 0 : i32
    %dma_start3A_362 = arith.constant 0 : i32
    %dma_start3A_363 = tpu.memref_slice %arg3[%add3A_360, %dma_start3A_361, %dma_start3A_362] : memref<8000x2x80xi32, #tpu.memory_space<hbm>> -> memref<1x2x80xi32, #tpu.memory_space<hbm>>
    %dma_start3A_364 = tpu.memref_squeeze %dma_start3A_363 : memref<1x2x80xi32, #tpu.memory_space<hbm>> -> memref<2x80xi32, #tpu.memory_space<hbm>>
    %dma_start3A_365 = arith.constant 0 : i32
    %dma_start3A_366 = arith.constant 0 : i32
    %dma_start3A_367 = tpu.memref_slice %arg3[%add3A_360, %dma_start3A_365, %dma_start3A_366] : memref<8000x2x80xi32, #tpu.memory_space<hbm>> -> memref<1x2x80xi32, #tpu.memory_space<hbm>>
    %dma_start3A_368 = tpu.memref_squeeze %dma_start3A_367 : memref<1x2x80xi32, #tpu.memory_space<hbm>> -> memref<2x80xi32, #tpu.memory_space<hbm>>
    tpu.enqueue_dma source(%dma_start3A_368 : memref<2x80xi32, #tpu.memory_space<hbm>>) target(%arg7 : memref<2x80xi32, #tpu.memory_space<vmem>>) target_semaphore(%arg15 : memref<!tpu.dma_semaphore, #tpu.memory_space<semaphore_mem>>)
    %scan3A_369 = arith.constant 0 : i32
    %scan3A_370 = arith.constant 0 : i32
    %scan3A_371 = arith.constant 80 : i32
    %scan3A_372 = arith.addi %scan3A_370, %scan3A_371 : i32
    %scan3A_373 = arith.constant 1 : i32
    %scan3A_374 = scf.for %scan3A_761 = %scan3A_370 to %scan3A_372 step %scan3A_373 iter_args(%scan3A_762 = %scan3A_369) -> (i32)  : i32 {
      %get3A = arith.index_cast %scan3A_761 : i32 to index
      %get3A_763 = arith.constant 0 : index
      %get3A_764 = tpu.vector_load %arg12[%get3A, %get3A_763] {strides = array<i32>} : memref<80x128xf32, #tpu.memory_space<vmem>>, vector<1x16xf32>,
      %get3A_765 = vector.shape_cast %get3A_764 : vector<1x16xf32> to vector<16xf32>
      %mul3A_766 = arith.constant 5.000000e-01 : f32
      %mul3A_767 = vector.broadcast %mul3A_766 : f32 to vector<16xf32>
      %mul3A_768 = arith.mulf %get3A_765, %mul3A_767 : vector<16xf32>
      %swap3A = arith.index_cast %scan3A_761 : i32 to index
      %swap3A_769 = arith.constant 0 : index
      %swap3A_770 = tpu.vector_load %arg12[%swap3A, %swap3A_769] {strides = array<i32>} : memref<80x128xf32, #tpu.memory_space<vmem>>, vector<1x16xf32>,
      %swap3A_771 = vector.shape_cast %swap3A_770 : vector<1x16xf32> to vector<16xf32>
      %swap3A_772 = vector.shape_cast %mul3A_768 : vector<16xf32> to vector<1x16xf32>
      tpu.vector_store %arg12[%swap3A, %swap3A_769], %swap3A_772 {strides = array<i32>} : memref<80x128xf32, #tpu.memory_space<vmem>>, vector<1x16xf32>,
      %get3A_773 = arith.index_cast %scan3A_761 : i32 to index
      %get3A_774 = arith.constant 16 : index
      %get3A_775 = tpu.vector_load %arg12[%get3A_773, %get3A_774] {strides = array<i32>} : memref<80x128xf32, #tpu.memory_space<vmem>>, vector<1x16xf32>,
      %get3A_776 = vector.shape_cast %get3A_775 : vector<1x16xf32> to vector<16xf32>
      %mul3A_777 = arith.constant 5.000000e-01 : f32
      %mul3A_778 = vector.broadcast %mul3A_777 : f32 to vector<16xf32>
      %mul3A_779 = arith.mulf %get3A_776, %mul3A_778 : vector<16xf32>
      %swap3A_780 = arith.index_cast %scan3A_761 : i32 to index
      %swap3A_781 = arith.constant 16 : index
      %swap3A_782 = tpu.vector_load %arg12[%swap3A_780, %swap3A_781] {strides = array<i32>} : memref<80x128xf32, #tpu.memory_space<vmem>>, vector<1x16xf32>,
      %swap3A_783 = vector.shape_cast %swap3A_782 : vector<1x16xf32> to vector<16xf32>
      %swap3A_784 = vector.shape_cast %mul3A_779 : vector<16xf32> to vector<1x16xf32>
      tpu.vector_store %arg12[%swap3A_780, %swap3A_781], %swap3A_784 {strides = array<i32>} : memref<80x128xf32, #tpu.memory_space<vmem>>, vector<1x16xf32>,
      %get3A_785 = arith.index_cast %scan3A_761 : i32 to index
      %get3A_786 = arith.constant 32 : index
      %get3A_787 = tpu.vector_load %arg12[%get3A_785, %get3A_786] {strides = array<i32>} : memref<80x128xf32, #tpu.memory_space<vmem>>, vector<1x16xf32>,
      %get3A_788 = vector.shape_cast %get3A_787 : vector<1x16xf32> to vector<16xf32>
      %mul3A_789 = arith.constant 5.000000e-01 : f32
      %mul3A_790 = vector.broadcast %mul3A_789 : f32 to vector<16xf32>
      %mul3A_791 = arith.mulf %get3A_788, %mul3A_790 : vector<16xf32>
      %swap3A_792 = arith.index_cast %scan3A_761 : i32 to index
      %swap3A_793 = arith.constant 32 : index
      %swap3A_794 = tpu.vector_load %arg12[%swap3A_792, %swap3A_793] {strides = array<i32>} : memref<80x128xf32, #tpu.memory_space<vmem>>, vector<1x16xf32>,
      %swap3A_795 = vector.shape_cast %swap3A_794 : vector<1x16xf32> to vector<16xf32>
      %swap3A_796 = vector.shape_cast %mul3A_791 : vector<16xf32> to vector<1x16xf32>
      tpu.vector_store %arg12[%swap3A_792, %swap3A_793], %swap3A_796 {strides = array<i32>} : memref<80x128xf32, #tpu.memory_space<vmem>>, vector<1x16xf32>,
      %get3A_797 = arith.index_cast %scan3A_761 : i32 to index
      %get3A_798 = arith.constant 48 : index
      %get3A_799 = tpu.vector_load %arg12[%get3A_797, %get3A_798] {strides = array<i32>} : memref<80x128xf32, #tpu.memory_space<vmem>>, vector<1x16xf32>,
      %get3A_800 = vector.shape_cast %get3A_799 : vector<1x16xf32> to vector<16xf32>
      %mul3A_801 = arith.constant 5.000000e-01 : f32
      %mul3A_802 = vector.broadcast %mul3A_801 : f32 to vector<16xf32>
      %mul3A_803 = arith.mulf %get3A_800, %mul3A_802 : vector<16xf32>
      %swap3A_804 = arith.index_cast %scan3A_761 : i32 to index
      %swap3A_805 = arith.constant 48 : index
      %swap3A_806 = tpu.vector_load %arg12[%swap3A_804, %swap3A_805] {strides = array<i32>} : memref<80x128xf32, #tpu.memory_space<vmem>>, vector<1x16xf32>,
      %swap3A_807 = vector.shape_cast %swap3A_806 : vector<1x16xf32> to vector<16xf32>
      %swap3A_808 = vector.shape_cast %mul3A_803 : vector<16xf32> to vector<1x16xf32>
      tpu.vector_store %arg12[%swap3A_804, %swap3A_805], %swap3A_808 {strides = array<i32>} : memref<80x128xf32, #tpu.memory_space<vmem>>, vector<1x16xf32>,
      %get3A_809 = arith.index_cast %scan3A_761 : i32 to index
      %get3A_810 = arith.constant 64 : index
      %get3A_811 = tpu.vector_load %arg12[%get3A_809, %get3A_810] {strides = array<i32>} : memref<80x128xf32, #tpu.memory_space<vmem>>, vector<1x16xf32>,
      %get3A_812 = vector.shape_cast %get3A_811 : vector<1x16xf32> to vector<16xf32>
      %mul3A_813 = arith.constant 5.000000e-01 : f32
      %mul3A_814 = vector.broadcast %mul3A_813 : f32 to vector<16xf32>
      %mul3A_815 = arith.mulf %get3A_812, %mul3A_814 : vector<16xf32>
      %swap3A_816 = arith.index_cast %scan3A_761 : i32 to index
      %swap3A_817 = arith.constant 64 : index
      %swap3A_818 = tpu.vector_load %arg12[%swap3A_816, %swap3A_817] {strides = array<i32>} : memref<80x128xf32, #tpu.memory_space<vmem>>, vector<1x16xf32>,
      %swap3A_819 = vector.shape_cast %swap3A_818 : vector<1x16xf32> to vector<16xf32>
      %swap3A_820 = vector.shape_cast %mul3A_815 : vector<16xf32> to vector<1x16xf32>
      tpu.vector_store %arg12[%swap3A_816, %swap3A_817], %swap3A_820 {strides = array<i32>} : memref<80x128xf32, #tpu.memory_space<vmem>>, vector<1x16xf32>,
      %get3A_821 = arith.index_cast %scan3A_761 : i32 to index
      %get3A_822 = arith.constant 80 : index
      %get3A_823 = tpu.vector_load %arg12[%get3A_821, %get3A_822] {strides = array<i32>} : memref<80x128xf32, #tpu.memory_space<vmem>>, vector<1x16xf32>,
      %get3A_824 = vector.shape_cast %get3A_823 : vector<1x16xf32> to vector<16xf32>
      %mul3A_825 = arith.constant 5.000000e-01 : f32
      %mul3A_826 = vector.broadcast %mul3A_825 : f32 to vector<16xf32>
      %mul3A_827 = arith.mulf %get3A_824, %mul3A_826 : vector<16xf32>
      %swap3A_828 = arith.index_cast %scan3A_761 : i32 to index
      %swap3A_829 = arith.constant 80 : index
      %swap3A_830 = tpu.vector_load %arg12[%swap3A_828, %swap3A_829] {strides = array<i32>} : memref<80x128xf32, #tpu.memory_space<vmem>>, vector<1x16xf32>,
      %swap3A_831 = vector.shape_cast %swap3A_830 : vector<1x16xf32> to vector<16xf32>
      %swap3A_832 = vector.shape_cast %mul3A_827 : vector<16xf32> to vector<1x16xf32>
      tpu.vector_store %arg12[%swap3A_828, %swap3A_829], %swap3A_832 {strides = array<i32>} : memref<80x128xf32, #tpu.memory_space<vmem>>, vector<1x16xf32>,
      %get3A_833 = arith.index_cast %scan3A_761 : i32 to index
      %get3A_834 = arith.constant 96 : index
      %get3A_835 = tpu.vector_load %arg12[%get3A_833, %get3A_834] {strides = array<i32>} : memref<80x128xf32, #tpu.memory_space<vmem>>, vector<1x16xf32>,
      %get3A_836 = vector.shape_cast %get3A_835 : vector<1x16xf32> to vector<16xf32>
      %mul3A_837 = arith.constant 5.000000e-01 : f32
      %mul3A_838 = vector.broadcast %mul3A_837 : f32 to vector<16xf32>
      %mul3A_839 = arith.mulf %get3A_836, %mul3A_838 : vector<16xf32>
      %swap3A_840 = arith.index_cast %scan3A_761 : i32 to index
      %swap3A_841 = arith.constant 96 : index
      %swap3A_842 = tpu.vector_load %arg12[%swap3A_840, %swap3A_841] {strides = array<i32>} : memref<80x128xf32, #tpu.memory_space<vmem>>, vector<1x16xf32>,
      %swap3A_843 = vector.shape_cast %swap3A_842 : vector<1x16xf32> to vector<16xf32>
      %swap3A_844 = vector.shape_cast %mul3A_839 : vector<16xf32> to vector<1x16xf32>
      tpu.vector_store %arg12[%swap3A_840, %swap3A_841], %swap3A_844 {strides = array<i32>} : memref<80x128xf32, #tpu.memory_space<vmem>>, vector<1x16xf32>,
      %get3A_845 = arith.index_cast %scan3A_761 : i32 to index
      %get3A_846 = arith.constant 112 : index
      %get3A_847 = tpu.vector_load %arg12[%get3A_845, %get3A_846] {strides = array<i32>} : memref<80x128xf32, #tpu.memory_space<vmem>>, vector<1x16xf32>,
      %get3A_848 = vector.shape_cast %get3A_847 : vector<1x16xf32> to vector<16xf32>
      %mul3A_849 = arith.constant 5.000000e-01 : f32
      %mul3A_850 = vector.broadcast %mul3A_849 : f32 to vector<16xf32>
      %mul3A_851 = arith.mulf %get3A_848, %mul3A_850 : vector<16xf32>
      %swap3A_852 = arith.index_cast %scan3A_761 : i32 to index
      %swap3A_853 = arith.constant 112 : index
      %swap3A_854 = tpu.vector_load %arg12[%swap3A_852, %swap3A_853] {strides = array<i32>} : memref<80x128xf32, #tpu.memory_space<vmem>>, vector<1x16xf32>,
      %swap3A_855 = vector.shape_cast %swap3A_854 : vector<1x16xf32> to vector<16xf32>
      %swap3A_856 = vector.shape_cast %mul3A_851 : vector<16xf32> to vector<1x16xf32>
      tpu.vector_store %arg12[%swap3A_852, %swap3A_853], %swap3A_856 {strides = array<i32>} : memref<80x128xf32, #tpu.memory_space<vmem>>, vector<1x16xf32>,
      %scan3A_857 = arith.constant 0 : i32
      scf.yield %scan3A_857 : i32
    }
    %scan3A_375 = arith.constant 80 : i32
    %mul3A_376 = arith.constant 10000 : i32
    %mul3A_377 = arith.muli %add3A, %mul3A_376 : i32
    %add3A_378 = arith.constant 10000 : i32
    %add3A_379 = arith.addi %add3A_378, %mul3A_377 : i32
    %add3A_380 = arith.constant 240 : i32
    %add3A_381 = arith.addi %add3A_379, %add3A_380 : i32
    %dma_start3A_382 = arith.constant 0 : i32
    %dma_start3A_383 = tpu.memref_slice %arg4[%add3A_381, %dma_start3A_382] : memref<660000x128xf32, #tpu.memory_space<hbm>> -> memref<80x128xf32, #tpu.memory_space<hbm>>
    %dma_start3A_384 = arith.constant 0 : i32
    %dma_start3A_385 = tpu.memref_slice %arg4[%add3A_381, %dma_start3A_384] : memref<660000x128xf32, #tpu.memory_space<hbm>> -> memref<80x128xf32, #tpu.memory_space<hbm>>
    tpu.enqueue_dma source(%arg12 : memref<80x128xf32, #tpu.memory_space<vmem>>) target(%dma_start3A_385 : memref<80x128xf32, #tpu.memory_space<hbm>>) target_semaphore(%arg28 : memref<!tpu.dma_semaphore, #tpu.memory_space<semaphore_mem>>)
    %scan3A_386 = arith.constant 0 : i32
    %scan3A_387 = arith.constant 0 : i32
    %scan3A_388 = arith.constant 60 : i32
    %scan3A_389 = arith.addi %scan3A_387, %scan3A_388 : i32
    %scan3A_390 = arith.constant 1 : i32
    %scan3A_391 = scf.for %scan3A_761 = %scan3A_387 to %scan3A_389 step %scan3A_390 iter_args(%scan3A_762 = %scan3A_386) -> (i32)  : i32 {
      %mul3A_763 = arith.constant 4 : i32
      %mul3A_764 = arith.muli %mul3A_763, %scan3A_761 : i32
      %add3A_765 = arith.constant 4 : i32
      %add3A_766 = arith.addi %add3A_765, %mul3A_764 : i32
      %add3A_767 = arith.constant 0 : i32
      %add3A_768 = arith.addi %add3A_766, %add3A_767 : i32
      %dma_wait3A_769 = arith.constant 0 : i32
      %dma_wait3A_770 = arith.constant 0 : i32
      %dma_wait3A_771 = tpu.memref_slice %arg6[%dma_wait3A_769, %dma_wait3A_770] : memref<2x80xi32, #tpu.memory_space<vmem>> -> memref<1x80xi32, #tpu.memory_space<vmem>>
      %dma_wait3A_772 = tpu.memref_squeeze %dma_wait3A_771 : memref<1x80xi32, #tpu.memory_space<vmem>> -> memref<80xi32, #tpu.memory_space<vmem>>
      %dma_wait3A_773 = arith.constant 0 : i32
      %dma_wait3A_774 = arith.constant 0 : i32
      %dma_wait3A_775 = tpu.memref_slice %arg2[%dma_wait3A_773, %dma_wait3A_774] : memref<20000x128xf32, #tpu.memory_space<hbm>> -> memref<20000x128xf32, #tpu.memory_space<hbm>>
      tpu.wait_indirect_dma semaphore(%arg18 : memref<!tpu.dma_semaphore, #tpu.memory_space<semaphore_mem>>) src(%dma_wait3A_775 : memref<20000x128xf32, #tpu.memory_space<hbm>>) dst(%arg10 : memref<80x128xf32, #tpu.memory_space<vmem>>)
      %dma_start3A_776 = arith.constant 1 : i32
      %dma_start3A_777 = arith.constant 0 : i32
      %dma_start3A_778 = tpu.memref_slice %arg6[%dma_start3A_776, %dma_start3A_777] : memref<2x80xi32, #tpu.memory_space<vmem>> -> memref<1x80xi32, #tpu.memory_space<vmem>>
      %dma_start3A_779 = tpu.memref_squeeze %dma_start3A_778 : memref<1x80xi32, #tpu.memory_space<vmem>> -> memref<80xi32, #tpu.memory_space<vmem>>
      %dma_start3A_780 = arith.constant 0 : i32
      %dma_start3A_781 = arith.constant 0 : i32
      %dma_start3A_782 = tpu.memref_slice %arg2[%dma_start3A_780, %dma_start3A_781] : memref<20000x128xf32, #tpu.memory_space<hbm>> -> memref<20000x128xf32, #tpu.memory_space<hbm>>
      tpu.enqueue_indirect_dma source(%dma_start3A_782 : memref<20000x128xf32, #tpu.memory_space<hbm>>) target(%arg10 : memref<80x128xf32, #tpu.memory_space<vmem>>) offsets(%dma_start3A_779 : memref<80xi32, #tpu.memory_space<vmem>>) semaphore(%arg22 : memref<!tpu.dma_semaphore, #tpu.memory_space<semaphore_mem>>) {add = true}
      %dma_wait3A_783 = arith.constant 1 : i32
      %dma_wait3A_784 = arith.constant 0 : i32
      %dma_wait3A_785 = tpu.memref_slice %arg5[%dma_wait3A_783, %dma_wait3A_784] : memref<2x80xi32, #tpu.memory_space<vmem>> -> memref<1x80xi32, #tpu.memory_space<vmem>>
      %dma_wait3A_786 = tpu.memref_squeeze %dma_wait3A_785 : memref<1x80xi32, #tpu.memory_space<vmem>> -> memref<80xi32, #tpu.memory_space<vmem>>
      %dma_wait3A_787 = arith.constant 0 : i32
      %dma_wait3A_788 = arith.constant 0 : i32
      %dma_wait3A_789 = tpu.memref_slice %arg2[%dma_wait3A_787, %dma_wait3A_788] : memref<20000x128xf32, #tpu.memory_space<hbm>> -> memref<20000x128xf32, #tpu.memory_space<hbm>>
      tpu.wait_indirect_dma semaphore(%arg21 : memref<!tpu.dma_semaphore, #tpu.memory_space<semaphore_mem>>) src(%dma_wait3A_789 : memref<20000x128xf32, #tpu.memory_space<hbm>>) dst(%arg9 : memref<80x128xf32, #tpu.memory_space<vmem>>)
      %dma_wait3A_790 = arith.constant 0 : i32
      %dma_wait3A_791 = arith.constant 0 : i32
      %dma_wait3A_792 = arith.constant 0 : i32
      %dma_wait3A_793 = tpu.memref_slice %arg3[%dma_wait3A_790, %dma_wait3A_791, %dma_wait3A_792] : memref<8000x2x80xi32, #tpu.memory_space<hbm>> -> memref<1x2x80xi32, #tpu.memory_space<hbm>>
      %dma_wait3A_794 = tpu.memref_squeeze %dma_wait3A_793 : memref<1x2x80xi32, #tpu.memory_space<hbm>> -> memref<2x80xi32, #tpu.memory_space<hbm>>
      %dma_wait3A_795 = arith.constant 0 : i32
      %dma_wait3A_796 = arith.constant 0 : i32
      %dma_wait3A_797 = tpu.memref_slice %arg3[%dma_wait3A_790, %dma_wait3A_795, %dma_wait3A_796] : memref<8000x2x80xi32, #tpu.memory_space<hbm>> -> memref<1x2x80xi32, #tpu.memory_space<hbm>>
      %dma_wait3A_798 = tpu.memref_squeeze %dma_wait3A_797 : memref<1x2x80xi32, #tpu.memory_space<hbm>> -> memref<2x80xi32, #tpu.memory_space<hbm>>
      tpu.wait_dma2 semaphore(%arg15 : memref<!tpu.dma_semaphore, #tpu.memory_space<semaphore_mem>>) src(%dma_wait3A_798 : memref<2x80xi32, #tpu.memory_space<hbm>>) dst(%arg7 : memref<2x80xi32, #tpu.memory_space<vmem>>)
      %dma_wait3A_799 = arith.constant 0 : i32
      %dma_wait3A_800 = arith.constant 0 : i32
      %dma_wait3A_801 = tpu.memref_slice %arg4[%dma_wait3A_799, %dma_wait3A_800] : memref<660000x128xf32, #tpu.memory_space<hbm>> -> memref<80x128xf32, #tpu.memory_space<hbm>>
      %dma_wait3A_802 = arith.constant 0 : i32
      %dma_wait3A_803 = arith.constant 0 : i32
      %dma_wait3A_804 = tpu.memref_slice %arg4[%dma_wait3A_802, %dma_wait3A_803] : memref<660000x128xf32, #tpu.memory_space<hbm>> -> memref<80x128xf32, #tpu.memory_space<hbm>>
      tpu.wait_dma2 semaphore(%arg27 : memref<!tpu.dma_semaphore, #tpu.memory_space<semaphore_mem>>) src(%arg11 : memref<80x128xf32, #tpu.memory_space<vmem>>) dst(%dma_wait3A_804 : memref<80x128xf32, #tpu.memory_space<hbm>>)
      %dma_start3A_805 = arith.constant 0 : i32
      %dma_start3A_806 = arith.constant 0 : i32
      %dma_start3A_807 = tpu.memref_slice %arg7[%dma_start3A_805, %dma_start3A_806] : memref<2x80xi32, #tpu.memory_space<vmem>> -> memref<1x80xi32, #tpu.memory_space<vmem>>
      %dma_start3A_808 = tpu.memref_squeeze %dma_start3A_807 : memref<1x80xi32, #tpu.memory_space<vmem>> -> memref<80xi32, #tpu.memory_space<vmem>>
      %dma_start3A_809 = arith.constant 0 : i32
      %dma_start3A_810 = arith.constant 0 : i32
      %dma_start3A_811 = tpu.memref_slice %arg2[%dma_start3A_809, %dma_start3A_810] : memref<20000x128xf32, #tpu.memory_space<hbm>> -> memref<20000x128xf32, #tpu.memory_space<hbm>>
      tpu.enqueue_indirect_dma source(%dma_start3A_811 : memref<20000x128xf32, #tpu.memory_space<hbm>>) target(%arg11 : memref<80x128xf32, #tpu.memory_space<vmem>>) offsets(%dma_start3A_808 : memref<80xi32, #tpu.memory_space<vmem>>) semaphore(%arg19 : memref<!tpu.dma_semaphore, #tpu.memory_space<semaphore_mem>>)
      %add3A_812 = arith.constant 3 : i32
      %add3A_813 = arith.addi %add3A_768, %add3A_812 : i32
      %ge3A = arith.constant 125 : i32
      %ge3A_814 = arith.cmpi sge, %add3A_813, %ge3A : i32
      %convert_element_type3A_815 = arith.extui %ge3A_814 : i1 to i32
      %mul3A_816 = arith.constant 125 : i32
      %mul3A_817 = arith.muli %convert_element_type3A_815, %mul3A_816 : i32
      %sub3A = arith.subi %add3A_813, %mul3A_817 : i32
      %mul3A_818 = arith.constant 4000 : i32
      %mul3A_819 = arith.muli %convert_element_type3A_815, %mul3A_818 : i32
      %mul3A_820 = arith.constant 125 : i32
      %mul3A_821 = arith.muli %add3A, %mul3A_820 : i32
      %add3A_822 = arith.addi %mul3A_819, %mul3A_821 : i32
      %add3A_823 = arith.addi %add3A_822, %sub3A : i32
      %dma_start3A_824 = arith.constant 0 : i32
      %dma_start3A_825 = arith.constant 0 : i32
      %dma_start3A_826 = tpu.memref_slice %arg3[%add3A_823, %dma_start3A_824, %dma_start3A_825] : memref<8000x2x80xi32, #tpu.memory_space<hbm>> -> memref<1x2x80xi32, #tpu.memory_space<hbm>>
      %dma_start3A_827 = tpu.memref_squeeze %dma_start3A_826 : memref<1x2x80xi32, #tpu.memory_space<hbm>> -> memref<2x80xi32, #tpu.memory_space<hbm>>
      %dma_start3A_828 = arith.constant 0 : i32
      %dma_start3A_829 = arith.constant 0 : i32
      %dma_start3A_830 = tpu.memref_slice %arg3[%add3A_823, %dma_start3A_828, %dma_start3A_829] : memref<8000x2x80xi32, #tpu.memory_space<hbm>> -> memref<1x2x80xi32, #tpu.memory_space<hbm>>
      %dma_start3A_831 = tpu.memref_squeeze %dma_start3A_830 : memref<1x2x80xi32, #tpu.memory_space<hbm>> -> memref<2x80xi32, #tpu.memory_space<hbm>>
      tpu.enqueue_dma source(%dma_start3A_831 : memref<2x80xi32, #tpu.memory_space<hbm>>) target(%arg8 : memref<2x80xi32, #tpu.memory_space<vmem>>) target_semaphore(%arg16 : memref<!tpu.dma_semaphore, #tpu.memory_space<semaphore_mem>>)
      %scan3A_832 = arith.constant 0 : i32
      %scan3A_833 = arith.constant 0 : i32
      %scan3A_834 = arith.constant 80 : i32
      %scan3A_835 = arith.addi %scan3A_833, %scan3A_834 : i32
      %scan3A_836 = arith.constant 1 : i32
      %scan3A_837 = scf.for %scan3A_1142 = %scan3A_833 to %scan3A_835 step %scan3A_836 iter_args(%scan3A_1143 = %scan3A_832) -> (i32)  : i32 {
        %get3A = arith.index_cast %scan3A_1142 : i32 to index
        %get3A_1144 = arith.constant 0 : index
        %get3A_1145 = tpu.vector_load %arg9[%get3A, %get3A_1144] {strides = array<i32>} : memref<80x128xf32, #tpu.memory_space<vmem>>, vector<1x16xf32>,
        %get3A_1146 = vector.shape_cast %get3A_1145 : vector<1x16xf32> to vector<16xf32>
        %mul3A_1147 = arith.constant 5.000000e-01 : f32
        %mul3A_1148 = vector.broadcast %mul3A_1147 : f32 to vector<16xf32>
        %mul3A_1149 = arith.mulf %get3A_1146, %mul3A_1148 : vector<16xf32>
        %swap3A = arith.index_cast %scan3A_1142 : i32 to index
        %swap3A_1150 = arith.constant 0 : index
        %swap3A_1151 = tpu.vector_load %arg9[%swap3A, %swap3A_1150] {strides = array<i32>} : memref<80x128xf32, #tpu.memory_space<vmem>>, vector<1x16xf32>,
        %swap3A_1152 = vector.shape_cast %swap3A_1151 : vector<1x16xf32> to vector<16xf32>
        %swap3A_1153 = vector.shape_cast %mul3A_1149 : vector<16xf32> to vector<1x16xf32>
        tpu.vector_store %arg9[%swap3A, %swap3A_1150], %swap3A_1153 {strides = array<i32>} : memref<80x128xf32, #tpu.memory_space<vmem>>, vector<1x16xf32>,
        %get3A_1154 = arith.index_cast %scan3A_1142 : i32 to index
        %get3A_1155 = arith.constant 16 : index
        %get3A_1156 = tpu.vector_load %arg9[%get3A_1154, %get3A_1155] {strides = array<i32>} : memref<80x128xf32, #tpu.memory_space<vmem>>, vector<1x16xf32>,
        %get3A_1157 = vector.shape_cast %get3A_1156 : vector<1x16xf32> to vector<16xf32>
        %mul3A_1158 = arith.constant 5.000000e-01 : f32
        %mul3A_1159 = vector.broadcast %mul3A_1158 : f32 to vector<16xf32>
        %mul3A_1160 = arith.mulf %get3A_1157, %mul3A_1159 : vector<16xf32>
        %swap3A_1161 = arith.index_cast %scan3A_1142 : i32 to index
        %swap3A_1162 = arith.constant 16 : index
        %swap3A_1163 = tpu.vector_load %arg9[%swap3A_1161, %swap3A_1162] {strides = array<i32>} : memref<80x128xf32, #tpu.memory_space<vmem>>, vector<1x16xf32>,
        %swap3A_1164 = vector.shape_cast %swap3A_1163 : vector<1x16xf32> to vector<16xf32>
        %swap3A_1165 = vector.shape_cast %mul3A_1160 : vector<16xf32> to vector<1x16xf32>
        tpu.vector_store %arg9[%swap3A_1161, %swap3A_1162], %swap3A_1165 {strides = array<i32>} : memref<80x128xf32, #tpu.memory_space<vmem>>, vector<1x16xf32>,
        %get3A_1166 = arith.index_cast %scan3A_1142 : i32 to index
        %get3A_1167 = arith.constant 32 : index
        %get3A_1168 = tpu.vector_load %arg9[%get3A_1166, %get3A_1167] {strides = array<i32>} : memref<80x128xf32, #tpu.memory_space<vmem>>, vector<1x16xf32>,
        %get3A_1169 = vector.shape_cast %get3A_1168 : vector<1x16xf32> to vector<16xf32>
        %mul3A_1170 = arith.constant 5.000000e-01 : f32
        %mul3A_1171 = vector.broadcast %mul3A_1170 : f32 to vector<16xf32>
        %mul3A_1172 = arith.mulf %get3A_1169, %mul3A_1171 : vector<16xf32>
        %swap3A_1173 = arith.index_cast %scan3A_1142 : i32 to index
        %swap3A_1174 = arith.constant 32 : index
        %swap3A_1175 = tpu.vector_load %arg9[%swap3A_1173, %swap3A_1174] {strides = array<i32>} : memref<80x128xf32, #tpu.memory_space<vmem>>, vector<1x16xf32>,
        %swap3A_1176 = vector.shape_cast %swap3A_1175 : vector<1x16xf32> to vector<16xf32>
        %swap3A_1177 = vector.shape_cast %mul3A_1172 : vector<16xf32> to vector<1x16xf32>
        tpu.vector_store %arg9[%swap3A_1173, %swap3A_1174], %swap3A_1177 {strides = array<i32>} : memref<80x128xf32, #tpu.memory_space<vmem>>, vector<1x16xf32>,
        %get3A_1178 = arith.index_cast %scan3A_1142 : i32 to index
        %get3A_1179 = arith.constant 48 : index
        %get3A_1180 = tpu.vector_load %arg9[%get3A_1178, %get3A_1179] {strides = array<i32>} : memref<80x128xf32, #tpu.memory_space<vmem>>, vector<1x16xf32>,
        %get3A_1181 = vector.shape_cast %get3A_1180 : vector<1x16xf32> to vector<16xf32>
        %mul3A_1182 = arith.constant 5.000000e-01 : f32
        %mul3A_1183 = vector.broadcast %mul3A_1182 : f32 to vector<16xf32>
        %mul3A_1184 = arith.mulf %get3A_1181, %mul3A_1183 : vector<16xf32>
        %swap3A_1185 = arith.index_cast %scan3A_1142 : i32 to index
        %swap3A_1186 = arith.constant 48 : index
        %swap3A_1187 = tpu.vector_load %arg9[%swap3A_1185, %swap3A_1186] {strides = array<i32>} : memref<80x128xf32, #tpu.memory_space<vmem>>, vector<1x16xf32>,
        %swap3A_1188 = vector.shape_cast %swap3A_1187 : vector<1x16xf32> to vector<16xf32>
        %swap3A_1189 = vector.shape_cast %mul3A_1184 : vector<16xf32> to vector<1x16xf32>
        tpu.vector_store %arg9[%swap3A_1185, %swap3A_1186], %swap3A_1189 {strides = array<i32>} : memref<80x128xf32, #tpu.memory_space<vmem>>, vector<1x16xf32>,
        %get3A_1190 = arith.index_cast %scan3A_1142 : i32 to index
        %get3A_1191 = arith.constant 64 : index
        %get3A_1192 = tpu.vector_load %arg9[%get3A_1190, %get3A_1191] {strides = array<i32>} : memref<80x128xf32, #tpu.memory_space<vmem>>, vector<1x16xf32>,
        %get3A_1193 = vector.shape_cast %get3A_1192 : vector<1x16xf32> to vector<16xf32>
        %mul3A_1194 = arith.constant 5.000000e-01 : f32
        %mul3A_1195 = vector.broadcast %mul3A_1194 : f32 to vector<16xf32>
        %mul3A_1196 = arith.mulf %get3A_1193, %mul3A_1195 : vector<16xf32>
        %swap3A_1197 = arith.index_cast %scan3A_1142 : i32 to index
        %swap3A_1198 = arith.constant 64 : index
        %swap3A_1199 = tpu.vector_load %arg9[%swap3A_1197, %swap3A_1198] {strides = array<i32>} : memref<80x128xf32, #tpu.memory_space<vmem>>, vector<1x16xf32>,
        %swap3A_1200 = vector.shape_cast %swap3A_1199 : vector<1x16xf32> to vector<16xf32>
        %swap3A_1201 = vector.shape_cast %mul3A_1196 : vector<16xf32> to vector<1x16xf32>
        tpu.vector_store %arg9[%swap3A_1197, %swap3A_1198], %swap3A_1201 {strides = array<i32>} : memref<80x128xf32, #tpu.memory_space<vmem>>, vector<1x16xf32>,
        %get3A_1202 = arith.index_cast %scan3A_1142 : i32 to index
        %get3A_1203 = arith.constant 80 : index
        %get3A_1204 = tpu.vector_load %arg9[%get3A_1202, %get3A_1203] {strides = array<i32>} : memref<80x128xf32, #tpu.memory_space<vmem>>, vector<1x16xf32>,
        %get3A_1205 = vector.shape_cast %get3A_1204 : vector<1x16xf32> to vector<16xf32>
        %mul3A_1206 = arith.constant 5.000000e-01 : f32
        %mul3A_1207 = vector.broadcast %mul3A_1206 : f32 to vector<16xf32>
        %mul3A_1208 = arith.mulf %get3A_1205, %mul3A_1207 : vector<16xf32>
        %swap3A_1209 = arith.index_cast %scan3A_1142 : i32 to index
        %swap3A_1210 = arith.constant 80 : index
        %swap3A_1211 = tpu.vector_load %arg9[%swap3A_1209, %swap3A_1210] {strides = array<i32>} : memref<80x128xf32, #tpu.memory_space<vmem>>, vector<1x16xf32>,
        %swap3A_1212 = vector.shape_cast %swap3A_1211 : vector<1x16xf32> to vector<16xf32>
        %swap3A_1213 = vector.shape_cast %mul3A_1208 : vector<16xf32> to vector<1x16xf32>
        tpu.vector_store %arg9[%swap3A_1209, %swap3A_1210], %swap3A_1213 {strides = array<i32>} : memref<80x128xf32, #tpu.memory_space<vmem>>, vector<1x16xf32>,
        %get3A_1214 = arith.index_cast %scan3A_1142 : i32 to index
        %get3A_1215 = arith.constant 96 : index
        %get3A_1216 = tpu.vector_load %arg9[%get3A_1214, %get3A_1215] {strides = array<i32>} : memref<80x128xf32, #tpu.memory_space<vmem>>, vector<1x16xf32>,
        %get3A_1217 = vector.shape_cast %get3A_1216 : vector<1x16xf32> to vector<16xf32>
        %mul3A_1218 = arith.constant 5.000000e-01 : f32
        %mul3A_1219 = vector.broadcast %mul3A_1218 : f32 to vector<16xf32>
        %mul3A_1220 = arith.mulf %get3A_1217, %mul3A_1219 : vector<16xf32>
        %swap3A_1221 = arith.index_cast %scan3A_1142 : i32 to index
        %swap3A_1222 = arith.constant 96 : index
        %swap3A_1223 = tpu.vector_load %arg9[%swap3A_1221, %swap3A_1222] {strides = array<i32>} : memref<80x128xf32, #tpu.memory_space<vmem>>, vector<1x16xf32>,
        %swap3A_1224 = vector.shape_cast %swap3A_1223 : vector<1x16xf32> to vector<16xf32>
        %swap3A_1225 = vector.shape_cast %mul3A_1220 : vector<16xf32> to vector<1x16xf32>
        tpu.vector_store %arg9[%swap3A_1221, %swap3A_1222], %swap3A_1225 {strides = array<i32>} : memref<80x128xf32, #tpu.memory_space<vmem>>, vector<1x16xf32>,
        %get3A_1226 = arith.index_cast %scan3A_1142 : i32 to index
        %get3A_1227 = arith.constant 112 : index
        %get3A_1228 = tpu.vector_load %arg9[%get3A_1226, %get3A_1227] {strides = array<i32>} : memref<80x128xf32, #tpu.memory_space<vmem>>, vector<1x16xf32>,
        %get3A_1229 = vector.shape_cast %get3A_1228 : vector<1x16xf32> to vector<16xf32>
        %mul3A_1230 = arith.constant 5.000000e-01 : f32
        %mul3A_1231 = vector.broadcast %mul3A_1230 : f32 to vector<16xf32>
        %mul3A_1232 = arith.mulf %get3A_1229, %mul3A_1231 : vector<16xf32>
        %swap3A_1233 = arith.index_cast %scan3A_1142 : i32 to index
        %swap3A_1234 = arith.constant 112 : index
        %swap3A_1235 = tpu.vector_load %arg9[%swap3A_1233, %swap3A_1234] {strides = array<i32>} : memref<80x128xf32, #tpu.memory_space<vmem>>, vector<1x16xf32>,
        %swap3A_1236 = vector.shape_cast %swap3A_1235 : vector<1x16xf32> to vector<16xf32>
        %swap3A_1237 = vector.shape_cast %mul3A_1232 : vector<16xf32> to vector<1x16xf32>
        tpu.vector_store %arg9[%swap3A_1233, %swap3A_1234], %swap3A_1237 {strides = array<i32>} : memref<80x128xf32, #tpu.memory_space<vmem>>, vector<1x16xf32>,
        %scan3A_1238 = arith.constant 0 : i32
        scf.yield %scan3A_1238 : i32
      }
      %scan3A_838 = arith.constant 80 : i32
      %ge3A_839 = arith.constant 125 : i32
      %ge3A_840 = arith.cmpi sge, %add3A_768, %ge3A_839 : i32
      %convert_element_type3A_841 = arith.extui %ge3A_840 : i1 to i32
      %mul3A_842 = arith.constant 125 : i32
      %mul3A_843 = arith.muli %convert_element_type3A_841, %mul3A_842 : i32
      %sub3A_844 = arith.subi %add3A_768, %mul3A_843 : i32
      %mul3A_845 = arith.constant 330000 : i32
      %mul3A_846 = arith.muli %convert_element_type3A_841, %mul3A_845 : i32
      %add3A_847 = arith.constant 10000 : i32
      %add3A_848 = arith.addi %mul3A_846, %add3A_847 : i32
      %mul3A_849 = arith.constant 10000 : i32
      %mul3A_850 = arith.muli %add3A, %mul3A_849 : i32
      %add3A_851 = arith.addi %add3A_848, %mul3A_850 : i32
      %mul3A_852 = arith.constant 80 : i32
      %mul3A_853 = arith.muli %sub3A_844, %mul3A_852 : i32
      %add3A_854 = arith.addi %add3A_851, %mul3A_853 : i32
      %dma_start3A_855 = arith.constant 0 : i32
      %dma_start3A_856 = tpu.memref_slice %arg4[%add3A_854, %dma_start3A_855] : memref<660000x128xf32, #tpu.memory_space<hbm>> -> memref<80x128xf32, #tpu.memory_space<hbm>>
      %dma_start3A_857 = arith.constant 0 : i32
      %dma_start3A_858 = tpu.memref_slice %arg4[%add3A_854, %dma_start3A_857] : memref<660000x128xf32, #tpu.memory_space<hbm>> -> memref<80x128xf32, #tpu.memory_space<hbm>>
      tpu.enqueue_dma source(%arg9 : memref<80x128xf32, #tpu.memory_space<vmem>>) target(%dma_start3A_858 : memref<80x128xf32, #tpu.memory_space<hbm>>) target_semaphore(%arg25 : memref<!tpu.dma_semaphore, #tpu.memory_space<semaphore_mem>>)
      %add3A_859 = arith.constant 1 : i32
      %add3A_860 = arith.addi %add3A_766, %add3A_859 : i32
      %dma_wait3A_861 = arith.constant 0 : i32
      %dma_wait3A_862 = arith.constant 0 : i32
      %dma_wait3A_863 = tpu.memref_slice %arg7[%dma_wait3A_861, %dma_wait3A_862] : memref<2x80xi32, #tpu.memory_space<vmem>> -> memref<1x80xi32, #tpu.memory_space<vmem>>
      %dma_wait3A_864 = tpu.memref_squeeze %dma_wait3A_863 : memref<1x80xi32, #tpu.memory_space<vmem>> -> memref<80xi32, #tpu.memory_space<vmem>>
      %dma_wait3A_865 = arith.constant 0 : i32
      %dma_wait3A_866 = arith.constant 0 : i32
      %dma_wait3A_867 = tpu.memref_slice %arg2[%dma_wait3A_865, %dma_wait3A_866] : memref<20000x128xf32, #tpu.memory_space<hbm>> -> memref<20000x128xf32, #tpu.memory_space<hbm>>
      tpu.wait_indirect_dma semaphore(%arg19 : memref<!tpu.dma_semaphore, #tpu.memory_space<semaphore_mem>>) src(%dma_wait3A_867 : memref<20000x128xf32, #tpu.memory_space<hbm>>) dst(%arg11 : memref<80x128xf32, #tpu.memory_space<vmem>>)
      %dma_start3A_868 = arith.constant 1 : i32
      %dma_start3A_869 = arith.constant 0 : i32
      %dma_start3A_870 = tpu.memref_slice %arg7[%dma_start3A_868, %dma_start3A_869] : memref<2x80xi32, #tpu.memory_space<vmem>> -> memref<1x80xi32, #tpu.memory_space<vmem>>
      %dma_start3A_871 = tpu.memref_squeeze %dma_start3A_870 : memref<1x80xi32, #tpu.memory_space<vmem>> -> memref<80xi32, #tpu.memory_space<vmem>>
      %dma_start3A_872 = arith.constant 0 : i32
      %dma_start3A_873 = arith.constant 0 : i32
      %dma_start3A_874 = tpu.memref_slice %arg2[%dma_start3A_872, %dma_start3A_873] : memref<20000x128xf32, #tpu.memory_space<hbm>> -> memref<20000x128xf32, #tpu.memory_space<hbm>>
      tpu.enqueue_indirect_dma source(%dma_start3A_874 : memref<20000x128xf32, #tpu.memory_space<hbm>>) target(%arg11 : memref<80x128xf32, #tpu.memory_space<vmem>>) offsets(%dma_start3A_871 : memref<80xi32, #tpu.memory_space<vmem>>) semaphore(%arg23 : memref<!tpu.dma_semaphore, #tpu.memory_space<semaphore_mem>>) {add = true}
      %dma_wait3A_875 = arith.constant 1 : i32
      %dma_wait3A_876 = arith.constant 0 : i32
      %dma_wait3A_877 = tpu.memref_slice %arg6[%dma_wait3A_875, %dma_wait3A_876] : memref<2x80xi32, #tpu.memory_space<vmem>> -> memref<1x80xi32, #tpu.memory_space<vmem>>
      %dma_wait3A_878 = tpu.memref_squeeze %dma_wait3A_877 : memref<1x80xi32, #tpu.memory_space<vmem>> -> memref<80xi32, #tpu.memory_space<vmem>>
      %dma_wait3A_879 = arith.constant 0 : i32
      %dma_wait3A_880 = arith.constant 0 : i32
      %dma_wait3A_881 = tpu.memref_slice %arg2[%dma_wait3A_879, %dma_wait3A_880] : memref<20000x128xf32, #tpu.memory_space<hbm>> -> memref<20000x128xf32, #tpu.memory_space<hbm>>
      tpu.wait_indirect_dma semaphore(%arg22 : memref<!tpu.dma_semaphore, #tpu.memory_space<semaphore_mem>>) src(%dma_wait3A_881 : memref<20000x128xf32, #tpu.memory_space<hbm>>) dst(%arg10 : memref<80x128xf32, #tpu.memory_space<vmem>>)
      %dma_wait3A_882 = arith.constant 0 : i32
      %dma_wait3A_883 = arith.constant 0 : i32
      %dma_wait3A_884 = arith.constant 0 : i32
      %dma_wait3A_885 = tpu.memref_slice %arg3[%dma_wait3A_882, %dma_wait3A_883, %dma_wait3A_884] : memref<8000x2x80xi32, #tpu.memory_space<hbm>> -> memref<1x2x80xi32, #tpu.memory_space<hbm>>
      %dma_wait3A_886 = tpu.memref_squeeze %dma_wait3A_885 : memref<1x2x80xi32, #tpu.memory_space<hbm>> -> memref<2x80xi32, #tpu.memory_space<hbm>>
      %dma_wait3A_887 = arith.constant 0 : i32
      %dma_wait3A_888 = arith.constant 0 : i32
      %dma_wait3A_889 = tpu.memref_slice %arg3[%dma_wait3A_882, %dma_wait3A_887, %dma_wait3A_888] : memref<8000x2x80xi32, #tpu.memory_space<hbm>> -> memref<1x2x80xi32, #tpu.memory_space<hbm>>
      %dma_wait3A_890 = tpu.memref_squeeze %dma_wait3A_889 : memref<1x2x80xi32, #tpu.memory_space<hbm>> -> memref<2x80xi32, #tpu.memory_space<hbm>>
      tpu.wait_dma2 semaphore(%arg16 : memref<!tpu.dma_semaphore, #tpu.memory_space<semaphore_mem>>) src(%dma_wait3A_890 : memref<2x80xi32, #tpu.memory_space<hbm>>) dst(%arg8 : memref<2x80xi32, #tpu.memory_space<vmem>>)
      %dma_wait3A_891 = arith.constant 0 : i32
      %dma_wait3A_892 = arith.constant 0 : i32
      %dma_wait3A_893 = tpu.memref_slice %arg4[%dma_wait3A_891, %dma_wait3A_892] : memref<660000x128xf32, #tpu.memory_space<hbm>> -> memref<80x128xf32, #tpu.memory_space<hbm>>
      %dma_wait3A_894 = arith.constant 0 : i32
      %dma_wait3A_895 = arith.constant 0 : i32
      %dma_wait3A_896 = tpu.memref_slice %arg4[%dma_wait3A_894, %dma_wait3A_895] : memref<660000x128xf32, #tpu.memory_space<hbm>> -> memref<80x128xf32, #tpu.memory_space<hbm>>
      tpu.wait_dma2 semaphore(%arg28 : memref<!tpu.dma_semaphore, #tpu.memory_space<semaphore_mem>>) src(%arg12 : memref<80x128xf32, #tpu.memory_space<vmem>>) dst(%dma_wait3A_896 : memref<80x128xf32, #tpu.memory_space<hbm>>)
      %dma_start3A_897 = arith.constant 0 : i32
      %dma_start3A_898 = arith.constant 0 : i32
      %dma_start3A_899 = tpu.memref_slice %arg8[%dma_start3A_897, %dma_start3A_898] : memref<2x80xi32, #tpu.memory_space<vmem>> -> memref<1x80xi32, #tpu.memory_space<vmem>>
      %dma_start3A_900 = tpu.memref_squeeze %dma_start3A_899 : memref<1x80xi32, #tpu.memory_space<vmem>> -> memref<80xi32, #tpu.memory_space<vmem>>
      %dma_start3A_901 = arith.constant 0 : i32
      %dma_start3A_902 = arith.constant 0 : i32
      %dma_start3A_903 = tpu.memref_slice %arg2[%dma_start3A_901, %dma_start3A_902] : memref<20000x128xf32, #tpu.memory_space<hbm>> -> memref<20000x128xf32, #tpu.memory_space<hbm>>
      tpu.enqueue_indirect_dma source(%dma_start3A_903 : memref<20000x128xf32, #tpu.memory_space<hbm>>) target(%arg12 : memref<80x128xf32, #tpu.memory_space<vmem>>) offsets(%dma_start3A_900 : memref<80xi32, #tpu.memory_space<vmem>>) semaphore(%arg20 : memref<!tpu.dma_semaphore, #tpu.memory_space<semaphore_mem>>)
      %add3A_904 = arith.constant 3 : i32
      %add3A_905 = arith.addi %add3A_860, %add3A_904 : i32
      %ge3A_906 = arith.constant 125 : i32
      %ge3A_907 = arith.cmpi sge, %add3A_905, %ge3A_906 : i32
      %convert_element_type3A_908 = arith.extui %ge3A_907 : i1 to i32
      %mul3A_909 = arith.constant 125 : i32
      %mul3A_910 = arith.muli %convert_element_type3A_908, %mul3A_909 : i32
      %sub3A_911 = arith.subi %add3A_905, %mul3A_910 : i32
      %mul3A_912 = arith.constant 4000 : i32
      %mul3A_913 = arith.muli %convert_element_type3A_908, %mul3A_912 : i32
      %mul3A_914 = arith.constant 125 : i32
      %mul3A_915 = arith.muli %add3A, %mul3A_914 : i32
      %add3A_916 = arith.addi %mul3A_913, %mul3A_915 : i32
      %add3A_917 = arith.addi %add3A_916, %sub3A_911 : i32
      %dma_start3A_918 = arith.constant 0 : i32
      %dma_start3A_919 = arith.constant 0 : i32
      %dma_start3A_920 = tpu.memref_slice %arg3[%add3A_917, %dma_start3A_918, %dma_start3A_919] : memref<8000x2x80xi32, #tpu.memory_space<hbm>> -> memref<1x2x80xi32, #tpu.memory_space<hbm>>
      %dma_start3A_921 = tpu.memref_squeeze %dma_start3A_920 : memref<1x2x80xi32, #tpu.memory_space<hbm>> -> memref<2x80xi32, #tpu.memory_space<hbm>>
      %dma_start3A_922 = arith.constant 0 : i32
      %dma_start3A_923 = arith.constant 0 : i32
      %dma_start3A_924 = tpu.memref_slice %arg3[%add3A_917, %dma_start3A_922, %dma_start3A_923] : memref<8000x2x80xi32, #tpu.memory_space<hbm>> -> memref<1x2x80xi32, #tpu.memory_space<hbm>>
      %dma_start3A_925 = tpu.memref_squeeze %dma_start3A_924 : memref<1x2x80xi32, #tpu.memory_space<hbm>> -> memref<2x80xi32, #tpu.memory_space<hbm>>
      tpu.enqueue_dma source(%dma_start3A_925 : memref<2x80xi32, #tpu.memory_space<hbm>>) target(%arg5 : memref<2x80xi32, #tpu.memory_space<vmem>>) target_semaphore(%arg13 : memref<!tpu.dma_semaphore, #tpu.memory_space<semaphore_mem>>)
      %scan3A_926 = arith.constant 0 : i32
      %scan3A_927 = arith.constant 0 : i32
      %scan3A_928 = arith.constant 80 : i32
      %scan3A_929 = arith.addi %scan3A_927, %scan3A_928 : i32
      %scan3A_930 = arith.constant 1 : i32
      %scan3A_931 = scf.for %scan3A_1142 = %scan3A_927 to %scan3A_929 step %scan3A_930 iter_args(%scan3A_1143 = %scan3A_926) -> (i32)  : i32 {
        %get3A = arith.index_cast %scan3A_1142 : i32 to index
        %get3A_1144 = arith.constant 0 : index
        %get3A_1145 = tpu.vector_load %arg10[%get3A, %get3A_1144] {strides = array<i32>} : memref<80x128xf32, #tpu.memory_space<vmem>>, vector<1x16xf32>,
        %get3A_1146 = vector.shape_cast %get3A_1145 : vector<1x16xf32> to vector<16xf32>
        %mul3A_1147 = arith.constant 5.000000e-01 : f32
        %mul3A_1148 = vector.broadcast %mul3A_1147 : f32 to vector<16xf32>
        %mul3A_1149 = arith.mulf %get3A_1146, %mul3A_1148 : vector<16xf32>
        %swap3A = arith.index_cast %scan3A_1142 : i32 to index
        %swap3A_1150 = arith.constant 0 : index
        %swap3A_1151 = tpu.vector_load %arg10[%swap3A, %swap3A_1150] {strides = array<i32>} : memref<80x128xf32, #tpu.memory_space<vmem>>, vector<1x16xf32>,
        %swap3A_1152 = vector.shape_cast %swap3A_1151 : vector<1x16xf32> to vector<16xf32>
        %swap3A_1153 = vector.shape_cast %mul3A_1149 : vector<16xf32> to vector<1x16xf32>
        tpu.vector_store %arg10[%swap3A, %swap3A_1150], %swap3A_1153 {strides = array<i32>} : memref<80x128xf32, #tpu.memory_space<vmem>>, vector<1x16xf32>,
        %get3A_1154 = arith.index_cast %scan3A_1142 : i32 to index
        %get3A_1155 = arith.constant 16 : index
        %get3A_1156 = tpu.vector_load %arg10[%get3A_1154, %get3A_1155] {strides = array<i32>} : memref<80x128xf32, #tpu.memory_space<vmem>>, vector<1x16xf32>,
        %get3A_1157 = vector.shape_cast %get3A_1156 : vector<1x16xf32> to vector<16xf32>
        %mul3A_1158 = arith.constant 5.000000e-01 : f32
        %mul3A_1159 = vector.broadcast %mul3A_1158 : f32 to vector<16xf32>
        %mul3A_1160 = arith.mulf %get3A_1157, %mul3A_1159 : vector<16xf32>
        %swap3A_1161 = arith.index_cast %scan3A_1142 : i32 to index
        %swap3A_1162 = arith.constant 16 : index
        %swap3A_1163 = tpu.vector_load %arg10[%swap3A_1161, %swap3A_1162] {strides = array<i32>} : memref<80x128xf32, #tpu.memory_space<vmem>>, vector<1x16xf32>,
        %swap3A_1164 = vector.shape_cast %swap3A_1163 : vector<1x16xf32> to vector<16xf32>
        %swap3A_1165 = vector.shape_cast %mul3A_1160 : vector<16xf32> to vector<1x16xf32>
        tpu.vector_store %arg10[%swap3A_1161, %swap3A_1162], %swap3A_1165 {strides = array<i32>} : memref<80x128xf32, #tpu.memory_space<vmem>>, vector<1x16xf32>,
        %get3A_1166 = arith.index_cast %scan3A_1142 : i32 to index
        %get3A_1167 = arith.constant 32 : index
        %get3A_1168 = tpu.vector_load %arg10[%get3A_1166, %get3A_1167] {strides = array<i32>} : memref<80x128xf32, #tpu.memory_space<vmem>>, vector<1x16xf32>,
        %get3A_1169 = vector.shape_cast %get3A_1168 : vector<1x16xf32> to vector<16xf32>
        %mul3A_1170 = arith.constant 5.000000e-01 : f32
        %mul3A_1171 = vector.broadcast %mul3A_1170 : f32 to vector<16xf32>
        %mul3A_1172 = arith.mulf %get3A_1169, %mul3A_1171 : vector<16xf32>
        %swap3A_1173 = arith.index_cast %scan3A_1142 : i32 to index
        %swap3A_1174 = arith.constant 32 : index
        %swap3A_1175 = tpu.vector_load %arg10[%swap3A_1173, %swap3A_1174] {strides = array<i32>} : memref<80x128xf32, #tpu.memory_space<vmem>>, vector<1x16xf32>,
        %swap3A_1176 = vector.shape_cast %swap3A_1175 : vector<1x16xf32> to vector<16xf32>
        %swap3A_1177 = vector.shape_cast %mul3A_1172 : vector<16xf32> to vector<1x16xf32>
        tpu.vector_store %arg10[%swap3A_1173, %swap3A_1174], %swap3A_1177 {strides = array<i32>} : memref<80x128xf32, #tpu.memory_space<vmem>>, vector<1x16xf32>,
        %get3A_1178 = arith.index_cast %scan3A_1142 : i32 to index
        %get3A_1179 = arith.constant 48 : index
        %get3A_1180 = tpu.vector_load %arg10[%get3A_1178, %get3A_1179] {strides = array<i32>} : memref<80x128xf32, #tpu.memory_space<vmem>>, vector<1x16xf32>,
        %get3A_1181 = vector.shape_cast %get3A_1180 : vector<1x16xf32> to vector<16xf32>
        %mul3A_1182 = arith.constant 5.000000e-01 : f32
        %mul3A_1183 = vector.broadcast %mul3A_1182 : f32 to vector<16xf32>
        %mul3A_1184 = arith.mulf %get3A_1181, %mul3A_1183 : vector<16xf32>
        %swap3A_1185 = arith.index_cast %scan3A_1142 : i32 to index
        %swap3A_1186 = arith.constant 48 : index
        %swap3A_1187 = tpu.vector_load %arg10[%swap3A_1185, %swap3A_1186] {strides = array<i32>} : memref<80x128xf32, #tpu.memory_space<vmem>>, vector<1x16xf32>,
        %swap3A_1188 = vector.shape_cast %swap3A_1187 : vector<1x16xf32> to vector<16xf32>
        %swap3A_1189 = vector.shape_cast %mul3A_1184 : vector<16xf32> to vector<1x16xf32>
        tpu.vector_store %arg10[%swap3A_1185, %swap3A_1186], %swap3A_1189 {strides = array<i32>} : memref<80x128xf32, #tpu.memory_space<vmem>>, vector<1x16xf32>,
        %get3A_1190 = arith.index_cast %scan3A_1142 : i32 to index
        %get3A_1191 = arith.constant 64 : index
        %get3A_1192 = tpu.vector_load %arg10[%get3A_1190, %get3A_1191] {strides = array<i32>} : memref<80x128xf32, #tpu.memory_space<vmem>>, vector<1x16xf32>,
        %get3A_1193 = vector.shape_cast %get3A_1192 : vector<1x16xf32> to vector<16xf32>
        %mul3A_1194 = arith.constant 5.000000e-01 : f32
        %mul3A_1195 = vector.broadcast %mul3A_1194 : f32 to vector<16xf32>
        %mul3A_1196 = arith.mulf %get3A_1193, %mul3A_1195 : vector<16xf32>
        %swap3A_1197 = arith.index_cast %scan3A_1142 : i32 to index
        %swap3A_1198 = arith.constant 64 : index
        %swap3A_1199 = tpu.vector_load %arg10[%swap3A_1197, %swap3A_1198] {strides = array<i32>} : memref<80x128xf32, #tpu.memory_space<vmem>>, vector<1x16xf32>,
        %swap3A_1200 = vector.shape_cast %swap3A_1199 : vector<1x16xf32> to vector<16xf32>
        %swap3A_1201 = vector.shape_cast %mul3A_1196 : vector<16xf32> to vector<1x16xf32>
        tpu.vector_store %arg10[%swap3A_1197, %swap3A_1198], %swap3A_1201 {strides = array<i32>} : memref<80x128xf32, #tpu.memory_space<vmem>>, vector<1x16xf32>,
        %get3A_1202 = arith.index_cast %scan3A_1142 : i32 to index
        %get3A_1203 = arith.constant 80 : index
        %get3A_1204 = tpu.vector_load %arg10[%get3A_1202, %get3A_1203] {strides = array<i32>} : memref<80x128xf32, #tpu.memory_space<vmem>>, vector<1x16xf32>,
        %get3A_1205 = vector.shape_cast %get3A_1204 : vector<1x16xf32> to vector<16xf32>
        %mul3A_1206 = arith.constant 5.000000e-01 : f32
        %mul3A_1207 = vector.broadcast %mul3A_1206 : f32 to vector<16xf32>
        %mul3A_1208 = arith.mulf %get3A_1205, %mul3A_1207 : vector<16xf32>
        %swap3A_1209 = arith.index_cast %scan3A_1142 : i32 to index
        %swap3A_1210 = arith.constant 80 : index
        %swap3A_1211 = tpu.vector_load %arg10[%swap3A_1209, %swap3A_1210] {strides = array<i32>} : memref<80x128xf32, #tpu.memory_space<vmem>>, vector<1x16xf32>,
        %swap3A_1212 = vector.shape_cast %swap3A_1211 : vector<1x16xf32> to vector<16xf32>
        %swap3A_1213 = vector.shape_cast %mul3A_1208 : vector<16xf32> to vector<1x16xf32>
        tpu.vector_store %arg10[%swap3A_1209, %swap3A_1210], %swap3A_1213 {strides = array<i32>} : memref<80x128xf32, #tpu.memory_space<vmem>>, vector<1x16xf32>,
        %get3A_1214 = arith.index_cast %scan3A_1142 : i32 to index
        %get3A_1215 = arith.constant 96 : index
        %get3A_1216 = tpu.vector_load %arg10[%get3A_1214, %get3A_1215] {strides = array<i32>} : memref<80x128xf32, #tpu.memory_space<vmem>>, vector<1x16xf32>,
        %get3A_1217 = vector.shape_cast %get3A_1216 : vector<1x16xf32> to vector<16xf32>
        %mul3A_1218 = arith.constant 5.000000e-01 : f32
        %mul3A_1219 = vector.broadcast %mul3A_1218 : f32 to vector<16xf32>
        %mul3A_1220 = arith.mulf %get3A_1217, %mul3A_1219 : vector<16xf32>
        %swap3A_1221 = arith.index_cast %scan3A_1142 : i32 to index
        %swap3A_1222 = arith.constant 96 : index
        %swap3A_1223 = tpu.vector_load %arg10[%swap3A_1221, %swap3A_1222] {strides = array<i32>} : memref<80x128xf32, #tpu.memory_space<vmem>>, vector<1x16xf32>,
        %swap3A_1224 = vector.shape_cast %swap3A_1223 : vector<1x16xf32> to vector<16xf32>
        %swap3A_1225 = vector.shape_cast %mul3A_1220 : vector<16xf32> to vector<1x16xf32>
        tpu.vector_store %arg10[%swap3A_1221, %swap3A_1222], %swap3A_1225 {strides = array<i32>} : memref<80x128xf32, #tpu.memory_space<vmem>>, vector<1x16xf32>,
        %get3A_1226 = arith.index_cast %scan3A_1142 : i32 to index
        %get3A_1227 = arith.constant 112 : index
        %get3A_1228 = tpu.vector_load %arg10[%get3A_1226, %get3A_1227] {strides = array<i32>} : memref<80x128xf32, #tpu.memory_space<vmem>>, vector<1x16xf32>,
        %get3A_1229 = vector.shape_cast %get3A_1228 : vector<1x16xf32> to vector<16xf32>
        %mul3A_1230 = arith.constant 5.000000e-01 : f32
        %mul3A_1231 = vector.broadcast %mul3A_1230 : f32 to vector<16xf32>
        %mul3A_1232 = arith.mulf %get3A_1229, %mul3A_1231 : vector<16xf32>
        %swap3A_1233 = arith.index_cast %scan3A_1142 : i32 to index
        %swap3A_1234 = arith.constant 112 : index
        %swap3A_1235 = tpu.vector_load %arg10[%swap3A_1233, %swap3A_1234] {strides = array<i32>} : memref<80x128xf32, #tpu.memory_space<vmem>>, vector<1x16xf32>,
        %swap3A_1236 = vector.shape_cast %swap3A_1235 : vector<1x16xf32> to vector<16xf32>
        %swap3A_1237 = vector.shape_cast %mul3A_1232 : vector<16xf32> to vector<1x16xf32>
        tpu.vector_store %arg10[%swap3A_1233, %swap3A_1234], %swap3A_1237 {strides = array<i32>} : memref<80x128xf32, #tpu.memory_space<vmem>>, vector<1x16xf32>,
        %scan3A_1238 = arith.constant 0 : i32
        scf.yield %scan3A_1238 : i32
      }
      %scan3A_932 = arith.constant 80 : i32
      %ge3A_933 = arith.constant 125 : i32
      %ge3A_934 = arith.cmpi sge, %add3A_860, %ge3A_933 : i32
      %convert_element_type3A_935 = arith.extui %ge3A_934 : i1 to i32
      %mul3A_936 = arith.constant 125 : i32
      %mul3A_937 = arith.muli %convert_element_type3A_935, %mul3A_936 : i32
      %sub3A_938 = arith.subi %add3A_860, %mul3A_937 : i32
      %mul3A_939 = arith.constant 330000 : i32
      %mul3A_940 = arith.muli %convert_element_type3A_935, %mul3A_939 : i32
      %add3A_941 = arith.constant 10000 : i32
      %add3A_942 = arith.addi %mul3A_940, %add3A_941 : i32
      %mul3A_943 = arith.constant 10000 : i32
      %mul3A_944 = arith.muli %add3A, %mul3A_943 : i32
      %add3A_945 = arith.addi %add3A_942, %mul3A_944 : i32
      %mul3A_946 = arith.constant 80 : i32
      %mul3A_947 = arith.muli %sub3A_938, %mul3A_946 : i32
      %add3A_948 = arith.addi %add3A_945, %mul3A_947 : i32
      %dma_start3A_949 = arith.constant 0 : i32
      %dma_start3A_950 = tpu.memref_slice %arg4[%add3A_948, %dma_start3A_949] : memref<660000x128xf32, #tpu.memory_space<hbm>> -> memref<80x128xf32, #tpu.memory_space<hbm>>
      %dma_start3A_951 = arith.constant 0 : i32
      %dma_start3A_952 = tpu.memref_slice %arg4[%add3A_948, %dma_start3A_951] : memref<660000x128xf32, #tpu.memory_space<hbm>> -> memref<80x128xf32, #tpu.memory_space<hbm>>
      tpu.enqueue_dma source(%arg10 : memref<80x128xf32, #tpu.memory_space<vmem>>) target(%dma_start3A_952 : memref<80x128xf32, #tpu.memory_space<hbm>>) target_semaphore(%arg26 : memref<!tpu.dma_semaphore, #tpu.memory_space<semaphore_mem>>)
      %add3A_953 = arith.constant 2 : i32
      %add3A_954 = arith.addi %add3A_766, %add3A_953 : i32
      %dma_wait3A_955 = arith.constant 0 : i32
      %dma_wait3A_956 = arith.constant 0 : i32
      %dma_wait3A_957 = tpu.memref_slice %arg8[%dma_wait3A_955, %dma_wait3A_956] : memref<2x80xi32, #tpu.memory_space<vmem>> -> memref<1x80xi32, #tpu.memory_space<vmem>>
      %dma_wait3A_958 = tpu.memref_squeeze %dma_wait3A_957 : memref<1x80xi32, #tpu.memory_space<vmem>> -> memref<80xi32, #tpu.memory_space<vmem>>
      %dma_wait3A_959 = arith.constant 0 : i32
      %dma_wait3A_960 = arith.constant 0 : i32
      %dma_wait3A_961 = tpu.memref_slice %arg2[%dma_wait3A_959, %dma_wait3A_960] : memref<20000x128xf32, #tpu.memory_space<hbm>> -> memref<20000x128xf32, #tpu.memory_space<hbm>>
      tpu.wait_indirect_dma semaphore(%arg20 : memref<!tpu.dma_semaphore, #tpu.memory_space<semaphore_mem>>) src(%dma_wait3A_961 : memref<20000x128xf32, #tpu.memory_space<hbm>>) dst(%arg12 : memref<80x128xf32, #tpu.memory_space<vmem>>)
      %dma_start3A_962 = arith.constant 1 : i32
      %dma_start3A_963 = arith.constant 0 : i32
      %dma_start3A_964 = tpu.memref_slice %arg8[%dma_start3A_962, %dma_start3A_963] : memref<2x80xi32, #tpu.memory_space<vmem>> -> memref<1x80xi32, #tpu.memory_space<vmem>>
      %dma_start3A_965 = tpu.memref_squeeze %dma_start3A_964 : memref<1x80xi32, #tpu.memory_space<vmem>> -> memref<80xi32, #tpu.memory_space<vmem>>
      %dma_start3A_966 = arith.constant 0 : i32
      %dma_start3A_967 = arith.constant 0 : i32
      %dma_start3A_968 = tpu.memref_slice %arg2[%dma_start3A_966, %dma_start3A_967] : memref<20000x128xf32, #tpu.memory_space<hbm>> -> memref<20000x128xf32, #tpu.memory_space<hbm>>
      tpu.enqueue_indirect_dma source(%dma_start3A_968 : memref<20000x128xf32, #tpu.memory_space<hbm>>) target(%arg12 : memref<80x128xf32, #tpu.memory_space<vmem>>) offsets(%dma_start3A_965 : memref<80xi32, #tpu.memory_space<vmem>>) semaphore(%arg24 : memref<!tpu.dma_semaphore, #tpu.memory_space<semaphore_mem>>) {add = true}
      %dma_wait3A_969 = arith.constant 1 : i32
      %dma_wait3A_970 = arith.constant 0 : i32
      %dma_wait3A_971 = tpu.memref_slice %arg7[%dma_wait3A_969, %dma_wait3A_970] : memref<2x80xi32, #tpu.memory_space<vmem>> -> memref<1x80xi32, #tpu.memory_space<vmem>>
      %dma_wait3A_972 = tpu.memref_squeeze %dma_wait3A_971 : memref<1x80xi32, #tpu.memory_space<vmem>> -> memref<80xi32, #tpu.memory_space<vmem>>
      %dma_wait3A_973 = arith.constant 0 : i32
      %dma_wait3A_974 = arith.constant 0 : i32
      %dma_wait3A_975 = tpu.memref_slice %arg2[%dma_wait3A_973, %dma_wait3A_974] : memref<20000x128xf32, #tpu.memory_space<hbm>> -> memref<20000x128xf32, #tpu.memory_space<hbm>>
      tpu.wait_indirect_dma semaphore(%arg23 : memref<!tpu.dma_semaphore, #tpu.memory_space<semaphore_mem>>) src(%dma_wait3A_975 : memref<20000x128xf32, #tpu.memory_space<hbm>>) dst(%arg11 : memref<80x128xf32, #tpu.memory_space<vmem>>)
      %dma_wait3A_976 = arith.constant 0 : i32
      %dma_wait3A_977 = arith.constant 0 : i32
      %dma_wait3A_978 = arith.constant 0 : i32
      %dma_wait3A_979 = tpu.memref_slice %arg3[%dma_wait3A_976, %dma_wait3A_977, %dma_wait3A_978] : memref<8000x2x80xi32, #tpu.memory_space<hbm>> -> memref<1x2x80xi32, #tpu.memory_space<hbm>>
      %dma_wait3A_980 = tpu.memref_squeeze %dma_wait3A_979 : memref<1x2x80xi32, #tpu.memory_space<hbm>> -> memref<2x80xi32, #tpu.memory_space<hbm>>
      %dma_wait3A_981 = arith.constant 0 : i32
      %dma_wait3A_982 = arith.constant 0 : i32
      %dma_wait3A_983 = tpu.memref_slice %arg3[%dma_wait3A_976, %dma_wait3A_981, %dma_wait3A_982] : memref<8000x2x80xi32, #tpu.memory_space<hbm>> -> memref<1x2x80xi32, #tpu.memory_space<hbm>>
      %dma_wait3A_984 = tpu.memref_squeeze %dma_wait3A_983 : memref<1x2x80xi32, #tpu.memory_space<hbm>> -> memref<2x80xi32, #tpu.memory_space<hbm>>
      tpu.wait_dma2 semaphore(%arg13 : memref<!tpu.dma_semaphore, #tpu.memory_space<semaphore_mem>>) src(%dma_wait3A_984 : memref<2x80xi32, #tpu.memory_space<hbm>>) dst(%arg5 : memref<2x80xi32, #tpu.memory_space<vmem>>)
      %dma_wait3A_985 = arith.constant 0 : i32
      %dma_wait3A_986 = arith.constant 0 : i32
      %dma_wait3A_987 = tpu.memref_slice %arg4[%dma_wait3A_985, %dma_wait3A_986] : memref<660000x128xf32, #tpu.memory_space<hbm>> -> memref<80x128xf32, #tpu.memory_space<hbm>>
      %dma_wait3A_988 = arith.constant 0 : i32
      %dma_wait3A_989 = arith.constant 0 : i32
      %dma_wait3A_990 = tpu.memref_slice %arg4[%dma_wait3A_988, %dma_wait3A_989] : memref<660000x128xf32, #tpu.memory_space<hbm>> -> memref<80x128xf32, #tpu.memory_space<hbm>>
      tpu.wait_dma2 semaphore(%arg25 : memref<!tpu.dma_semaphore, #tpu.memory_space<semaphore_mem>>) src(%arg9 : memref<80x128xf32, #tpu.memory_space<vmem>>) dst(%dma_wait3A_990 : memref<80x128xf32, #tpu.memory_space<hbm>>)
      %dma_start3A_991 = arith.constant 0 : i32
      %dma_start3A_992 = arith.constant 0 : i32
      %dma_start3A_993 = tpu.memref_slice %arg5[%dma_start3A_991, %dma_start3A_992] : memref<2x80xi32, #tpu.memory_space<vmem>> -> memref<1x80xi32, #tpu.memory_space<vmem>>
      %dma_start3A_994 = tpu.memref_squeeze %dma_start3A_993 : memref<1x80xi32, #tpu.memory_space<vmem>> -> memref<80xi32, #tpu.memory_space<vmem>>
      %dma_start3A_995 = arith.constant 0 : i32
      %dma_start3A_996 = arith.constant 0 : i32
      %dma_start3A_997 = tpu.memref_slice %arg2[%dma_start3A_995, %dma_start3A_996] : memref<20000x128xf32, #tpu.memory_space<hbm>> -> memref<20000x128xf32, #tpu.memory_space<hbm>>
      tpu.enqueue_indirect_dma source(%dma_start3A_997 : memref<20000x128xf32, #tpu.memory_space<hbm>>) target(%arg9 : memref<80x128xf32, #tpu.memory_space<vmem>>) offsets(%dma_start3A_994 : memref<80xi32, #tpu.memory_space<vmem>>) semaphore(%arg17 : memref<!tpu.dma_semaphore, #tpu.memory_space<semaphore_mem>>)
      %add3A_998 = arith.constant 3 : i32
      %add3A_999 = arith.addi %add3A_954, %add3A_998 : i32
      %ge3A_1000 = arith.constant 125 : i32
      %ge3A_1001 = arith.cmpi sge, %add3A_999, %ge3A_1000 : i32
      %convert_element_type3A_1002 = arith.extui %ge3A_1001 : i1 to i32
      %mul3A_1003 = arith.constant 125 : i32
      %mul3A_1004 = arith.muli %convert_element_type3A_1002, %mul3A_1003 : i32
      %sub3A_1005 = arith.subi %add3A_999, %mul3A_1004 : i32
      %mul3A_1006 = arith.constant 4000 : i32
      %mul3A_1007 = arith.muli %convert_element_type3A_1002, %mul3A_1006 : i32
      %mul3A_1008 = arith.constant 125 : i32
      %mul3A_1009 = arith.muli %add3A, %mul3A_1008 : i32
      %add3A_1010 = arith.addi %mul3A_1007, %mul3A_1009 : i32
      %add3A_1011 = arith.addi %add3A_1010, %sub3A_1005 : i32
      %dma_start3A_1012 = arith.constant 0 : i32
      %dma_start3A_1013 = arith.constant 0 : i32
      %dma_start3A_1014 = tpu.memref_slice %arg3[%add3A_1011, %dma_start3A_1012, %dma_start3A_1013] : memref<8000x2x80xi32, #tpu.memory_space<hbm>> -> memref<1x2x80xi32, #tpu.memory_space<hbm>>
      %dma_start3A_1015 = tpu.memref_squeeze %dma_start3A_1014 : memref<1x2x80xi32, #tpu.memory_space<hbm>> -> memref<2x80xi32, #tpu.memory_space<hbm>>
      %dma_start3A_1016 = arith.constant 0 : i32
      %dma_start3A_1017 = arith.constant 0 : i32
      %dma_start3A_1018 = tpu.memref_slice %arg3[%add3A_1011, %dma_start3A_1016, %dma_start3A_1017] : memref<8000x2x80xi32, #tpu.memory_space<hbm>> -> memref<1x2x80xi32, #tpu.memory_space<hbm>>
      %dma_start3A_1019 = tpu.memref_squeeze %dma_start3A_1018 : memref<1x2x80xi32, #tpu.memory_space<hbm>> -> memref<2x80xi32, #tpu.memory_space<hbm>>
      tpu.enqueue_dma source(%dma_start3A_1019 : memref<2x80xi32, #tpu.memory_space<hbm>>) target(%arg6 : memref<2x80xi32, #tpu.memory_space<vmem>>) target_semaphore(%arg14 : memref<!tpu.dma_semaphore, #tpu.memory_space<semaphore_mem>>)
      %scan3A_1020 = arith.constant 0 : i32
      %scan3A_1021 = arith.constant 0 : i32
      %scan3A_1022 = arith.constant 80 : i32
      %scan3A_1023 = arith.addi %scan3A_1021, %scan3A_1022 : i32
      %scan3A_1024 = arith.constant 1 : i32
      %scan3A_1025 = scf.for %scan3A_1142 = %scan3A_1021 to %scan3A_1023 step %scan3A_1024 iter_args(%scan3A_1143 = %scan3A_1020) -> (i32)  : i32 {
        %get3A = arith.index_cast %scan3A_1142 : i32 to index
        %get3A_1144 = arith.constant 0 : index
        %get3A_1145 = tpu.vector_load %arg11[%get3A, %get3A_1144] {strides = array<i32>} : memref<80x128xf32, #tpu.memory_space<vmem>>, vector<1x16xf32>,
        %get3A_1146 = vector.shape_cast %get3A_1145 : vector<1x16xf32> to vector<16xf32>
        %mul3A_1147 = arith.constant 5.000000e-01 : f32
        %mul3A_1148 = vector.broadcast %mul3A_1147 : f32 to vector<16xf32>
        %mul3A_1149 = arith.mulf %get3A_1146, %mul3A_1148 : vector<16xf32>
        %swap3A = arith.index_cast %scan3A_1142 : i32 to index
        %swap3A_1150 = arith.constant 0 : index
        %swap3A_1151 = tpu.vector_load %arg11[%swap3A, %swap3A_1150] {strides = array<i32>} : memref<80x128xf32, #tpu.memory_space<vmem>>, vector<1x16xf32>,
        %swap3A_1152 = vector.shape_cast %swap3A_1151 : vector<1x16xf32> to vector<16xf32>
        %swap3A_1153 = vector.shape_cast %mul3A_1149 : vector<16xf32> to vector<1x16xf32>
        tpu.vector_store %arg11[%swap3A, %swap3A_1150], %swap3A_1153 {strides = array<i32>} : memref<80x128xf32, #tpu.memory_space<vmem>>, vector<1x16xf32>,
        %get3A_1154 = arith.index_cast %scan3A_1142 : i32 to index
        %get3A_1155 = arith.constant 16 : index
        %get3A_1156 = tpu.vector_load %arg11[%get3A_1154, %get3A_1155] {strides = array<i32>} : memref<80x128xf32, #tpu.memory_space<vmem>>, vector<1x16xf32>,
        %get3A_1157 = vector.shape_cast %get3A_1156 : vector<1x16xf32> to vector<16xf32>
        %mul3A_1158 = arith.constant 5.000000e-01 : f32
        %mul3A_1159 = vector.broadcast %mul3A_1158 : f32 to vector<16xf32>
        %mul3A_1160 = arith.mulf %get3A_1157, %mul3A_1159 : vector<16xf32>
        %swap3A_1161 = arith.index_cast %scan3A_1142 : i32 to index
        %swap3A_1162 = arith.constant 16 : index
        %swap3A_1163 = tpu.vector_load %arg11[%swap3A_1161, %swap3A_1162] {strides = array<i32>} : memref<80x128xf32, #tpu.memory_space<vmem>>, vector<1x16xf32>,
        %swap3A_1164 = vector.shape_cast %swap3A_1163 : vector<1x16xf32> to vector<16xf32>
        %swap3A_1165 = vector.shape_cast %mul3A_1160 : vector<16xf32> to vector<1x16xf32>
        tpu.vector_store %arg11[%swap3A_1161, %swap3A_1162], %swap3A_1165 {strides = array<i32>} : memref<80x128xf32, #tpu.memory_space<vmem>>, vector<1x16xf32>,
        %get3A_1166 = arith.index_cast %scan3A_1142 : i32 to index
        %get3A_1167 = arith.constant 32 : index
        %get3A_1168 = tpu.vector_load %arg11[%get3A_1166, %get3A_1167] {strides = array<i32>} : memref<80x128xf32, #tpu.memory_space<vmem>>, vector<1x16xf32>,
        %get3A_1169 = vector.shape_cast %get3A_1168 : vector<1x16xf32> to vector<16xf32>
        %mul3A_1170 = arith.constant 5.000000e-01 : f32
        %mul3A_1171 = vector.broadcast %mul3A_1170 : f32 to vector<16xf32>
        %mul3A_1172 = arith.mulf %get3A_1169, %mul3A_1171 : vector<16xf32>
        %swap3A_1173 = arith.index_cast %scan3A_1142 : i32 to index
        %swap3A_1174 = arith.constant 32 : index
        %swap3A_1175 = tpu.vector_load %arg11[%swap3A_1173, %swap3A_1174] {strides = array<i32>} : memref<80x128xf32, #tpu.memory_space<vmem>>, vector<1x16xf32>,
        %swap3A_1176 = vector.shape_cast %swap3A_1175 : vector<1x16xf32> to vector<16xf32>
        %swap3A_1177 = vector.shape_cast %mul3A_1172 : vector<16xf32> to vector<1x16xf32>
        tpu.vector_store %arg11[%swap3A_1173, %swap3A_1174], %swap3A_1177 {strides = array<i32>} : memref<80x128xf32, #tpu.memory_space<vmem>>, vector<1x16xf32>,
        %get3A_1178 = arith.index_cast %scan3A_1142 : i32 to index
        %get3A_1179 = arith.constant 48 : index
        %get3A_1180 = tpu.vector_load %arg11[%get3A_1178, %get3A_1179] {strides = array<i32>} : memref<80x128xf32, #tpu.memory_space<vmem>>, vector<1x16xf32>,
        %get3A_1181 = vector.shape_cast %get3A_1180 : vector<1x16xf32> to vector<16xf32>
        %mul3A_1182 = arith.constant 5.000000e-01 : f32
        %mul3A_1183 = vector.broadcast %mul3A_1182 : f32 to vector<16xf32>
        %mul3A_1184 = arith.mulf %get3A_1181, %mul3A_1183 : vector<16xf32>
        %swap3A_1185 = arith.index_cast %scan3A_1142 : i32 to index
        %swap3A_1186 = arith.constant 48 : index
        %swap3A_1187 = tpu.vector_load %arg11[%swap3A_1185, %swap3A_1186] {strides = array<i32>} : memref<80x128xf32, #tpu.memory_space<vmem>>, vector<1x16xf32>,
        %swap3A_1188 = vector.shape_cast %swap3A_1187 : vector<1x16xf32> to vector<16xf32>
        %swap3A_1189 = vector.shape_cast %mul3A_1184 : vector<16xf32> to vector<1x16xf32>
        tpu.vector_store %arg11[%swap3A_1185, %swap3A_1186], %swap3A_1189 {strides = array<i32>} : memref<80x128xf32, #tpu.memory_space<vmem>>, vector<1x16xf32>,
        %get3A_1190 = arith.index_cast %scan3A_1142 : i32 to index
        %get3A_1191 = arith.constant 64 : index
        %get3A_1192 = tpu.vector_load %arg11[%get3A_1190, %get3A_1191] {strides = array<i32>} : memref<80x128xf32, #tpu.memory_space<vmem>>, vector<1x16xf32>,
        %get3A_1193 = vector.shape_cast %get3A_1192 : vector<1x16xf32> to vector<16xf32>
        %mul3A_1194 = arith.constant 5.000000e-01 : f32
        %mul3A_1195 = vector.broadcast %mul3A_1194 : f32 to vector<16xf32>
        %mul3A_1196 = arith.mulf %get3A_1193, %mul3A_1195 : vector<16xf32>
        %swap3A_1197 = arith.index_cast %scan3A_1142 : i32 to index
        %swap3A_1198 = arith.constant 64 : index
        %swap3A_1199 = tpu.vector_load %arg11[%swap3A_1197, %swap3A_1198] {strides = array<i32>} : memref<80x128xf32, #tpu.memory_space<vmem>>, vector<1x16xf32>,
        %swap3A_1200 = vector.shape_cast %swap3A_1199 : vector<1x16xf32> to vector<16xf32>
        %swap3A_1201 = vector.shape_cast %mul3A_1196 : vector<16xf32> to vector<1x16xf32>
        tpu.vector_store %arg11[%swap3A_1197, %swap3A_1198], %swap3A_1201 {strides = array<i32>} : memref<80x128xf32, #tpu.memory_space<vmem>>, vector<1x16xf32>,
        %get3A_1202 = arith.index_cast %scan3A_1142 : i32 to index
        %get3A_1203 = arith.constant 80 : index
        %get3A_1204 = tpu.vector_load %arg11[%get3A_1202, %get3A_1203] {strides = array<i32>} : memref<80x128xf32, #tpu.memory_space<vmem>>, vector<1x16xf32>,
        %get3A_1205 = vector.shape_cast %get3A_1204 : vector<1x16xf32> to vector<16xf32>
        %mul3A_1206 = arith.constant 5.000000e-01 : f32
        %mul3A_1207 = vector.broadcast %mul3A_1206 : f32 to vector<16xf32>
        %mul3A_1208 = arith.mulf %get3A_1205, %mul3A_1207 : vector<16xf32>
        %swap3A_1209 = arith.index_cast %scan3A_1142 : i32 to index
        %swap3A_1210 = arith.constant 80 : index
        %swap3A_1211 = tpu.vector_load %arg11[%swap3A_1209, %swap3A_1210] {strides = array<i32>} : memref<80x128xf32, #tpu.memory_space<vmem>>, vector<1x16xf32>,
        %swap3A_1212 = vector.shape_cast %swap3A_1211 : vector<1x16xf32> to vector<16xf32>
        %swap3A_1213 = vector.shape_cast %mul3A_1208 : vector<16xf32> to vector<1x16xf32>
        tpu.vector_store %arg11[%swap3A_1209, %swap3A_1210], %swap3A_1213 {strides = array<i32>} : memref<80x128xf32, #tpu.memory_space<vmem>>, vector<1x16xf32>,
        %get3A_1214 = arith.index_cast %scan3A_1142 : i32 to index
        %get3A_1215 = arith.constant 96 : index
        %get3A_1216 = tpu.vector_load %arg11[%get3A_1214, %get3A_1215] {strides = array<i32>} : memref<80x128xf32, #tpu.memory_space<vmem>>, vector<1x16xf32>,
        %get3A_1217 = vector.shape_cast %get3A_1216 : vector<1x16xf32> to vector<16xf32>
        %mul3A_1218 = arith.constant 5.000000e-01 : f32
        %mul3A_1219 = vector.broadcast %mul3A_1218 : f32 to vector<16xf32>
        %mul3A_1220 = arith.mulf %get3A_1217, %mul3A_1219 : vector<16xf32>
        %swap3A_1221 = arith.index_cast %scan3A_1142 : i32 to index
        %swap3A_1222 = arith.constant 96 : index
        %swap3A_1223 = tpu.vector_load %arg11[%swap3A_1221, %swap3A_1222] {strides = array<i32>} : memref<80x128xf32, #tpu.memory_space<vmem>>, vector<1x16xf32>,
        %swap3A_1224 = vector.shape_cast %swap3A_1223 : vector<1x16xf32> to vector<16xf32>
        %swap3A_1225 = vector.shape_cast %mul3A_1220 : vector<16xf32> to vector<1x16xf32>
        tpu.vector_store %arg11[%swap3A_1221, %swap3A_1222], %swap3A_1225 {strides = array<i32>} : memref<80x128xf32, #tpu.memory_space<vmem>>, vector<1x16xf32>,
        %get3A_1226 = arith.index_cast %scan3A_1142 : i32 to index
        %get3A_1227 = arith.constant 112 : index
        %get3A_1228 = tpu.vector_load %arg11[%get3A_1226, %get3A_1227] {strides = array<i32>} : memref<80x128xf32, #tpu.memory_space<vmem>>, vector<1x16xf32>,
        %get3A_1229 = vector.shape_cast %get3A_1228 : vector<1x16xf32> to vector<16xf32>
        %mul3A_1230 = arith.constant 5.000000e-01 : f32
        %mul3A_1231 = vector.broadcast %mul3A_1230 : f32 to vector<16xf32>
        %mul3A_1232 = arith.mulf %get3A_1229, %mul3A_1231 : vector<16xf32>
        %swap3A_1233 = arith.index_cast %scan3A_1142 : i32 to index
        %swap3A_1234 = arith.constant 112 : index
        %swap3A_1235 = tpu.vector_load %arg11[%swap3A_1233, %swap3A_1234] {strides = array<i32>} : memref<80x128xf32, #tpu.memory_space<vmem>>, vector<1x16xf32>,
        %swap3A_1236 = vector.shape_cast %swap3A_1235 : vector<1x16xf32> to vector<16xf32>
        %swap3A_1237 = vector.shape_cast %mul3A_1232 : vector<16xf32> to vector<1x16xf32>
        tpu.vector_store %arg11[%swap3A_1233, %swap3A_1234], %swap3A_1237 {strides = array<i32>} : memref<80x128xf32, #tpu.memory_space<vmem>>, vector<1x16xf32>,
        %scan3A_1238 = arith.constant 0 : i32
        scf.yield %scan3A_1238 : i32
      }
      %scan3A_1026 = arith.constant 80 : i32
      %ge3A_1027 = arith.constant 125 : i32
      %ge3A_1028 = arith.cmpi sge, %add3A_954, %ge3A_1027 : i32
      %convert_element_type3A_1029 = arith.extui %ge3A_1028 : i1 to i32
      %mul3A_1030 = arith.constant 125 : i32
      %mul3A_1031 = arith.muli %convert_element_type3A_1029, %mul3A_1030 : i32
      %sub3A_1032 = arith.subi %add3A_954, %mul3A_1031 : i32
      %mul3A_1033 = arith.constant 330000 : i32
      %mul3A_1034 = arith.muli %convert_element_type3A_1029, %mul3A_1033 : i32
      %add3A_1035 = arith.constant 10000 : i32
      %add3A_1036 = arith.addi %mul3A_1034, %add3A_1035 : i32
      %mul3A_1037 = arith.constant 10000 : i32
      %mul3A_1038 = arith.muli %add3A, %mul3A_1037 : i32
      %add3A_1039 = arith.addi %add3A_1036, %mul3A_1038 : i32
      %mul3A_1040 = arith.constant 80 : i32
      %mul3A_1041 = arith.muli %sub3A_1032, %mul3A_1040 : i32
      %add3A_1042 = arith.addi %add3A_1039, %mul3A_1041 : i32
      %dma_start3A_1043 = arith.constant 0 : i32
      %dma_start3A_1044 = tpu.memref_slice %arg4[%add3A_1042, %dma_start3A_1043] : memref<660000x128xf32, #tpu.memory_space<hbm>> -> memref<80x128xf32, #tpu.memory_space<hbm>>
      %dma_start3A_1045 = arith.constant 0 : i32
      %dma_start3A_1046 = tpu.memref_slice %arg4[%add3A_1042, %dma_start3A_1045] : memref<660000x128xf32, #tpu.memory_space<hbm>> -> memref<80x128xf32, #tpu.memory_space<hbm>>
      tpu.enqueue_dma source(%arg11 : memref<80x128xf32, #tpu.memory_space<vmem>>) target(%dma_start3A_1046 : memref<80x128xf32, #tpu.memory_space<hbm>>) target_semaphore(%arg27 : memref<!tpu.dma_semaphore, #tpu.memory_space<semaphore_mem>>)
      %add3A_1047 = arith.constant 3 : i32
      %add3A_1048 = arith.addi %add3A_766, %add3A_1047 : i32
      %dma_wait3A_1049 = arith.constant 0 : i32
      %dma_wait3A_1050 = arith.constant 0 : i32
      %dma_wait3A_1051 = tpu.memref_slice %arg5[%dma_wait3A_1049, %dma_wait3A_1050] : memref<2x80xi32, #tpu.memory_space<vmem>> -> memref<1x80xi32, #tpu.memory_space<vmem>>
      %dma_wait3A_1052 = tpu.memref_squeeze %dma_wait3A_1051 : memref<1x80xi32, #tpu.memory_space<vmem>> -> memref<80xi32, #tpu.memory_space<vmem>>
      %dma_wait3A_1053 = arith.constant 0 : i32
      %dma_wait3A_1054 = arith.constant 0 : i32
      %dma_wait3A_1055 = tpu.memref_slice %arg2[%dma_wait3A_1053, %dma_wait3A_1054] : memref<20000x128xf32, #tpu.memory_space<hbm>> -> memref<20000x128xf32, #tpu.memory_space<hbm>>
      tpu.wait_indirect_dma semaphore(%arg17 : memref<!tpu.dma_semaphore, #tpu.memory_space<semaphore_mem>>) src(%dma_wait3A_1055 : memref<20000x128xf32, #tpu.memory_space<hbm>>) dst(%arg9 : memref<80x128xf32, #tpu.memory_space<vmem>>)
      %dma_start3A_1056 = arith.constant 1 : i32
      %dma_start3A_1057 = arith.constant 0 : i32
      %dma_start3A_1058 = tpu.memref_slice %arg5[%dma_start3A_1056, %dma_start3A_1057] : memref<2x80xi32, #tpu.memory_space<vmem>> -> memref<1x80xi32, #tpu.memory_space<vmem>>
      %dma_start3A_1059 = tpu.memref_squeeze %dma_start3A_1058 : memref<1x80xi32, #tpu.memory_space<vmem>> -> memref<80xi32, #tpu.memory_space<vmem>>
      %dma_start3A_1060 = arith.constant 0 : i32
      %dma_start3A_1061 = arith.constant 0 : i32
      %dma_start3A_1062 = tpu.memref_slice %arg2[%dma_start3A_1060, %dma_start3A_1061] : memref<20000x128xf32, #tpu.memory_space<hbm>> -> memref<20000x128xf32, #tpu.memory_space<hbm>>
      tpu.enqueue_indirect_dma source(%dma_start3A_1062 : memref<20000x128xf32, #tpu.memory_space<hbm>>) target(%arg9 : memref<80x128xf32, #tpu.memory_space<vmem>>) offsets(%dma_start3A_1059 : memref<80xi32, #tpu.memory_space<vmem>>) semaphore(%arg21 : memref<!tpu.dma_semaphore, #tpu.memory_space<semaphore_mem>>) {add = true}
      %dma_wait3A_1063 = arith.constant 1 : i32
      %dma_wait3A_1064 = arith.constant 0 : i32
      %dma_wait3A_1065 = tpu.memref_slice %arg8[%dma_wait3A_1063, %dma_wait3A_1064] : memref<2x80xi32, #tpu.memory_space<vmem>> -> memref<1x80xi32, #tpu.memory_space<vmem>>
      %dma_wait3A_1066 = tpu.memref_squeeze %dma_wait3A_1065 : memref<1x80xi32, #tpu.memory_space<vmem>> -> memref<80xi32, #tpu.memory_space<vmem>>
      %dma_wait3A_1067 = arith.constant 0 : i32
      %dma_wait3A_1068 = arith.constant 0 : i32
      %dma_wait3A_1069 = tpu.memref_slice %arg2[%dma_wait3A_1067, %dma_wait3A_1068] : memref<20000x128xf32, #tpu.memory_space<hbm>> -> memref<20000x128xf32, #tpu.memory_space<hbm>>
      tpu.wait_indirect_dma semaphore(%arg24 : memref<!tpu.dma_semaphore, #tpu.memory_space<semaphore_mem>>) src(%dma_wait3A_1069 : memref<20000x128xf32, #tpu.memory_space<hbm>>) dst(%arg12 : memref<80x128xf32, #tpu.memory_space<vmem>>)
      %dma_wait3A_1070 = arith.constant 0 : i32
      %dma_wait3A_1071 = arith.constant 0 : i32
      %dma_wait3A_1072 = arith.constant 0 : i32
      %dma_wait3A_1073 = tpu.memref_slice %arg3[%dma_wait3A_1070, %dma_wait3A_1071, %dma_wait3A_1072] : memref<8000x2x80xi32, #tpu.memory_space<hbm>> -> memref<1x2x80xi32, #tpu.memory_space<hbm>>
      %dma_wait3A_1074 = tpu.memref_squeeze %dma_wait3A_1073 : memref<1x2x80xi32, #tpu.memory_space<hbm>> -> memref<2x80xi32, #tpu.memory_space<hbm>>
      %dma_wait3A_1075 = arith.constant 0 : i32
      %dma_wait3A_1076 = arith.constant 0 : i32
      %dma_wait3A_1077 = tpu.memref_slice %arg3[%dma_wait3A_1070, %dma_wait3A_1075, %dma_wait3A_1076] : memref<8000x2x80xi32, #tpu.memory_space<hbm>> -> memref<1x2x80xi32, #tpu.memory_space<hbm>>
      %dma_wait3A_1078 = tpu.memref_squeeze %dma_wait3A_1077 : memref<1x2x80xi32, #tpu.memory_space<hbm>> -> memref<2x80xi32, #tpu.memory_space<hbm>>
      tpu.wait_dma2 semaphore(%arg14 : memref<!tpu.dma_semaphore, #tpu.memory_space<semaphore_mem>>) src(%dma_wait3A_1078 : memref<2x80xi32, #tpu.memory_space<hbm>>) dst(%arg6 : memref<2x80xi32, #tpu.memory_space<vmem>>)
      %dma_wait3A_1079 = arith.constant 0 : i32
      %dma_wait3A_1080 = arith.constant 0 : i32
      %dma_wait3A_1081 = tpu.memref_slice %arg4[%dma_wait3A_1079, %dma_wait3A_1080] : memref<660000x128xf32, #tpu.memory_space<hbm>> -> memref<80x128xf32, #tpu.memory_space<hbm>>
      %dma_wait3A_1082 = arith.constant 0 : i32
      %dma_wait3A_1083 = arith.constant 0 : i32
      %dma_wait3A_1084 = tpu.memref_slice %arg4[%dma_wait3A_1082, %dma_wait3A_1083] : memref<660000x128xf32, #tpu.memory_space<hbm>> -> memref<80x128xf32, #tpu.memory_space<hbm>>
      tpu.wait_dma2 semaphore(%arg26 : memref<!tpu.dma_semaphore, #tpu.memory_space<semaphore_mem>>) src(%arg10 : memref<80x128xf32, #tpu.memory_space<vmem>>) dst(%dma_wait3A_1084 : memref<80x128xf32, #tpu.memory_space<hbm>>)
      %dma_start3A_1085 = arith.constant 0 : i32
      %dma_start3A_1086 = arith.constant 0 : i32
      %dma_start3A_1087 = tpu.memref_slice %arg6[%dma_start3A_1085, %dma_start3A_1086] : memref<2x80xi32, #tpu.memory_space<vmem>> -> memref<1x80xi32, #tpu.memory_space<vmem>>
      %dma_start3A_1088 = tpu.memref_squeeze %dma_start3A_1087 : memref<1x80xi32, #tpu.memory_space<vmem>> -> memref<80xi32, #tpu.memory_space<vmem>>
      %dma_start3A_1089 = arith.constant 0 : i32
      %dma_start3A_1090 = arith.constant 0 : i32
      %dma_start3A_1091 = tpu.memref_slice %arg2[%dma_start3A_1089, %dma_start3A_1090] : memref<20000x128xf32, #tpu.memory_space<hbm>> -> memref<20000x128xf32, #tpu.memory_space<hbm>>
      tpu.enqueue_indirect_dma source(%dma_start3A_1091 : memref<20000x128xf32, #tpu.memory_space<hbm>>) target(%arg10 : memref<80x128xf32, #tpu.memory_space<vmem>>) offsets(%dma_start3A_1088 : memref<80xi32, #tpu.memory_space<vmem>>) semaphore(%arg18 : memref<!tpu.dma_semaphore, #tpu.memory_space<semaphore_mem>>)
      %add3A_1092 = arith.constant 3 : i32
      %add3A_1093 = arith.addi %add3A_1048, %add3A_1092 : i32
      %ge3A_1094 = arith.constant 125 : i32
      %ge3A_1095 = arith.cmpi sge, %add3A_1093, %ge3A_1094 : i32
      %convert_element_type3A_1096 = arith.extui %ge3A_1095 : i1 to i32
      %mul3A_1097 = arith.constant 125 : i32
      %mul3A_1098 = arith.muli %convert_element_type3A_1096, %mul3A_1097 : i32
      %sub3A_1099 = arith.subi %add3A_1093, %mul3A_1098 : i32
      %mul3A_1100 = arith.constant 4000 : i32
      %mul3A_1101 = arith.muli %convert_element_type3A_1096, %mul3A_1100 : i32
      %mul3A_1102 = arith.constant 125 : i32
      %mul3A_1103 = arith.muli %add3A, %mul3A_1102 : i32
      %add3A_1104 = arith.addi %mul3A_1101, %mul3A_1103 : i32
      %add3A_1105 = arith.addi %add3A_1104, %sub3A_1099 : i32
      %dma_start3A_1106 = arith.constant 0 : i32
      %dma_start3A_1107 = arith.constant 0 : i32
      %dma_start3A_1108 = tpu.memref_slice %arg3[%add3A_1105, %dma_start3A_1106, %dma_start3A_1107] : memref<8000x2x80xi32, #tpu.memory_space<hbm>> -> memref<1x2x80xi32, #tpu.memory_space<hbm>>
      %dma_start3A_1109 = tpu.memref_squeeze %dma_start3A_1108 : memref<1x2x80xi32, #tpu.memory_space<hbm>> -> memref<2x80xi32, #tpu.memory_space<hbm>>
      %dma_start3A_1110 = arith.constant 0 : i32
      %dma_start3A_1111 = arith.constant 0 : i32
      %dma_start3A_1112 = tpu.memref_slice %arg3[%add3A_1105, %dma_start3A_1110, %dma_start3A_1111] : memref<8000x2x80xi32, #tpu.memory_space<hbm>> -> memref<1x2x80xi32, #tpu.memory_space<hbm>>
      %dma_start3A_1113 = tpu.memref_squeeze %dma_start3A_1112 : memref<1x2x80xi32, #tpu.memory_space<hbm>> -> memref<2x80xi32, #tpu.memory_space<hbm>>
      tpu.enqueue_dma source(%dma_start3A_1113 : memref<2x80xi32, #tpu.memory_space<hbm>>) target(%arg7 : memref<2x80xi32, #tpu.memory_space<vmem>>) target_semaphore(%arg15 : memref<!tpu.dma_semaphore, #tpu.memory_space<semaphore_mem>>)
      %scan3A_1114 = arith.constant 0 : i32
      %scan3A_1115 = arith.constant 0 : i32
      %scan3A_1116 = arith.constant 80 : i32
      %scan3A_1117 = arith.addi %scan3A_1115, %scan3A_1116 : i32
      %scan3A_1118 = arith.constant 1 : i32
      %scan3A_1119 = scf.for %scan3A_1142 = %scan3A_1115 to %scan3A_1117 step %scan3A_1118 iter_args(%scan3A_1143 = %scan3A_1114) -> (i32)  : i32 {
        %get3A = arith.index_cast %scan3A_1142 : i32 to index
        %get3A_1144 = arith.constant 0 : index
        %get3A_1145 = tpu.vector_load %arg12[%get3A, %get3A_1144] {strides = array<i32>} : memref<80x128xf32, #tpu.memory_space<vmem>>, vector<1x16xf32>,
        %get3A_1146 = vector.shape_cast %get3A_1145 : vector<1x16xf32> to vector<16xf32>
        %mul3A_1147 = arith.constant 5.000000e-01 : f32
        %mul3A_1148 = vector.broadcast %mul3A_1147 : f32 to vector<16xf32>
        %mul3A_1149 = arith.mulf %get3A_1146, %mul3A_1148 : vector<16xf32>
        %swap3A = arith.index_cast %scan3A_1142 : i32 to index
        %swap3A_1150 = arith.constant 0 : index
        %swap3A_1151 = tpu.vector_load %arg12[%swap3A, %swap3A_1150] {strides = array<i32>} : memref<80x128xf32, #tpu.memory_space<vmem>>, vector<1x16xf32>,
        %swap3A_1152 = vector.shape_cast %swap3A_1151 : vector<1x16xf32> to vector<16xf32>
        %swap3A_1153 = vector.shape_cast %mul3A_1149 : vector<16xf32> to vector<1x16xf32>
        tpu.vector_store %arg12[%swap3A, %swap3A_1150], %swap3A_1153 {strides = array<i32>} : memref<80x128xf32, #tpu.memory_space<vmem>>, vector<1x16xf32>,
        %get3A_1154 = arith.index_cast %scan3A_1142 : i32 to index
        %get3A_1155 = arith.constant 16 : index
        %get3A_1156 = tpu.vector_load %arg12[%get3A_1154, %get3A_1155] {strides = array<i32>} : memref<80x128xf32, #tpu.memory_space<vmem>>, vector<1x16xf32>,
        %get3A_1157 = vector.shape_cast %get3A_1156 : vector<1x16xf32> to vector<16xf32>
        %mul3A_1158 = arith.constant 5.000000e-01 : f32
        %mul3A_1159 = vector.broadcast %mul3A_1158 : f32 to vector<16xf32>
        %mul3A_1160 = arith.mulf %get3A_1157, %mul3A_1159 : vector<16xf32>
        %swap3A_1161 = arith.index_cast %scan3A_1142 : i32 to index
        %swap3A_1162 = arith.constant 16 : index
        %swap3A_1163 = tpu.vector_load %arg12[%swap3A_1161, %swap3A_1162] {strides = array<i32>} : memref<80x128xf32, #tpu.memory_space<vmem>>, vector<1x16xf32>,
        %swap3A_1164 = vector.shape_cast %swap3A_1163 : vector<1x16xf32> to vector<16xf32>
        %swap3A_1165 = vector.shape_cast %mul3A_1160 : vector<16xf32> to vector<1x16xf32>
        tpu.vector_store %arg12[%swap3A_1161, %swap3A_1162], %swap3A_1165 {strides = array<i32>} : memref<80x128xf32, #tpu.memory_space<vmem>>, vector<1x16xf32>,
        %get3A_1166 = arith.index_cast %scan3A_1142 : i32 to index
        %get3A_1167 = arith.constant 32 : index
        %get3A_1168 = tpu.vector_load %arg12[%get3A_1166, %get3A_1167] {strides = array<i32>} : memref<80x128xf32, #tpu.memory_space<vmem>>, vector<1x16xf32>,
        %get3A_1169 = vector.shape_cast %get3A_1168 : vector<1x16xf32> to vector<16xf32>
        %mul3A_1170 = arith.constant 5.000000e-01 : f32
        %mul3A_1171 = vector.broadcast %mul3A_1170 : f32 to vector<16xf32>
        %mul3A_1172 = arith.mulf %get3A_1169, %mul3A_1171 : vector<16xf32>
        %swap3A_1173 = arith.index_cast %scan3A_1142 : i32 to index
        %swap3A_1174 = arith.constant 32 : index
        %swap3A_1175 = tpu.vector_load %arg12[%swap3A_1173, %swap3A_1174] {strides = array<i32>} : memref<80x128xf32, #tpu.memory_space<vmem>>, vector<1x16xf32>,
        %swap3A_1176 = vector.shape_cast %swap3A_1175 : vector<1x16xf32> to vector<16xf32>
        %swap3A_1177 = vector.shape_cast %mul3A_1172 : vector<16xf32> to vector<1x16xf32>
        tpu.vector_store %arg12[%swap3A_1173, %swap3A_1174], %swap3A_1177 {strides = array<i32>} : memref<80x128xf32, #tpu.memory_space<vmem>>, vector<1x16xf32>,
        %get3A_1178 = arith.index_cast %scan3A_1142 : i32 to index
        %get3A_1179 = arith.constant 48 : index
        %get3A_1180 = tpu.vector_load %arg12[%get3A_1178, %get3A_1179] {strides = array<i32>} : memref<80x128xf32, #tpu.memory_space<vmem>>, vector<1x16xf32>,
        %get3A_1181 = vector.shape_cast %get3A_1180 : vector<1x16xf32> to vector<16xf32>
        %mul3A_1182 = arith.constant 5.000000e-01 : f32
        %mul3A_1183 = vector.broadcast %mul3A_1182 : f32 to vector<16xf32>
        %mul3A_1184 = arith.mulf %get3A_1181, %mul3A_1183 : vector<16xf32>
        %swap3A_1185 = arith.index_cast %scan3A_1142 : i32 to index
        %swap3A_1186 = arith.constant 48 : index
        %swap3A_1187 = tpu.vector_load %arg12[%swap3A_1185, %swap3A_1186] {strides = array<i32>} : memref<80x128xf32, #tpu.memory_space<vmem>>, vector<1x16xf32>,
        %swap3A_1188 = vector.shape_cast %swap3A_1187 : vector<1x16xf32> to vector<16xf32>
        %swap3A_1189 = vector.shape_cast %mul3A_1184 : vector<16xf32> to vector<1x16xf32>
        tpu.vector_store %arg12[%swap3A_1185, %swap3A_1186], %swap3A_1189 {strides = array<i32>} : memref<80x128xf32, #tpu.memory_space<vmem>>, vector<1x16xf32>,
        %get3A_1190 = arith.index_cast %scan3A_1142 : i32 to index
        %get3A_1191 = arith.constant 64 : index
        %get3A_1192 = tpu.vector_load %arg12[%get3A_1190, %get3A_1191] {strides = array<i32>} : memref<80x128xf32, #tpu.memory_space<vmem>>, vector<1x16xf32>,
        %get3A_1193 = vector.shape_cast %get3A_1192 : vector<1x16xf32> to vector<16xf32>
        %mul3A_1194 = arith.constant 5.000000e-01 : f32
        %mul3A_1195 = vector.broadcast %mul3A_1194 : f32 to vector<16xf32>
        %mul3A_1196 = arith.mulf %get3A_1193, %mul3A_1195 : vector<16xf32>
        %swap3A_1197 = arith.index_cast %scan3A_1142 : i32 to index
        %swap3A_1198 = arith.constant 64 : index
        %swap3A_1199 = tpu.vector_load %arg12[%swap3A_1197, %swap3A_1198] {strides = array<i32>} : memref<80x128xf32, #tpu.memory_space<vmem>>, vector<1x16xf32>,
        %swap3A_1200 = vector.shape_cast %swap3A_1199 : vector<1x16xf32> to vector<16xf32>
        %swap3A_1201 = vector.shape_cast %mul3A_1196 : vector<16xf32> to vector<1x16xf32>
        tpu.vector_store %arg12[%swap3A_1197, %swap3A_1198], %swap3A_1201 {strides = array<i32>} : memref<80x128xf32, #tpu.memory_space<vmem>>, vector<1x16xf32>,
        %get3A_1202 = arith.index_cast %scan3A_1142 : i32 to index
        %get3A_1203 = arith.constant 80 : index
        %get3A_1204 = tpu.vector_load %arg12[%get3A_1202, %get3A_1203] {strides = array<i32>} : memref<80x128xf32, #tpu.memory_space<vmem>>, vector<1x16xf32>,
        %get3A_1205 = vector.shape_cast %get3A_1204 : vector<1x16xf32> to vector<16xf32>
        %mul3A_1206 = arith.constant 5.000000e-01 : f32
        %mul3A_1207 = vector.broadcast %mul3A_1206 : f32 to vector<16xf32>
        %mul3A_1208 = arith.mulf %get3A_1205, %mul3A_1207 : vector<16xf32>
        %swap3A_1209 = arith.index_cast %scan3A_1142 : i32 to index
        %swap3A_1210 = arith.constant 80 : index
        %swap3A_1211 = tpu.vector_load %arg12[%swap3A_1209, %swap3A_1210] {strides = array<i32>} : memref<80x128xf32, #tpu.memory_space<vmem>>, vector<1x16xf32>,
        %swap3A_1212 = vector.shape_cast %swap3A_1211 : vector<1x16xf32> to vector<16xf32>
        %swap3A_1213 = vector.shape_cast %mul3A_1208 : vector<16xf32> to vector<1x16xf32>
        tpu.vector_store %arg12[%swap3A_1209, %swap3A_1210], %swap3A_1213 {strides = array<i32>} : memref<80x128xf32, #tpu.memory_space<vmem>>, vector<1x16xf32>,
        %get3A_1214 = arith.index_cast %scan3A_1142 : i32 to index
        %get3A_1215 = arith.constant 96 : index
        %get3A_1216 = tpu.vector_load %arg12[%get3A_1214, %get3A_1215] {strides = array<i32>} : memref<80x128xf32, #tpu.memory_space<vmem>>, vector<1x16xf32>,
        %get3A_1217 = vector.shape_cast %get3A_1216 : vector<1x16xf32> to vector<16xf32>
        %mul3A_1218 = arith.constant 5.000000e-01 : f32
        %mul3A_1219 = vector.broadcast %mul3A_1218 : f32 to vector<16xf32>
        %mul3A_1220 = arith.mulf %get3A_1217, %mul3A_1219 : vector<16xf32>
        %swap3A_1221 = arith.index_cast %scan3A_1142 : i32 to index
        %swap3A_1222 = arith.constant 96 : index
        %swap3A_1223 = tpu.vector_load %arg12[%swap3A_1221, %swap3A_1222] {strides = array<i32>} : memref<80x128xf32, #tpu.memory_space<vmem>>, vector<1x16xf32>,
        %swap3A_1224 = vector.shape_cast %swap3A_1223 : vector<1x16xf32> to vector<16xf32>
        %swap3A_1225 = vector.shape_cast %mul3A_1220 : vector<16xf32> to vector<1x16xf32>
        tpu.vector_store %arg12[%swap3A_1221, %swap3A_1222], %swap3A_1225 {strides = array<i32>} : memref<80x128xf32, #tpu.memory_space<vmem>>, vector<1x16xf32>,
        %get3A_1226 = arith.index_cast %scan3A_1142 : i32 to index
        %get3A_1227 = arith.constant 112 : index
        %get3A_1228 = tpu.vector_load %arg12[%get3A_1226, %get3A_1227] {strides = array<i32>} : memref<80x128xf32, #tpu.memory_space<vmem>>, vector<1x16xf32>,
        %get3A_1229 = vector.shape_cast %get3A_1228 : vector<1x16xf32> to vector<16xf32>
        %mul3A_1230 = arith.constant 5.000000e-01 : f32
        %mul3A_1231 = vector.broadcast %mul3A_1230 : f32 to vector<16xf32>
        %mul3A_1232 = arith.mulf %get3A_1229, %mul3A_1231 : vector<16xf32>
        %swap3A_1233 = arith.index_cast %scan3A_1142 : i32 to index
        %swap3A_1234 = arith.constant 112 : index
        %swap3A_1235 = tpu.vector_load %arg12[%swap3A_1233, %swap3A_1234] {strides = array<i32>} : memref<80x128xf32, #tpu.memory_space<vmem>>, vector<1x16xf32>,
        %swap3A_1236 = vector.shape_cast %swap3A_1235 : vector<1x16xf32> to vector<16xf32>
        %swap3A_1237 = vector.shape_cast %mul3A_1232 : vector<16xf32> to vector<1x16xf32>
        tpu.vector_store %arg12[%swap3A_1233, %swap3A_1234], %swap3A_1237 {strides = array<i32>} : memref<80x128xf32, #tpu.memory_space<vmem>>, vector<1x16xf32>,
        %scan3A_1238 = arith.constant 0 : i32
        scf.yield %scan3A_1238 : i32
      }
      %scan3A_1120 = arith.constant 80 : i32
      %ge3A_1121 = arith.constant 125 : i32
      %ge3A_1122 = arith.cmpi sge, %add3A_1048, %ge3A_1121 : i32
      %convert_element_type3A_1123 = arith.extui %ge3A_1122 : i1 to i32
      %mul3A_1124 = arith.constant 125 : i32
      %mul3A_1125 = arith.muli %convert_element_type3A_1123, %mul3A_1124 : i32
      %sub3A_1126 = arith.subi %add3A_1048, %mul3A_1125 : i32
      %mul3A_1127 = arith.constant 330000 : i32
      %mul3A_1128 = arith.muli %convert_element_type3A_1123, %mul3A_1127 : i32
      %add3A_1129 = arith.constant 10000 : i32
      %add3A_1130 = arith.addi %mul3A_1128, %add3A_1129 : i32
      %mul3A_1131 = arith.constant 10000 : i32
      %mul3A_1132 = arith.muli %add3A, %mul3A_1131 : i32
      %add3A_1133 = arith.addi %add3A_1130, %mul3A_1132 : i32
      %mul3A_1134 = arith.constant 80 : i32
      %mul3A_1135 = arith.muli %sub3A_1126, %mul3A_1134 : i32
      %add3A_1136 = arith.addi %add3A_1133, %mul3A_1135 : i32
      %dma_start3A_1137 = arith.constant 0 : i32
      %dma_start3A_1138 = tpu.memref_slice %arg4[%add3A_1136, %dma_start3A_1137] : memref<660000x128xf32, #tpu.memory_space<hbm>> -> memref<80x128xf32, #tpu.memory_space<hbm>>
      %dma_start3A_1139 = arith.constant 0 : i32
      %dma_start3A_1140 = tpu.memref_slice %arg4[%add3A_1136, %dma_start3A_1139] : memref<660000x128xf32, #tpu.memory_space<hbm>> -> memref<80x128xf32, #tpu.memory_space<hbm>>
      tpu.enqueue_dma source(%arg12 : memref<80x128xf32, #tpu.memory_space<vmem>>) target(%dma_start3A_1140 : memref<80x128xf32, #tpu.memory_space<hbm>>) target_semaphore(%arg28 : memref<!tpu.dma_semaphore, #tpu.memory_space<semaphore_mem>>)
      %scan3A_1141 = arith.constant 0 : i32
      scf.yield %scan3A_1141 : i32
    }
    %scan3A_392 = arith.constant 60 : i32
    %dma_wait3A_393 = arith.constant 0 : i32
    %dma_wait3A_394 = arith.constant 0 : i32
    %dma_wait3A_395 = tpu.memref_slice %arg6[%dma_wait3A_393, %dma_wait3A_394] : memref<2x80xi32, #tpu.memory_space<vmem>> -> memref<1x80xi32, #tpu.memory_space<vmem>>
    %dma_wait3A_396 = tpu.memref_squeeze %dma_wait3A_395 : memref<1x80xi32, #tpu.memory_space<vmem>> -> memref<80xi32, #tpu.memory_space<vmem>>
    %dma_wait3A_397 = arith.constant 0 : i32
    %dma_wait3A_398 = arith.constant 0 : i32
    %dma_wait3A_399 = tpu.memref_slice %arg2[%dma_wait3A_397, %dma_wait3A_398] : memref<20000x128xf32, #tpu.memory_space<hbm>> -> memref<20000x128xf32, #tpu.memory_space<hbm>>
    tpu.wait_indirect_dma semaphore(%arg18 : memref<!tpu.dma_semaphore, #tpu.memory_space<semaphore_mem>>) src(%dma_wait3A_399 : memref<20000x128xf32, #tpu.memory_space<hbm>>) dst(%arg10 : memref<80x128xf32, #tpu.memory_space<vmem>>)
    %dma_start3A_400 = arith.constant 1 : i32
    %dma_start3A_401 = arith.constant 0 : i32
    %dma_start3A_402 = tpu.memref_slice %arg6[%dma_start3A_400, %dma_start3A_401] : memref<2x80xi32, #tpu.memory_space<vmem>> -> memref<1x80xi32, #tpu.memory_space<vmem>>
    %dma_start3A_403 = tpu.memref_squeeze %dma_start3A_402 : memref<1x80xi32, #tpu.memory_space<vmem>> -> memref<80xi32, #tpu.memory_space<vmem>>
    %dma_start3A_404 = arith.constant 0 : i32
    %dma_start3A_405 = arith.constant 0 : i32
    %dma_start3A_406 = tpu.memref_slice %arg2[%dma_start3A_404, %dma_start3A_405] : memref<20000x128xf32, #tpu.memory_space<hbm>> -> memref<20000x128xf32, #tpu.memory_space<hbm>>
    tpu.enqueue_indirect_dma source(%dma_start3A_406 : memref<20000x128xf32, #tpu.memory_space<hbm>>) target(%arg10 : memref<80x128xf32, #tpu.memory_space<vmem>>) offsets(%dma_start3A_403 : memref<80xi32, #tpu.memory_space<vmem>>) semaphore(%arg22 : memref<!tpu.dma_semaphore, #tpu.memory_space<semaphore_mem>>) {add = true}
    %dma_wait3A_407 = arith.constant 1 : i32
    %dma_wait3A_408 = arith.constant 0 : i32
    %dma_wait3A_409 = tpu.memref_slice %arg5[%dma_wait3A_407, %dma_wait3A_408] : memref<2x80xi32, #tpu.memory_space<vmem>> -> memref<1x80xi32, #tpu.memory_space<vmem>>
    %dma_wait3A_410 = tpu.memref_squeeze %dma_wait3A_409 : memref<1x80xi32, #tpu.memory_space<vmem>> -> memref<80xi32, #tpu.memory_space<vmem>>
    %dma_wait3A_411 = arith.constant 0 : i32
    %dma_wait3A_412 = arith.constant 0 : i32
    %dma_wait3A_413 = tpu.memref_slice %arg2[%dma_wait3A_411, %dma_wait3A_412] : memref<20000x128xf32, #tpu.memory_space<hbm>> -> memref<20000x128xf32, #tpu.memory_space<hbm>>
    tpu.wait_indirect_dma semaphore(%arg21 : memref<!tpu.dma_semaphore, #tpu.memory_space<semaphore_mem>>) src(%dma_wait3A_413 : memref<20000x128xf32, #tpu.memory_space<hbm>>) dst(%arg9 : memref<80x128xf32, #tpu.memory_space<vmem>>)
    %dma_wait3A_414 = arith.constant 0 : i32
    %dma_wait3A_415 = arith.constant 0 : i32
    %dma_wait3A_416 = arith.constant 0 : i32
    %dma_wait3A_417 = tpu.memref_slice %arg3[%dma_wait3A_414, %dma_wait3A_415, %dma_wait3A_416] : memref<8000x2x80xi32, #tpu.memory_space<hbm>> -> memref<1x2x80xi32, #tpu.memory_space<hbm>>
    %dma_wait3A_418 = tpu.memref_squeeze %dma_wait3A_417 : memref<1x2x80xi32, #tpu.memory_space<hbm>> -> memref<2x80xi32, #tpu.memory_space<hbm>>
    %dma_wait3A_419 = arith.constant 0 : i32
    %dma_wait3A_420 = arith.constant 0 : i32
    %dma_wait3A_421 = tpu.memref_slice %arg3[%dma_wait3A_414, %dma_wait3A_419, %dma_wait3A_420] : memref<8000x2x80xi32, #tpu.memory_space<hbm>> -> memref<1x2x80xi32, #tpu.memory_space<hbm>>
    %dma_wait3A_422 = tpu.memref_squeeze %dma_wait3A_421 : memref<1x2x80xi32, #tpu.memory_space<hbm>> -> memref<2x80xi32, #tpu.memory_space<hbm>>
    tpu.wait_dma2 semaphore(%arg15 : memref<!tpu.dma_semaphore, #tpu.memory_space<semaphore_mem>>) src(%dma_wait3A_422 : memref<2x80xi32, #tpu.memory_space<hbm>>) dst(%arg7 : memref<2x80xi32, #tpu.memory_space<vmem>>)
    %dma_wait3A_423 = arith.constant 0 : i32
    %dma_wait3A_424 = arith.constant 0 : i32
    %dma_wait3A_425 = tpu.memref_slice %arg4[%dma_wait3A_423, %dma_wait3A_424] : memref<660000x128xf32, #tpu.memory_space<hbm>> -> memref<80x128xf32, #tpu.memory_space<hbm>>
    %dma_wait3A_426 = arith.constant 0 : i32
    %dma_wait3A_427 = arith.constant 0 : i32
    %dma_wait3A_428 = tpu.memref_slice %arg4[%dma_wait3A_426, %dma_wait3A_427] : memref<660000x128xf32, #tpu.memory_space<hbm>> -> memref<80x128xf32, #tpu.memory_space<hbm>>
    tpu.wait_dma2 semaphore(%arg27 : memref<!tpu.dma_semaphore, #tpu.memory_space<semaphore_mem>>) src(%arg11 : memref<80x128xf32, #tpu.memory_space<vmem>>) dst(%dma_wait3A_428 : memref<80x128xf32, #tpu.memory_space<hbm>>)
    %dma_start3A_429 = arith.constant 0 : i32
    %dma_start3A_430 = arith.constant 0 : i32
    %dma_start3A_431 = tpu.memref_slice %arg7[%dma_start3A_429, %dma_start3A_430] : memref<2x80xi32, #tpu.memory_space<vmem>> -> memref<1x80xi32, #tpu.memory_space<vmem>>
    %dma_start3A_432 = tpu.memref_squeeze %dma_start3A_431 : memref<1x80xi32, #tpu.memory_space<vmem>> -> memref<80xi32, #tpu.memory_space<vmem>>
    %dma_start3A_433 = arith.constant 0 : i32
    %dma_start3A_434 = arith.constant 0 : i32
    %dma_start3A_435 = tpu.memref_slice %arg2[%dma_start3A_433, %dma_start3A_434] : memref<20000x128xf32, #tpu.memory_space<hbm>> -> memref<20000x128xf32, #tpu.memory_space<hbm>>
    tpu.enqueue_indirect_dma source(%dma_start3A_435 : memref<20000x128xf32, #tpu.memory_space<hbm>>) target(%arg11 : memref<80x128xf32, #tpu.memory_space<vmem>>) offsets(%dma_start3A_432 : memref<80xi32, #tpu.memory_space<vmem>>) semaphore(%arg19 : memref<!tpu.dma_semaphore, #tpu.memory_space<semaphore_mem>>)
    %mul3A_436 = arith.constant 125 : i32
    %mul3A_437 = arith.muli %add3A, %mul3A_436 : i32
    %add3A_438 = arith.constant 4000 : i32
    %add3A_439 = arith.addi %add3A_438, %mul3A_437 : i32
    %add3A_440 = arith.constant 122 : i32
    %add3A_441 = arith.addi %add3A_439, %add3A_440 : i32
    %dma_start3A_442 = arith.constant 0 : i32
    %dma_start3A_443 = arith.constant 0 : i32
    %dma_start3A_444 = tpu.memref_slice %arg3[%add3A_441, %dma_start3A_442, %dma_start3A_443] : memref<8000x2x80xi32, #tpu.memory_space<hbm>> -> memref<1x2x80xi32, #tpu.memory_space<hbm>>
    %dma_start3A_445 = tpu.memref_squeeze %dma_start3A_444 : memref<1x2x80xi32, #tpu.memory_space<hbm>> -> memref<2x80xi32, #tpu.memory_space<hbm>>
    %dma_start3A_446 = arith.constant 0 : i32
    %dma_start3A_447 = arith.constant 0 : i32
    %dma_start3A_448 = tpu.memref_slice %arg3[%add3A_441, %dma_start3A_446, %dma_start3A_447] : memref<8000x2x80xi32, #tpu.memory_space<hbm>> -> memref<1x2x80xi32, #tpu.memory_space<hbm>>
    %dma_start3A_449 = tpu.memref_squeeze %dma_start3A_448 : memref<1x2x80xi32, #tpu.memory_space<hbm>> -> memref<2x80xi32, #tpu.memory_space<hbm>>
    tpu.enqueue_dma source(%dma_start3A_449 : memref<2x80xi32, #tpu.memory_space<hbm>>) target(%arg8 : memref<2x80xi32, #tpu.memory_space<vmem>>) target_semaphore(%arg16 : memref<!tpu.dma_semaphore, #tpu.memory_space<semaphore_mem>>)
    %scan3A_450 = arith.constant 0 : i32
    %scan3A_451 = arith.constant 0 : i32
    %scan3A_452 = arith.constant 80 : i32
    %scan3A_453 = arith.addi %scan3A_451, %scan3A_452 : i32
    %scan3A_454 = arith.constant 1 : i32
    %scan3A_455 = scf.for %scan3A_761 = %scan3A_451 to %scan3A_453 step %scan3A_454 iter_args(%scan3A_762 = %scan3A_450) -> (i32)  : i32 {
      %get3A = arith.index_cast %scan3A_761 : i32 to index
      %get3A_763 = arith.constant 0 : index
      %get3A_764 = tpu.vector_load %arg9[%get3A, %get3A_763] {strides = array<i32>} : memref<80x128xf32, #tpu.memory_space<vmem>>, vector<1x16xf32>,
      %get3A_765 = vector.shape_cast %get3A_764 : vector<1x16xf32> to vector<16xf32>
      %mul3A_766 = arith.constant 5.000000e-01 : f32
      %mul3A_767 = vector.broadcast %mul3A_766 : f32 to vector<16xf32>
      %mul3A_768 = arith.mulf %get3A_765, %mul3A_767 : vector<16xf32>
      %swap3A = arith.index_cast %scan3A_761 : i32 to index
      %swap3A_769 = arith.constant 0 : index
      %swap3A_770 = tpu.vector_load %arg9[%swap3A, %swap3A_769] {strides = array<i32>} : memref<80x128xf32, #tpu.memory_space<vmem>>, vector<1x16xf32>,
      %swap3A_771 = vector.shape_cast %swap3A_770 : vector<1x16xf32> to vector<16xf32>
      %swap3A_772 = vector.shape_cast %mul3A_768 : vector<16xf32> to vector<1x16xf32>
      tpu.vector_store %arg9[%swap3A, %swap3A_769], %swap3A_772 {strides = array<i32>} : memref<80x128xf32, #tpu.memory_space<vmem>>, vector<1x16xf32>,
      %get3A_773 = arith.index_cast %scan3A_761 : i32 to index
      %get3A_774 = arith.constant 16 : index
      %get3A_775 = tpu.vector_load %arg9[%get3A_773, %get3A_774] {strides = array<i32>} : memref<80x128xf32, #tpu.memory_space<vmem>>, vector<1x16xf32>,
      %get3A_776 = vector.shape_cast %get3A_775 : vector<1x16xf32> to vector<16xf32>
      %mul3A_777 = arith.constant 5.000000e-01 : f32
      %mul3A_778 = vector.broadcast %mul3A_777 : f32 to vector<16xf32>
      %mul3A_779 = arith.mulf %get3A_776, %mul3A_778 : vector<16xf32>
      %swap3A_780 = arith.index_cast %scan3A_761 : i32 to index
      %swap3A_781 = arith.constant 16 : index
      %swap3A_782 = tpu.vector_load %arg9[%swap3A_780, %swap3A_781] {strides = array<i32>} : memref<80x128xf32, #tpu.memory_space<vmem>>, vector<1x16xf32>,
      %swap3A_783 = vector.shape_cast %swap3A_782 : vector<1x16xf32> to vector<16xf32>
      %swap3A_784 = vector.shape_cast %mul3A_779 : vector<16xf32> to vector<1x16xf32>
      tpu.vector_store %arg9[%swap3A_780, %swap3A_781], %swap3A_784 {strides = array<i32>} : memref<80x128xf32, #tpu.memory_space<vmem>>, vector<1x16xf32>,
      %get3A_785 = arith.index_cast %scan3A_761 : i32 to index
      %get3A_786 = arith.constant 32 : index
      %get3A_787 = tpu.vector_load %arg9[%get3A_785, %get3A_786] {strides = array<i32>} : memref<80x128xf32, #tpu.memory_space<vmem>>, vector<1x16xf32>,
      %get3A_788 = vector.shape_cast %get3A_787 : vector<1x16xf32> to vector<16xf32>
      %mul3A_789 = arith.constant 5.000000e-01 : f32
      %mul3A_790 = vector.broadcast %mul3A_789 : f32 to vector<16xf32>
      %mul3A_791 = arith.mulf %get3A_788, %mul3A_790 : vector<16xf32>
      %swap3A_792 = arith.index_cast %scan3A_761 : i32 to index
      %swap3A_793 = arith.constant 32 : index
      %swap3A_794 = tpu.vector_load %arg9[%swap3A_792, %swap3A_793] {strides = array<i32>} : memref<80x128xf32, #tpu.memory_space<vmem>>, vector<1x16xf32>,
      %swap3A_795 = vector.shape_cast %swap3A_794 : vector<1x16xf32> to vector<16xf32>
      %swap3A_796 = vector.shape_cast %mul3A_791 : vector<16xf32> to vector<1x16xf32>
      tpu.vector_store %arg9[%swap3A_792, %swap3A_793], %swap3A_796 {strides = array<i32>} : memref<80x128xf32, #tpu.memory_space<vmem>>, vector<1x16xf32>,
      %get3A_797 = arith.index_cast %scan3A_761 : i32 to index
      %get3A_798 = arith.constant 48 : index
      %get3A_799 = tpu.vector_load %arg9[%get3A_797, %get3A_798] {strides = array<i32>} : memref<80x128xf32, #tpu.memory_space<vmem>>, vector<1x16xf32>,
      %get3A_800 = vector.shape_cast %get3A_799 : vector<1x16xf32> to vector<16xf32>
      %mul3A_801 = arith.constant 5.000000e-01 : f32
      %mul3A_802 = vector.broadcast %mul3A_801 : f32 to vector<16xf32>
      %mul3A_803 = arith.mulf %get3A_800, %mul3A_802 : vector<16xf32>
      %swap3A_804 = arith.index_cast %scan3A_761 : i32 to index
      %swap3A_805 = arith.constant 48 : index
      %swap3A_806 = tpu.vector_load %arg9[%swap3A_804, %swap3A_805] {strides = array<i32>} : memref<80x128xf32, #tpu.memory_space<vmem>>, vector<1x16xf32>,
      %swap3A_807 = vector.shape_cast %swap3A_806 : vector<1x16xf32> to vector<16xf32>
      %swap3A_808 = vector.shape_cast %mul3A_803 : vector<16xf32> to vector<1x16xf32>
      tpu.vector_store %arg9[%swap3A_804, %swap3A_805], %swap3A_808 {strides = array<i32>} : memref<80x128xf32, #tpu.memory_space<vmem>>, vector<1x16xf32>,
      %get3A_809 = arith.index_cast %scan3A_761 : i32 to index
      %get3A_810 = arith.constant 64 : index
      %get3A_811 = tpu.vector_load %arg9[%get3A_809, %get3A_810] {strides = array<i32>} : memref<80x128xf32, #tpu.memory_space<vmem>>, vector<1x16xf32>,
      %get3A_812 = vector.shape_cast %get3A_811 : vector<1x16xf32> to vector<16xf32>
      %mul3A_813 = arith.constant 5.000000e-01 : f32
      %mul3A_814 = vector.broadcast %mul3A_813 : f32 to vector<16xf32>
      %mul3A_815 = arith.mulf %get3A_812, %mul3A_814 : vector<16xf32>
      %swap3A_816 = arith.index_cast %scan3A_761 : i32 to index
      %swap3A_817 = arith.constant 64 : index
      %swap3A_818 = tpu.vector_load %arg9[%swap3A_816, %swap3A_817] {strides = array<i32>} : memref<80x128xf32, #tpu.memory_space<vmem>>, vector<1x16xf32>,
      %swap3A_819 = vector.shape_cast %swap3A_818 : vector<1x16xf32> to vector<16xf32>
      %swap3A_820 = vector.shape_cast %mul3A_815 : vector<16xf32> to vector<1x16xf32>
      tpu.vector_store %arg9[%swap3A_816, %swap3A_817], %swap3A_820 {strides = array<i32>} : memref<80x128xf32, #tpu.memory_space<vmem>>, vector<1x16xf32>,
      %get3A_821 = arith.index_cast %scan3A_761 : i32 to index
      %get3A_822 = arith.constant 80 : index
      %get3A_823 = tpu.vector_load %arg9[%get3A_821, %get3A_822] {strides = array<i32>} : memref<80x128xf32, #tpu.memory_space<vmem>>, vector<1x16xf32>,
      %get3A_824 = vector.shape_cast %get3A_823 : vector<1x16xf32> to vector<16xf32>
      %mul3A_825 = arith.constant 5.000000e-01 : f32
      %mul3A_826 = vector.broadcast %mul3A_825 : f32 to vector<16xf32>
      %mul3A_827 = arith.mulf %get3A_824, %mul3A_826 : vector<16xf32>
      %swap3A_828 = arith.index_cast %scan3A_761 : i32 to index
      %swap3A_829 = arith.constant 80 : index
      %swap3A_830 = tpu.vector_load %arg9[%swap3A_828, %swap3A_829] {strides = array<i32>} : memref<80x128xf32, #tpu.memory_space<vmem>>, vector<1x16xf32>,
      %swap3A_831 = vector.shape_cast %swap3A_830 : vector<1x16xf32> to vector<16xf32>
      %swap3A_832 = vector.shape_cast %mul3A_827 : vector<16xf32> to vector<1x16xf32>
      tpu.vector_store %arg9[%swap3A_828, %swap3A_829], %swap3A_832 {strides = array<i32>} : memref<80x128xf32, #tpu.memory_space<vmem>>, vector<1x16xf32>,
      %get3A_833 = arith.index_cast %scan3A_761 : i32 to index
      %get3A_834 = arith.constant 96 : index
      %get3A_835 = tpu.vector_load %arg9[%get3A_833, %get3A_834] {strides = array<i32>} : memref<80x128xf32, #tpu.memory_space<vmem>>, vector<1x16xf32>,
      %get3A_836 = vector.shape_cast %get3A_835 : vector<1x16xf32> to vector<16xf32>
      %mul3A_837 = arith.constant 5.000000e-01 : f32
      %mul3A_838 = vector.broadcast %mul3A_837 : f32 to vector<16xf32>
      %mul3A_839 = arith.mulf %get3A_836, %mul3A_838 : vector<16xf32>
      %swap3A_840 = arith.index_cast %scan3A_761 : i32 to index
      %swap3A_841 = arith.constant 96 : index
      %swap3A_842 = tpu.vector_load %arg9[%swap3A_840, %swap3A_841] {strides = array<i32>} : memref<80x128xf32, #tpu.memory_space<vmem>>, vector<1x16xf32>,
      %swap3A_843 = vector.shape_cast %swap3A_842 : vector<1x16xf32> to vector<16xf32>
      %swap3A_844 = vector.shape_cast %mul3A_839 : vector<16xf32> to vector<1x16xf32>
      tpu.vector_store %arg9[%swap3A_840, %swap3A_841], %swap3A_844 {strides = array<i32>} : memref<80x128xf32, #tpu.memory_space<vmem>>, vector<1x16xf32>,
      %get3A_845 = arith.index_cast %scan3A_761 : i32 to index
      %get3A_846 = arith.constant 112 : index
      %get3A_847 = tpu.vector_load %arg9[%get3A_845, %get3A_846] {strides = array<i32>} : memref<80x128xf32, #tpu.memory_space<vmem>>, vector<1x16xf32>,
      %get3A_848 = vector.shape_cast %get3A_847 : vector<1x16xf32> to vector<16xf32>
      %mul3A_849 = arith.constant 5.000000e-01 : f32
      %mul3A_850 = vector.broadcast %mul3A_849 : f32 to vector<16xf32>
      %mul3A_851 = arith.mulf %get3A_848, %mul3A_850 : vector<16xf32>
      %swap3A_852 = arith.index_cast %scan3A_761 : i32 to index
      %swap3A_853 = arith.constant 112 : index
      %swap3A_854 = tpu.vector_load %arg9[%swap3A_852, %swap3A_853] {strides = array<i32>} : memref<80x128xf32, #tpu.memory_space<vmem>>, vector<1x16xf32>,
      %swap3A_855 = vector.shape_cast %swap3A_854 : vector<1x16xf32> to vector<16xf32>
      %swap3A_856 = vector.shape_cast %mul3A_851 : vector<16xf32> to vector<1x16xf32>
      tpu.vector_store %arg9[%swap3A_852, %swap3A_853], %swap3A_856 {strides = array<i32>} : memref<80x128xf32, #tpu.memory_space<vmem>>, vector<1x16xf32>,
      %scan3A_857 = arith.constant 0 : i32
      scf.yield %scan3A_857 : i32
    }
    %scan3A_456 = arith.constant 80 : i32
    %mul3A_457 = arith.constant 10000 : i32
    %mul3A_458 = arith.muli %add3A, %mul3A_457 : i32
    %add3A_459 = arith.constant 340000 : i32
    %add3A_460 = arith.addi %add3A_459, %mul3A_458 : i32
    %add3A_461 = arith.constant 9520 : i32
    %add3A_462 = arith.addi %add3A_460, %add3A_461 : i32
    %dma_start3A_463 = arith.constant 0 : i32
    %dma_start3A_464 = tpu.memref_slice %arg4[%add3A_462, %dma_start3A_463] : memref<660000x128xf32, #tpu.memory_space<hbm>> -> memref<80x128xf32, #tpu.memory_space<hbm>>
    %dma_start3A_465 = arith.constant 0 : i32
    %dma_start3A_466 = tpu.memref_slice %arg4[%add3A_462, %dma_start3A_465] : memref<660000x128xf32, #tpu.memory_space<hbm>> -> memref<80x128xf32, #tpu.memory_space<hbm>>
    tpu.enqueue_dma source(%arg9 : memref<80x128xf32, #tpu.memory_space<vmem>>) target(%dma_start3A_466 : memref<80x128xf32, #tpu.memory_space<hbm>>) target_semaphore(%arg25 : memref<!tpu.dma_semaphore, #tpu.memory_space<semaphore_mem>>)
    %dma_wait3A_467 = arith.constant 0 : i32
    %dma_wait3A_468 = arith.constant 0 : i32
    %dma_wait3A_469 = tpu.memref_slice %arg7[%dma_wait3A_467, %dma_wait3A_468] : memref<2x80xi32, #tpu.memory_space<vmem>> -> memref<1x80xi32, #tpu.memory_space<vmem>>
    %dma_wait3A_470 = tpu.memref_squeeze %dma_wait3A_469 : memref<1x80xi32, #tpu.memory_space<vmem>> -> memref<80xi32, #tpu.memory_space<vmem>>
    %dma_wait3A_471 = arith.constant 0 : i32
    %dma_wait3A_472 = arith.constant 0 : i32
    %dma_wait3A_473 = tpu.memref_slice %arg2[%dma_wait3A_471, %dma_wait3A_472] : memref<20000x128xf32, #tpu.memory_space<hbm>> -> memref<20000x128xf32, #tpu.memory_space<hbm>>
    tpu.wait_indirect_dma semaphore(%arg19 : memref<!tpu.dma_semaphore, #tpu.memory_space<semaphore_mem>>) src(%dma_wait3A_473 : memref<20000x128xf32, #tpu.memory_space<hbm>>) dst(%arg11 : memref<80x128xf32, #tpu.memory_space<vmem>>)
    %dma_start3A_474 = arith.constant 1 : i32
    %dma_start3A_475 = arith.constant 0 : i32
    %dma_start3A_476 = tpu.memref_slice %arg7[%dma_start3A_474, %dma_start3A_475] : memref<2x80xi32, #tpu.memory_space<vmem>> -> memref<1x80xi32, #tpu.memory_space<vmem>>
    %dma_start3A_477 = tpu.memref_squeeze %dma_start3A_476 : memref<1x80xi32, #tpu.memory_space<vmem>> -> memref<80xi32, #tpu.memory_space<vmem>>
    %dma_start3A_478 = arith.constant 0 : i32
    %dma_start3A_479 = arith.constant 0 : i32
    %dma_start3A_480 = tpu.memref_slice %arg2[%dma_start3A_478, %dma_start3A_479] : memref<20000x128xf32, #tpu.memory_space<hbm>> -> memref<20000x128xf32, #tpu.memory_space<hbm>>
    tpu.enqueue_indirect_dma source(%dma_start3A_480 : memref<20000x128xf32, #tpu.memory_space<hbm>>) target(%arg11 : memref<80x128xf32, #tpu.memory_space<vmem>>) offsets(%dma_start3A_477 : memref<80xi32, #tpu.memory_space<vmem>>) semaphore(%arg23 : memref<!tpu.dma_semaphore, #tpu.memory_space<semaphore_mem>>) {add = true}
    %dma_wait3A_481 = arith.constant 1 : i32
    %dma_wait3A_482 = arith.constant 0 : i32
    %dma_wait3A_483 = tpu.memref_slice %arg6[%dma_wait3A_481, %dma_wait3A_482] : memref<2x80xi32, #tpu.memory_space<vmem>> -> memref<1x80xi32, #tpu.memory_space<vmem>>
    %dma_wait3A_484 = tpu.memref_squeeze %dma_wait3A_483 : memref<1x80xi32, #tpu.memory_space<vmem>> -> memref<80xi32, #tpu.memory_space<vmem>>
    %dma_wait3A_485 = arith.constant 0 : i32
    %dma_wait3A_486 = arith.constant 0 : i32
    %dma_wait3A_487 = tpu.memref_slice %arg2[%dma_wait3A_485, %dma_wait3A_486] : memref<20000x128xf32, #tpu.memory_space<hbm>> -> memref<20000x128xf32, #tpu.memory_space<hbm>>
    tpu.wait_indirect_dma semaphore(%arg22 : memref<!tpu.dma_semaphore, #tpu.memory_space<semaphore_mem>>) src(%dma_wait3A_487 : memref<20000x128xf32, #tpu.memory_space<hbm>>) dst(%arg10 : memref<80x128xf32, #tpu.memory_space<vmem>>)
    %dma_wait3A_488 = arith.constant 0 : i32
    %dma_wait3A_489 = arith.constant 0 : i32
    %dma_wait3A_490 = arith.constant 0 : i32
    %dma_wait3A_491 = tpu.memref_slice %arg3[%dma_wait3A_488, %dma_wait3A_489, %dma_wait3A_490] : memref<8000x2x80xi32, #tpu.memory_space<hbm>> -> memref<1x2x80xi32, #tpu.memory_space<hbm>>
    %dma_wait3A_492 = tpu.memref_squeeze %dma_wait3A_491 : memref<1x2x80xi32, #tpu.memory_space<hbm>> -> memref<2x80xi32, #tpu.memory_space<hbm>>
    %dma_wait3A_493 = arith.constant 0 : i32
    %dma_wait3A_494 = arith.constant 0 : i32
    %dma_wait3A_495 = tpu.memref_slice %arg3[%dma_wait3A_488, %dma_wait3A_493, %dma_wait3A_494] : memref<8000x2x80xi32, #tpu.memory_space<hbm>> -> memref<1x2x80xi32, #tpu.memory_space<hbm>>
    %dma_wait3A_496 = tpu.memref_squeeze %dma_wait3A_495 : memref<1x2x80xi32, #tpu.memory_space<hbm>> -> memref<2x80xi32, #tpu.memory_space<hbm>>
    tpu.wait_dma2 semaphore(%arg16 : memref<!tpu.dma_semaphore, #tpu.memory_space<semaphore_mem>>) src(%dma_wait3A_496 : memref<2x80xi32, #tpu.memory_space<hbm>>) dst(%arg8 : memref<2x80xi32, #tpu.memory_space<vmem>>)
    %dma_wait3A_497 = arith.constant 0 : i32
    %dma_wait3A_498 = arith.constant 0 : i32
    %dma_wait3A_499 = tpu.memref_slice %arg4[%dma_wait3A_497, %dma_wait3A_498] : memref<660000x128xf32, #tpu.memory_space<hbm>> -> memref<80x128xf32, #tpu.memory_space<hbm>>
    %dma_wait3A_500 = arith.constant 0 : i32
    %dma_wait3A_501 = arith.constant 0 : i32
    %dma_wait3A_502 = tpu.memref_slice %arg4[%dma_wait3A_500, %dma_wait3A_501] : memref<660000x128xf32, #tpu.memory_space<hbm>> -> memref<80x128xf32, #tpu.memory_space<hbm>>
    tpu.wait_dma2 semaphore(%arg28 : memref<!tpu.dma_semaphore, #tpu.memory_space<semaphore_mem>>) src(%arg12 : memref<80x128xf32, #tpu.memory_space<vmem>>) dst(%dma_wait3A_502 : memref<80x128xf32, #tpu.memory_space<hbm>>)
    %dma_start3A_503 = arith.constant 0 : i32
    %dma_start3A_504 = arith.constant 0 : i32
    %dma_start3A_505 = tpu.memref_slice %arg8[%dma_start3A_503, %dma_start3A_504] : memref<2x80xi32, #tpu.memory_space<vmem>> -> memref<1x80xi32, #tpu.memory_space<vmem>>
    %dma_start3A_506 = tpu.memref_squeeze %dma_start3A_505 : memref<1x80xi32, #tpu.memory_space<vmem>> -> memref<80xi32, #tpu.memory_space<vmem>>
    %dma_start3A_507 = arith.constant 0 : i32
    %dma_start3A_508 = arith.constant 0 : i32
    %dma_start3A_509 = tpu.memref_slice %arg2[%dma_start3A_507, %dma_start3A_508] : memref<20000x128xf32, #tpu.memory_space<hbm>> -> memref<20000x128xf32, #tpu.memory_space<hbm>>
    tpu.enqueue_indirect_dma source(%dma_start3A_509 : memref<20000x128xf32, #tpu.memory_space<hbm>>) target(%arg12 : memref<80x128xf32, #tpu.memory_space<vmem>>) offsets(%dma_start3A_506 : memref<80xi32, #tpu.memory_space<vmem>>) semaphore(%arg20 : memref<!tpu.dma_semaphore, #tpu.memory_space<semaphore_mem>>)
    %mul3A_510 = arith.constant 125 : i32
    %mul3A_511 = arith.muli %add3A, %mul3A_510 : i32
    %add3A_512 = arith.constant 4000 : i32
    %add3A_513 = arith.addi %add3A_512, %mul3A_511 : i32
    %add3A_514 = arith.constant 123 : i32
    %add3A_515 = arith.addi %add3A_513, %add3A_514 : i32
    %dma_start3A_516 = arith.constant 0 : i32
    %dma_start3A_517 = arith.constant 0 : i32
    %dma_start3A_518 = tpu.memref_slice %arg3[%add3A_515, %dma_start3A_516, %dma_start3A_517] : memref<8000x2x80xi32, #tpu.memory_space<hbm>> -> memref<1x2x80xi32, #tpu.memory_space<hbm>>
    %dma_start3A_519 = tpu.memref_squeeze %dma_start3A_518 : memref<1x2x80xi32, #tpu.memory_space<hbm>> -> memref<2x80xi32, #tpu.memory_space<hbm>>
    %dma_start3A_520 = arith.constant 0 : i32
    %dma_start3A_521 = arith.constant 0 : i32
    %dma_start3A_522 = tpu.memref_slice %arg3[%add3A_515, %dma_start3A_520, %dma_start3A_521] : memref<8000x2x80xi32, #tpu.memory_space<hbm>> -> memref<1x2x80xi32, #tpu.memory_space<hbm>>
    %dma_start3A_523 = tpu.memref_squeeze %dma_start3A_522 : memref<1x2x80xi32, #tpu.memory_space<hbm>> -> memref<2x80xi32, #tpu.memory_space<hbm>>
    tpu.enqueue_dma source(%dma_start3A_523 : memref<2x80xi32, #tpu.memory_space<hbm>>) target(%arg5 : memref<2x80xi32, #tpu.memory_space<vmem>>) target_semaphore(%arg13 : memref<!tpu.dma_semaphore, #tpu.memory_space<semaphore_mem>>)
    %scan3A_524 = arith.constant 0 : i32
    %scan3A_525 = arith.constant 0 : i32
    %scan3A_526 = arith.constant 80 : i32
    %scan3A_527 = arith.addi %scan3A_525, %scan3A_526 : i32
    %scan3A_528 = arith.constant 1 : i32
    %scan3A_529 = scf.for %scan3A_761 = %scan3A_525 to %scan3A_527 step %scan3A_528 iter_args(%scan3A_762 = %scan3A_524) -> (i32)  : i32 {
      %get3A = arith.index_cast %scan3A_761 : i32 to index
      %get3A_763 = arith.constant 0 : index
      %get3A_764 = tpu.vector_load %arg10[%get3A, %get3A_763] {strides = array<i32>} : memref<80x128xf32, #tpu.memory_space<vmem>>, vector<1x16xf32>,
      %get3A_765 = vector.shape_cast %get3A_764 : vector<1x16xf32> to vector<16xf32>
      %mul3A_766 = arith.constant 5.000000e-01 : f32
      %mul3A_767 = vector.broadcast %mul3A_766 : f32 to vector<16xf32>
      %mul3A_768 = arith.mulf %get3A_765, %mul3A_767 : vector<16xf32>
      %swap3A = arith.index_cast %scan3A_761 : i32 to index
      %swap3A_769 = arith.constant 0 : index
      %swap3A_770 = tpu.vector_load %arg10[%swap3A, %swap3A_769] {strides = array<i32>} : memref<80x128xf32, #tpu.memory_space<vmem>>, vector<1x16xf32>,
      %swap3A_771 = vector.shape_cast %swap3A_770 : vector<1x16xf32> to vector<16xf32>
      %swap3A_772 = vector.shape_cast %mul3A_768 : vector<16xf32> to vector<1x16xf32>
      tpu.vector_store %arg10[%swap3A, %swap3A_769], %swap3A_772 {strides = array<i32>} : memref<80x128xf32, #tpu.memory_space<vmem>>, vector<1x16xf32>,
      %get3A_773 = arith.index_cast %scan3A_761 : i32 to index
      %get3A_774 = arith.constant 16 : index
      %get3A_775 = tpu.vector_load %arg10[%get3A_773, %get3A_774] {strides = array<i32>} : memref<80x128xf32, #tpu.memory_space<vmem>>, vector<1x16xf32>,
      %get3A_776 = vector.shape_cast %get3A_775 : vector<1x16xf32> to vector<16xf32>
      %mul3A_777 = arith.constant 5.000000e-01 : f32
      %mul3A_778 = vector.broadcast %mul3A_777 : f32 to vector<16xf32>
      %mul3A_779 = arith.mulf %get3A_776, %mul3A_778 : vector<16xf32>
      %swap3A_780 = arith.index_cast %scan3A_761 : i32 to index
      %swap3A_781 = arith.constant 16 : index
      %swap3A_782 = tpu.vector_load %arg10[%swap3A_780, %swap3A_781] {strides = array<i32>} : memref<80x128xf32, #tpu.memory_space<vmem>>, vector<1x16xf32>,
      %swap3A_783 = vector.shape_cast %swap3A_782 : vector<1x16xf32> to vector<16xf32>
      %swap3A_784 = vector.shape_cast %mul3A_779 : vector<16xf32> to vector<1x16xf32>
      tpu.vector_store %arg10[%swap3A_780, %swap3A_781], %swap3A_784 {strides = array<i32>} : memref<80x128xf32, #tpu.memory_space<vmem>>, vector<1x16xf32>,
      %get3A_785 = arith.index_cast %scan3A_761 : i32 to index
      %get3A_786 = arith.constant 32 : index
      %get3A_787 = tpu.vector_load %arg10[%get3A_785, %get3A_786] {strides = array<i32>} : memref<80x128xf32, #tpu.memory_space<vmem>>, vector<1x16xf32>,
      %get3A_788 = vector.shape_cast %get3A_787 : vector<1x16xf32> to vector<16xf32>
      %mul3A_789 = arith.constant 5.000000e-01 : f32
      %mul3A_790 = vector.broadcast %mul3A_789 : f32 to vector<16xf32>
      %mul3A_791 = arith.mulf %get3A_788, %mul3A_790 : vector<16xf32>
      %swap3A_792 = arith.index_cast %scan3A_761 : i32 to index
      %swap3A_793 = arith.constant 32 : index
      %swap3A_794 = tpu.vector_load %arg10[%swap3A_792, %swap3A_793] {strides = array<i32>} : memref<80x128xf32, #tpu.memory_space<vmem>>, vector<1x16xf32>,
      %swap3A_795 = vector.shape_cast %swap3A_794 : vector<1x16xf32> to vector<16xf32>
      %swap3A_796 = vector.shape_cast %mul3A_791 : vector<16xf32> to vector<1x16xf32>
      tpu.vector_store %arg10[%swap3A_792, %swap3A_793], %swap3A_796 {strides = array<i32>} : memref<80x128xf32, #tpu.memory_space<vmem>>, vector<1x16xf32>,
      %get3A_797 = arith.index_cast %scan3A_761 : i32 to index
      %get3A_798 = arith.constant 48 : index
      %get3A_799 = tpu.vector_load %arg10[%get3A_797, %get3A_798] {strides = array<i32>} : memref<80x128xf32, #tpu.memory_space<vmem>>, vector<1x16xf32>,
      %get3A_800 = vector.shape_cast %get3A_799 : vector<1x16xf32> to vector<16xf32>
      %mul3A_801 = arith.constant 5.000000e-01 : f32
      %mul3A_802 = vector.broadcast %mul3A_801 : f32 to vector<16xf32>
      %mul3A_803 = arith.mulf %get3A_800, %mul3A_802 : vector<16xf32>
      %swap3A_804 = arith.index_cast %scan3A_761 : i32 to index
      %swap3A_805 = arith.constant 48 : index
      %swap3A_806 = tpu.vector_load %arg10[%swap3A_804, %swap3A_805] {strides = array<i32>} : memref<80x128xf32, #tpu.memory_space<vmem>>, vector<1x16xf32>,
      %swap3A_807 = vector.shape_cast %swap3A_806 : vector<1x16xf32> to vector<16xf32>
      %swap3A_808 = vector.shape_cast %mul3A_803 : vector<16xf32> to vector<1x16xf32>
      tpu.vector_store %arg10[%swap3A_804, %swap3A_805], %swap3A_808 {strides = array<i32>} : memref<80x128xf32, #tpu.memory_space<vmem>>, vector<1x16xf32>,
      %get3A_809 = arith.index_cast %scan3A_761 : i32 to index
      %get3A_810 = arith.constant 64 : index
      %get3A_811 = tpu.vector_load %arg10[%get3A_809, %get3A_810] {strides = array<i32>} : memref<80x128xf32, #tpu.memory_space<vmem>>, vector<1x16xf32>,
      %get3A_812 = vector.shape_cast %get3A_811 : vector<1x16xf32> to vector<16xf32>
      %mul3A_813 = arith.constant 5.000000e-01 : f32
      %mul3A_814 = vector.broadcast %mul3A_813 : f32 to vector<16xf32>
      %mul3A_815 = arith.mulf %get3A_812, %mul3A_814 : vector<16xf32>
      %swap3A_816 = arith.index_cast %scan3A_761 : i32 to index
      %swap3A_817 = arith.constant 64 : index
      %swap3A_818 = tpu.vector_load %arg10[%swap3A_816, %swap3A_817] {strides = array<i32>} : memref<80x128xf32, #tpu.memory_space<vmem>>, vector<1x16xf32>,
      %swap3A_819 = vector.shape_cast %swap3A_818 : vector<1x16xf32> to vector<16xf32>
      %swap3A_820 = vector.shape_cast %mul3A_815 : vector<16xf32> to vector<1x16xf32>
      tpu.vector_store %arg10[%swap3A_816, %swap3A_817], %swap3A_820 {strides = array<i32>} : memref<80x128xf32, #tpu.memory_space<vmem>>, vector<1x16xf32>,
      %get3A_821 = arith.index_cast %scan3A_761 : i32 to index
      %get3A_822 = arith.constant 80 : index
      %get3A_823 = tpu.vector_load %arg10[%get3A_821, %get3A_822] {strides = array<i32>} : memref<80x128xf32, #tpu.memory_space<vmem>>, vector<1x16xf32>,
      %get3A_824 = vector.shape_cast %get3A_823 : vector<1x16xf32> to vector<16xf32>
      %mul3A_825 = arith.constant 5.000000e-01 : f32
      %mul3A_826 = vector.broadcast %mul3A_825 : f32 to vector<16xf32>
      %mul3A_827 = arith.mulf %get3A_824, %mul3A_826 : vector<16xf32>
      %swap3A_828 = arith.index_cast %scan3A_761 : i32 to index
      %swap3A_829 = arith.constant 80 : index
      %swap3A_830 = tpu.vector_load %arg10[%swap3A_828, %swap3A_829] {strides = array<i32>} : memref<80x128xf32, #tpu.memory_space<vmem>>, vector<1x16xf32>,
      %swap3A_831 = vector.shape_cast %swap3A_830 : vector<1x16xf32> to vector<16xf32>
      %swap3A_832 = vector.shape_cast %mul3A_827 : vector<16xf32> to vector<1x16xf32>
      tpu.vector_store %arg10[%swap3A_828, %swap3A_829], %swap3A_832 {strides = array<i32>} : memref<80x128xf32, #tpu.memory_space<vmem>>, vector<1x16xf32>,
      %get3A_833 = arith.index_cast %scan3A_761 : i32 to index
      %get3A_834 = arith.constant 96 : index
      %get3A_835 = tpu.vector_load %arg10[%get3A_833, %get3A_834] {strides = array<i32>} : memref<80x128xf32, #tpu.memory_space<vmem>>, vector<1x16xf32>,
      %get3A_836 = vector.shape_cast %get3A_835 : vector<1x16xf32> to vector<16xf32>
      %mul3A_837 = arith.constant 5.000000e-01 : f32
      %mul3A_838 = vector.broadcast %mul3A_837 : f32 to vector<16xf32>
      %mul3A_839 = arith.mulf %get3A_836, %mul3A_838 : vector<16xf32>
      %swap3A_840 = arith.index_cast %scan3A_761 : i32 to index
      %swap3A_841 = arith.constant 96 : index
      %swap3A_842 = tpu.vector_load %arg10[%swap3A_840, %swap3A_841] {strides = array<i32>} : memref<80x128xf32, #tpu.memory_space<vmem>>, vector<1x16xf32>,
      %swap3A_843 = vector.shape_cast %swap3A_842 : vector<1x16xf32> to vector<16xf32>
      %swap3A_844 = vector.shape_cast %mul3A_839 : vector<16xf32> to vector<1x16xf32>
      tpu.vector_store %arg10[%swap3A_840, %swap3A_841], %swap3A_844 {strides = array<i32>} : memref<80x128xf32, #tpu.memory_space<vmem>>, vector<1x16xf32>,
      %get3A_845 = arith.index_cast %scan3A_761 : i32 to index
      %get3A_846 = arith.constant 112 : index
      %get3A_847 = tpu.vector_load %arg10[%get3A_845, %get3A_846] {strides = array<i32>} : memref<80x128xf32, #tpu.memory_space<vmem>>, vector<1x16xf32>,
      %get3A_848 = vector.shape_cast %get3A_847 : vector<1x16xf32> to vector<16xf32>
      %mul3A_849 = arith.constant 5.000000e-01 : f32
      %mul3A_850 = vector.broadcast %mul3A_849 : f32 to vector<16xf32>
      %mul3A_851 = arith.mulf %get3A_848, %mul3A_850 : vector<16xf32>
      %swap3A_852 = arith.index_cast %scan3A_761 : i32 to index
      %swap3A_853 = arith.constant 112 : index
      %swap3A_854 = tpu.vector_load %arg10[%swap3A_852, %swap3A_853] {strides = array<i32>} : memref<80x128xf32, #tpu.memory_space<vmem>>, vector<1x16xf32>,
      %swap3A_855 = vector.shape_cast %swap3A_854 : vector<1x16xf32> to vector<16xf32>
      %swap3A_856 = vector.shape_cast %mul3A_851 : vector<16xf32> to vector<1x16xf32>
      tpu.vector_store %arg10[%swap3A_852, %swap3A_853], %swap3A_856 {strides = array<i32>} : memref<80x128xf32, #tpu.memory_space<vmem>>, vector<1x16xf32>,
      %scan3A_857 = arith.constant 0 : i32
      scf.yield %scan3A_857 : i32
    }
    %scan3A_530 = arith.constant 80 : i32
    %mul3A_531 = arith.constant 10000 : i32
    %mul3A_532 = arith.muli %add3A, %mul3A_531 : i32
    %add3A_533 = arith.constant 340000 : i32
    %add3A_534 = arith.addi %add3A_533, %mul3A_532 : i32
    %add3A_535 = arith.constant 9600 : i32
    %add3A_536 = arith.addi %add3A_534, %add3A_535 : i32
    %dma_start3A_537 = arith.constant 0 : i32
    %dma_start3A_538 = tpu.memref_slice %arg4[%add3A_536, %dma_start3A_537] : memref<660000x128xf32, #tpu.memory_space<hbm>> -> memref<80x128xf32, #tpu.memory_space<hbm>>
    %dma_start3A_539 = arith.constant 0 : i32
    %dma_start3A_540 = tpu.memref_slice %arg4[%add3A_536, %dma_start3A_539] : memref<660000x128xf32, #tpu.memory_space<hbm>> -> memref<80x128xf32, #tpu.memory_space<hbm>>
    tpu.enqueue_dma source(%arg10 : memref<80x128xf32, #tpu.memory_space<vmem>>) target(%dma_start3A_540 : memref<80x128xf32, #tpu.memory_space<hbm>>) target_semaphore(%arg26 : memref<!tpu.dma_semaphore, #tpu.memory_space<semaphore_mem>>)
    %dma_wait3A_541 = arith.constant 0 : i32
    %dma_wait3A_542 = arith.constant 0 : i32
    %dma_wait3A_543 = tpu.memref_slice %arg8[%dma_wait3A_541, %dma_wait3A_542] : memref<2x80xi32, #tpu.memory_space<vmem>> -> memref<1x80xi32, #tpu.memory_space<vmem>>
    %dma_wait3A_544 = tpu.memref_squeeze %dma_wait3A_543 : memref<1x80xi32, #tpu.memory_space<vmem>> -> memref<80xi32, #tpu.memory_space<vmem>>
    %dma_wait3A_545 = arith.constant 0 : i32
    %dma_wait3A_546 = arith.constant 0 : i32
    %dma_wait3A_547 = tpu.memref_slice %arg2[%dma_wait3A_545, %dma_wait3A_546] : memref<20000x128xf32, #tpu.memory_space<hbm>> -> memref<20000x128xf32, #tpu.memory_space<hbm>>
    tpu.wait_indirect_dma semaphore(%arg20 : memref<!tpu.dma_semaphore, #tpu.memory_space<semaphore_mem>>) src(%dma_wait3A_547 : memref<20000x128xf32, #tpu.memory_space<hbm>>) dst(%arg12 : memref<80x128xf32, #tpu.memory_space<vmem>>)
    %dma_start3A_548 = arith.constant 1 : i32
    %dma_start3A_549 = arith.constant 0 : i32
    %dma_start3A_550 = tpu.memref_slice %arg8[%dma_start3A_548, %dma_start3A_549] : memref<2x80xi32, #tpu.memory_space<vmem>> -> memref<1x80xi32, #tpu.memory_space<vmem>>
    %dma_start3A_551 = tpu.memref_squeeze %dma_start3A_550 : memref<1x80xi32, #tpu.memory_space<vmem>> -> memref<80xi32, #tpu.memory_space<vmem>>
    %dma_start3A_552 = arith.constant 0 : i32
    %dma_start3A_553 = arith.constant 0 : i32
    %dma_start3A_554 = tpu.memref_slice %arg2[%dma_start3A_552, %dma_start3A_553] : memref<20000x128xf32, #tpu.memory_space<hbm>> -> memref<20000x128xf32, #tpu.memory_space<hbm>>
    tpu.enqueue_indirect_dma source(%dma_start3A_554 : memref<20000x128xf32, #tpu.memory_space<hbm>>) target(%arg12 : memref<80x128xf32, #tpu.memory_space<vmem>>) offsets(%dma_start3A_551 : memref<80xi32, #tpu.memory_space<vmem>>) semaphore(%arg24 : memref<!tpu.dma_semaphore, #tpu.memory_space<semaphore_mem>>) {add = true}
    %dma_wait3A_555 = arith.constant 1 : i32
    %dma_wait3A_556 = arith.constant 0 : i32
    %dma_wait3A_557 = tpu.memref_slice %arg7[%dma_wait3A_555, %dma_wait3A_556] : memref<2x80xi32, #tpu.memory_space<vmem>> -> memref<1x80xi32, #tpu.memory_space<vmem>>
    %dma_wait3A_558 = tpu.memref_squeeze %dma_wait3A_557 : memref<1x80xi32, #tpu.memory_space<vmem>> -> memref<80xi32, #tpu.memory_space<vmem>>
    %dma_wait3A_559 = arith.constant 0 : i32
    %dma_wait3A_560 = arith.constant 0 : i32
    %dma_wait3A_561 = tpu.memref_slice %arg2[%dma_wait3A_559, %dma_wait3A_560] : memref<20000x128xf32, #tpu.memory_space<hbm>> -> memref<20000x128xf32, #tpu.memory_space<hbm>>
    tpu.wait_indirect_dma semaphore(%arg23 : memref<!tpu.dma_semaphore, #tpu.memory_space<semaphore_mem>>) src(%dma_wait3A_561 : memref<20000x128xf32, #tpu.memory_space<hbm>>) dst(%arg11 : memref<80x128xf32, #tpu.memory_space<vmem>>)
    %dma_wait3A_562 = arith.constant 0 : i32
    %dma_wait3A_563 = arith.constant 0 : i32
    %dma_wait3A_564 = arith.constant 0 : i32
    %dma_wait3A_565 = tpu.memref_slice %arg3[%dma_wait3A_562, %dma_wait3A_563, %dma_wait3A_564] : memref<8000x2x80xi32, #tpu.memory_space<hbm>> -> memref<1x2x80xi32, #tpu.memory_space<hbm>>
    %dma_wait3A_566 = tpu.memref_squeeze %dma_wait3A_565 : memref<1x2x80xi32, #tpu.memory_space<hbm>> -> memref<2x80xi32, #tpu.memory_space<hbm>>
    %dma_wait3A_567 = arith.constant 0 : i32
    %dma_wait3A_568 = arith.constant 0 : i32
    %dma_wait3A_569 = tpu.memref_slice %arg3[%dma_wait3A_562, %dma_wait3A_567, %dma_wait3A_568] : memref<8000x2x80xi32, #tpu.memory_space<hbm>> -> memref<1x2x80xi32, #tpu.memory_space<hbm>>
    %dma_wait3A_570 = tpu.memref_squeeze %dma_wait3A_569 : memref<1x2x80xi32, #tpu.memory_space<hbm>> -> memref<2x80xi32, #tpu.memory_space<hbm>>
    tpu.wait_dma2 semaphore(%arg13 : memref<!tpu.dma_semaphore, #tpu.memory_space<semaphore_mem>>) src(%dma_wait3A_570 : memref<2x80xi32, #tpu.memory_space<hbm>>) dst(%arg5 : memref<2x80xi32, #tpu.memory_space<vmem>>)
    %dma_wait3A_571 = arith.constant 0 : i32
    %dma_wait3A_572 = arith.constant 0 : i32
    %dma_wait3A_573 = tpu.memref_slice %arg4[%dma_wait3A_571, %dma_wait3A_572] : memref<660000x128xf32, #tpu.memory_space<hbm>> -> memref<80x128xf32, #tpu.memory_space<hbm>>
    %dma_wait3A_574 = arith.constant 0 : i32
    %dma_wait3A_575 = arith.constant 0 : i32
    %dma_wait3A_576 = tpu.memref_slice %arg4[%dma_wait3A_574, %dma_wait3A_575] : memref<660000x128xf32, #tpu.memory_space<hbm>> -> memref<80x128xf32, #tpu.memory_space<hbm>>
    tpu.wait_dma2 semaphore(%arg25 : memref<!tpu.dma_semaphore, #tpu.memory_space<semaphore_mem>>) src(%arg9 : memref<80x128xf32, #tpu.memory_space<vmem>>) dst(%dma_wait3A_576 : memref<80x128xf32, #tpu.memory_space<hbm>>)
    %dma_start3A_577 = arith.constant 0 : i32
    %dma_start3A_578 = arith.constant 0 : i32
    %dma_start3A_579 = tpu.memref_slice %arg5[%dma_start3A_577, %dma_start3A_578] : memref<2x80xi32, #tpu.memory_space<vmem>> -> memref<1x80xi32, #tpu.memory_space<vmem>>
    %dma_start3A_580 = tpu.memref_squeeze %dma_start3A_579 : memref<1x80xi32, #tpu.memory_space<vmem>> -> memref<80xi32, #tpu.memory_space<vmem>>
    %dma_start3A_581 = arith.constant 0 : i32
    %dma_start3A_582 = arith.constant 0 : i32
    %dma_start3A_583 = tpu.memref_slice %arg2[%dma_start3A_581, %dma_start3A_582] : memref<20000x128xf32, #tpu.memory_space<hbm>> -> memref<20000x128xf32, #tpu.memory_space<hbm>>
    tpu.enqueue_indirect_dma source(%dma_start3A_583 : memref<20000x128xf32, #tpu.memory_space<hbm>>) target(%arg9 : memref<80x128xf32, #tpu.memory_space<vmem>>) offsets(%dma_start3A_580 : memref<80xi32, #tpu.memory_space<vmem>>) semaphore(%arg17 : memref<!tpu.dma_semaphore, #tpu.memory_space<semaphore_mem>>)
    %mul3A_584 = arith.constant 125 : i32
    %mul3A_585 = arith.muli %add3A, %mul3A_584 : i32
    %add3A_586 = arith.constant 4000 : i32
    %add3A_587 = arith.addi %add3A_586, %mul3A_585 : i32
    %add3A_588 = arith.constant 124 : i32
    %add3A_589 = arith.addi %add3A_587, %add3A_588 : i32
    %dma_start3A_590 = arith.constant 0 : i32
    %dma_start3A_591 = arith.constant 0 : i32
    %dma_start3A_592 = tpu.memref_slice %arg3[%add3A_589, %dma_start3A_590, %dma_start3A_591] : memref<8000x2x80xi32, #tpu.memory_space<hbm>> -> memref<1x2x80xi32, #tpu.memory_space<hbm>>
    %dma_start3A_593 = tpu.memref_squeeze %dma_start3A_592 : memref<1x2x80xi32, #tpu.memory_space<hbm>> -> memref<2x80xi32, #tpu.memory_space<hbm>>
    %dma_start3A_594 = arith.constant 0 : i32
    %dma_start3A_595 = arith.constant 0 : i32
    %dma_start3A_596 = tpu.memref_slice %arg3[%add3A_589, %dma_start3A_594, %dma_start3A_595] : memref<8000x2x80xi32, #tpu.memory_space<hbm>> -> memref<1x2x80xi32, #tpu.memory_space<hbm>>
    %dma_start3A_597 = tpu.memref_squeeze %dma_start3A_596 : memref<1x2x80xi32, #tpu.memory_space<hbm>> -> memref<2x80xi32, #tpu.memory_space<hbm>>
    tpu.enqueue_dma source(%dma_start3A_597 : memref<2x80xi32, #tpu.memory_space<hbm>>) target(%arg6 : memref<2x80xi32, #tpu.memory_space<vmem>>) target_semaphore(%arg14 : memref<!tpu.dma_semaphore, #tpu.memory_space<semaphore_mem>>)
    %scan3A_598 = arith.constant 0 : i32
    %scan3A_599 = arith.constant 0 : i32
    %scan3A_600 = arith.constant 80 : i32
    %scan3A_601 = arith.addi %scan3A_599, %scan3A_600 : i32
    %scan3A_602 = arith.constant 1 : i32
    %scan3A_603 = scf.for %scan3A_761 = %scan3A_599 to %scan3A_601 step %scan3A_602 iter_args(%scan3A_762 = %scan3A_598) -> (i32)  : i32 {
      %get3A = arith.index_cast %scan3A_761 : i32 to index
      %get3A_763 = arith.constant 0 : index
      %get3A_764 = tpu.vector_load %arg11[%get3A, %get3A_763] {strides = array<i32>} : memref<80x128xf32, #tpu.memory_space<vmem>>, vector<1x16xf32>,
      %get3A_765 = vector.shape_cast %get3A_764 : vector<1x16xf32> to vector<16xf32>
      %mul3A_766 = arith.constant 5.000000e-01 : f32
      %mul3A_767 = vector.broadcast %mul3A_766 : f32 to vector<16xf32>
      %mul3A_768 = arith.mulf %get3A_765, %mul3A_767 : vector<16xf32>
      %swap3A = arith.index_cast %scan3A_761 : i32 to index
      %swap3A_769 = arith.constant 0 : index
      %swap3A_770 = tpu.vector_load %arg11[%swap3A, %swap3A_769] {strides = array<i32>} : memref<80x128xf32, #tpu.memory_space<vmem>>, vector<1x16xf32>,
      %swap3A_771 = vector.shape_cast %swap3A_770 : vector<1x16xf32> to vector<16xf32>
      %swap3A_772 = vector.shape_cast %mul3A_768 : vector<16xf32> to vector<1x16xf32>
      tpu.vector_store %arg11[%swap3A, %swap3A_769], %swap3A_772 {strides = array<i32>} : memref<80x128xf32, #tpu.memory_space<vmem>>, vector<1x16xf32>,
      %get3A_773 = arith.index_cast %scan3A_761 : i32 to index
      %get3A_774 = arith.constant 16 : index
      %get3A_775 = tpu.vector_load %arg11[%get3A_773, %get3A_774] {strides = array<i32>} : memref<80x128xf32, #tpu.memory_space<vmem>>, vector<1x16xf32>,
      %get3A_776 = vector.shape_cast %get3A_775 : vector<1x16xf32> to vector<16xf32>
      %mul3A_777 = arith.constant 5.000000e-01 : f32
      %mul3A_778 = vector.broadcast %mul3A_777 : f32 to vector<16xf32>
      %mul3A_779 = arith.mulf %get3A_776, %mul3A_778 : vector<16xf32>
      %swap3A_780 = arith.index_cast %scan3A_761 : i32 to index
      %swap3A_781 = arith.constant 16 : index
      %swap3A_782 = tpu.vector_load %arg11[%swap3A_780, %swap3A_781] {strides = array<i32>} : memref<80x128xf32, #tpu.memory_space<vmem>>, vector<1x16xf32>,
      %swap3A_783 = vector.shape_cast %swap3A_782 : vector<1x16xf32> to vector<16xf32>
      %swap3A_784 = vector.shape_cast %mul3A_779 : vector<16xf32> to vector<1x16xf32>
      tpu.vector_store %arg11[%swap3A_780, %swap3A_781], %swap3A_784 {strides = array<i32>} : memref<80x128xf32, #tpu.memory_space<vmem>>, vector<1x16xf32>,
      %get3A_785 = arith.index_cast %scan3A_761 : i32 to index
      %get3A_786 = arith.constant 32 : index
      %get3A_787 = tpu.vector_load %arg11[%get3A_785, %get3A_786] {strides = array<i32>} : memref<80x128xf32, #tpu.memory_space<vmem>>, vector<1x16xf32>,
      %get3A_788 = vector.shape_cast %get3A_787 : vector<1x16xf32> to vector<16xf32>
      %mul3A_789 = arith.constant 5.000000e-01 : f32
      %mul3A_790 = vector.broadcast %mul3A_789 : f32 to vector<16xf32>
      %mul3A_791 = arith.mulf %get3A_788, %mul3A_790 : vector<16xf32>
      %swap3A_792 = arith.index_cast %scan3A_761 : i32 to index
      %swap3A_793 = arith.constant 32 : index
      %swap3A_794 = tpu.vector_load %arg11[%swap3A_792, %swap3A_793] {strides = array<i32>} : memref<80x128xf32, #tpu.memory_space<vmem>>, vector<1x16xf32>,
      %swap3A_795 = vector.shape_cast %swap3A_794 : vector<1x16xf32> to vector<16xf32>
      %swap3A_796 = vector.shape_cast %mul3A_791 : vector<16xf32> to vector<1x16xf32>
      tpu.vector_store %arg11[%swap3A_792, %swap3A_793], %swap3A_796 {strides = array<i32>} : memref<80x128xf32, #tpu.memory_space<vmem>>, vector<1x16xf32>,
      %get3A_797 = arith.index_cast %scan3A_761 : i32 to index
      %get3A_798 = arith.constant 48 : index
      %get3A_799 = tpu.vector_load %arg11[%get3A_797, %get3A_798] {strides = array<i32>} : memref<80x128xf32, #tpu.memory_space<vmem>>, vector<1x16xf32>,
      %get3A_800 = vector.shape_cast %get3A_799 : vector<1x16xf32> to vector<16xf32>
      %mul3A_801 = arith.constant 5.000000e-01 : f32
      %mul3A_802 = vector.broadcast %mul3A_801 : f32 to vector<16xf32>
      %mul3A_803 = arith.mulf %get3A_800, %mul3A_802 : vector<16xf32>
      %swap3A_804 = arith.index_cast %scan3A_761 : i32 to index
      %swap3A_805 = arith.constant 48 : index
      %swap3A_806 = tpu.vector_load %arg11[%swap3A_804, %swap3A_805] {strides = array<i32>} : memref<80x128xf32, #tpu.memory_space<vmem>>, vector<1x16xf32>,
      %swap3A_807 = vector.shape_cast %swap3A_806 : vector<1x16xf32> to vector<16xf32>
      %swap3A_808 = vector.shape_cast %mul3A_803 : vector<16xf32> to vector<1x16xf32>
      tpu.vector_store %arg11[%swap3A_804, %swap3A_805], %swap3A_808 {strides = array<i32>} : memref<80x128xf32, #tpu.memory_space<vmem>>, vector<1x16xf32>,
      %get3A_809 = arith.index_cast %scan3A_761 : i32 to index
      %get3A_810 = arith.constant 64 : index
      %get3A_811 = tpu.vector_load %arg11[%get3A_809, %get3A_810] {strides = array<i32>} : memref<80x128xf32, #tpu.memory_space<vmem>>, vector<1x16xf32>,
      %get3A_812 = vector.shape_cast %get3A_811 : vector<1x16xf32> to vector<16xf32>
      %mul3A_813 = arith.constant 5.000000e-01 : f32
      %mul3A_814 = vector.broadcast %mul3A_813 : f32 to vector<16xf32>
      %mul3A_815 = arith.mulf %get3A_812, %mul3A_814 : vector<16xf32>
      %swap3A_816 = arith.index_cast %scan3A_761 : i32 to index
      %swap3A_817 = arith.constant 64 : index
      %swap3A_818 = tpu.vector_load %arg11[%swap3A_816, %swap3A_817] {strides = array<i32>} : memref<80x128xf32, #tpu.memory_space<vmem>>, vector<1x16xf32>,
      %swap3A_819 = vector.shape_cast %swap3A_818 : vector<1x16xf32> to vector<16xf32>
      %swap3A_820 = vector.shape_cast %mul3A_815 : vector<16xf32> to vector<1x16xf32>
      tpu.vector_store %arg11[%swap3A_816, %swap3A_817], %swap3A_820 {strides = array<i32>} : memref<80x128xf32, #tpu.memory_space<vmem>>, vector<1x16xf32>,
      %get3A_821 = arith.index_cast %scan3A_761 : i32 to index
      %get3A_822 = arith.constant 80 : index
      %get3A_823 = tpu.vector_load %arg11[%get3A_821, %get3A_822] {strides = array<i32>} : memref<80x128xf32, #tpu.memory_space<vmem>>, vector<1x16xf32>,
      %get3A_824 = vector.shape_cast %get3A_823 : vector<1x16xf32> to vector<16xf32>
      %mul3A_825 = arith.constant 5.000000e-01 : f32
      %mul3A_826 = vector.broadcast %mul3A_825 : f32 to vector<16xf32>
      %mul3A_827 = arith.mulf %get3A_824, %mul3A_826 : vector<16xf32>
      %swap3A_828 = arith.index_cast %scan3A_761 : i32 to index
      %swap3A_829 = arith.constant 80 : index
      %swap3A_830 = tpu.vector_load %arg11[%swap3A_828, %swap3A_829] {strides = array<i32>} : memref<80x128xf32, #tpu.memory_space<vmem>>, vector<1x16xf32>,
      %swap3A_831 = vector.shape_cast %swap3A_830 : vector<1x16xf32> to vector<16xf32>
      %swap3A_832 = vector.shape_cast %mul3A_827 : vector<16xf32> to vector<1x16xf32>
      tpu.vector_store %arg11[%swap3A_828, %swap3A_829], %swap3A_832 {strides = array<i32>} : memref<80x128xf32, #tpu.memory_space<vmem>>, vector<1x16xf32>,
      %get3A_833 = arith.index_cast %scan3A_761 : i32 to index
      %get3A_834 = arith.constant 96 : index
      %get3A_835 = tpu.vector_load %arg11[%get3A_833, %get3A_834] {strides = array<i32>} : memref<80x128xf32, #tpu.memory_space<vmem>>, vector<1x16xf32>,
      %get3A_836 = vector.shape_cast %get3A_835 : vector<1x16xf32> to vector<16xf32>
      %mul3A_837 = arith.constant 5.000000e-01 : f32
      %mul3A_838 = vector.broadcast %mul3A_837 : f32 to vector<16xf32>
      %mul3A_839 = arith.mulf %get3A_836, %mul3A_838 : vector<16xf32>
      %swap3A_840 = arith.index_cast %scan3A_761 : i32 to index
      %swap3A_841 = arith.constant 96 : index
      %swap3A_842 = tpu.vector_load %arg11[%swap3A_840, %swap3A_841] {strides = array<i32>} : memref<80x128xf32, #tpu.memory_space<vmem>>, vector<1x16xf32>,
      %swap3A_843 = vector.shape_cast %swap3A_842 : vector<1x16xf32> to vector<16xf32>
      %swap3A_844 = vector.shape_cast %mul3A_839 : vector<16xf32> to vector<1x16xf32>
      tpu.vector_store %arg11[%swap3A_840, %swap3A_841], %swap3A_844 {strides = array<i32>} : memref<80x128xf32, #tpu.memory_space<vmem>>, vector<1x16xf32>,
      %get3A_845 = arith.index_cast %scan3A_761 : i32 to index
      %get3A_846 = arith.constant 112 : index
      %get3A_847 = tpu.vector_load %arg11[%get3A_845, %get3A_846] {strides = array<i32>} : memref<80x128xf32, #tpu.memory_space<vmem>>, vector<1x16xf32>,
      %get3A_848 = vector.shape_cast %get3A_847 : vector<1x16xf32> to vector<16xf32>
      %mul3A_849 = arith.constant 5.000000e-01 : f32
      %mul3A_850 = vector.broadcast %mul3A_849 : f32 to vector<16xf32>
      %mul3A_851 = arith.mulf %get3A_848, %mul3A_850 : vector<16xf32>
      %swap3A_852 = arith.index_cast %scan3A_761 : i32 to index
      %swap3A_853 = arith.constant 112 : index
      %swap3A_854 = tpu.vector_load %arg11[%swap3A_852, %swap3A_853] {strides = array<i32>} : memref<80x128xf32, #tpu.memory_space<vmem>>, vector<1x16xf32>,
      %swap3A_855 = vector.shape_cast %swap3A_854 : vector<1x16xf32> to vector<16xf32>
      %swap3A_856 = vector.shape_cast %mul3A_851 : vector<16xf32> to vector<1x16xf32>
      tpu.vector_store %arg11[%swap3A_852, %swap3A_853], %swap3A_856 {strides = array<i32>} : memref<80x128xf32, #tpu.memory_space<vmem>>, vector<1x16xf32>,
      %scan3A_857 = arith.constant 0 : i32
      scf.yield %scan3A_857 : i32
    }
    %scan3A_604 = arith.constant 80 : i32
    %mul3A_605 = arith.constant 10000 : i32
    %mul3A_606 = arith.muli %add3A, %mul3A_605 : i32
    %add3A_607 = arith.constant 340000 : i32
    %add3A_608 = arith.addi %add3A_607, %mul3A_606 : i32
    %add3A_609 = arith.constant 9680 : i32
    %add3A_610 = arith.addi %add3A_608, %add3A_609 : i32
    %dma_start3A_611 = arith.constant 0 : i32
    %dma_start3A_612 = tpu.memref_slice %arg4[%add3A_610, %dma_start3A_611] : memref<660000x128xf32, #tpu.memory_space<hbm>> -> memref<80x128xf32, #tpu.memory_space<hbm>>
    %dma_start3A_613 = arith.constant 0 : i32
    %dma_start3A_614 = tpu.memref_slice %arg4[%add3A_610, %dma_start3A_613] : memref<660000x128xf32, #tpu.memory_space<hbm>> -> memref<80x128xf32, #tpu.memory_space<hbm>>
    tpu.enqueue_dma source(%arg11 : memref<80x128xf32, #tpu.memory_space<vmem>>) target(%dma_start3A_614 : memref<80x128xf32, #tpu.memory_space<hbm>>) target_semaphore(%arg27 : memref<!tpu.dma_semaphore, #tpu.memory_space<semaphore_mem>>)
    %dma_wait3A_615 = arith.constant 0 : i32
    %dma_wait3A_616 = arith.constant 0 : i32
    %dma_wait3A_617 = tpu.memref_slice %arg5[%dma_wait3A_615, %dma_wait3A_616] : memref<2x80xi32, #tpu.memory_space<vmem>> -> memref<1x80xi32, #tpu.memory_space<vmem>>
    %dma_wait3A_618 = tpu.memref_squeeze %dma_wait3A_617 : memref<1x80xi32, #tpu.memory_space<vmem>> -> memref<80xi32, #tpu.memory_space<vmem>>
    %dma_wait3A_619 = arith.constant 0 : i32
    %dma_wait3A_620 = arith.constant 0 : i32
    %dma_wait3A_621 = tpu.memref_slice %arg2[%dma_wait3A_619, %dma_wait3A_620] : memref<20000x128xf32, #tpu.memory_space<hbm>> -> memref<20000x128xf32, #tpu.memory_space<hbm>>
    tpu.wait_indirect_dma semaphore(%arg17 : memref<!tpu.dma_semaphore, #tpu.memory_space<semaphore_mem>>) src(%dma_wait3A_621 : memref<20000x128xf32, #tpu.memory_space<hbm>>) dst(%arg9 : memref<80x128xf32, #tpu.memory_space<vmem>>)
    %dma_start3A_622 = arith.constant 1 : i32
    %dma_start3A_623 = arith.constant 0 : i32
    %dma_start3A_624 = tpu.memref_slice %arg5[%dma_start3A_622, %dma_start3A_623] : memref<2x80xi32, #tpu.memory_space<vmem>> -> memref<1x80xi32, #tpu.memory_space<vmem>>
    %dma_start3A_625 = tpu.memref_squeeze %dma_start3A_624 : memref<1x80xi32, #tpu.memory_space<vmem>> -> memref<80xi32, #tpu.memory_space<vmem>>
    %dma_start3A_626 = arith.constant 0 : i32
    %dma_start3A_627 = arith.constant 0 : i32
    %dma_start3A_628 = tpu.memref_slice %arg2[%dma_start3A_626, %dma_start3A_627] : memref<20000x128xf32, #tpu.memory_space<hbm>> -> memref<20000x128xf32, #tpu.memory_space<hbm>>
    tpu.enqueue_indirect_dma source(%dma_start3A_628 : memref<20000x128xf32, #tpu.memory_space<hbm>>) target(%arg9 : memref<80x128xf32, #tpu.memory_space<vmem>>) offsets(%dma_start3A_625 : memref<80xi32, #tpu.memory_space<vmem>>) semaphore(%arg21 : memref<!tpu.dma_semaphore, #tpu.memory_space<semaphore_mem>>) {add = true}
    %dma_wait3A_629 = arith.constant 1 : i32
    %dma_wait3A_630 = arith.constant 0 : i32
    %dma_wait3A_631 = tpu.memref_slice %arg8[%dma_wait3A_629, %dma_wait3A_630] : memref<2x80xi32, #tpu.memory_space<vmem>> -> memref<1x80xi32, #tpu.memory_space<vmem>>
    %dma_wait3A_632 = tpu.memref_squeeze %dma_wait3A_631 : memref<1x80xi32, #tpu.memory_space<vmem>> -> memref<80xi32, #tpu.memory_space<vmem>>
    %dma_wait3A_633 = arith.constant 0 : i32
    %dma_wait3A_634 = arith.constant 0 : i32
    %dma_wait3A_635 = tpu.memref_slice %arg2[%dma_wait3A_633, %dma_wait3A_634] : memref<20000x128xf32, #tpu.memory_space<hbm>> -> memref<20000x128xf32, #tpu.memory_space<hbm>>
    tpu.wait_indirect_dma semaphore(%arg24 : memref<!tpu.dma_semaphore, #tpu.memory_space<semaphore_mem>>) src(%dma_wait3A_635 : memref<20000x128xf32, #tpu.memory_space<hbm>>) dst(%arg12 : memref<80x128xf32, #tpu.memory_space<vmem>>)
    %dma_wait3A_636 = arith.constant 0 : i32
    %dma_wait3A_637 = arith.constant 0 : i32
    %dma_wait3A_638 = arith.constant 0 : i32
    %dma_wait3A_639 = tpu.memref_slice %arg3[%dma_wait3A_636, %dma_wait3A_637, %dma_wait3A_638] : memref<8000x2x80xi32, #tpu.memory_space<hbm>> -> memref<1x2x80xi32, #tpu.memory_space<hbm>>
    %dma_wait3A_640 = tpu.memref_squeeze %dma_wait3A_639 : memref<1x2x80xi32, #tpu.memory_space<hbm>> -> memref<2x80xi32, #tpu.memory_space<hbm>>
    %dma_wait3A_641 = arith.constant 0 : i32
    %dma_wait3A_642 = arith.constant 0 : i32
    %dma_wait3A_643 = tpu.memref_slice %arg3[%dma_wait3A_636, %dma_wait3A_641, %dma_wait3A_642] : memref<8000x2x80xi32, #tpu.memory_space<hbm>> -> memref<1x2x80xi32, #tpu.memory_space<hbm>>
    %dma_wait3A_644 = tpu.memref_squeeze %dma_wait3A_643 : memref<1x2x80xi32, #tpu.memory_space<hbm>> -> memref<2x80xi32, #tpu.memory_space<hbm>>
    tpu.wait_dma2 semaphore(%arg14 : memref<!tpu.dma_semaphore, #tpu.memory_space<semaphore_mem>>) src(%dma_wait3A_644 : memref<2x80xi32, #tpu.memory_space<hbm>>) dst(%arg6 : memref<2x80xi32, #tpu.memory_space<vmem>>)
    %dma_wait3A_645 = arith.constant 0 : i32
    %dma_wait3A_646 = arith.constant 0 : i32
    %dma_wait3A_647 = tpu.memref_slice %arg4[%dma_wait3A_645, %dma_wait3A_646] : memref<660000x128xf32, #tpu.memory_space<hbm>> -> memref<80x128xf32, #tpu.memory_space<hbm>>
    %dma_wait3A_648 = arith.constant 0 : i32
    %dma_wait3A_649 = arith.constant 0 : i32
    %dma_wait3A_650 = tpu.memref_slice %arg4[%dma_wait3A_648, %dma_wait3A_649] : memref<660000x128xf32, #tpu.memory_space<hbm>> -> memref<80x128xf32, #tpu.memory_space<hbm>>
    tpu.wait_dma2 semaphore(%arg26 : memref<!tpu.dma_semaphore, #tpu.memory_space<semaphore_mem>>) src(%arg10 : memref<80x128xf32, #tpu.memory_space<vmem>>) dst(%dma_wait3A_650 : memref<80x128xf32, #tpu.memory_space<hbm>>)
    %dma_start3A_651 = arith.constant 0 : i32
    %dma_start3A_652 = arith.constant 0 : i32
    %dma_start3A_653 = tpu.memref_slice %arg6[%dma_start3A_651, %dma_start3A_652] : memref<2x80xi32, #tpu.memory_space<vmem>> -> memref<1x80xi32, #tpu.memory_space<vmem>>
    %dma_start3A_654 = tpu.memref_squeeze %dma_start3A_653 : memref<1x80xi32, #tpu.memory_space<vmem>> -> memref<80xi32, #tpu.memory_space<vmem>>
    %dma_start3A_655 = arith.constant 0 : i32
    %dma_start3A_656 = arith.constant 0 : i32
    %dma_start3A_657 = tpu.memref_slice %arg2[%dma_start3A_655, %dma_start3A_656] : memref<20000x128xf32, #tpu.memory_space<hbm>> -> memref<20000x128xf32, #tpu.memory_space<hbm>>
    tpu.enqueue_indirect_dma source(%dma_start3A_657 : memref<20000x128xf32, #tpu.memory_space<hbm>>) target(%arg10 : memref<80x128xf32, #tpu.memory_space<vmem>>) offsets(%dma_start3A_654 : memref<80xi32, #tpu.memory_space<vmem>>) semaphore(%arg18 : memref<!tpu.dma_semaphore, #tpu.memory_space<semaphore_mem>>)
    %scan3A_658 = arith.constant 0 : i32
    %scan3A_659 = arith.constant 0 : i32
    %scan3A_660 = arith.constant 80 : i32
    %scan3A_661 = arith.addi %scan3A_659, %scan3A_660 : i32
    %scan3A_662 = arith.constant 1 : i32
    %scan3A_663 = scf.for %scan3A_761 = %scan3A_659 to %scan3A_661 step %scan3A_662 iter_args(%scan3A_762 = %scan3A_658) -> (i32)  : i32 {
      %get3A = arith.index_cast %scan3A_761 : i32 to index
      %get3A_763 = arith.constant 0 : index
      %get3A_764 = tpu.vector_load %arg12[%get3A, %get3A_763] {strides = array<i32>} : memref<80x128xf32, #tpu.memory_space<vmem>>, vector<1x16xf32>,
      %get3A_765 = vector.shape_cast %get3A_764 : vector<1x16xf32> to vector<16xf32>
      %mul3A_766 = arith.constant 5.000000e-01 : f32
      %mul3A_767 = vector.broadcast %mul3A_766 : f32 to vector<16xf32>
      %mul3A_768 = arith.mulf %get3A_765, %mul3A_767 : vector<16xf32>
      %swap3A = arith.index_cast %scan3A_761 : i32 to index
      %swap3A_769 = arith.constant 0 : index
      %swap3A_770 = tpu.vector_load %arg12[%swap3A, %swap3A_769] {strides = array<i32>} : memref<80x128xf32, #tpu.memory_space<vmem>>, vector<1x16xf32>,
      %swap3A_771 = vector.shape_cast %swap3A_770 : vector<1x16xf32> to vector<16xf32>
      %swap3A_772 = vector.shape_cast %mul3A_768 : vector<16xf32> to vector<1x16xf32>
      tpu.vector_store %arg12[%swap3A, %swap3A_769], %swap3A_772 {strides = array<i32>} : memref<80x128xf32, #tpu.memory_space<vmem>>, vector<1x16xf32>,
      %get3A_773 = arith.index_cast %scan3A_761 : i32 to index
      %get3A_774 = arith.constant 16 : index
      %get3A_775 = tpu.vector_load %arg12[%get3A_773, %get3A_774] {strides = array<i32>} : memref<80x128xf32, #tpu.memory_space<vmem>>, vector<1x16xf32>,
      %get3A_776 = vector.shape_cast %get3A_775 : vector<1x16xf32> to vector<16xf32>
      %mul3A_777 = arith.constant 5.000000e-01 : f32
      %mul3A_778 = vector.broadcast %mul3A_777 : f32 to vector<16xf32>
      %mul3A_779 = arith.mulf %get3A_776, %mul3A_778 : vector<16xf32>
      %swap3A_780 = arith.index_cast %scan3A_761 : i32 to index
      %swap3A_781 = arith.constant 16 : index
      %swap3A_782 = tpu.vector_load %arg12[%swap3A_780, %swap3A_781] {strides = array<i32>} : memref<80x128xf32, #tpu.memory_space<vmem>>, vector<1x16xf32>,
      %swap3A_783 = vector.shape_cast %swap3A_782 : vector<1x16xf32> to vector<16xf32>
      %swap3A_784 = vector.shape_cast %mul3A_779 : vector<16xf32> to vector<1x16xf32>
      tpu.vector_store %arg12[%swap3A_780, %swap3A_781], %swap3A_784 {strides = array<i32>} : memref<80x128xf32, #tpu.memory_space<vmem>>, vector<1x16xf32>,
      %get3A_785 = arith.index_cast %scan3A_761 : i32 to index
      %get3A_786 = arith.constant 32 : index
      %get3A_787 = tpu.vector_load %arg12[%get3A_785, %get3A_786] {strides = array<i32>} : memref<80x128xf32, #tpu.memory_space<vmem>>, vector<1x16xf32>,
      %get3A_788 = vector.shape_cast %get3A_787 : vector<1x16xf32> to vector<16xf32>
      %mul3A_789 = arith.constant 5.000000e-01 : f32
      %mul3A_790 = vector.broadcast %mul3A_789 : f32 to vector<16xf32>
      %mul3A_791 = arith.mulf %get3A_788, %mul3A_790 : vector<16xf32>
      %swap3A_792 = arith.index_cast %scan3A_761 : i32 to index
      %swap3A_793 = arith.constant 32 : index
      %swap3A_794 = tpu.vector_load %arg12[%swap3A_792, %swap3A_793] {strides = array<i32>} : memref<80x128xf32, #tpu.memory_space<vmem>>, vector<1x16xf32>,
      %swap3A_795 = vector.shape_cast %swap3A_794 : vector<1x16xf32> to vector<16xf32>
      %swap3A_796 = vector.shape_cast %mul3A_791 : vector<16xf32> to vector<1x16xf32>
      tpu.vector_store %arg12[%swap3A_792, %swap3A_793], %swap3A_796 {strides = array<i32>} : memref<80x128xf32, #tpu.memory_space<vmem>>, vector<1x16xf32>,
      %get3A_797 = arith.index_cast %scan3A_761 : i32 to index
      %get3A_798 = arith.constant 48 : index
      %get3A_799 = tpu.vector_load %arg12[%get3A_797, %get3A_798] {strides = array<i32>} : memref<80x128xf32, #tpu.memory_space<vmem>>, vector<1x16xf32>,
      %get3A_800 = vector.shape_cast %get3A_799 : vector<1x16xf32> to vector<16xf32>
      %mul3A_801 = arith.constant 5.000000e-01 : f32
      %mul3A_802 = vector.broadcast %mul3A_801 : f32 to vector<16xf32>
      %mul3A_803 = arith.mulf %get3A_800, %mul3A_802 : vector<16xf32>
      %swap3A_804 = arith.index_cast %scan3A_761 : i32 to index
      %swap3A_805 = arith.constant 48 : index
      %swap3A_806 = tpu.vector_load %arg12[%swap3A_804, %swap3A_805] {strides = array<i32>} : memref<80x128xf32, #tpu.memory_space<vmem>>, vector<1x16xf32>,
      %swap3A_807 = vector.shape_cast %swap3A_806 : vector<1x16xf32> to vector<16xf32>
      %swap3A_808 = vector.shape_cast %mul3A_803 : vector<16xf32> to vector<1x16xf32>
      tpu.vector_store %arg12[%swap3A_804, %swap3A_805], %swap3A_808 {strides = array<i32>} : memref<80x128xf32, #tpu.memory_space<vmem>>, vector<1x16xf32>,
      %get3A_809 = arith.index_cast %scan3A_761 : i32 to index
      %get3A_810 = arith.constant 64 : index
      %get3A_811 = tpu.vector_load %arg12[%get3A_809, %get3A_810] {strides = array<i32>} : memref<80x128xf32, #tpu.memory_space<vmem>>, vector<1x16xf32>,
      %get3A_812 = vector.shape_cast %get3A_811 : vector<1x16xf32> to vector<16xf32>
      %mul3A_813 = arith.constant 5.000000e-01 : f32
      %mul3A_814 = vector.broadcast %mul3A_813 : f32 to vector<16xf32>
      %mul3A_815 = arith.mulf %get3A_812, %mul3A_814 : vector<16xf32>
      %swap3A_816 = arith.index_cast %scan3A_761 : i32 to index
      %swap3A_817 = arith.constant 64 : index
      %swap3A_818 = tpu.vector_load %arg12[%swap3A_816, %swap3A_817] {strides = array<i32>} : memref<80x128xf32, #tpu.memory_space<vmem>>, vector<1x16xf32>,
      %swap3A_819 = vector.shape_cast %swap3A_818 : vector<1x16xf32> to vector<16xf32>
      %swap3A_820 = vector.shape_cast %mul3A_815 : vector<16xf32> to vector<1x16xf32>
      tpu.vector_store %arg12[%swap3A_816, %swap3A_817], %swap3A_820 {strides = array<i32>} : memref<80x128xf32, #tpu.memory_space<vmem>>, vector<1x16xf32>,
      %get3A_821 = arith.index_cast %scan3A_761 : i32 to index
      %get3A_822 = arith.constant 80 : index
      %get3A_823 = tpu.vector_load %arg12[%get3A_821, %get3A_822] {strides = array<i32>} : memref<80x128xf32, #tpu.memory_space<vmem>>, vector<1x16xf32>,
      %get3A_824 = vector.shape_cast %get3A_823 : vector<1x16xf32> to vector<16xf32>
      %mul3A_825 = arith.constant 5.000000e-01 : f32
      %mul3A_826 = vector.broadcast %mul3A_825 : f32 to vector<16xf32>
      %mul3A_827 = arith.mulf %get3A_824, %mul3A_826 : vector<16xf32>
      %swap3A_828 = arith.index_cast %scan3A_761 : i32 to index
      %swap3A_829 = arith.constant 80 : index
      %swap3A_830 = tpu.vector_load %arg12[%swap3A_828, %swap3A_829] {strides = array<i32>} : memref<80x128xf32, #tpu.memory_space<vmem>>, vector<1x16xf32>,
      %swap3A_831 = vector.shape_cast %swap3A_830 : vector<1x16xf32> to vector<16xf32>
      %swap3A_832 = vector.shape_cast %mul3A_827 : vector<16xf32> to vector<1x16xf32>
      tpu.vector_store %arg12[%swap3A_828, %swap3A_829], %swap3A_832 {strides = array<i32>} : memref<80x128xf32, #tpu.memory_space<vmem>>, vector<1x16xf32>,
      %get3A_833 = arith.index_cast %scan3A_761 : i32 to index
      %get3A_834 = arith.constant 96 : index
      %get3A_835 = tpu.vector_load %arg12[%get3A_833, %get3A_834] {strides = array<i32>} : memref<80x128xf32, #tpu.memory_space<vmem>>, vector<1x16xf32>,
      %get3A_836 = vector.shape_cast %get3A_835 : vector<1x16xf32> to vector<16xf32>
      %mul3A_837 = arith.constant 5.000000e-01 : f32
      %mul3A_838 = vector.broadcast %mul3A_837 : f32 to vector<16xf32>
      %mul3A_839 = arith.mulf %get3A_836, %mul3A_838 : vector<16xf32>
      %swap3A_840 = arith.index_cast %scan3A_761 : i32 to index
      %swap3A_841 = arith.constant 96 : index
      %swap3A_842 = tpu.vector_load %arg12[%swap3A_840, %swap3A_841] {strides = array<i32>} : memref<80x128xf32, #tpu.memory_space<vmem>>, vector<1x16xf32>,
      %swap3A_843 = vector.shape_cast %swap3A_842 : vector<1x16xf32> to vector<16xf32>
      %swap3A_844 = vector.shape_cast %mul3A_839 : vector<16xf32> to vector<1x16xf32>
      tpu.vector_store %arg12[%swap3A_840, %swap3A_841], %swap3A_844 {strides = array<i32>} : memref<80x128xf32, #tpu.memory_space<vmem>>, vector<1x16xf32>,
      %get3A_845 = arith.index_cast %scan3A_761 : i32 to index
      %get3A_846 = arith.constant 112 : index
      %get3A_847 = tpu.vector_load %arg12[%get3A_845, %get3A_846] {strides = array<i32>} : memref<80x128xf32, #tpu.memory_space<vmem>>, vector<1x16xf32>,
      %get3A_848 = vector.shape_cast %get3A_847 : vector<1x16xf32> to vector<16xf32>
      %mul3A_849 = arith.constant 5.000000e-01 : f32
      %mul3A_850 = vector.broadcast %mul3A_849 : f32 to vector<16xf32>
      %mul3A_851 = arith.mulf %get3A_848, %mul3A_850 : vector<16xf32>
      %swap3A_852 = arith.index_cast %scan3A_761 : i32 to index
      %swap3A_853 = arith.constant 112 : index
      %swap3A_854 = tpu.vector_load %arg12[%swap3A_852, %swap3A_853] {strides = array<i32>} : memref<80x128xf32, #tpu.memory_space<vmem>>, vector<1x16xf32>,
      %swap3A_855 = vector.shape_cast %swap3A_854 : vector<1x16xf32> to vector<16xf32>
      %swap3A_856 = vector.shape_cast %mul3A_851 : vector<16xf32> to vector<1x16xf32>
      tpu.vector_store %arg12[%swap3A_852, %swap3A_853], %swap3A_856 {strides = array<i32>} : memref<80x128xf32, #tpu.memory_space<vmem>>, vector<1x16xf32>,
      %scan3A_857 = arith.constant 0 : i32
      scf.yield %scan3A_857 : i32
    }
    %scan3A_664 = arith.constant 80 : i32
    %mul3A_665 = arith.constant 10000 : i32
    %mul3A_666 = arith.muli %add3A, %mul3A_665 : i32
    %add3A_667 = arith.constant 340000 : i32
    %add3A_668 = arith.addi %add3A_667, %mul3A_666 : i32
    %add3A_669 = arith.constant 9760 : i32
    %add3A_670 = arith.addi %add3A_668, %add3A_669 : i32
    %dma_start3A_671 = arith.constant 0 : i32
    %dma_start3A_672 = tpu.memref_slice %arg4[%add3A_670, %dma_start3A_671] : memref<660000x128xf32, #tpu.memory_space<hbm>> -> memref<80x128xf32, #tpu.memory_space<hbm>>
    %dma_start3A_673 = arith.constant 0 : i32
    %dma_start3A_674 = tpu.memref_slice %arg4[%add3A_670, %dma_start3A_673] : memref<660000x128xf32, #tpu.memory_space<hbm>> -> memref<80x128xf32, #tpu.memory_space<hbm>>
    tpu.enqueue_dma source(%arg12 : memref<80x128xf32, #tpu.memory_space<vmem>>) target(%dma_start3A_674 : memref<80x128xf32, #tpu.memory_space<hbm>>) target_semaphore(%arg28 : memref<!tpu.dma_semaphore, #tpu.memory_space<semaphore_mem>>)
    %dma_wait3A_675 = arith.constant 0 : i32
    %dma_wait3A_676 = arith.constant 0 : i32
    %dma_wait3A_677 = tpu.memref_slice %arg6[%dma_wait3A_675, %dma_wait3A_676] : memref<2x80xi32, #tpu.memory_space<vmem>> -> memref<1x80xi32, #tpu.memory_space<vmem>>
    %dma_wait3A_678 = tpu.memref_squeeze %dma_wait3A_677 : memref<1x80xi32, #tpu.memory_space<vmem>> -> memref<80xi32, #tpu.memory_space<vmem>>
    %dma_wait3A_679 = arith.constant 0 : i32
    %dma_wait3A_680 = arith.constant 0 : i32
    %dma_wait3A_681 = tpu.memref_slice %arg2[%dma_wait3A_679, %dma_wait3A_680] : memref<20000x128xf32, #tpu.memory_space<hbm>> -> memref<20000x128xf32, #tpu.memory_space<hbm>>
    tpu.wait_indirect_dma semaphore(%arg18 : memref<!tpu.dma_semaphore, #tpu.memory_space<semaphore_mem>>) src(%dma_wait3A_681 : memref<20000x128xf32, #tpu.memory_space<hbm>>) dst(%arg10 : memref<80x128xf32, #tpu.memory_space<vmem>>)
    %dma_start3A_682 = arith.constant 1 : i32
    %dma_start3A_683 = arith.constant 0 : i32
    %dma_start3A_684 = tpu.memref_slice %arg6[%dma_start3A_682, %dma_start3A_683] : memref<2x80xi32, #tpu.memory_space<vmem>> -> memref<1x80xi32, #tpu.memory_space<vmem>>
    %dma_start3A_685 = tpu.memref_squeeze %dma_start3A_684 : memref<1x80xi32, #tpu.memory_space<vmem>> -> memref<80xi32, #tpu.memory_space<vmem>>
    %dma_start3A_686 = arith.constant 0 : i32
    %dma_start3A_687 = arith.constant 0 : i32
    %dma_start3A_688 = tpu.memref_slice %arg2[%dma_start3A_686, %dma_start3A_687] : memref<20000x128xf32, #tpu.memory_space<hbm>> -> memref<20000x128xf32, #tpu.memory_space<hbm>>
    tpu.enqueue_indirect_dma source(%dma_start3A_688 : memref<20000x128xf32, #tpu.memory_space<hbm>>) target(%arg10 : memref<80x128xf32, #tpu.memory_space<vmem>>) offsets(%dma_start3A_685 : memref<80xi32, #tpu.memory_space<vmem>>) semaphore(%arg22 : memref<!tpu.dma_semaphore, #tpu.memory_space<semaphore_mem>>) {add = true}
    %dma_wait3A_689 = arith.constant 1 : i32
    %dma_wait3A_690 = arith.constant 0 : i32
    %dma_wait3A_691 = tpu.memref_slice %arg5[%dma_wait3A_689, %dma_wait3A_690] : memref<2x80xi32, #tpu.memory_space<vmem>> -> memref<1x80xi32, #tpu.memory_space<vmem>>
    %dma_wait3A_692 = tpu.memref_squeeze %dma_wait3A_691 : memref<1x80xi32, #tpu.memory_space<vmem>> -> memref<80xi32, #tpu.memory_space<vmem>>
    %dma_wait3A_693 = arith.constant 0 : i32
    %dma_wait3A_694 = arith.constant 0 : i32
    %dma_wait3A_695 = tpu.memref_slice %arg2[%dma_wait3A_693, %dma_wait3A_694] : memref<20000x128xf32, #tpu.memory_space<hbm>> -> memref<20000x128xf32, #tpu.memory_space<hbm>>
    tpu.wait_indirect_dma semaphore(%arg21 : memref<!tpu.dma_semaphore, #tpu.memory_space<semaphore_mem>>) src(%dma_wait3A_695 : memref<20000x128xf32, #tpu.memory_space<hbm>>) dst(%arg9 : memref<80x128xf32, #tpu.memory_space<vmem>>)
    %scan3A_696 = arith.constant 0 : i32
    %scan3A_697 = arith.constant 0 : i32
    %scan3A_698 = arith.constant 80 : i32
    %scan3A_699 = arith.addi %scan3A_697, %scan3A_698 : i32
    %scan3A_700 = arith.constant 1 : i32
    %scan3A_701 = scf.for %scan3A_761 = %scan3A_697 to %scan3A_699 step %scan3A_700 iter_args(%scan3A_762 = %scan3A_696) -> (i32)  : i32 {
      %get3A = arith.index_cast %scan3A_761 : i32 to index
      %get3A_763 = arith.constant 0 : index
      %get3A_764 = tpu.vector_load %arg9[%get3A, %get3A_763] {strides = array<i32>} : memref<80x128xf32, #tpu.memory_space<vmem>>, vector<1x16xf32>,
      %get3A_765 = vector.shape_cast %get3A_764 : vector<1x16xf32> to vector<16xf32>
      %mul3A_766 = arith.constant 5.000000e-01 : f32
      %mul3A_767 = vector.broadcast %mul3A_766 : f32 to vector<16xf32>
      %mul3A_768 = arith.mulf %get3A_765, %mul3A_767 : vector<16xf32>
      %swap3A = arith.index_cast %scan3A_761 : i32 to index
      %swap3A_769 = arith.constant 0 : index
      %swap3A_770 = tpu.vector_load %arg9[%swap3A, %swap3A_769] {strides = array<i32>} : memref<80x128xf32, #tpu.memory_space<vmem>>, vector<1x16xf32>,
      %swap3A_771 = vector.shape_cast %swap3A_770 : vector<1x16xf32> to vector<16xf32>
      %swap3A_772 = vector.shape_cast %mul3A_768 : vector<16xf32> to vector<1x16xf32>
      tpu.vector_store %arg9[%swap3A, %swap3A_769], %swap3A_772 {strides = array<i32>} : memref<80x128xf32, #tpu.memory_space<vmem>>, vector<1x16xf32>,
      %get3A_773 = arith.index_cast %scan3A_761 : i32 to index
      %get3A_774 = arith.constant 16 : index
      %get3A_775 = tpu.vector_load %arg9[%get3A_773, %get3A_774] {strides = array<i32>} : memref<80x128xf32, #tpu.memory_space<vmem>>, vector<1x16xf32>,
      %get3A_776 = vector.shape_cast %get3A_775 : vector<1x16xf32> to vector<16xf32>
      %mul3A_777 = arith.constant 5.000000e-01 : f32
      %mul3A_778 = vector.broadcast %mul3A_777 : f32 to vector<16xf32>
      %mul3A_779 = arith.mulf %get3A_776, %mul3A_778 : vector<16xf32>
      %swap3A_780 = arith.index_cast %scan3A_761 : i32 to index
      %swap3A_781 = arith.constant 16 : index
      %swap3A_782 = tpu.vector_load %arg9[%swap3A_780, %swap3A_781] {strides = array<i32>} : memref<80x128xf32, #tpu.memory_space<vmem>>, vector<1x16xf32>,
      %swap3A_783 = vector.shape_cast %swap3A_782 : vector<1x16xf32> to vector<16xf32>
      %swap3A_784 = vector.shape_cast %mul3A_779 : vector<16xf32> to vector<1x16xf32>
      tpu.vector_store %arg9[%swap3A_780, %swap3A_781], %swap3A_784 {strides = array<i32>} : memref<80x128xf32, #tpu.memory_space<vmem>>, vector<1x16xf32>,
      %get3A_785 = arith.index_cast %scan3A_761 : i32 to index
      %get3A_786 = arith.constant 32 : index
      %get3A_787 = tpu.vector_load %arg9[%get3A_785, %get3A_786] {strides = array<i32>} : memref<80x128xf32, #tpu.memory_space<vmem>>, vector<1x16xf32>,
      %get3A_788 = vector.shape_cast %get3A_787 : vector<1x16xf32> to vector<16xf32>
      %mul3A_789 = arith.constant 5.000000e-01 : f32
      %mul3A_790 = vector.broadcast %mul3A_789 : f32 to vector<16xf32>
      %mul3A_791 = arith.mulf %get3A_788, %mul3A_790 : vector<16xf32>
      %swap3A_792 = arith.index_cast %scan3A_761 : i32 to index
      %swap3A_793 = arith.constant 32 : index
      %swap3A_794 = tpu.vector_load %arg9[%swap3A_792, %swap3A_793] {strides = array<i32>} : memref<80x128xf32, #tpu.memory_space<vmem>>, vector<1x16xf32>,
      %swap3A_795 = vector.shape_cast %swap3A_794 : vector<1x16xf32> to vector<16xf32>
      %swap3A_796 = vector.shape_cast %mul3A_791 : vector<16xf32> to vector<1x16xf32>
      tpu.vector_store %arg9[%swap3A_792, %swap3A_793], %swap3A_796 {strides = array<i32>} : memref<80x128xf32, #tpu.memory_space<vmem>>, vector<1x16xf32>,
      %get3A_797 = arith.index_cast %scan3A_761 : i32 to index
      %get3A_798 = arith.constant 48 : index
      %get3A_799 = tpu.vector_load %arg9[%get3A_797, %get3A_798] {strides = array<i32>} : memref<80x128xf32, #tpu.memory_space<vmem>>, vector<1x16xf32>,
      %get3A_800 = vector.shape_cast %get3A_799 : vector<1x16xf32> to vector<16xf32>
      %mul3A_801 = arith.constant 5.000000e-01 : f32
      %mul3A_802 = vector.broadcast %mul3A_801 : f32 to vector<16xf32>
      %mul3A_803 = arith.mulf %get3A_800, %mul3A_802 : vector<16xf32>
      %swap3A_804 = arith.index_cast %scan3A_761 : i32 to index
      %swap3A_805 = arith.constant 48 : index
      %swap3A_806 = tpu.vector_load %arg9[%swap3A_804, %swap3A_805] {strides = array<i32>} : memref<80x128xf32, #tpu.memory_space<vmem>>, vector<1x16xf32>,
      %swap3A_807 = vector.shape_cast %swap3A_806 : vector<1x16xf32> to vector<16xf32>
      %swap3A_808 = vector.shape_cast %mul3A_803 : vector<16xf32> to vector<1x16xf32>
      tpu.vector_store %arg9[%swap3A_804, %swap3A_805], %swap3A_808 {strides = array<i32>} : memref<80x128xf32, #tpu.memory_space<vmem>>, vector<1x16xf32>,
      %get3A_809 = arith.index_cast %scan3A_761 : i32 to index
      %get3A_810 = arith.constant 64 : index
      %get3A_811 = tpu.vector_load %arg9[%get3A_809, %get3A_810] {strides = array<i32>} : memref<80x128xf32, #tpu.memory_space<vmem>>, vector<1x16xf32>,
      %get3A_812 = vector.shape_cast %get3A_811 : vector<1x16xf32> to vector<16xf32>
      %mul3A_813 = arith.constant 5.000000e-01 : f32
      %mul3A_814 = vector.broadcast %mul3A_813 : f32 to vector<16xf32>
      %mul3A_815 = arith.mulf %get3A_812, %mul3A_814 : vector<16xf32>
      %swap3A_816 = arith.index_cast %scan3A_761 : i32 to index
      %swap3A_817 = arith.constant 64 : index
      %swap3A_818 = tpu.vector_load %arg9[%swap3A_816, %swap3A_817] {strides = array<i32>} : memref<80x128xf32, #tpu.memory_space<vmem>>, vector<1x16xf32>,
      %swap3A_819 = vector.shape_cast %swap3A_818 : vector<1x16xf32> to vector<16xf32>
      %swap3A_820 = vector.shape_cast %mul3A_815 : vector<16xf32> to vector<1x16xf32>
      tpu.vector_store %arg9[%swap3A_816, %swap3A_817], %swap3A_820 {strides = array<i32>} : memref<80x128xf32, #tpu.memory_space<vmem>>, vector<1x16xf32>,
      %get3A_821 = arith.index_cast %scan3A_761 : i32 to index
      %get3A_822 = arith.constant 80 : index
      %get3A_823 = tpu.vector_load %arg9[%get3A_821, %get3A_822] {strides = array<i32>} : memref<80x128xf32, #tpu.memory_space<vmem>>, vector<1x16xf32>,
      %get3A_824 = vector.shape_cast %get3A_823 : vector<1x16xf32> to vector<16xf32>
      %mul3A_825 = arith.constant 5.000000e-01 : f32
      %mul3A_826 = vector.broadcast %mul3A_825 : f32 to vector<16xf32>
      %mul3A_827 = arith.mulf %get3A_824, %mul3A_826 : vector<16xf32>
      %swap3A_828 = arith.index_cast %scan3A_761 : i32 to index
      %swap3A_829 = arith.constant 80 : index
      %swap3A_830 = tpu.vector_load %arg9[%swap3A_828, %swap3A_829] {strides = array<i32>} : memref<80x128xf32, #tpu.memory_space<vmem>>, vector<1x16xf32>,
      %swap3A_831 = vector.shape_cast %swap3A_830 : vector<1x16xf32> to vector<16xf32>
      %swap3A_832 = vector.shape_cast %mul3A_827 : vector<16xf32> to vector<1x16xf32>
      tpu.vector_store %arg9[%swap3A_828, %swap3A_829], %swap3A_832 {strides = array<i32>} : memref<80x128xf32, #tpu.memory_space<vmem>>, vector<1x16xf32>,
      %get3A_833 = arith.index_cast %scan3A_761 : i32 to index
      %get3A_834 = arith.constant 96 : index
      %get3A_835 = tpu.vector_load %arg9[%get3A_833, %get3A_834] {strides = array<i32>} : memref<80x128xf32, #tpu.memory_space<vmem>>, vector<1x16xf32>,
      %get3A_836 = vector.shape_cast %get3A_835 : vector<1x16xf32> to vector<16xf32>
      %mul3A_837 = arith.constant 5.000000e-01 : f32
      %mul3A_838 = vector.broadcast %mul3A_837 : f32 to vector<16xf32>
      %mul3A_839 = arith.mulf %get3A_836, %mul3A_838 : vector<16xf32>
      %swap3A_840 = arith.index_cast %scan3A_761 : i32 to index
      %swap3A_841 = arith.constant 96 : index
      %swap3A_842 = tpu.vector_load %arg9[%swap3A_840, %swap3A_841] {strides = array<i32>} : memref<80x128xf32, #tpu.memory_space<vmem>>, vector<1x16xf32>,
      %swap3A_843 = vector.shape_cast %swap3A_842 : vector<1x16xf32> to vector<16xf32>
      %swap3A_844 = vector.shape_cast %mul3A_839 : vector<16xf32> to vector<1x16xf32>
      tpu.vector_store %arg9[%swap3A_840, %swap3A_841], %swap3A_844 {strides = array<i32>} : memref<80x128xf32, #tpu.memory_space<vmem>>, vector<1x16xf32>,
      %get3A_845 = arith.index_cast %scan3A_761 : i32 to index
      %get3A_846 = arith.constant 112 : index
      %get3A_847 = tpu.vector_load %arg9[%get3A_845, %get3A_846] {strides = array<i32>} : memref<80x128xf32, #tpu.memory_space<vmem>>, vector<1x16xf32>,
      %get3A_848 = vector.shape_cast %get3A_847 : vector<1x16xf32> to vector<16xf32>
      %mul3A_849 = arith.constant 5.000000e-01 : f32
      %mul3A_850 = vector.broadcast %mul3A_849 : f32 to vector<16xf32>
      %mul3A_851 = arith.mulf %get3A_848, %mul3A_850 : vector<16xf32>
      %swap3A_852 = arith.index_cast %scan3A_761 : i32 to index
      %swap3A_853 = arith.constant 112 : index
      %swap3A_854 = tpu.vector_load %arg9[%swap3A_852, %swap3A_853] {strides = array<i32>} : memref<80x128xf32, #tpu.memory_space<vmem>>, vector<1x16xf32>,
      %swap3A_855 = vector.shape_cast %swap3A_854 : vector<1x16xf32> to vector<16xf32>
      %swap3A_856 = vector.shape_cast %mul3A_851 : vector<16xf32> to vector<1x16xf32>
      tpu.vector_store %arg9[%swap3A_852, %swap3A_853], %swap3A_856 {strides = array<i32>} : memref<80x128xf32, #tpu.memory_space<vmem>>, vector<1x16xf32>,
      %scan3A_857 = arith.constant 0 : i32
      scf.yield %scan3A_857 : i32
    }
    %scan3A_702 = arith.constant 80 : i32
    %mul3A_703 = arith.constant 10000 : i32
    %mul3A_704 = arith.muli %add3A, %mul3A_703 : i32
    %add3A_705 = arith.constant 340000 : i32
    %add3A_706 = arith.addi %add3A_705, %mul3A_704 : i32
    %add3A_707 = arith.constant 9840 : i32
    %add3A_708 = arith.addi %add3A_706, %add3A_707 : i32
    %dma_start3A_709 = arith.constant 0 : i32
    %dma_start3A_710 = tpu.memref_slice %arg4[%add3A_708, %dma_start3A_709] : memref<660000x128xf32, #tpu.memory_space<hbm>> -> memref<80x128xf32, #tpu.memory_space<hbm>>
    %dma_start3A_711 = arith.constant 0 : i32
    %dma_start3A_712 = tpu.memref_slice %arg4[%add3A_708, %dma_start3A_711] : memref<660000x128xf32, #tpu.memory_space<hbm>> -> memref<80x128xf32, #tpu.memory_space<hbm>>
    tpu.enqueue_dma source(%arg9 : memref<80x128xf32, #tpu.memory_space<vmem>>) target(%dma_start3A_712 : memref<80x128xf32, #tpu.memory_space<hbm>>) target_semaphore(%arg25 : memref<!tpu.dma_semaphore, #tpu.memory_space<semaphore_mem>>)
    %dma_wait3A_713 = arith.constant 1 : i32
    %dma_wait3A_714 = arith.constant 0 : i32
    %dma_wait3A_715 = tpu.memref_slice %arg6[%dma_wait3A_713, %dma_wait3A_714] : memref<2x80xi32, #tpu.memory_space<vmem>> -> memref<1x80xi32, #tpu.memory_space<vmem>>
    %dma_wait3A_716 = tpu.memref_squeeze %dma_wait3A_715 : memref<1x80xi32, #tpu.memory_space<vmem>> -> memref<80xi32, #tpu.memory_space<vmem>>
    %dma_wait3A_717 = arith.constant 0 : i32
    %dma_wait3A_718 = arith.constant 0 : i32
    %dma_wait3A_719 = tpu.memref_slice %arg2[%dma_wait3A_717, %dma_wait3A_718] : memref<20000x128xf32, #tpu.memory_space<hbm>> -> memref<20000x128xf32, #tpu.memory_space<hbm>>
    tpu.wait_indirect_dma semaphore(%arg22 : memref<!tpu.dma_semaphore, #tpu.memory_space<semaphore_mem>>) src(%dma_wait3A_719 : memref<20000x128xf32, #tpu.memory_space<hbm>>) dst(%arg10 : memref<80x128xf32, #tpu.memory_space<vmem>>)
    %scan3A_720 = arith.constant 0 : i32
    %scan3A_721 = arith.constant 0 : i32
    %scan3A_722 = arith.constant 80 : i32
    %scan3A_723 = arith.addi %scan3A_721, %scan3A_722 : i32
    %scan3A_724 = arith.constant 1 : i32
    %scan3A_725 = scf.for %scan3A_761 = %scan3A_721 to %scan3A_723 step %scan3A_724 iter_args(%scan3A_762 = %scan3A_720) -> (i32)  : i32 {
      %get3A = arith.index_cast %scan3A_761 : i32 to index
      %get3A_763 = arith.constant 0 : index
      %get3A_764 = tpu.vector_load %arg10[%get3A, %get3A_763] {strides = array<i32>} : memref<80x128xf32, #tpu.memory_space<vmem>>, vector<1x16xf32>,
      %get3A_765 = vector.shape_cast %get3A_764 : vector<1x16xf32> to vector<16xf32>
      %mul3A_766 = arith.constant 5.000000e-01 : f32
      %mul3A_767 = vector.broadcast %mul3A_766 : f32 to vector<16xf32>
      %mul3A_768 = arith.mulf %get3A_765, %mul3A_767 : vector<16xf32>
      %swap3A = arith.index_cast %scan3A_761 : i32 to index
      %swap3A_769 = arith.constant 0 : index
      %swap3A_770 = tpu.vector_load %arg10[%swap3A, %swap3A_769] {strides = array<i32>} : memref<80x128xf32, #tpu.memory_space<vmem>>, vector<1x16xf32>,
      %swap3A_771 = vector.shape_cast %swap3A_770 : vector<1x16xf32> to vector<16xf32>
      %swap3A_772 = vector.shape_cast %mul3A_768 : vector<16xf32> to vector<1x16xf32>
      tpu.vector_store %arg10[%swap3A, %swap3A_769], %swap3A_772 {strides = array<i32>} : memref<80x128xf32, #tpu.memory_space<vmem>>, vector<1x16xf32>,
      %get3A_773 = arith.index_cast %scan3A_761 : i32 to index
      %get3A_774 = arith.constant 16 : index
      %get3A_775 = tpu.vector_load %arg10[%get3A_773, %get3A_774] {strides = array<i32>} : memref<80x128xf32, #tpu.memory_space<vmem>>, vector<1x16xf32>,
      %get3A_776 = vector.shape_cast %get3A_775 : vector<1x16xf32> to vector<16xf32>
      %mul3A_777 = arith.constant 5.000000e-01 : f32
      %mul3A_778 = vector.broadcast %mul3A_777 : f32 to vector<16xf32>
      %mul3A_779 = arith.mulf %get3A_776, %mul3A_778 : vector<16xf32>
      %swap3A_780 = arith.index_cast %scan3A_761 : i32 to index
      %swap3A_781 = arith.constant 16 : index
      %swap3A_782 = tpu.vector_load %arg10[%swap3A_780, %swap3A_781] {strides = array<i32>} : memref<80x128xf32, #tpu.memory_space<vmem>>, vector<1x16xf32>,
      %swap3A_783 = vector.shape_cast %swap3A_782 : vector<1x16xf32> to vector<16xf32>
      %swap3A_784 = vector.shape_cast %mul3A_779 : vector<16xf32> to vector<1x16xf32>
      tpu.vector_store %arg10[%swap3A_780, %swap3A_781], %swap3A_784 {strides = array<i32>} : memref<80x128xf32, #tpu.memory_space<vmem>>, vector<1x16xf32>,
      %get3A_785 = arith.index_cast %scan3A_761 : i32 to index
      %get3A_786 = arith.constant 32 : index
      %get3A_787 = tpu.vector_load %arg10[%get3A_785, %get3A_786] {strides = array<i32>} : memref<80x128xf32, #tpu.memory_space<vmem>>, vector<1x16xf32>,
      %get3A_788 = vector.shape_cast %get3A_787 : vector<1x16xf32> to vector<16xf32>
      %mul3A_789 = arith.constant 5.000000e-01 : f32
      %mul3A_790 = vector.broadcast %mul3A_789 : f32 to vector<16xf32>
      %mul3A_791 = arith.mulf %get3A_788, %mul3A_790 : vector<16xf32>
      %swap3A_792 = arith.index_cast %scan3A_761 : i32 to index
      %swap3A_793 = arith.constant 32 : index
      %swap3A_794 = tpu.vector_load %arg10[%swap3A_792, %swap3A_793] {strides = array<i32>} : memref<80x128xf32, #tpu.memory_space<vmem>>, vector<1x16xf32>,
      %swap3A_795 = vector.shape_cast %swap3A_794 : vector<1x16xf32> to vector<16xf32>
      %swap3A_796 = vector.shape_cast %mul3A_791 : vector<16xf32> to vector<1x16xf32>
      tpu.vector_store %arg10[%swap3A_792, %swap3A_793], %swap3A_796 {strides = array<i32>} : memref<80x128xf32, #tpu.memory_space<vmem>>, vector<1x16xf32>,
      %get3A_797 = arith.index_cast %scan3A_761 : i32 to index
      %get3A_798 = arith.constant 48 : index
      %get3A_799 = tpu.vector_load %arg10[%get3A_797, %get3A_798] {strides = array<i32>} : memref<80x128xf32, #tpu.memory_space<vmem>>, vector<1x16xf32>,
      %get3A_800 = vector.shape_cast %get3A_799 : vector<1x16xf32> to vector<16xf32>
      %mul3A_801 = arith.constant 5.000000e-01 : f32
      %mul3A_802 = vector.broadcast %mul3A_801 : f32 to vector<16xf32>
      %mul3A_803 = arith.mulf %get3A_800, %mul3A_802 : vector<16xf32>
      %swap3A_804 = arith.index_cast %scan3A_761 : i32 to index
      %swap3A_805 = arith.constant 48 : index
      %swap3A_806 = tpu.vector_load %arg10[%swap3A_804, %swap3A_805] {strides = array<i32>} : memref<80x128xf32, #tpu.memory_space<vmem>>, vector<1x16xf32>,
      %swap3A_807 = vector.shape_cast %swap3A_806 : vector<1x16xf32> to vector<16xf32>
      %swap3A_808 = vector.shape_cast %mul3A_803 : vector<16xf32> to vector<1x16xf32>
      tpu.vector_store %arg10[%swap3A_804, %swap3A_805], %swap3A_808 {strides = array<i32>} : memref<80x128xf32, #tpu.memory_space<vmem>>, vector<1x16xf32>,
      %get3A_809 = arith.index_cast %scan3A_761 : i32 to index
      %get3A_810 = arith.constant 64 : index
      %get3A_811 = tpu.vector_load %arg10[%get3A_809, %get3A_810] {strides = array<i32>} : memref<80x128xf32, #tpu.memory_space<vmem>>, vector<1x16xf32>,
      %get3A_812 = vector.shape_cast %get3A_811 : vector<1x16xf32> to vector<16xf32>
      %mul3A_813 = arith.constant 5.000000e-01 : f32
      %mul3A_814 = vector.broadcast %mul3A_813 : f32 to vector<16xf32>
      %mul3A_815 = arith.mulf %get3A_812, %mul3A_814 : vector<16xf32>
      %swap3A_816 = arith.index_cast %scan3A_761 : i32 to index
      %swap3A_817 = arith.constant 64 : index
      %swap3A_818 = tpu.vector_load %arg10[%swap3A_816, %swap3A_817] {strides = array<i32>} : memref<80x128xf32, #tpu.memory_space<vmem>>, vector<1x16xf32>,
      %swap3A_819 = vector.shape_cast %swap3A_818 : vector<1x16xf32> to vector<16xf32>
      %swap3A_820 = vector.shape_cast %mul3A_815 : vector<16xf32> to vector<1x16xf32>
      tpu.vector_store %arg10[%swap3A_816, %swap3A_817], %swap3A_820 {strides = array<i32>} : memref<80x128xf32, #tpu.memory_space<vmem>>, vector<1x16xf32>,
      %get3A_821 = arith.index_cast %scan3A_761 : i32 to index
      %get3A_822 = arith.constant 80 : index
      %get3A_823 = tpu.vector_load %arg10[%get3A_821, %get3A_822] {strides = array<i32>} : memref<80x128xf32, #tpu.memory_space<vmem>>, vector<1x16xf32>,
      %get3A_824 = vector.shape_cast %get3A_823 : vector<1x16xf32> to vector<16xf32>
      %mul3A_825 = arith.constant 5.000000e-01 : f32
      %mul3A_826 = vector.broadcast %mul3A_825 : f32 to vector<16xf32>
      %mul3A_827 = arith.mulf %get3A_824, %mul3A_826 : vector<16xf32>
      %swap3A_828 = arith.index_cast %scan3A_761 : i32 to index
      %swap3A_829 = arith.constant 80 : index
      %swap3A_830 = tpu.vector_load %arg10[%swap3A_828, %swap3A_829] {strides = array<i32>} : memref<80x128xf32, #tpu.memory_space<vmem>>, vector<1x16xf32>,
      %swap3A_831 = vector.shape_cast %swap3A_830 : vector<1x16xf32> to vector<16xf32>
      %swap3A_832 = vector.shape_cast %mul3A_827 : vector<16xf32> to vector<1x16xf32>
      tpu.vector_store %arg10[%swap3A_828, %swap3A_829], %swap3A_832 {strides = array<i32>} : memref<80x128xf32, #tpu.memory_space<vmem>>, vector<1x16xf32>,
      %get3A_833 = arith.index_cast %scan3A_761 : i32 to index
      %get3A_834 = arith.constant 96 : index
      %get3A_835 = tpu.vector_load %arg10[%get3A_833, %get3A_834] {strides = array<i32>} : memref<80x128xf32, #tpu.memory_space<vmem>>, vector<1x16xf32>,
      %get3A_836 = vector.shape_cast %get3A_835 : vector<1x16xf32> to vector<16xf32>
      %mul3A_837 = arith.constant 5.000000e-01 : f32
      %mul3A_838 = vector.broadcast %mul3A_837 : f32 to vector<16xf32>
      %mul3A_839 = arith.mulf %get3A_836, %mul3A_838 : vector<16xf32>
      %swap3A_840 = arith.index_cast %scan3A_761 : i32 to index
      %swap3A_841 = arith.constant 96 : index
      %swap3A_842 = tpu.vector_load %arg10[%swap3A_840, %swap3A_841] {strides = array<i32>} : memref<80x128xf32, #tpu.memory_space<vmem>>, vector<1x16xf32>,
      %swap3A_843 = vector.shape_cast %swap3A_842 : vector<1x16xf32> to vector<16xf32>
      %swap3A_844 = vector.shape_cast %mul3A_839 : vector<16xf32> to vector<1x16xf32>
      tpu.vector_store %arg10[%swap3A_840, %swap3A_841], %swap3A_844 {strides = array<i32>} : memref<80x128xf32, #tpu.memory_space<vmem>>, vector<1x16xf32>,
      %get3A_845 = arith.index_cast %scan3A_761 : i32 to index
      %get3A_846 = arith.constant 112 : index
      %get3A_847 = tpu.vector_load %arg10[%get3A_845, %get3A_846] {strides = array<i32>} : memref<80x128xf32, #tpu.memory_space<vmem>>, vector<1x16xf32>,
      %get3A_848 = vector.shape_cast %get3A_847 : vector<1x16xf32> to vector<16xf32>
      %mul3A_849 = arith.constant 5.000000e-01 : f32
      %mul3A_850 = vector.broadcast %mul3A_849 : f32 to vector<16xf32>
      %mul3A_851 = arith.mulf %get3A_848, %mul3A_850 : vector<16xf32>
      %swap3A_852 = arith.index_cast %scan3A_761 : i32 to index
      %swap3A_853 = arith.constant 112 : index
      %swap3A_854 = tpu.vector_load %arg10[%swap3A_852, %swap3A_853] {strides = array<i32>} : memref<80x128xf32, #tpu.memory_space<vmem>>, vector<1x16xf32>,
      %swap3A_855 = vector.shape_cast %swap3A_854 : vector<1x16xf32> to vector<16xf32>
      %swap3A_856 = vector.shape_cast %mul3A_851 : vector<16xf32> to vector<1x16xf32>
      tpu.vector_store %arg10[%swap3A_852, %swap3A_853], %swap3A_856 {strides = array<i32>} : memref<80x128xf32, #tpu.memory_space<vmem>>, vector<1x16xf32>,
      %scan3A_857 = arith.constant 0 : i32
      scf.yield %scan3A_857 : i32
    }
    %scan3A_726 = arith.constant 80 : i32
    %mul3A_727 = arith.constant 10000 : i32
    %mul3A_728 = arith.muli %add3A, %mul3A_727 : i32
    %add3A_729 = arith.constant 340000 : i32
    %add3A_730 = arith.addi %add3A_729, %mul3A_728 : i32
    %add3A_731 = arith.constant 9920 : i32
    %add3A_732 = arith.addi %add3A_730, %add3A_731 : i32
    %dma_start3A_733 = arith.constant 0 : i32
    %dma_start3A_734 = tpu.memref_slice %arg4[%add3A_732, %dma_start3A_733] : memref<660000x128xf32, #tpu.memory_space<hbm>> -> memref<80x128xf32, #tpu.memory_space<hbm>>
    %dma_start3A_735 = arith.constant 0 : i32
    %dma_start3A_736 = tpu.memref_slice %arg4[%add3A_732, %dma_start3A_735] : memref<660000x128xf32, #tpu.memory_space<hbm>> -> memref<80x128xf32, #tpu.memory_space<hbm>>
    tpu.enqueue_dma source(%arg10 : memref<80x128xf32, #tpu.memory_space<vmem>>) target(%dma_start3A_736 : memref<80x128xf32, #tpu.memory_space<hbm>>) target_semaphore(%arg26 : memref<!tpu.dma_semaphore, #tpu.memory_space<semaphore_mem>>)
    %dma_wait3A_737 = arith.constant 0 : i32
    %dma_wait3A_738 = arith.constant 0 : i32
    %dma_wait3A_739 = tpu.memref_slice %arg4[%dma_wait3A_737, %dma_wait3A_738] : memref<660000x128xf32, #tpu.memory_space<hbm>> -> memref<80x128xf32, #tpu.memory_space<hbm>>
    %dma_wait3A_740 = arith.constant 0 : i32
    %dma_wait3A_741 = arith.constant 0 : i32
    %dma_wait3A_742 = tpu.memref_slice %arg4[%dma_wait3A_740, %dma_wait3A_741] : memref<660000x128xf32, #tpu.memory_space<hbm>> -> memref<80x128xf32, #tpu.memory_space<hbm>>
    tpu.wait_dma2 semaphore(%arg25 : memref<!tpu.dma_semaphore, #tpu.memory_space<semaphore_mem>>) src(%arg9 : memref<80x128xf32, #tpu.memory_space<vmem>>) dst(%dma_wait3A_742 : memref<80x128xf32, #tpu.memory_space<hbm>>)
    %dma_wait3A_743 = arith.constant 0 : i32
    %dma_wait3A_744 = arith.constant 0 : i32
    %dma_wait3A_745 = tpu.memref_slice %arg4[%dma_wait3A_743, %dma_wait3A_744] : memref<660000x128xf32, #tpu.memory_space<hbm>> -> memref<80x128xf32, #tpu.memory_space<hbm>>
    %dma_wait3A_746 = arith.constant 0 : i32
    %dma_wait3A_747 = arith.constant 0 : i32
    %dma_wait3A_748 = tpu.memref_slice %arg4[%dma_wait3A_746, %dma_wait3A_747] : memref<660000x128xf32, #tpu.memory_space<hbm>> -> memref<80x128xf32, #tpu.memory_space<hbm>>
    tpu.wait_dma2 semaphore(%arg26 : memref<!tpu.dma_semaphore, #tpu.memory_space<semaphore_mem>>) src(%arg10 : memref<80x128xf32, #tpu.memory_space<vmem>>) dst(%dma_wait3A_748 : memref<80x128xf32, #tpu.memory_space<hbm>>)
    %dma_wait3A_749 = arith.constant 0 : i32
    %dma_wait3A_750 = arith.constant 0 : i32
    %dma_wait3A_751 = tpu.memref_slice %arg4[%dma_wait3A_749, %dma_wait3A_750] : memref<660000x128xf32, #tpu.memory_space<hbm>> -> memref<80x128xf32, #tpu.memory_space<hbm>>
    %dma_wait3A_752 = arith.constant 0 : i32
    %dma_wait3A_753 = arith.constant 0 : i32
    %dma_wait3A_754 = tpu.memref_slice %arg4[%dma_wait3A_752, %dma_wait3A_753] : memref<660000x128xf32, #tpu.memory_space<hbm>> -> memref<80x128xf32, #tpu.memory_space<hbm>>
    tpu.wait_dma2 semaphore(%arg27 : memref<!tpu.dma_semaphore, #tpu.memory_space<semaphore_mem>>) src(%arg11 : memref<80x128xf32, #tpu.memory_space<vmem>>) dst(%dma_wait3A_754 : memref<80x128xf32, #tpu.memory_space<hbm>>)
    %dma_wait3A_755 = arith.constant 0 : i32
    %dma_wait3A_756 = arith.constant 0 : i32
    %dma_wait3A_757 = tpu.memref_slice %arg4[%dma_wait3A_755, %dma_wait3A_756] : memref<660000x128xf32, #tpu.memory_space<hbm>> -> memref<80x128xf32, #tpu.memory_space<hbm>>
    %dma_wait3A_758 = arith.constant 0 : i32
    %dma_wait3A_759 = arith.constant 0 : i32
    %dma_wait3A_760 = tpu.memref_slice %arg4[%dma_wait3A_758, %dma_wait3A_759] : memref<660000x128xf32, #tpu.memory_space<hbm>> -> memref<80x128xf32, #tpu.memory_space<hbm>>
    tpu.wait_dma2 semaphore(%arg28 : memref<!tpu.dma_semaphore, #tpu.memory_space<semaphore_mem>>) src(%arg12 : memref<80x128xf32, #tpu.memory_space<vmem>>) dst(%dma_wait3A_760 : memref<80x128xf32, #tpu.memory_space<hbm>>)
    return
  }
}

</mosaic_0001>

<sc_bundles>
// kernel: kernel.3.cloned.1.call-start
scs
__scs_entry_jumppad:
0x0: {  	(pc) =	sbr.rel $0x88, $3  }
0x1: {  	(tag) =	ssettag $0x0;
	lr =	simm.s32 $0x1  }
0x2: {  	[smem:$0x3F9F] =	sst lr;
	_ =	strace $0xD0000000  }
0x3: {  	_ = 	snop  }
0x4: {  	_ = 	snop  }
0x5: {  	_ = 	snop  }
0x6: {  	_ = 	snop  }
0x7: {  	_ = 	snop  }
__scs_overlays_trampoline_lowered:
0x8: {  	[smem:$0x3FAE] =	sst s0  }
0x9: {  	[smem:$0x3FAF] =	sst s1  }
0xa: {  	[smem:$0x3FB0] =	sst s2  }
0xb: {  	[smem:$0x3FB1] =	sst s3  }
0xc: {  	[smem:$0x3FB2] =	sst s4  }
0xd: {  	[smem:$0x3FB3] =	sst s5  }
0xe: {  	[smem:$0x3FB4] =	sst s6  }
0xf: {  	[smem:$0x3FB5] =	sst s7  }
0x10: {  	[smem:$0x3FB6] =	sst s8  }
0x11: {  	[smem:$0x3FB7] =	sst s9;
	s0 =	simm.s32 @!p0 $0x0  }
0x12: {  	s1 =	sld [smem:$0x3F9D];
	s0 =	simm.s32 @p0 $0x1  }
0x13: {  	[smem:$0x3FB8] =	sst s0;
	s0 =	simm.s32 @!p1 $0x0  }
0x14: {  	s2 =	sld [smem:$0x3F9C];
	s0 =	simm.s32 @p1 $0x1  }
0x15: {  	[smem:$0x3FB9] =	sst s0;
	s0 =	simm.s32 @!p2 $0x0  }
0x16: {  	s3 =	sld [smem:$0x3FDB];
	s0 =	simm.s32 @p2 $0x1  }
0x17: {  	s4 =	simm.s32 $0x1BF5;
	[smem:$0x3FBB] =	sst s0  }
0x18: {  	s0 =	sld [smem:$0x3F9E];
	_ =	swait.ge [sflag:s4], $0x0  }
0x19: {  	s7 =	sld [smem:$0x3F9F]  }
0x1a: {  	s8 =	sadd.s32 $0xFFFFE003, lr  }
0x1b: {  	s9 =	sadd.s32 $0xFFFFFEF7, lr;
	s5 =	simm.s32 $0xFFFFFFFF;
	p2 =	slt.u32 s8, $0xFFFFF086  }
0x1c: {  	p1 =	slt.u32 s9, $0xF7A;
	s5 =	simm.s32 @!p2 $0x0  }
0x1d: {  	s5 =	simm.s32 @p1 $0x1;
	p0 =	seq.s32 s7, s2  }
0x1e: {  	s7 =	smul.u32 @!p0 $0xF7A, s2;
	p2 =	seq.s32 @!p0 s5, $0x0  }
0x1f: {  	s9 =	smul.u32 $0xF7A, s1;
	s8 =	simm.s32 @!p0 $0x1BF5;
	p2 =	por !p2, p0  }
0x20: {  	[sflag:s8] =	ssyncset.s32 @!p0 $0xFFFFF086;
	s6 =	sadd.s32 @!p0 s3, s7;
	s7 =	simm.s32 @!p0 $0x108  }
0x21: {  	s3 =	sadd.s32 s3, s9;
	s6 =	sadd.s32 @!p0 $0x88, s6;
	s7 =	simm.s32 @p2 $0x1082  }
0x22: {  	[simem:s7], [sflag:s8] =	dma.local @!p0 [hbm:s6], $0xF7A  }
0x23: {  	s9 =	sor.u32 $0xD0000000, s2;
	s6 =	simm.s32 $0x108;
	_ =	swait.ge @!p0 [sflag:s8], $0x0  }
0x24: {  	s3 =	sadd.s32 $0x88, s3;
	s6 =	simm.s32 @!p1 $0x1082;
	[sflag:s4] =	ssyncset.s32 $0xFFFFF086  }
0x25: {  	[simem:s6], [sflag:s4] =	dma.local [hbm:s3], $0xF7A  }
0x26: {  	[smem:$0x3F9F] =	sst s1;
	(tag) =	ssettag s2;
	_ =	strace s9  }
0x27: {  	s1 =	sld [smem:$0x3FAF]  }
0x28: {  	s2 =	sld [smem:$0x3FB0]  }
0x29: {  	s4 =	sld [smem:$0x3FB2]  }
0x2a: {  	p0 =	seq.s32 s5, $0x0;
	s5 =	sld [smem:$0x3FB3]  }
0x2b: {  	s6 =	sld [smem:$0x3FB4]  }
0x2c: {  	s7 =	sld [smem:$0x3FB5]  }
0x2d: {  	s3 =	simm.s32 $0x108;
	s8 =	sld [smem:$0x3FB6]  }
0x2e: {  	s3 =	simm.s32 @!p0 $0x1082;
	s9 =	sld [smem:$0x3FB7]  }
0x2f: {  	lr =	sadd.s32 s0, s3;
	s0 =	sld [smem:$0x3FAE]  }
0x30: {  	s3 =	sld [smem:$0x3FB1]  }
0x31: {  	[smem:$0x3FBA] =	sst s10  }
0x32: {  	s10 =	sld [smem:$0x3FB8];
	_ =	sdelay $0x3  }
0x33: {  	p0 =	seq.s32 s10, $0x1;
	s10 =	sld [smem:$0x3FBA];
	_ =	sdelay $0x3  }
0x34: {  	[smem:$0x3FBA] =	sst s10  }
0x35: {  	s10 =	sld [smem:$0x3FB9];
	_ =	sdelay $0x3  }
0x36: {  	p1 =	seq.s32 s10, $0x1;
	s10 =	sld [smem:$0x3FBA];
	_ =	sdelay $0x3  }
0x37: {  	[smem:$0x3FBA] =	sst s10  }
0x38: {  	s10 =	sld [smem:$0x3FBB]  }
0x39: {  	_ = 	snop;
	(pc) =	sbr.ind lr, $3  }
0x3a: {  	_ = 	snop  }
0x3b: {  	_ = 	snop  }
0x3c: {  	p2 =	seq.s32 s10, $0x1;
	s10 =	sld [smem:$0x3FBA]  }
0x3d: {  	_ =	shalt  }
0x3e: {  	_ =	shalt  }
0x3f: {  	_ =	shalt  }
0x40: {  	_ =	shalt  }
0x41: {  	_ =	shalt  }
0x42: {  	_ =	shalt  }
0x43: {  	_ =	shalt  }
0x44: {  	_ =	shalt  }
0x45: {  	_ =	shalt  }
0x46: {  	_ =	shalt  }
0x47: {  	_ =	shalt  }
0x48: {  	_ =	shalt  }
0x49: {  	_ =	shalt  }
0x4a: {  	_ =	shalt  }
0x4b: {  	_ =	shalt  }
0x4c: {  	_ =	shalt  }
0x4d: {  	_ =	shalt  }
0x4e: {  	_ =	shalt  }
0x4f: {  	_ =	shalt  }
0x50: {  	_ =	shalt  }
0x51: {  	_ =	shalt  }
0x52: {  	_ =	shalt  }
0x53: {  	_ =	shalt  }
0x54: {  	_ =	shalt  }
0x55: {  	_ =	shalt  }
0x56: {  	_ =	shalt  }
0x57: {  	_ =	shalt  }
0x58: {  	_ =	shalt  }
0x59: {  	_ =	shalt  }
0x5a: {  	_ =	shalt  }
0x5b: {  	_ =	shalt  }
0x5c: {  	_ =	shalt  }
0x5d: {  	_ =	shalt  }
0x5e: {  	_ =	shalt  }
0x5f: {  	_ =	shalt  }
0x60: {  	_ =	shalt  }
0x61: {  	_ =	shalt  }
0x62: {  	_ =	shalt  }
0x63: {  	_ =	shalt  }
0x64: {  	_ =	shalt  }
0x65: {  	_ =	shalt  }
0x66: {  	_ =	shalt  }
0x67: {  	_ =	shalt  }
0x68: {  	_ =	shalt  }
0x69: {  	_ =	shalt  }
0x6a: {  	_ =	shalt  }
0x6b: {  	_ =	shalt  }
0x6c: {  	_ =	shalt  }
0x6d: {  	_ =	shalt  }
0x6e: {  	_ =	shalt  }
0x6f: {  	_ =	shalt  }
0x70: {  	_ =	shalt  }
0x71: {  	_ =	shalt  }
0x72: {  	_ =	shalt  }
0x73: {  	_ =	shalt  }
0x74: {  	_ =	shalt  }
0x75: {  	_ =	shalt  }
0x76: {  	_ =	shalt  }
0x77: {  	_ =	shalt  }
0x78: {  	_ =	shalt  }
0x79: {  	_ =	shalt  }
0x7a: {  	_ =	shalt  }
0x7b: {  	_ =	shalt  }
0x7c: {  	_ =	shalt  }
0x7d: {  	_ =	shalt  }
0x7e: {  	_ =	shalt  }
0x7f: {  	_ =	shalt  }
0x80: {  	_ =	shalt  }
0x81: {  	_ =	shalt  }
0x82: {  	_ =	shalt  }
0x83: {  	_ =	shalt  }
0x84: {  	_ =	shalt  }
0x85: {  	_ =	shalt  }
0x86: {  	_ =	shalt  }
0x87: {  	_ =	shalt  }
.Lfunc_end0:
.L_simem_size_0:
called_computation_lowered:
.L_overlay_start_0:
0x88: {  	s2 =	sld [smem:$0x3FD9]  }
0x89: {  	s3 =	sld [smem:$0x3FFE];
	_ =	sdelay $0x1  }
0x8a: {  	s1 =	srdreg.scid  }
0x8b: {  	s0 =	sand.u32 $0x1, s1  }
0x8c: {  	s17 =	sshll.u32 s0, $0xA;
	s2 =	sadd.s32 s3, s2  }
0x8d: {  	s2 =	sadd.s32 s2, s17  }
0x8e: {  	[smem:$0x3FC6] =	sst s2  }
0x8f: {  	_ = 	snop  }
0x90: {  	s2 =	sld [smem:$0x3FC9]  }
0x91: {  	s18 =	sld [smem:$0x3FD0];
	(tm) =	ssettm $0x1  }
0x92: {  	s4 =	sld [smem:$0x3FFB];
	_ =	sdelay $0x3  }
0x93: {  	_ =	strace s4  }
0x94: {  	s4 =	sld [smem:$0x3FFC];
	_ =	sdelay $0x3  }
0x95: {  	_ =	strace s4  }
0x96: {  	s4 =	sld [smem:$0x3FFD];
	_ =	sdelay $0x3  }
0x97: {  	_ =	strace s4  }
0x98: {  	_ =	strace $0x8FFFFFFF  }
0x99: {  	s19 =	sld [smem:$0x3FDB];
	_ =	sdelay $0x1  }
0x9a: {  	s5 =	simm.s32 $_scs_section_size  }
0x9b: {  	s6 =	simm.s32 $_size__tile_overlayer_lowered;
	s7 =	simm.s32 $_tile_overlayer_lowered  }
0x9c: {  	s22 =	simm.s32 $0x1BFF;
	s21 =	sshll.u32 s7, $0x1;
	s4 =	sadd.s32 s5, s19  }
0x9d: {  	s8 =	simm.s32 $0x0;
	s20 =	sshll.u32 s6, $0x1;
	s6 =	sadd.s32 s21, s4  }
0x9e: {  	[timem:s8], [sflag:s22] =	dma.local [hbm:s6], s20  }
0x9f: {  	_ =	swait.ge [sflag:s22], s20  }
0xa0: {  	s5 =	ssub.s32 $0x0, s20;
	[sflag:s22] =	ssyncset.done $0x0  }
0xa1: {  	[sflag:s22] =	ssyncadd.s32 s5;
	_ =	sdelay $0x1  }
0xa2: {  	s23 =	simm.s32 $0x1B8B  }
0xa3: {  	_ =	swait.ge [sflag:s23], $0x1  }
0xa4: {  	[sflag:s23] =	ssyncset.done $0x0  }
0xa5: {  	s25 =	simm.s32 $0x1B8E;
	s24 =	sld [smem:$0x3FFE];
	[sflag:s23] =	ssyncadd.s32 $0xFFFFFFFF  }
0xa6: {  	s26 =	simm.s32 $execute0_lowered;
	[smem:$0x3FD2] =	sst s25  }
0xa7: {  	s6 =	sshll.u32 s26, $0x1;
	_ =	strace $0x80000046;
	[dreg:$0x1] =	wrdreg $0xFFFFFFFF  }
0xa8: {  	s28 =	simm.s32 $_size_execute0_lowered;
	s4 =	sadd.s32 s4, s6;
	[dreg:$0x0] =	wrdreg $0x0  }
0xa9: {  	s6 =	sshll.u32 s28, $0x1;
	[dreg:$0x2] =	wrdreg s4  }
0xaa: {  	[dreg:$0x3] =	wrdreg s6  }
0xab: {  	[dreg:$0x4] =	wrdreg $0xC0  }
0xac: {  	_ =	task [dreg:s8], $0x5FFFF  }
0xad: {  	[dreg:$0x1] =	wrdreg $0xFFFFFFFF  }
0xae: {  	[dreg:$0x0] =	wrdreg $0x60  }
0xaf: {  	[dreg:$0x2] =	wrdreg s2  }
0xb0: {  	[dreg:$0x3] =	wrdreg s24  }
0xb1: {  	[dreg:$0x4] =	wrdreg s18  }
0xb2: {  	[dreg:$0x5] =	wrdreg $0x9  }
0xb3: {  	_ =	task.clear_ibuf [dreg:s8], $0x6FFFF;
	_ =	strace $0x90000046  }
0xb4: {  	s29 =	simm.s32 $0x9;
	_ =	strace $0x80000048  }
0xb5: {  	_ =	swait.ge [sflag:s29], $0x1  }
0xb6: {  	[sflag:s29] =	ssyncadd.s32 $0xFFFFFFFF  }
0xb7: {  	_ =	strace $0x90000048  }
0xb8: {  	_ =	sfence  }
0xb9: {  	s30 =	sld [smem:$0x0];
	_ =	sdelay $0x2  }
0xba: {  	s31 =	sshll.u32 s1, $0xD;
	s1 =	sshrl.u32 s1, $0x2  }
0xbb: {  	s3 =	sand.u32 $0x4000, s31;
	s1 =	sadd.s32 s1, s30  }
0xbc: {  	s0 =	sor.u32 s3, s0;
	s1 =	sshll.u32 s1, $0x11  }
0xbd: {  	s0 =	sor.u32 s1, s0  }
0xbe: {  	s0 =	sadd.s32 $0x8F2B, s0  }
0xbf: {  	[sflag:s0] =	ssyncadd.remote.s32 $0x1  }
0xc0: {  	_ =	sfence.sel $0xFFFF  }
0xc1: {  	[dreg:$0x0] =	wrdreg $0xFFFFFFFF;
	(pc) =	sbr.abs _section_cstart, $3  }
0xc2: {  	[dreg:$0x1] =	wrdreg $0xFFFFFFFF  }
0xc3: {  	_ =	task.clear_ibuf [dreg:s8], $0x2FFFF;
	_ =	strace $0x9FFFFFFF  }
0xc4: {  	(tm) =	ssettm $0x7FFFFFFF  }
0xc5: {  	_ =	shalt  }
tec
execute0_lowered:
.L_overlay_start_1:
0x0: {  	(tag) =	ssettag $0x1  }
0x1: {  	s1 =	rddreg [dreg:$0x0]  }
0x2: {  	s0 =	srdreg.scid;
	s2 =	stileid.u32  }
0x3: {  	s3 =	rddreg [dreg:$0x1];
	s0 =	sand.u32 $0x1, s0;
	s2 =	sshll.u32 s2, $0x1  }
0x4: {  	s7 =	rddreg [dreg:$0x2];
	s2 =	sor.u32 s0, s2  }
0x5: {  	s12 =	simm.s32 $0x0;
	s30 =	simm.s32 $0xA;
	s4 =	smul.u32 $0x1400, s2  }
0x6: {  	[smem:$0x7FF] =	sst s12;
	s0 =	ssub.s32 $0x2, s0;
	s5 =	smul.u32 $0xA000, s2  }
0x7: {  	_ =	strace $0x80000047;
	s6 =	sshrl.u32 s0, $0x1;
	s18 =	smul.u32 $0xFA0, s2  }
0x8: {  	s20 =	smul.u32 $0x138800, s2;
	s0 =	ssub.s32 s0, s6;
	s14 =	sadd.s32 s1, s4  }
0x9: {  	s5 =	sshrl.u32 s5, $0x3;
	s4 =	sadd.s32 s7, s4;
	[dreg:$0x4] =	wrdreg s14  }
0xa: {  	s0 =	smax.u32 s0, $0x1;
	[dreg:$0x5] =	wrdreg s4;
	s15 =	sadd.s32 s1, s5  }
0xb: {  	s17 =	sadd.s32 s7, s5;
	s5 =	sadd.s32 s3, s18;
	[dreg:$0x1c] =	wrdreg s0  }
0xc: {  	s23 =	sshrl.u32 s20, $0x3;
	s4 =	sadd.s32 $0x27100, s15;
	[dreg:$0x8] =	wrdreg s5  }
0xd: {  	s5 =	sadd.s32 s7, s23;
	[dreg:$0x6] =	wrdreg s4;
	s4 =	sadd.s32 $0x509100, s17  }
0xe: {  	s31 =	simm.s32 $0x4;
	s25 =	sadd.s32 $0x27100, s5;
	[dreg:$0x7] =	wrdreg s4  }
0xf: {  	s29 =	simm.s32 $0xE;
	s26 =	sadd.s32 $0x27600, s5;
	[dreg:$0xc] =	wrdreg s25  }
0x10: {  	s16 =	smul.u32 $0x7D00, s2;
	s8 =	sadd.s32 $0x27B00, s5;
	[dreg:$0xd] =	wrdreg s26  }
0x11: {  	s10 =	smul.u32 $0x7D, s2;
	s11 =	sadd.s32 $0x28000, s5;
	[dreg:$0xf] =	wrdreg s8  }
0x12: {  	p0 =	seq.s32 s2, $0x1F;
	s14 =	sadd.s32 $0x555500, s5;
	[dreg:$0x11] =	wrdreg s11  }
0x13: {  	s6 =	simm.s32 $0x8;
	s17 =	sadd.s32 $0x555A00, s5;
	[dreg:$0x13] =	wrdreg s14  }
0x14: {  	s19 =	sshrl.u32 s16, $0x3;
	s20 =	sadd.s32 $0x555F00, s5;
	[dreg:$0x15] =	wrdreg s17  }
0x15: {  	s0 =	simm.s32 $0xF;
	s23 =	sadd.s32 $0x556E00, s5;
	[dreg:$0x18] =	wrdreg s20  }
0x16: {  	s15 =	smul.u32 $0x2710, s2;
	[dreg:$0x1b] =	wrdreg s23;
	s25 =	sadd.s32 $0x26C00, s7  }
0x17: {  	s4 =	sadd.s32 s3, s19;
	s26 =	sadd.s32 $0x4DD00, s1;
	[dreg:$0x1e] =	wrdreg s25  }
0x18: {  	s2 =	simm.s32 $0x7C00;
	s21 =	sadd.s32 $0x20, s4;
	[dreg:$0x1f] =	wrdreg s26  }
0x19: {  	s14 =	simm.s32 $0x50;
	s22 =	sadd.s32 $0x40, s4;
	[dreg:$0x9] =	wrdreg s21  }
0x1a: {  	s17 =	simm.s32 $0x2;
	s24 =	sadd.s32 $0x60, s4;
	[dreg:$0xa] =	wrdreg s22  }
0x1b: {  	s23 =	simm.s32 $0x9;
	s28 =	sadd.s32 $0xA0, s4;
	[dreg:$0xb] =	wrdreg s24  }
0x1c: {  	s8 =	simm.s32 $0xD;
	s9 =	sadd.s32 $0xC0, s4;
	[dreg:$0xe] =	wrdreg s28  }
0x1d: {  	s20 =	simm.s32 $0x10;
	s13 =	sadd.s32 $0x20340, s4;
	[dreg:$0x10] =	wrdreg s9  }
0x1e: {  	s16 =	sadd.s32 $0x20360, s4;
	s18 =	sadd.s32 $0x20380, s4;
	[dreg:$0x12] =	wrdreg s13  }
0x1f: {  	s19 =	sadd.s32 $0x80, s4;
	s26 =	simm.s32 $0x200;
	[dreg:$0x14] =	wrdreg s16  }
0x20: {  	[dreg:$0x16] =	wrdreg s18;
	s21 =	sadd.s32 $0x556400, s5;
	s22 =	sadd.s32 $0x556900, s5  }
0x21: {  	[dreg:$0x17] =	wrdreg s19;
	s24 =	sadd.s32 $0x26C00, s1;
	s28 =	sadd.s32 $0x52FD00, s7  }
0x22: {  	s13 =	simm.s32 $0x1;
	s16 =	simm.s32 $0x400;
	[dreg:$0x19] =	wrdreg s21  }
0x23: {  	s18 =	simm.s32 $0x2C00;
	s19 =	simm.s32 $0x5;
	[dreg:$0x1a] =	wrdreg s22  }
0x24: {  	s7 =	simm.s32 $0xB;
	s9 =	simm.s32 $0xC;
	[dreg:$0x1d] =	wrdreg s24  }
0x25: {  	s5 =	simm.s32 $0x0;
	[smem:$0x7FD] =	sst s28;
	s21 =	simm.s32 $0x6  }
.LBB2_1:
0x26: {  	[smem:$0x7FC] =	sst s5;
	s11 =	stileid.u32  }
0x27: {  	s5 =	rddreg [dreg:$0x1d];
	s4 =	sshll.u32 @p0 s11, $0x6  }
0x28: {  	s22 =	rddreg [dreg:$0x1e];
	s4 =	sor.u32 @p0 $0x1C11, s4  }
0x29: {  	[hbm:s22], [sflag:s4] =	dma.local @p0 [hbm:s5], $0x500  }
0x2a: {  	s5 =	simm.s32 @p0 $0x11  }
0x2b: {  	_ =	swait.ge @p0 [sflag:s5], $0x500  }
0x2c: {  	s24 =	sld [smem:$0x7FD]  }
0x2d: {  	[sflag:s5] =	ssyncset.done @p0 $0x0  }
0x2e: {  	s22 =	rddreg [dreg:$0x1f];
	[sflag:s5] =	ssyncadd.s32 @p0 $0xFFFFFB00  }
0x2f: {  	[hbm:s24], [sflag:s4] =	dma.local @p0 [hbm:s22], $0x500  }
0x30: {  	_ =	swait.ge @p0 [sflag:s5], $0x500  }
0x31: {  	s4 =	sshll.u32 @!p0 s11, $0x6;
	[sflag:s5] =	ssyncset.done @p0 $0x0;
	s11 =	rddreg [dreg:$0x5]  }
0x32: {  	s4 =	sor.u32 @!p0 $0x1C11, s4;
	[sflag:s5] =	ssyncadd.s32 @p0 $0xFFFFFB00;
	s5 =	rddreg [dreg:$0x4]  }
0x33: {  	[hbm:s11], [sflag:s4] =	dma.local @!p0 [hbm:s5], $0x1400  }
0x34: {  	s5 =	simm.s32 @!p0 $0x11  }
0x35: {  	_ =	swait.ge @!p0 [sflag:s5], $0x1400  }
0x36: {  	[sflag:s5] =	ssyncset.done @!p0 $0x0;
	s11 =	rddreg [dreg:$0x6]  }
0x37: {  	s22 =	rddreg [dreg:$0x7];
	[sflag:s5] =	ssyncadd.s32 @!p0 $0xFFFFEC00  }
0x38: {  	[hbm:s22], [sflag:s4] =	dma.local @!p0 [hbm:s11], $0x1400  }
0x39: {  	_ =	swait.ge @!p0 [sflag:s5], $0x1400  }
0x3a: {  	[sflag:s5] =	ssyncset.done @!p0 $0x0  }
0x3b: {  	s22 =	rddreg [dreg:$0x8];
	[sflag:s5] =	ssyncadd.s32 @!p0 $0xFFFFEC00  }
0x3c: {  	[tilespmem:s12], [sflag:$0x1] =	stream.linear.gather [hbm4b:s22+s12], $0x100, $0x38;
	[tilespmem:$0xA400] =	vst v63  }
0x3d: {  	s25 =	simm.s32 $0x100;
	s24 =	rddreg [dreg:$0x9]  }
0x3e: {  	[tilespmem:s25], [sflag:$0x2] =	stream.linear.gather [hbm4b:s24+s12], $0x100, $0x38;
	[tilespmem:$0xA400] =	vst v63  }
0x3f: {  	s28 =	rddreg [dreg:$0xa]  }
0x40: {  	[tilespmem:s26], [sflag:$0x3] =	stream.linear.gather [hbm4b:s28+s12], $0x100, $0x38;
	[tilespmem:$0xA400] =	vst v63  }
0x41: {  	_ =	swait.ge [sflag:s13], $0x100  }
0x42: {  	[sflag:s13] =	ssyncset.done $0x0  }
0x43: {  	[sflag:s13] =	ssyncadd.s32 $0xFFFFFF00  }
0x44: {  	[tilespmem:s16], [sflag:$0x5] =	stream.indirect.gather [hbm4b:s1+s14], $0x80, s12, s14, $0xb8;
	[tilespmem:$0xA400] =	vst v63  }
0x45: {  	_ =	swait.ge [sflag:s17], $0x100  }
0x46: {  	[sflag:s17] =	ssyncset.done $0x0  }
0x47: {  	[sflag:s17] =	ssyncadd.s32 $0xFFFFFF00  }
0x48: {  	[tilespmem:s18], [sflag:$0x6] =	stream.indirect.gather [hbm4b:s1+s14], $0x80, s25, s14, $0xb8;
	[tilespmem:$0xA400] =	vst v63  }
0x49: {  	_ =	swait.ge [sflag:s19], $0x2800  }
0x4a: {  	[sflag:s19] =	ssyncset.done $0x0  }
0x4b: {  	s5 =	simm.s32 $0x80;
	[sflag:s19] =	ssyncadd.s32 $0xFFFFD800  }
0x4c: {  	[tilespmem:s16], [sflag:$0x9] =	stream.indirect.gather.add.f32 [hbm:s1], $0x80, s5, s14, $0xb8;
	[tilespmem:$0xA400] =	vst v63  }
0x4d: {  	_ =	swait.ge [sflag:s21], $0x2800  }
0x4e: {  	[sflag:s21] =	ssyncset.done $0x0  }
0x4f: {  	s11 =	simm.s32 $0x180;
	[sflag:s21] =	ssyncadd.s32 $0xFFFFD800  }
0x50: {  	[tilespmem:s18], [sflag:$0xA] =	stream.indirect.gather.add.f32 [hbm:s1], $0x80, s11, s14, $0xb8;
	[tilespmem:$0xA400] =	vst v63  }
0x51: {  	_ =	swait.ge [sflag:s23], $0x2800  }
0x52: {  	[sflag:s23] =	ssyncset.done $0x0  }
0x53: {  	s22 =	simm.s32 $0x3;
	[sflag:s23] =	ssyncadd.s32 $0xFFFFD800  }
0x54: {  	_ =	swait.ge [sflag:s22], $0x100  }
0x55: {  	[sflag:s22] =	ssyncset.done $0x0  }
0x56: {  	s24 =	simm.s32 $0x5400;
	[sflag:s22] =	ssyncadd.s32 $0xFFFFFF00  }
0x57: {  	[tilespmem:s24], [sflag:$0x7] =	stream.indirect.gather [hbm4b:s1+s14], $0x80, s26, s14, $0xb8;
	[tilespmem:$0xA400] =	vst v63  }
0x58: {  	s4 =	simm.s32 $0x0;
	s28 =	simm.s32 $0x300;
	s25 =	rddreg [dreg:$0xb]  }
0x59: {  	[tilespmem:s28], [sflag:$0x4] =	stream.linear.gather [hbm4b:s25+s12], $0x100, $0x38;
	[tilespmem:$0xA400] =	vst v63  }
0x5a: {  	v3 =	vld [tilespmem:s4+$0x400]  }
0x5b: {  	v5 =	vld [tilespmem:s4+$0x410]  }
0x5c: {  	v4 =	vld [tilespmem:s4+$0x420]  }
0x5d: {  	v2 =	vld [tilespmem:s4+$0x430]  }
0x5e: {  	v0 =	vld [tilespmem:s4+$0x440]  }
0x5f: {  	v1 =	vld [tilespmem:s4+$0x450];
	v6 =	vmul.f32 $5.000000000e-01, v3  }
0x60: {  	s5 =	simm.s32 $0x200;
	v5 =	vmul.f32 $5.000000000e-01, v5;
	v3 =	vld [tilespmem:s4+$0x460]  }
.LBB2_2:
0x61: {  	s11 =	sshra.s32 s5, $0x2;
	p1 =	sne.s32 s5, $0x9E00;
	[tilespmem:s4+$0x400] =	vst v6;
	v4 =	vmul.f32 $5.000000000e-01, v4;
	v6 =	vld [tilespmem:s4+$0x470]  }
0x62: {  	v7 =	vld [tilespmem:s11+$0x400];
	[tilespmem:s4+$0x410] =	vst v5;
	v2 =	vmul.f32 $5.000000000e-01, v2  }
0x63: {  	v5 =	vld [tilespmem:s11+$0x410];
	[tilespmem:s4+$0x420] =	vst v4;
	v0 =	vmul.f32 $5.000000000e-01, v0  }
.Ltmp0:
0x64: {  	v4 =	vld [tilespmem:s11+$0x420];
	[tilespmem:s4+$0x430] =	vst v2;
	v1 =	vmul.f32 $5.000000000e-01, v1;
	(pc) =	sbr.rel @p1 .LBB2_2-.Ltmp0, $4  }
0x65: {  	v2 =	vld [tilespmem:s11+$0x430];
	[tilespmem:s4+$0x440] =	vst v0;
	v3 =	vmul.f32 $5.000000000e-01, v3  }
0x66: {  	v0 =	vld [tilespmem:s11+$0x440];
	[tilespmem:s4+$0x450] =	vst v1;
	v8 =	vmul.f32 $5.000000000e-01, v6  }
0x67: {  	v6 =	vmul.f32 $5.000000000e-01, v7;
	v1 =	vld [tilespmem:s11+$0x450];
	[tilespmem:s4+$0x460] =	vst v3  }
0x68: {  	s5 =	sadd.s32 $0x200, s5;
	v5 =	vmul.f32 $5.000000000e-01, v5;
	v3 =	vld [tilespmem:s11+$0x460];
	[tilespmem:s4+$0x470] =	vst v8;
	s4 =	smov.u32 s11  }
0x69: {  	[tilespmem:s4+$0x400] =	vst v6;
	v4 =	vmul.f32 $5.000000000e-01, v4;
	v6 =	vld [tilespmem:s4+$0x470]  }
0x6a: {  	[tilespmem:s4+$0x410] =	vst v5;
	v2 =	vmul.f32 $5.000000000e-01, v2  }
0x6b: {  	[tilespmem:s4+$0x420] =	vst v4;
	v0 =	vmul.f32 $5.000000000e-01, v0  }
0x6c: {  	[tilespmem:s4+$0x430] =	vst v2;
	v1 =	vmul.f32 $5.000000000e-01, v1  }
0x6d: {  	[tilespmem:s4+$0x440] =	vst v0;
	v0 =	vmul.f32 $5.000000000e-01, v3  }
0x6e: {  	[tilespmem:s4+$0x450] =	vst v1;
	v1 =	vmul.f32 $5.000000000e-01, v6  }
0x6f: {  	[tilespmem:s4+$0x460] =	vst v0  }
0x70: {  	s12 =	simm.s32 $0x0;
	s5 =	rddreg [dreg:$0xc];
	s22 =	simm.s32 $0x7;
	[tilespmem:s4+$0x470] =	vst v1  }
0x71: {  	[hbm4b:s5+s12] =	stream.linear.scatter [tilespmem:s16], [sflag:$0xD], $0x2800, $0x38;
	[tilespmem:$0xA400] =	vst v63  }
0x72: {  	_ =	swait.ge [sflag:s22], $0x2800  }
0x73: {  	[sflag:s22] =	ssyncset.done $0x0  }
0x74: {  	s24 =	simm.s32 $0x5400;
	s11 =	simm.s32 $0x280;
	[sflag:s22] =	ssyncadd.s32 $0xFFFFD800  }
0x75: {  	[tilespmem:s24], [sflag:$0xB] =	stream.indirect.gather.add.f32 [hbm:s1], $0x80, s11, s14, $0xb8;
	[tilespmem:$0xA400] =	vst v63  }
0x76: {  	_ =	swait.ge [sflag:s30], $0x2800  }
0x77: {  	[sflag:s30] =	ssyncset.done $0x0  }
0x78: {  	[sflag:s30] =	ssyncadd.s32 $0xFFFFD800  }
0x79: {  	_ =	swait.ge [sflag:s31], $0x100  }
0x7a: {  	[sflag:s31] =	ssyncset.done $0x0  }
0x7b: {  	s25 =	simm.s32 $0x300;
	[sflag:s31] =	ssyncadd.s32 $0xFFFFFF00  }
0x7c: {  	[tilespmem:s2], [sflag:$0x8] =	stream.indirect.gather [hbm4b:s1+s14], $0x80, s25, s14, $0xb8;
	[tilespmem:$0xA400] =	vst v63  }
0x7d: {  	s4 =	simm.s32 $0x0;
	s28 =	rddreg [dreg:$0x17]  }
0x7e: {  	[tilespmem:s12], [sflag:$0x1] =	stream.linear.gather [hbm4b:s28+s12], $0x100, $0x38;
	[tilespmem:$0xA400] =	vst v63  }
0x7f: {  	v3 =	vld [tilespmem:s4+$0x2C00]  }
0x80: {  	v5 =	vld [tilespmem:s4+$0x2C10]  }
0x81: {  	v4 =	vld [tilespmem:s4+$0x2C20]  }
0x82: {  	v2 =	vld [tilespmem:s4+$0x2C30]  }
0x83: {  	v0 =	vld [tilespmem:s4+$0x2C40]  }
0x84: {  	v1 =	vld [tilespmem:s4+$0x2C50];
	v6 =	vmul.f32 $5.000000000e-01, v3  }
0x85: {  	s5 =	simm.s32 $0x200;
	v5 =	vmul.f32 $5.000000000e-01, v5;
	v3 =	vld [tilespmem:s4+$0x2C60]  }
.LBB2_4:
0x86: {  	s11 =	sshra.s32 s5, $0x2;
	p1 =	sne.s32 s5, $0x9E00;
	[tilespmem:s4+$0x2C00] =	vst v6;
	v4 =	vmul.f32 $5.000000000e-01, v4;
	v6 =	vld [tilespmem:s4+$0x2C70]  }
0x87: {  	v7 =	vld [tilespmem:s11+$0x2C00];
	[tilespmem:s4+$0x2C10] =	vst v5;
	v2 =	vmul.f32 $5.000000000e-01, v2  }
0x88: {  	v5 =	vld [tilespmem:s11+$0x2C10];
	[tilespmem:s4+$0x2C20] =	vst v4;
	v0 =	vmul.f32 $5.000000000e-01, v0  }
.Ltmp1:
0x89: {  	v4 =	vld [tilespmem:s11+$0x2C20];
	[tilespmem:s4+$0x2C30] =	vst v2;
	v1 =	vmul.f32 $5.000000000e-01, v1;
	(pc) =	sbr.rel @p1 .LBB2_4-.Ltmp1, $4  }
0x8a: {  	v2 =	vld [tilespmem:s11+$0x2C30];
	[tilespmem:s4+$0x2C40] =	vst v0;
	v3 =	vmul.f32 $5.000000000e-01, v3  }
0x8b: {  	v0 =	vld [tilespmem:s11+$0x2C40];
	[tilespmem:s4+$0x2C50] =	vst v1;
	v8 =	vmul.f32 $5.000000000e-01, v6  }
0x8c: {  	v6 =	vmul.f32 $5.000000000e-01, v7;
	v1 =	vld [tilespmem:s11+$0x2C50];
	[tilespmem:s4+$0x2C60] =	vst v3  }
0x8d: {  	s5 =	sadd.s32 $0x200, s5;
	v5 =	vmul.f32 $5.000000000e-01, v5;
	v3 =	vld [tilespmem:s11+$0x2C60];
	[tilespmem:s4+$0x2C70] =	vst v8;
	s4 =	smov.u32 s11  }
0x8e: {  	[tilespmem:s4+$0x2C00] =	vst v6;
	v4 =	vmul.f32 $5.000000000e-01, v4;
	v6 =	vld [tilespmem:s4+$0x2C70]  }
0x8f: {  	[tilespmem:s4+$0x2C10] =	vst v5;
	v2 =	vmul.f32 $5.000000000e-01, v2  }
0x90: {  	[tilespmem:s4+$0x2C20] =	vst v4;
	v0 =	vmul.f32 $5.000000000e-01, v0  }
0x91: {  	[tilespmem:s4+$0x2C30] =	vst v2;
	v1 =	vmul.f32 $5.000000000e-01, v1  }
0x92: {  	[tilespmem:s4+$0x2C40] =	vst v0;
	v0 =	vmul.f32 $5.000000000e-01, v3  }
0x93: {  	[tilespmem:s4+$0x2C50] =	vst v1;
	v1 =	vmul.f32 $5.000000000e-01, v6  }
0x94: {  	[tilespmem:s4+$0x2C60] =	vst v0  }
0x95: {  	s24 =	simm.s32 $0x0;
	s5 =	rddreg [dreg:$0xd];
	[tilespmem:s4+$0x2C70] =	vst v1  }
0x96: {  	[hbm4b:s5+s24] =	stream.linear.scatter [tilespmem:s18], [sflag:$0xE], $0x2800, $0x38;
	[tilespmem:$0xA400] =	vst v63  }
0x97: {  	_ =	swait.ge [sflag:s6], $0x2800  }
0x98: {  	[sflag:s6] =	ssyncset.done $0x0  }
0x99: {  	s25 =	simm.s32 $0x380;
	[sflag:s6] =	ssyncadd.s32 $0xFFFFD800  }
0x9a: {  	[tilespmem:s2], [sflag:$0xC] =	stream.indirect.gather.add.f32 [hbm:s1], $0x80, s25, s14, $0xb8;
	[tilespmem:$0xA400] =	vst v63  }
0x9b: {  	_ =	swait.ge [sflag:s7], $0x2800  }
0x9c: {  	[sflag:s7] =	ssyncset.done $0x0  }
0x9d: {  	[sflag:s7] =	ssyncadd.s32 $0xFFFFD800  }
0x9e: {  	_ =	swait.ge [sflag:s13], $0x100  }
0x9f: {  	[sflag:s13] =	ssyncset.done $0x0  }
0xa0: {  	[sflag:s13] =	ssyncadd.s32 $0xFFFFFF00  }
0xa1: {  	_ =	swait.ge [sflag:s8], $0x2800  }
0xa2: {  	[sflag:s8] =	ssyncset.done $0x0  }
0xa3: {  	[sflag:s8] =	ssyncadd.s32 $0xFFFFD800  }
0xa4: {  	[tilespmem:s16], [sflag:$0x5] =	stream.indirect.gather [hbm4b:s1+s14], $0x80, s24, s14, $0xb8;
	[tilespmem:$0xA400] =	vst v63  }
0xa5: {  	s11 =	simm.s32 $0x100;
	s4 =	simm.s32 $0x0;
	s28 =	rddreg [dreg:$0xe]  }
0xa6: {  	[tilespmem:s11], [sflag:$0x2] =	stream.linear.gather [hbm4b:s28+s24], $0x100, $0x38;
	[tilespmem:$0xA400] =	vst v63  }
0xa7: {  	v3 =	vld [tilespmem:s4+$0x5400]  }
0xa8: {  	v5 =	vld [tilespmem:s4+$0x5410]  }
0xa9: {  	v4 =	vld [tilespmem:s4+$0x5420]  }
0xaa: {  	v2 =	vld [tilespmem:s4+$0x5430]  }
0xab: {  	v0 =	vld [tilespmem:s4+$0x5440]  }
0xac: {  	v1 =	vld [tilespmem:s4+$0x5450];
	v6 =	vmul.f32 $5.000000000e-01, v3  }
0xad: {  	s5 =	simm.s32 $0x200;
	v5 =	vmul.f32 $5.000000000e-01, v5;
	v3 =	vld [tilespmem:s4+$0x5460]  }
.LBB2_6:
0xae: {  	s11 =	sshra.s32 s5, $0x2;
	p1 =	sne.s32 s5, $0x9E00;
	[tilespmem:s4+$0x5400] =	vst v6;
	v4 =	vmul.f32 $5.000000000e-01, v4;
	v6 =	vld [tilespmem:s4+$0x5470]  }
0xaf: {  	v7 =	vld [tilespmem:s11+$0x5400];
	[tilespmem:s4+$0x5410] =	vst v5;
	v2 =	vmul.f32 $5.000000000e-01, v2  }
0xb0: {  	v5 =	vld [tilespmem:s11+$0x5410];
	[tilespmem:s4+$0x5420] =	vst v4;
	v0 =	vmul.f32 $5.000000000e-01, v0  }
.Ltmp2:
0xb1: {  	v4 =	vld [tilespmem:s11+$0x5420];
	[tilespmem:s4+$0x5430] =	vst v2;
	v1 =	vmul.f32 $5.000000000e-01, v1;
	(pc) =	sbr.rel @p1 .LBB2_6-.Ltmp2, $4  }
0xb2: {  	v2 =	vld [tilespmem:s11+$0x5430];
	[tilespmem:s4+$0x5440] =	vst v0;
	v3 =	vmul.f32 $5.000000000e-01, v3  }
0xb3: {  	v0 =	vld [tilespmem:s11+$0x5440];
	[tilespmem:s4+$0x5450] =	vst v1;
	v8 =	vmul.f32 $5.000000000e-01, v6  }
0xb4: {  	v6 =	vmul.f32 $5.000000000e-01, v7;
	v1 =	vld [tilespmem:s11+$0x5450];
	[tilespmem:s4+$0x5460] =	vst v3  }
0xb5: {  	s5 =	sadd.s32 $0x200, s5;
	v5 =	vmul.f32 $5.000000000e-01, v5;
	v3 =	vld [tilespmem:s11+$0x5460];
	[tilespmem:s4+$0x5470] =	vst v8;
	s4 =	smov.u32 s11  }
0xb6: {  	[tilespmem:s4+$0x5400] =	vst v6;
	v4 =	vmul.f32 $5.000000000e-01, v4;
	v6 =	vld [tilespmem:s4+$0x5470]  }
0xb7: {  	[tilespmem:s4+$0x5410] =	vst v5;
	v2 =	vmul.f32 $5.000000000e-01, v2  }
0xb8: {  	[tilespmem:s4+$0x5420] =	vst v4;
	v0 =	vmul.f32 $5.000000000e-01, v0  }
0xb9: {  	[tilespmem:s4+$0x5430] =	vst v2;
	v1 =	vmul.f32 $5.000000000e-01, v1  }
0xba: {  	[tilespmem:s4+$0x5440] =	vst v0;
	v0 =	vmul.f32 $5.000000000e-01, v3  }
0xbb: {  	[tilespmem:s4+$0x5450] =	vst v1;
	v1 =	vmul.f32 $5.000000000e-01, v6  }
0xbc: {  	[tilespmem:s4+$0x5460] =	vst v0  }
0xbd: {  	s22 =	simm.s32 $0x0;
	s5 =	rddreg [dreg:$0xf];
	s11 =	simm.s32 $0x5400;
	[tilespmem:s4+$0x5470] =	vst v1  }
0xbe: {  	[hbm4b:s5+s22] =	stream.linear.scatter [tilespmem:s11], [sflag:$0xF], $0x2800, $0x38;
	[tilespmem:$0xA400] =	vst v63  }
0xbf: {  	_ =	swait.ge [sflag:s19], $0x2800  }
0xc0: {  	[sflag:s19] =	ssyncset.done $0x0  }
0xc1: {  	s24 =	simm.s32 $0x80;
	[sflag:s19] =	ssyncadd.s32 $0xFFFFD800  }
0xc2: {  	[tilespmem:s16], [sflag:$0x9] =	stream.indirect.gather.add.f32 [hbm:s1], $0x80, s24, s14, $0xb8;
	[tilespmem:$0xA400] =	vst v63  }
0xc3: {  	_ =	swait.ge [sflag:s9], $0x2800  }
0xc4: {  	[sflag:s9] =	ssyncset.done $0x0  }
0xc5: {  	[sflag:s9] =	ssyncadd.s32 $0xFFFFD800  }
0xc6: {  	_ =	swait.ge [sflag:s17], $0x100  }
0xc7: {  	[sflag:s17] =	ssyncset.done $0x0  }
0xc8: {  	[sflag:s17] =	ssyncadd.s32 $0xFFFFFF00  }
0xc9: {  	_ =	swait.ge [sflag:s29], $0x2800  }
0xca: {  	[sflag:s29] =	ssyncset.done $0x0  }
0xcb: {  	s25 =	simm.s32 $0x100;
	[sflag:s29] =	ssyncadd.s32 $0xFFFFD800  }
0xcc: {  	[tilespmem:s18], [sflag:$0x6] =	stream.indirect.gather [hbm4b:s1+s14], $0x80, s25, s14, $0xb8;
	[tilespmem:$0xA400] =	vst v63  }
0xcd: {  	s4 =	simm.s32 $0x0;
	s28 =	rddreg [dreg:$0x10]  }
0xce: {  	[tilespmem:s26], [sflag:$0x3] =	stream.linear.gather [hbm4b:s28+s22], $0x100, $0x38;
	[tilespmem:$0xA400] =	vst v63  }
0xcf: {  	v3 =	vld [tilespmem:s4+$0x7C00]  }
0xd0: {  	v5 =	vld [tilespmem:s4+$0x7C10]  }
0xd1: {  	v4 =	vld [tilespmem:s4+$0x7C20]  }
0xd2: {  	v2 =	vld [tilespmem:s4+$0x7C30]  }
0xd3: {  	v0 =	vld [tilespmem:s4+$0x7C40]  }
0xd4: {  	v1 =	vld [tilespmem:s4+$0x7C50];
	v6 =	vmul.f32 $5.000000000e-01, v3  }
0xd5: {  	s5 =	simm.s32 $0x200;
	v5 =	vmul.f32 $5.000000000e-01, v5;
	v3 =	vld [tilespmem:s4+$0x7C60]  }
.LBB2_8:
0xd6: {  	s11 =	sshra.s32 s5, $0x2;
	p1 =	sne.s32 s5, $0x9E00;
	[tilespmem:s4+$0x7C00] =	vst v6;
	v4 =	vmul.f32 $5.000000000e-01, v4;
	v6 =	vld [tilespmem:s4+$0x7C70]  }
0xd7: {  	v7 =	vld [tilespmem:s11+$0x7C00];
	[tilespmem:s4+$0x7C10] =	vst v5;
	v2 =	vmul.f32 $5.000000000e-01, v2  }
0xd8: {  	v5 =	vld [tilespmem:s11+$0x7C10];
	[tilespmem:s4+$0x7C20] =	vst v4;
	v0 =	vmul.f32 $5.000000000e-01, v0  }
.Ltmp3:
0xd9: {  	v4 =	vld [tilespmem:s11+$0x7C20];
	[tilespmem:s4+$0x7C30] =	vst v2;
	v1 =	vmul.f32 $5.000000000e-01, v1;
	(pc) =	sbr.rel @p1 .LBB2_8-.Ltmp3, $4  }
0xda: {  	v2 =	vld [tilespmem:s11+$0x7C30];
	[tilespmem:s4+$0x7C40] =	vst v0;
	v3 =	vmul.f32 $5.000000000e-01, v3  }
0xdb: {  	v0 =	vld [tilespmem:s11+$0x7C40];
	[tilespmem:s4+$0x7C50] =	vst v1;
	v8 =	vmul.f32 $5.000000000e-01, v6  }
0xdc: {  	v6 =	vmul.f32 $5.000000000e-01, v7;
	v1 =	vld [tilespmem:s11+$0x7C50];
	[tilespmem:s4+$0x7C60] =	vst v3  }
0xdd: {  	s5 =	sadd.s32 $0x200, s5;
	v5 =	vmul.f32 $5.000000000e-01, v5;
	v3 =	vld [tilespmem:s11+$0x7C60];
	[tilespmem:s4+$0x7C70] =	vst v8;
	s4 =	smov.u32 s11  }
0xde: {  	[tilespmem:s4+$0x7C00] =	vst v6;
	v4 =	vmul.f32 $5.000000000e-01, v4;
	v61 =	vld [tilespmem:s4+$0x7C70]  }
0xdf: {  	[tilespmem:s4+$0x7C10] =	vst v5;
	v2 =	vmul.f32 $5.000000000e-01, v2  }
0xe0: {  	[tilespmem:s4+$0x7C20] =	vst v4;
	v0 =	vmul.f32 $5.000000000e-01, v0  }
0xe1: {  	[tilespmem:s4+$0x7C30] =	vst v2;
	v1 =	vmul.f32 $5.000000000e-01, v1  }
0xe2: {  	[tilespmem:s4+$0x7C40] =	vst v0;
	v62 =	vmul.f32 $5.000000000e-01, v3  }
0xe3: {  	[tilespmem:s4+$0x7C50] =	vst v1;
	v63 =	vmul.f32 $5.000000000e-01, v61  }
0xe4: {  	[tilespmem:s4+$0x7C60] =	vst v62  }
0xe5: {  	s22 =	simm.s32 $0x0;
	s28 =	rddreg [dreg:$0x11];
	s5 =	simm.s32 $0x0;
	[tilespmem:s4+$0x7C70] =	vst v63  }
0xe6: {  	[hbm4b:s28+s22] =	stream.linear.scatter [tilespmem:s2], [sflag:$0x10], $0x2800, $0x38;
	[tilespmem:$0xA400] =	vst v63  }
.LBB2_10:
0xe7: {  	_ =	swait.ge [sflag:s21], $0x2800  }
0xe8: {  	[sflag:s21] =	ssyncset.done $0x0  }
0xe9: {  	s4 =	simm.s32 $0x180;
	[sflag:s21] =	ssyncadd.s32 $0xFFFFD800  }
0xea: {  	[tilespmem:s18], [sflag:$0xA] =	stream.indirect.gather.add.f32 [hbm:s1], $0x80, s4, s14, $0xb8;
	[tilespmem:$0xA400] =	vst v63  }
0xeb: {  	_ =	swait.ge [sflag:s23], $0x2800  }
0xec: {  	[sflag:s23] =	ssyncset.done $0x0  }
0xed: {  	s25 =	simm.s32 $0x3;
	[sflag:s23] =	ssyncadd.s32 $0xFFFFD800  }
0xee: {  	_ =	swait.ge [sflag:s25], $0x100  }
0xef: {  	[sflag:s25] =	ssyncset.done $0x0  }
0xf0: {  	[sflag:s25] =	ssyncadd.s32 $0xFFFFFF00  }
0xf1: {  	_ =	swait.ge [sflag:s0], $0x2800  }
0xf2: {  	s28 =	simm.s32 $0x5400;
	[sflag:s0] =	ssyncset.done $0x0  }
0xf3: {  	p1 =	sgt.u32 s5, $0x1D;
	s4 =	simm.s32 $0xFFFFFF83;
	[sflag:s0] =	ssyncadd.s32 $0xFFFFD800  }
0xf4: {  	[tilespmem:s28], [sflag:$0x7] =	stream.indirect.gather [hbm4b:s1+s14], $0x80, s26, s14, $0xb8;
	[tilespmem:$0xA400] =	vst v63  }
0xf5: {  	s24 =	simm.s32 $0xFA0;
	s4 =	simm.s32 @!p1 $0x0;
	s26 =	sshll.u32 s5, $0x2  }
0xf6: {  	s24 =	simm.s32 @!p1 $0x0;
	s11 =	sadd.s32 s26, s4  }
0xf7: {  	s4 =	sadd.s32 s10, s24;
	s12 =	sadd.s32 $0x7, s11  }
0xf8: {  	s24 =	sadd.s32 s12, s4  }
0xf9: {  	s24 =	sshll.u32 s24, $0x5  }
0xfa: {  	s24 =	sand.u32 $0x1FFFFFE0, s24  }
0xfb: {  	s25 =	simm.s32 $0x300;
	s24 =	sadd.s32 s3, s24  }
0xfc: {  	[tilespmem:s25], [sflag:$0x4] =	stream.linear.gather [hbm4b:s24+s22], $0x100, $0x38;
	[tilespmem:$0xA400] =	vst v63  }
0xfd: {  	s24 =	simm.s32 $0x0  }
0xfe: {  	v0 =	vld [tilespmem:s24+$0x400]  }
0xff: {  	v5 =	vld [tilespmem:s24+$0x410]  }
0x100: {  	v4 =	vld [tilespmem:s24+$0x420]  }
0x101: {  	v3 =	vld [tilespmem:s24+$0x430]  }
0x102: {  	v2 =	vld [tilespmem:s24+$0x440]  }
0x103: {  	v1 =	vld [tilespmem:s24+$0x450];
	v6 =	vmul.f32 $5.000000000e-01, v0  }
0x104: {  	s25 =	simm.s32 $0x200;
	v5 =	vmul.f32 $5.000000000e-01, v5;
	v0 =	vld [tilespmem:s24+$0x460]  }
.LBB2_11:
0x105: {  	s28 =	sshra.s32 s25, $0x2;
	p2 =	sne.s32 s25, $0x9E00;
	[tilespmem:s24+$0x400] =	vst v6;
	v4 =	vmul.f32 $5.000000000e-01, v4;
	v6 =	vld [tilespmem:s24+$0x470]  }
0x106: {  	v7 =	vld [tilespmem:s28+$0x400];
	[tilespmem:s24+$0x410] =	vst v5;
	v3 =	vmul.f32 $5.000000000e-01, v3  }
0x107: {  	v5 =	vld [tilespmem:s28+$0x410];
	[tilespmem:s24+$0x420] =	vst v4;
	v2 =	vmul.f32 $5.000000000e-01, v2  }
.Ltmp4:
0x108: {  	v4 =	vld [tilespmem:s28+$0x420];
	[tilespmem:s24+$0x430] =	vst v3;
	v1 =	vmul.f32 $5.000000000e-01, v1;
	(pc) =	sbr.rel @p2 .LBB2_11-.Ltmp4, $4  }
0x109: {  	v3 =	vld [tilespmem:s28+$0x430];
	[tilespmem:s24+$0x440] =	vst v2;
	v0 =	vmul.f32 $5.000000000e-01, v0  }
0x10a: {  	v2 =	vld [tilespmem:s28+$0x440];
	[tilespmem:s24+$0x450] =	vst v1;
	v8 =	vmul.f32 $5.000000000e-01, v6  }
0x10b: {  	v6 =	vmul.f32 $5.000000000e-01, v7;
	v1 =	vld [tilespmem:s28+$0x450];
	[tilespmem:s24+$0x460] =	vst v0  }
0x10c: {  	s25 =	sadd.s32 $0x200, s25;
	v5 =	vmul.f32 $5.000000000e-01, v5;
	v0 =	vld [tilespmem:s28+$0x460];
	[tilespmem:s24+$0x470] =	vst v8;
	s24 =	smov.u32 s28  }
0x10d: {  	p2 =	sgt.u32 s5, $0x1E;
	s25 =	simm.s32 $0xFFFFFF83  }
0x10e: {  	[tilespmem:s24+$0x400] =	vst v6;
	v4 =	vmul.f32 $5.000000000e-01, v4;
	v6 =	vld [tilespmem:s24+$0x470];
	s25 =	simm.s32 @!p2 $0x0  }
0x10f: {  	s28 =	simm.s32 $0x53020;
	[tilespmem:s24+$0x410] =	vst v5;
	v3 =	vmul.f32 $5.000000000e-01, v3;
	s25 =	sadd.s32 s25, s26  }
0x110: {  	s28 =	simm.s32 @!p2 $0x2710;
	[tilespmem:s24+$0x420] =	vst v4;
	v2 =	vmul.f32 $5.000000000e-01, v2;
	s25 =	smul.u32 $0x50, s25  }
0x111: {  	s28 =	sadd.s32 s15, s28;
	[tilespmem:s24+$0x430] =	vst v3;
	v1 =	vmul.f32 $5.000000000e-01, v1  }
0x112: {  	[tilespmem:s24+$0x440] =	vst v2;
	v0 =	vmul.f32 $5.000000000e-01, v0;
	s25 =	sadd.s32 s28, s25  }
0x113: {  	[tilespmem:s24+$0x450] =	vst v1;
	v1 =	vmul.f32 $5.000000000e-01, v6;
	s28 =	rddreg [dreg:$0x2];
	s25 =	sshll.u32 s25, $0x4  }
0x114: {  	[tilespmem:s24+$0x460] =	vst v0;
	s25 =	sadd.s32 s28, s25  }
0x115: {  	[tilespmem:s24+$0x470] =	vst v1;
	s28 =	sadd.s32 $0x1400, s25;
	s25 =	simm.s32 $0x0  }
0x116: {  	[hbm4b:s28+s25] =	stream.linear.scatter [tilespmem:s16], [sflag:$0xD], $0x2800, $0x38;
	[tilespmem:$0xA400] =	vst v63  }
0x117: {  	s28 =	simm.s32 $0x7  }
0x118: {  	_ =	swait.ge [sflag:s28], $0x2800  }
0x119: {  	[sflag:s28] =	ssyncset.done $0x0  }
0x11a: {  	s24 =	simm.s32 $0x5400;
	[sflag:s28] =	ssyncadd.s32 $0xFFFFD800;
	s28 =	simm.s32 $0x280  }
0x11b: {  	[tilespmem:s24], [sflag:$0xB] =	stream.indirect.gather.add.f32 [hbm:s1], $0x80, s28, s14, $0xb8;
	[tilespmem:$0xA400] =	vst v63  }
0x11c: {  	_ =	swait.ge [sflag:s30], $0x2800  }
0x11d: {  	[sflag:s30] =	ssyncset.done $0x0  }
0x11e: {  	s24 =	simm.s32 $0xFFFF83;
	[sflag:s30] =	ssyncadd.s32 $0xFFFFD800  }
0x11f: {  	s24 =	simm.s32 @!p1 $0x0;
	_ =	swait.ge [sflag:s31], $0x100  }
0x120: {  	s24 =	sadd.s32 s24, s26;
	[sflag:s31] =	ssyncset.done $0x0  }
0x121: {  	s4 =	sadd.s32 s4, s24;
	[sflag:s31] =	ssyncadd.s32 $0xFFFFFF00  }
0x122: {  	s4 =	sshll.u32 s4, $0x5;
	_ =	swait.ge [sflag:s20], $0x2800  }
0x123: {  	s4 =	sadd.s32 $0x100, s4;
	[sflag:s20] =	ssyncset.done $0x0  }
0x124: {  	s28 =	simm.s32 $0x300;
	s4 =	sand.u32 $0x1FFFFFE0, s4;
	[sflag:s20] =	ssyncadd.s32 $0xFFFFD800  }
0x125: {  	[tilespmem:s2], [sflag:$0x8] =	stream.indirect.gather [hbm4b:s1+s14], $0x80, s28, s14, $0xb8;
	[tilespmem:$0xA400] =	vst v63  }
0x126: {  	s24 =	simm.s32 $0x0;
	s4 =	sadd.s32 s3, s4  }
0x127: {  	[tilespmem:s25], [sflag:$0x1] =	stream.linear.gather [hbm4b:s4+s25], $0x100, $0x38;
	[tilespmem:$0xA400] =	vst v63  }
0x128: {  	v1 =	vld [tilespmem:s24+$0x2C00]  }
0x129: {  	v5 =	vld [tilespmem:s24+$0x2C10]  }
0x12a: {  	v4 =	vld [tilespmem:s24+$0x2C20]  }
0x12b: {  	v3 =	vld [tilespmem:s24+$0x2C30]  }
0x12c: {  	v2 =	vld [tilespmem:s24+$0x2C40]  }
0x12d: {  	v0 =	vld [tilespmem:s24+$0x2C50];
	v6 =	vmul.f32 $5.000000000e-01, v1  }
0x12e: {  	s4 =	simm.s32 $0x200;
	v5 =	vmul.f32 $5.000000000e-01, v5;
	v1 =	vld [tilespmem:s24+$0x2C60]  }
.LBB2_13:
0x12f: {  	s25 =	sshra.s32 s4, $0x2;
	p2 =	sne.s32 s4, $0x9E00;
	[tilespmem:s24+$0x2C00] =	vst v6;
	v4 =	vmul.f32 $5.000000000e-01, v4;
	v6 =	vld [tilespmem:s24+$0x2C70]  }
0x130: {  	v7 =	vld [tilespmem:s25+$0x2C00];
	[tilespmem:s24+$0x2C10] =	vst v5;
	v3 =	vmul.f32 $5.000000000e-01, v3  }
0x131: {  	v5 =	vld [tilespmem:s25+$0x2C10];
	[tilespmem:s24+$0x2C20] =	vst v4;
	v2 =	vmul.f32 $5.000000000e-01, v2  }
.Ltmp5:
0x132: {  	v4 =	vld [tilespmem:s25+$0x2C20];
	[tilespmem:s24+$0x2C30] =	vst v3;
	v0 =	vmul.f32 $5.000000000e-01, v0;
	(pc) =	sbr.rel @p2 .LBB2_13-.Ltmp5, $4  }
0x133: {  	v3 =	vld [tilespmem:s25+$0x2C30];
	[tilespmem:s24+$0x2C40] =	vst v2;
	v1 =	vmul.f32 $5.000000000e-01, v1  }
0x134: {  	v2 =	vld [tilespmem:s25+$0x2C40];
	[tilespmem:s24+$0x2C50] =	vst v0;
	v8 =	vmul.f32 $5.000000000e-01, v6  }
0x135: {  	v6 =	vmul.f32 $5.000000000e-01, v7;
	v0 =	vld [tilespmem:s25+$0x2C50];
	[tilespmem:s24+$0x2C60] =	vst v1  }
0x136: {  	s4 =	sadd.s32 $0x200, s4;
	v5 =	vmul.f32 $5.000000000e-01, v5;
	v1 =	vld [tilespmem:s25+$0x2C60];
	[tilespmem:s24+$0x2C70] =	vst v8;
	s24 =	smov.u32 s25  }
0x137: {  	[tilespmem:s24+$0x2C00] =	vst v6;
	v4 =	vmul.f32 $5.000000000e-01, v4;
	v6 =	vld [tilespmem:s24+$0x2C70]  }
0x138: {  	s4 =	simm.s32 $0x53020;
	[tilespmem:s24+$0x2C10] =	vst v5;
	v3 =	vmul.f32 $5.000000000e-01, v3  }
0x139: {  	s25 =	smul.u32 $0x50, s11;
	s4 =	simm.s32 @!p1 $0x2710;
	[tilespmem:s24+$0x2C20] =	vst v4;
	v2 =	vmul.f32 $5.000000000e-01, v2  }
0x13a: {  	s11 =	sadd.s32 s15, s4;
	[tilespmem:s24+$0x2C30] =	vst v3;
	v0 =	vmul.f32 $5.000000000e-01, v0  }
0x13b: {  	s4 =	sadd.s32 s11, s25;
	[tilespmem:s24+$0x2C40] =	vst v2;
	v1 =	vmul.f32 $5.000000000e-01, v1  }
0x13c: {  	s28 =	rddreg [dreg:$0x2];
	s4 =	sshll.u32 s4, $0x4;
	[tilespmem:s24+$0x2C50] =	vst v0;
	v0 =	vmul.f32 $5.000000000e-01, v6  }
0x13d: {  	s4 =	sadd.s32 s28, s4;
	[tilespmem:s24+$0x2C60] =	vst v1  }
0x13e: {  	s25 =	simm.s32 $0x0;
	s28 =	sadd.s32 $0x1900, s4;
	[tilespmem:s24+$0x2C70] =	vst v0  }
0x13f: {  	[hbm4b:s28+s25] =	stream.linear.scatter [tilespmem:s18], [sflag:$0xE], $0x2800, $0x38;
	[tilespmem:$0xA400] =	vst v63  }
0x140: {  	_ =	swait.ge [sflag:s6], $0x2800  }
0x141: {  	[sflag:s6] =	ssyncset.done $0x0  }
0x142: {  	s28 =	simm.s32 $0x380;
	[sflag:s6] =	ssyncadd.s32 $0xFFFFD800  }
0x143: {  	[tilespmem:s2], [sflag:$0xC] =	stream.indirect.gather.add.f32 [hbm:s1], $0x80, s28, s14, $0xb8;
	[tilespmem:$0xA400] =	vst v63  }
0x144: {  	_ =	swait.ge [sflag:s7], $0x2800  }
0x145: {  	p1 =	sgt.u32 s5, $0x1C;
	[sflag:s7] =	ssyncset.done $0x0  }
0x146: {  	s24 =	simm.s32 $0xFA0;
	s28 =	simm.s32 $0xFFFF83;
	[sflag:s7] =	ssyncadd.s32 $0xFFFFD800  }
0x147: {  	s24 =	simm.s32 @!p1 $0x0;
	s28 =	simm.s32 @!p1 $0x0;
	_ =	swait.ge [sflag:s13], $0x100  }
0x148: {  	s24 =	sadd.s32 s10, s24;
	s26 =	sadd.s32 s28, s26;
	[sflag:s13] =	ssyncset.done $0x0  }
0x149: {  	s24 =	sadd.s32 s24, s26;
	[sflag:s13] =	ssyncadd.s32 $0xFFFFFF00  }
0x14a: {  	s26 =	sshll.u32 s24, $0x5;
	_ =	swait.ge [sflag:s8], $0x2800  }
0x14b: {  	s24 =	sadd.s32 $0x120, s26;
	[sflag:s8] =	ssyncset.done $0x0  }
0x14c: {  	s24 =	sand.u32 $0x1FFFFFE0, s24;
	[sflag:s8] =	ssyncadd.s32 $0xFFFFD800  }
0x14d: {  	[tilespmem:s16], [sflag:$0x5] =	stream.indirect.gather [hbm4b:s1+s14], $0x80, s25, s14, $0xb8;
	[tilespmem:$0xA400] =	vst v63  }
0x14e: {  	s28 =	simm.s32 $0x100;
	s24 =	sadd.s32 s3, s24  }
0x14f: {  	[tilespmem:s28], [sflag:$0x2] =	stream.linear.gather [hbm4b:s24+s25], $0x100, $0x38;
	[tilespmem:$0xA400] =	vst v63  }
0x150: {  	s24 =	simm.s32 $0x0  }
0x151: {  	v3 =	vld [tilespmem:s24+$0x5400]  }
0x152: {  	v5 =	vld [tilespmem:s24+$0x5410]  }
0x153: {  	v4 =	vld [tilespmem:s24+$0x5420]  }
0x154: {  	v2 =	vld [tilespmem:s24+$0x5430]  }
0x155: {  	v0 =	vld [tilespmem:s24+$0x5440]  }
0x156: {  	v1 =	vld [tilespmem:s24+$0x5450];
	v6 =	vmul.f32 $5.000000000e-01, v3  }
0x157: {  	s25 =	simm.s32 $0x200;
	v5 =	vmul.f32 $5.000000000e-01, v5;
	v3 =	vld [tilespmem:s24+$0x5460]  }
.LBB2_15:
0x158: {  	s28 =	sshra.s32 s25, $0x2;
	p1 =	sne.s32 s25, $0x9E00;
	[tilespmem:s24+$0x5400] =	vst v6;
	v4 =	vmul.f32 $5.000000000e-01, v4;
	v6 =	vld [tilespmem:s24+$0x5470]  }
0x159: {  	v7 =	vld [tilespmem:s28+$0x5400];
	[tilespmem:s24+$0x5410] =	vst v5;
	v2 =	vmul.f32 $5.000000000e-01, v2  }
0x15a: {  	v5 =	vld [tilespmem:s28+$0x5410];
	[tilespmem:s24+$0x5420] =	vst v4;
	v0 =	vmul.f32 $5.000000000e-01, v0  }
.Ltmp6:
0x15b: {  	v4 =	vld [tilespmem:s28+$0x5420];
	[tilespmem:s24+$0x5430] =	vst v2;
	v1 =	vmul.f32 $5.000000000e-01, v1;
	(pc) =	sbr.rel @p1 .LBB2_15-.Ltmp6, $4  }
0x15c: {  	v2 =	vld [tilespmem:s28+$0x5430];
	[tilespmem:s24+$0x5440] =	vst v0;
	v3 =	vmul.f32 $5.000000000e-01, v3  }
0x15d: {  	v0 =	vld [tilespmem:s28+$0x5440];
	[tilespmem:s24+$0x5450] =	vst v1;
	v8 =	vmul.f32 $5.000000000e-01, v6  }
0x15e: {  	v6 =	vmul.f32 $5.000000000e-01, v7;
	v1 =	vld [tilespmem:s28+$0x5450];
	[tilespmem:s24+$0x5460] =	vst v3  }
0x15f: {  	s25 =	sadd.s32 $0x200, s25;
	v5 =	vmul.f32 $5.000000000e-01, v5;
	v3 =	vld [tilespmem:s28+$0x5460];
	[tilespmem:s24+$0x5470] =	vst v8;
	s24 =	smov.u32 s28  }
0x160: {  	[tilespmem:s24+$0x5400] =	vst v6;
	v4 =	vmul.f32 $5.000000000e-01, v4;
	v6 =	vld [tilespmem:s24+$0x5470]  }
0x161: {  	[tilespmem:s24+$0x5410] =	vst v5;
	v2 =	vmul.f32 $5.000000000e-01, v2  }
0x162: {  	[tilespmem:s24+$0x5420] =	vst v4;
	v0 =	vmul.f32 $5.000000000e-01, v0  }
0x163: {  	[tilespmem:s24+$0x5430] =	vst v2;
	v1 =	vmul.f32 $5.000000000e-01, v1  }
0x164: {  	[tilespmem:s24+$0x5440] =	vst v0;
	v0 =	vmul.f32 $5.000000000e-01, v3  }
0x165: {  	[tilespmem:s24+$0x5450] =	vst v1;
	v1 =	vmul.f32 $5.000000000e-01, v6  }
0x166: {  	[tilespmem:s24+$0x5460] =	vst v0  }
0x167: {  	s4 =	sadd.s32 $0x1E00, s4;
	s25 =	simm.s32 $0x5400;
	[tilespmem:s24+$0x5470] =	vst v1;
	s24 =	simm.s32 $0x0  }
0x168: {  	[hbm4b:s4+s24] =	stream.linear.scatter [tilespmem:s25], [sflag:$0xF], $0x2800, $0x38;
	[tilespmem:$0xA400] =	vst v63  }
0x169: {  	_ =	swait.ge [sflag:s19], $0x2800  }
0x16a: {  	[sflag:s19] =	ssyncset.done $0x0  }
0x16b: {  	s28 =	simm.s32 $0x80;
	[sflag:s19] =	ssyncadd.s32 $0xFFFFD800  }
0x16c: {  	[tilespmem:s16], [sflag:$0x9] =	stream.indirect.gather.add.f32 [hbm:s1], $0x80, s28, s14, $0xb8;
	[tilespmem:$0xA400] =	vst v63  }
0x16d: {  	_ =	swait.ge [sflag:s9], $0x2800  }
0x16e: {  	[sflag:s9] =	ssyncset.done $0x0  }
0x16f: {  	[sflag:s9] =	ssyncadd.s32 $0xFFFFD800  }
0x170: {  	_ =	swait.ge [sflag:s17], $0x100  }
0x171: {  	[sflag:s17] =	ssyncset.done $0x0  }
0x172: {  	[sflag:s17] =	ssyncadd.s32 $0xFFFFFF00  }
0x173: {  	_ =	swait.ge [sflag:s29], $0x2800  }
0x174: {  	s28 =	sadd.s32 $0x140, s26;
	[sflag:s29] =	ssyncset.done $0x0  }
0x175: {  	s25 =	simm.s32 $0x100;
	s4 =	sand.u32 $0x1FFFFFE0, s28;
	[sflag:s29] =	ssyncadd.s32 $0xFFFFD800  }
0x176: {  	[tilespmem:s18], [sflag:$0x6] =	stream.indirect.gather [hbm4b:s1+s14], $0x80, s25, s14, $0xb8;
	[tilespmem:$0xA400] =	vst v63  }
0x177: {  	s26 =	simm.s32 $0x200;
	s4 =	sadd.s32 s3, s4  }
0x178: {  	[tilespmem:s26], [sflag:$0x3] =	stream.linear.gather [hbm4b:s4+s24], $0x100, $0x38;
	[tilespmem:$0xA400] =	vst v63  }
0x179: {  	s4 =	simm.s32 $0x0  }
0x17a: {  	v2 =	vld [tilespmem:s4+$0x7C00]  }
0x17b: {  	v5 =	vld [tilespmem:s4+$0x7C10]  }
0x17c: {  	v4 =	vld [tilespmem:s4+$0x7C20]  }
0x17d: {  	v3 =	vld [tilespmem:s4+$0x7C30]  }
0x17e: {  	v0 =	vld [tilespmem:s4+$0x7C40]  }
0x17f: {  	v1 =	vld [tilespmem:s4+$0x7C50];
	v6 =	vmul.f32 $5.000000000e-01, v2  }
0x180: {  	s24 =	simm.s32 $0x200;
	v5 =	vmul.f32 $5.000000000e-01, v5;
	v2 =	vld [tilespmem:s4+$0x7C60]  }
.LBB2_17:
0x181: {  	s25 =	sshra.s32 s24, $0x2;
	p1 =	sne.s32 s24, $0x9E00;
	[tilespmem:s4+$0x7C00] =	vst v6;
	v4 =	vmul.f32 $5.000000000e-01, v4;
	v6 =	vld [tilespmem:s4+$0x7C70]  }
0x182: {  	v7 =	vld [tilespmem:s25+$0x7C00];
	[tilespmem:s4+$0x7C10] =	vst v5;
	v3 =	vmul.f32 $5.000000000e-01, v3  }
0x183: {  	v5 =	vld [tilespmem:s25+$0x7C10];
	[tilespmem:s4+$0x7C20] =	vst v4;
	v0 =	vmul.f32 $5.000000000e-01, v0  }
.Ltmp7:
0x184: {  	v4 =	vld [tilespmem:s25+$0x7C20];
	[tilespmem:s4+$0x7C30] =	vst v3;
	v1 =	vmul.f32 $5.000000000e-01, v1;
	(pc) =	sbr.rel @p1 .LBB2_17-.Ltmp7, $4  }
0x185: {  	v3 =	vld [tilespmem:s25+$0x7C30];
	[tilespmem:s4+$0x7C40] =	vst v0;
	v2 =	vmul.f32 $5.000000000e-01, v2  }
0x186: {  	v0 =	vld [tilespmem:s25+$0x7C40];
	[tilespmem:s4+$0x7C50] =	vst v1;
	v8 =	vmul.f32 $5.000000000e-01, v6  }
0x187: {  	v6 =	vmul.f32 $5.000000000e-01, v7;
	v1 =	vld [tilespmem:s25+$0x7C50];
	[tilespmem:s4+$0x7C60] =	vst v2  }
0x188: {  	s24 =	sadd.s32 $0x200, s24;
	v5 =	vmul.f32 $5.000000000e-01, v5;
	v2 =	vld [tilespmem:s25+$0x7C60];
	[tilespmem:s4+$0x7C70] =	vst v8;
	s4 =	smov.u32 s25  }
0x189: {  	[tilespmem:s4+$0x7C00] =	vst v6;
	v4 =	vmul.f32 $5.000000000e-01, v4;
	v61 =	vld [tilespmem:s4+$0x7C70]  }
0x18a: {  	[tilespmem:s4+$0x7C10] =	vst v5;
	v3 =	vmul.f32 $5.000000000e-01, v3  }
0x18b: {  	s5 =	sadd.s32 $0x1, s5;
	[tilespmem:s4+$0x7C20] =	vst v4;
	v0 =	vmul.f32 $5.000000000e-01, v0  }
0x18c: {  	s12 =	smul.u32 $0x50, s12;
	p1 =	sne.s32 s5, $0x3C;
	[tilespmem:s4+$0x7C30] =	vst v3;
	v1 =	vmul.f32 $5.000000000e-01, v1  }
.Ltmp8:
0x18d: {  	[tilespmem:s4+$0x7C40] =	vst v0;
	v62 =	vmul.f32 $5.000000000e-01, v2;
	(pc) =	sbr.rel @p1 .LBB2_10-.Ltmp8, $4  }
0x18e: {  	s11 =	sadd.s32 s11, s12;
	[tilespmem:s4+$0x7C50] =	vst v1;
	v63 =	vmul.f32 $5.000000000e-01, v61  }
0x18f: {  	s28 =	rddreg [dreg:$0x2];
	s11 =	sshll.u32 s11, $0x4;
	[tilespmem:s4+$0x7C60] =	vst v62  }
0x190: {  	s12 =	simm.s32 $0x0;
	[tilespmem:s4+$0x7C70] =	vst v63;
	s4 =	sadd.s32 s28, s11  }
0x191: {  	[hbm4b:s4+s12] =	stream.linear.scatter [tilespmem:s2], [sflag:$0x10], $0x2800, $0x38;
	[tilespmem:$0xA400] =	vst v63  }
0x192: {  	_ =	swait.ge [sflag:s21], $0x2800  }
0x193: {  	[sflag:s21] =	ssyncset.done $0x0  }
0x194: {  	s4 =	simm.s32 $0x180;
	[sflag:s21] =	ssyncadd.s32 $0xFFFFD800  }
0x195: {  	[tilespmem:s18], [sflag:$0xA] =	stream.indirect.gather.add.f32 [hbm:s1], $0x80, s4, s14, $0xb8;
	[tilespmem:$0xA400] =	vst v63  }
0x196: {  	_ =	swait.ge [sflag:s23], $0x2800  }
0x197: {  	[sflag:s23] =	ssyncset.done $0x0  }
0x198: {  	s24 =	simm.s32 $0x3;
	[sflag:s23] =	ssyncadd.s32 $0xFFFFD800  }
0x199: {  	_ =	swait.ge [sflag:s24], $0x100  }
0x19a: {  	[sflag:s24] =	ssyncset.done $0x0  }
0x19b: {  	[sflag:s24] =	ssyncadd.s32 $0xFFFFFF00  }
0x19c: {  	_ =	swait.ge [sflag:s0], $0x2800  }
0x19d: {  	[sflag:s0] =	ssyncset.done $0x0  }
0x19e: {  	s25 =	simm.s32 $0x5400;
	s28 =	simm.s32 $0x0;
	[sflag:s0] =	ssyncadd.s32 $0xFFFFD800  }
0x19f: {  	[tilespmem:s25], [sflag:$0x7] =	stream.indirect.gather [hbm4b:s1+s14], $0x80, s26, s14, $0xb8;
	[tilespmem:$0xA400] =	vst v63  }
0x1a0: {  	s11 =	simm.s32 $0x300;
	s4 =	simm.s32 $0x0;
	s5 =	rddreg [dreg:$0x12]  }
0x1a1: {  	[tilespmem:s11], [sflag:$0x4] =	stream.linear.gather [hbm4b:s5+s28], $0x100, $0x38;
	[tilespmem:$0xA400] =	vst v63  }
0x1a2: {  	v3 =	vld [tilespmem:s4+$0x400]  }
0x1a3: {  	v5 =	vld [tilespmem:s4+$0x410]  }
0x1a4: {  	v4 =	vld [tilespmem:s4+$0x420]  }
0x1a5: {  	v2 =	vld [tilespmem:s4+$0x430]  }
0x1a6: {  	v0 =	vld [tilespmem:s4+$0x440]  }
0x1a7: {  	v1 =	vld [tilespmem:s4+$0x450];
	v6 =	vmul.f32 $5.000000000e-01, v3  }
0x1a8: {  	s5 =	simm.s32 $0x200;
	v5 =	vmul.f32 $5.000000000e-01, v5;
	v3 =	vld [tilespmem:s4+$0x460]  }
.LBB2_20:
0x1a9: {  	s11 =	sshra.s32 s5, $0x2;
	p1 =	sne.s32 s5, $0x9E00;
	[tilespmem:s4+$0x400] =	vst v6;
	v4 =	vmul.f32 $5.000000000e-01, v4;
	v6 =	vld [tilespmem:s4+$0x470]  }
0x1aa: {  	v7 =	vld [tilespmem:s11+$0x400];
	[tilespmem:s4+$0x410] =	vst v5;
	v2 =	vmul.f32 $5.000000000e-01, v2  }
0x1ab: {  	v5 =	vld [tilespmem:s11+$0x410];
	[tilespmem:s4+$0x420] =	vst v4;
	v0 =	vmul.f32 $5.000000000e-01, v0  }
.Ltmp9:
0x1ac: {  	v4 =	vld [tilespmem:s11+$0x420];
	[tilespmem:s4+$0x430] =	vst v2;
	v1 =	vmul.f32 $5.000000000e-01, v1;
	(pc) =	sbr.rel @p1 .LBB2_20-.Ltmp9, $4  }
0x1ad: {  	v2 =	vld [tilespmem:s11+$0x430];
	[tilespmem:s4+$0x440] =	vst v0;
	v3 =	vmul.f32 $5.000000000e-01, v3  }
0x1ae: {  	v0 =	vld [tilespmem:s11+$0x440];
	[tilespmem:s4+$0x450] =	vst v1;
	v8 =	vmul.f32 $5.000000000e-01, v6  }
0x1af: {  	v6 =	vmul.f32 $5.000000000e-01, v7;
	v1 =	vld [tilespmem:s11+$0x450];
	[tilespmem:s4+$0x460] =	vst v3  }
0x1b0: {  	s5 =	sadd.s32 $0x200, s5;
	v5 =	vmul.f32 $5.000000000e-01, v5;
	v3 =	vld [tilespmem:s11+$0x460];
	[tilespmem:s4+$0x470] =	vst v8;
	s4 =	smov.u32 s11  }
0x1b1: {  	[tilespmem:s4+$0x400] =	vst v6;
	v4 =	vmul.f32 $5.000000000e-01, v4;
	v6 =	vld [tilespmem:s4+$0x470]  }
0x1b2: {  	[tilespmem:s4+$0x410] =	vst v5;
	v2 =	vmul.f32 $5.000000000e-01, v2  }
0x1b3: {  	[tilespmem:s4+$0x420] =	vst v4;
	v0 =	vmul.f32 $5.000000000e-01, v0  }
0x1b4: {  	[tilespmem:s4+$0x430] =	vst v2;
	v1 =	vmul.f32 $5.000000000e-01, v1  }
0x1b5: {  	[tilespmem:s4+$0x440] =	vst v0;
	v0 =	vmul.f32 $5.000000000e-01, v3  }
0x1b6: {  	[tilespmem:s4+$0x450] =	vst v1;
	v1 =	vmul.f32 $5.000000000e-01, v6  }
0x1b7: {  	[tilespmem:s4+$0x460] =	vst v0  }
0x1b8: {  	s5 =	rddreg [dreg:$0x13];
	s22 =	simm.s32 $0x7;
	[tilespmem:s4+$0x470] =	vst v1;
	s4 =	simm.s32 $0x0  }
0x1b9: {  	[hbm4b:s5+s4] =	stream.linear.scatter [tilespmem:s16], [sflag:$0xD], $0x2800, $0x38;
	[tilespmem:$0xA400] =	vst v63  }
0x1ba: {  	_ =	swait.ge [sflag:s22], $0x2800  }
0x1bb: {  	[sflag:s22] =	ssyncset.done $0x0  }
0x1bc: {  	s24 =	simm.s32 $0x5400;
	s11 =	simm.s32 $0x280;
	[sflag:s22] =	ssyncadd.s32 $0xFFFFD800  }
0x1bd: {  	[tilespmem:s24], [sflag:$0xB] =	stream.indirect.gather.add.f32 [hbm:s1], $0x80, s11, s14, $0xb8;
	[tilespmem:$0xA400] =	vst v63  }
0x1be: {  	_ =	swait.ge [sflag:s30], $0x2800  }
0x1bf: {  	[sflag:s30] =	ssyncset.done $0x0  }
0x1c0: {  	[sflag:s30] =	ssyncadd.s32 $0xFFFFD800  }
0x1c1: {  	_ =	swait.ge [sflag:s31], $0x100  }
0x1c2: {  	[sflag:s31] =	ssyncset.done $0x0  }
0x1c3: {  	[sflag:s31] =	ssyncadd.s32 $0xFFFFFF00  }
0x1c4: {  	_ =	swait.ge [sflag:s20], $0x2800  }
0x1c5: {  	[sflag:s20] =	ssyncset.done $0x0  }
0x1c6: {  	s25 =	simm.s32 $0x300;
	[sflag:s20] =	ssyncadd.s32 $0xFFFFD800  }
0x1c7: {  	[tilespmem:s2], [sflag:$0x8] =	stream.indirect.gather [hbm4b:s1+s14], $0x80, s25, s14, $0xb8;
	[tilespmem:$0xA400] =	vst v63  }
0x1c8: {  	s28 =	rddreg [dreg:$0x14]  }
0x1c9: {  	[tilespmem:s4], [sflag:$0x1] =	stream.linear.gather [hbm4b:s28+s4], $0x100, $0x38;
	[tilespmem:$0xA400] =	vst v63  }
0x1ca: {  	s4 =	simm.s32 $0x0  }
0x1cb: {  	v3 =	vld [tilespmem:s4+$0x2C00]  }
0x1cc: {  	v5 =	vld [tilespmem:s4+$0x2C10]  }
0x1cd: {  	v4 =	vld [tilespmem:s4+$0x2C20]  }
0x1ce: {  	v2 =	vld [tilespmem:s4+$0x2C30]  }
0x1cf: {  	v0 =	vld [tilespmem:s4+$0x2C40]  }
0x1d0: {  	v1 =	vld [tilespmem:s4+$0x2C50];
	v6 =	vmul.f32 $5.000000000e-01, v3  }
0x1d1: {  	s5 =	simm.s32 $0x200;
	v5 =	vmul.f32 $5.000000000e-01, v5;
	v3 =	vld [tilespmem:s4+$0x2C60]  }
.LBB2_22:
0x1d2: {  	s11 =	sshra.s32 s5, $0x2;
	p1 =	sne.s32 s5, $0x9E00;
	[tilespmem:s4+$0x2C00] =	vst v6;
	v4 =	vmul.f32 $5.000000000e-01, v4;
	v6 =	vld [tilespmem:s4+$0x2C70]  }
0x1d3: {  	v7 =	vld [tilespmem:s11+$0x2C00];
	[tilespmem:s4+$0x2C10] =	vst v5;
	v2 =	vmul.f32 $5.000000000e-01, v2  }
0x1d4: {  	v5 =	vld [tilespmem:s11+$0x2C10];
	[tilespmem:s4+$0x2C20] =	vst v4;
	v0 =	vmul.f32 $5.000000000e-01, v0  }
.Ltmp10:
0x1d5: {  	v4 =	vld [tilespmem:s11+$0x2C20];
	[tilespmem:s4+$0x2C30] =	vst v2;
	v1 =	vmul.f32 $5.000000000e-01, v1;
	(pc) =	sbr.rel @p1 .LBB2_22-.Ltmp10, $4  }
0x1d6: {  	v2 =	vld [tilespmem:s11+$0x2C30];
	[tilespmem:s4+$0x2C40] =	vst v0;
	v3 =	vmul.f32 $5.000000000e-01, v3  }
0x1d7: {  	v0 =	vld [tilespmem:s11+$0x2C40];
	[tilespmem:s4+$0x2C50] =	vst v1;
	v8 =	vmul.f32 $5.000000000e-01, v6  }
0x1d8: {  	v6 =	vmul.f32 $5.000000000e-01, v7;
	v1 =	vld [tilespmem:s11+$0x2C50];
	[tilespmem:s4+$0x2C60] =	vst v3  }
0x1d9: {  	s5 =	sadd.s32 $0x200, s5;
	v5 =	vmul.f32 $5.000000000e-01, v5;
	v3 =	vld [tilespmem:s11+$0x2C60];
	[tilespmem:s4+$0x2C70] =	vst v8;
	s4 =	smov.u32 s11  }
0x1da: {  	[tilespmem:s4+$0x2C00] =	vst v6;
	v4 =	vmul.f32 $5.000000000e-01, v4;
	v6 =	vld [tilespmem:s4+$0x2C70]  }
0x1db: {  	[tilespmem:s4+$0x2C10] =	vst v5;
	v2 =	vmul.f32 $5.000000000e-01, v2  }
0x1dc: {  	[tilespmem:s4+$0x2C20] =	vst v4;
	v0 =	vmul.f32 $5.000000000e-01, v0  }
0x1dd: {  	[tilespmem:s4+$0x2C30] =	vst v2;
	v1 =	vmul.f32 $5.000000000e-01, v1  }
0x1de: {  	[tilespmem:s4+$0x2C40] =	vst v0;
	v0 =	vmul.f32 $5.000000000e-01, v3  }
0x1df: {  	[tilespmem:s4+$0x2C50] =	vst v1;
	v1 =	vmul.f32 $5.000000000e-01, v6  }
0x1e0: {  	[tilespmem:s4+$0x2C60] =	vst v0  }
0x1e1: {  	s24 =	simm.s32 $0x0;
	s5 =	rddreg [dreg:$0x15];
	[tilespmem:s4+$0x2C70] =	vst v1  }
0x1e2: {  	[hbm4b:s5+s24] =	stream.linear.scatter [tilespmem:s18], [sflag:$0xE], $0x2800, $0x38;
	[tilespmem:$0xA400] =	vst v63  }
0x1e3: {  	_ =	swait.ge [sflag:s6], $0x2800  }
0x1e4: {  	[sflag:s6] =	ssyncset.done $0x0  }
0x1e5: {  	s25 =	simm.s32 $0x380;
	[sflag:s6] =	ssyncadd.s32 $0xFFFFD800  }
0x1e6: {  	[tilespmem:s2], [sflag:$0xC] =	stream.indirect.gather.add.f32 [hbm:s1], $0x80, s25, s14, $0xb8;
	[tilespmem:$0xA400] =	vst v63  }
0x1e7: {  	_ =	swait.ge [sflag:s7], $0x2800  }
0x1e8: {  	[sflag:s7] =	ssyncset.done $0x0  }
0x1e9: {  	[sflag:s7] =	ssyncadd.s32 $0xFFFFD800  }
0x1ea: {  	_ =	swait.ge [sflag:s13], $0x100  }
0x1eb: {  	[sflag:s13] =	ssyncset.done $0x0  }
0x1ec: {  	[sflag:s13] =	ssyncadd.s32 $0xFFFFFF00  }
0x1ed: {  	_ =	swait.ge [sflag:s8], $0x2800  }
0x1ee: {  	[sflag:s8] =	ssyncset.done $0x0  }
0x1ef: {  	[sflag:s8] =	ssyncadd.s32 $0xFFFFD800  }
0x1f0: {  	[tilespmem:s16], [sflag:$0x5] =	stream.indirect.gather [hbm4b:s1+s14], $0x80, s24, s14, $0xb8;
	[tilespmem:$0xA400] =	vst v63  }
0x1f1: {  	s11 =	simm.s32 $0x100;
	s4 =	simm.s32 $0x0;
	s28 =	rddreg [dreg:$0x16]  }
0x1f2: {  	[tilespmem:s11], [sflag:$0x2] =	stream.linear.gather [hbm4b:s28+s24], $0x100, $0x38;
	[tilespmem:$0xA400] =	vst v63  }
0x1f3: {  	v3 =	vld [tilespmem:s4+$0x5400]  }
0x1f4: {  	v5 =	vld [tilespmem:s4+$0x5410]  }
0x1f5: {  	v4 =	vld [tilespmem:s4+$0x5420]  }
0x1f6: {  	v2 =	vld [tilespmem:s4+$0x5430]  }
0x1f7: {  	v0 =	vld [tilespmem:s4+$0x5440]  }
0x1f8: {  	v1 =	vld [tilespmem:s4+$0x5450];
	v6 =	vmul.f32 $5.000000000e-01, v3  }
0x1f9: {  	s5 =	simm.s32 $0x200;
	v5 =	vmul.f32 $5.000000000e-01, v5;
	v3 =	vld [tilespmem:s4+$0x5460]  }
.LBB2_24:
0x1fa: {  	s11 =	sshra.s32 s5, $0x2;
	p1 =	sne.s32 s5, $0x9E00;
	[tilespmem:s4+$0x5400] =	vst v6;
	v4 =	vmul.f32 $5.000000000e-01, v4;
	v6 =	vld [tilespmem:s4+$0x5470]  }
0x1fb: {  	v7 =	vld [tilespmem:s11+$0x5400];
	[tilespmem:s4+$0x5410] =	vst v5;
	v2 =	vmul.f32 $5.000000000e-01, v2  }
0x1fc: {  	v5 =	vld [tilespmem:s11+$0x5410];
	[tilespmem:s4+$0x5420] =	vst v4;
	v0 =	vmul.f32 $5.000000000e-01, v0  }
.Ltmp11:
0x1fd: {  	v4 =	vld [tilespmem:s11+$0x5420];
	[tilespmem:s4+$0x5430] =	vst v2;
	v1 =	vmul.f32 $5.000000000e-01, v1;
	(pc) =	sbr.rel @p1 .LBB2_24-.Ltmp11, $4  }
0x1fe: {  	v2 =	vld [tilespmem:s11+$0x5430];
	[tilespmem:s4+$0x5440] =	vst v0;
	v3 =	vmul.f32 $5.000000000e-01, v3  }
0x1ff: {  	v0 =	vld [tilespmem:s11+$0x5440];
	[tilespmem:s4+$0x5450] =	vst v1;
	v8 =	vmul.f32 $5.000000000e-01, v6  }
0x200: {  	v6 =	vmul.f32 $5.000000000e-01, v7;
	v1 =	vld [tilespmem:s11+$0x5450];
	[tilespmem:s4+$0x5460] =	vst v3  }
0x201: {  	s5 =	sadd.s32 $0x200, s5;
	v5 =	vmul.f32 $5.000000000e-01, v5;
	v3 =	vld [tilespmem:s11+$0x5460];
	[tilespmem:s4+$0x5470] =	vst v8;
	s4 =	smov.u32 s11  }
0x202: {  	[tilespmem:s4+$0x5400] =	vst v6;
	v4 =	vmul.f32 $5.000000000e-01, v4;
	v6 =	vld [tilespmem:s4+$0x5470]  }
0x203: {  	[tilespmem:s4+$0x5410] =	vst v5;
	v2 =	vmul.f32 $5.000000000e-01, v2  }
0x204: {  	[tilespmem:s4+$0x5420] =	vst v4;
	v0 =	vmul.f32 $5.000000000e-01, v0  }
0x205: {  	[tilespmem:s4+$0x5430] =	vst v2;
	v1 =	vmul.f32 $5.000000000e-01, v1  }
0x206: {  	[tilespmem:s4+$0x5440] =	vst v0;
	v0 =	vmul.f32 $5.000000000e-01, v3  }
0x207: {  	[tilespmem:s4+$0x5450] =	vst v1;
	v1 =	vmul.f32 $5.000000000e-01, v6  }
0x208: {  	[tilespmem:s4+$0x5460] =	vst v0  }
0x209: {  	s24 =	simm.s32 $0x0;
	s5 =	rddreg [dreg:$0x18];
	s11 =	simm.s32 $0x5400;
	[tilespmem:s4+$0x5470] =	vst v1  }
0x20a: {  	[hbm4b:s5+s24] =	stream.linear.scatter [tilespmem:s11], [sflag:$0xF], $0x2800, $0x38;
	[tilespmem:$0xA400] =	vst v63  }
0x20b: {  	_ =	swait.ge [sflag:s19], $0x2800  }
0x20c: {  	[sflag:s19] =	ssyncset.done $0x0  }
0x20d: {  	s25 =	simm.s32 $0x80;
	[sflag:s19] =	ssyncadd.s32 $0xFFFFD800  }
0x20e: {  	[tilespmem:s16], [sflag:$0x9] =	stream.indirect.gather.add.f32 [hbm:s1], $0x80, s25, s14, $0xb8;
	[tilespmem:$0xA400] =	vst v63  }
0x20f: {  	_ =	swait.ge [sflag:s9], $0x2800  }
0x210: {  	[sflag:s9] =	ssyncset.done $0x0  }
0x211: {  	[sflag:s9] =	ssyncadd.s32 $0xFFFFD800  }
0x212: {  	_ =	swait.ge [sflag:s17], $0x100  }
0x213: {  	[sflag:s17] =	ssyncset.done $0x0  }
0x214: {  	[sflag:s17] =	ssyncadd.s32 $0xFFFFFF00  }
0x215: {  	_ =	swait.ge [sflag:s29], $0x2800  }
0x216: {  	[sflag:s29] =	ssyncset.done $0x0  }
0x217: {  	s28 =	simm.s32 $0x100;
	s4 =	simm.s32 $0x0;
	[sflag:s29] =	ssyncadd.s32 $0xFFFFD800  }
0x218: {  	[tilespmem:s18], [sflag:$0x6] =	stream.indirect.gather [hbm4b:s1+s14], $0x80, s28, s14, $0xb8;
	[tilespmem:$0xA400] =	vst v63  }
0x219: {  	v3 =	vld [tilespmem:s4+$0x7C00]  }
0x21a: {  	v5 =	vld [tilespmem:s4+$0x7C10]  }
0x21b: {  	v4 =	vld [tilespmem:s4+$0x7C20]  }
0x21c: {  	v2 =	vld [tilespmem:s4+$0x7C30]  }
0x21d: {  	v0 =	vld [tilespmem:s4+$0x7C40]  }
0x21e: {  	v1 =	vld [tilespmem:s4+$0x7C50];
	v6 =	vmul.f32 $5.000000000e-01, v3  }
0x21f: {  	s5 =	simm.s32 $0x200;
	v5 =	vmul.f32 $5.000000000e-01, v5;
	v3 =	vld [tilespmem:s4+$0x7C60]  }
.LBB2_26:
0x220: {  	s11 =	sshra.s32 s5, $0x2;
	p1 =	sne.s32 s5, $0x9E00;
	[tilespmem:s4+$0x7C00] =	vst v6;
	v4 =	vmul.f32 $5.000000000e-01, v4;
	v6 =	vld [tilespmem:s4+$0x7C70]  }
0x221: {  	v7 =	vld [tilespmem:s11+$0x7C00];
	[tilespmem:s4+$0x7C10] =	vst v5;
	v2 =	vmul.f32 $5.000000000e-01, v2  }
0x222: {  	v5 =	vld [tilespmem:s11+$0x7C10];
	[tilespmem:s4+$0x7C20] =	vst v4;
	v0 =	vmul.f32 $5.000000000e-01, v0  }
.Ltmp12:
0x223: {  	v4 =	vld [tilespmem:s11+$0x7C20];
	[tilespmem:s4+$0x7C30] =	vst v2;
	v1 =	vmul.f32 $5.000000000e-01, v1;
	(pc) =	sbr.rel @p1 .LBB2_26-.Ltmp12, $4  }
0x224: {  	v2 =	vld [tilespmem:s11+$0x7C30];
	[tilespmem:s4+$0x7C40] =	vst v0;
	v3 =	vmul.f32 $5.000000000e-01, v3  }
0x225: {  	v0 =	vld [tilespmem:s11+$0x7C40];
	[tilespmem:s4+$0x7C50] =	vst v1;
	v8 =	vmul.f32 $5.000000000e-01, v6  }
0x226: {  	v6 =	vmul.f32 $5.000000000e-01, v7;
	v1 =	vld [tilespmem:s11+$0x7C50];
	[tilespmem:s4+$0x7C60] =	vst v3  }
0x227: {  	s5 =	sadd.s32 $0x200, s5;
	v5 =	vmul.f32 $5.000000000e-01, v5;
	v3 =	vld [tilespmem:s11+$0x7C60];
	[tilespmem:s4+$0x7C70] =	vst v8;
	s4 =	smov.u32 s11  }
0x228: {  	[tilespmem:s4+$0x7C00] =	vst v6;
	v4 =	vmul.f32 $5.000000000e-01, v4;
	v6 =	vld [tilespmem:s4+$0x7C70]  }
0x229: {  	[tilespmem:s4+$0x7C10] =	vst v5;
	v2 =	vmul.f32 $5.000000000e-01, v2  }
0x22a: {  	[tilespmem:s4+$0x7C20] =	vst v4;
	v0 =	vmul.f32 $5.000000000e-01, v0  }
0x22b: {  	[tilespmem:s4+$0x7C30] =	vst v2;
	v1 =	vmul.f32 $5.000000000e-01, v1  }
0x22c: {  	[tilespmem:s4+$0x7C40] =	vst v0;
	v0 =	vmul.f32 $5.000000000e-01, v3  }
0x22d: {  	[tilespmem:s4+$0x7C50] =	vst v1;
	v1 =	vmul.f32 $5.000000000e-01, v6  }
0x22e: {  	[tilespmem:s4+$0x7C60] =	vst v0  }
0x22f: {  	s25 =	simm.s32 $0x0;
	s5 =	rddreg [dreg:$0x19];
	[tilespmem:s4+$0x7C70] =	vst v1  }
0x230: {  	[hbm4b:s5+s25] =	stream.linear.scatter [tilespmem:s2], [sflag:$0x10], $0x2800, $0x38;
	[tilespmem:$0xA400] =	vst v63  }
0x231: {  	_ =	swait.ge [sflag:s21], $0x2800  }
0x232: {  	[sflag:s21] =	ssyncset.done $0x0  }
0x233: {  	s28 =	simm.s32 $0x180;
	[sflag:s21] =	ssyncadd.s32 $0xFFFFD800  }
0x234: {  	[tilespmem:s18], [sflag:$0xA] =	stream.indirect.gather.add.f32 [hbm:s1], $0x80, s28, s14, $0xb8;
	[tilespmem:$0xA400] =	vst v63  }
0x235: {  	_ =	swait.ge [sflag:s23], $0x2800  }
0x236: {  	[sflag:s23] =	ssyncset.done $0x0  }
0x237: {  	s4 =	simm.s32 $0x0;
	[sflag:s23] =	ssyncadd.s32 $0xFFFFD800  }
0x238: {  	v3 =	vld [tilespmem:s4+$0x400]  }
0x239: {  	v5 =	vld [tilespmem:s4+$0x410]  }
0x23a: {  	v4 =	vld [tilespmem:s4+$0x420]  }
0x23b: {  	v2 =	vld [tilespmem:s4+$0x430]  }
0x23c: {  	v0 =	vld [tilespmem:s4+$0x440]  }
0x23d: {  	v1 =	vld [tilespmem:s4+$0x450];
	v6 =	vmul.f32 $5.000000000e-01, v3  }
0x23e: {  	s5 =	simm.s32 $0x200;
	v5 =	vmul.f32 $5.000000000e-01, v5;
	v3 =	vld [tilespmem:s4+$0x460]  }
.LBB2_28:
0x23f: {  	s11 =	sshra.s32 s5, $0x2;
	p1 =	sne.s32 s5, $0x9E00;
	[tilespmem:s4+$0x400] =	vst v6;
	v4 =	vmul.f32 $5.000000000e-01, v4;
	v6 =	vld [tilespmem:s4+$0x470]  }
0x240: {  	v7 =	vld [tilespmem:s11+$0x400];
	[tilespmem:s4+$0x410] =	vst v5;
	v2 =	vmul.f32 $5.000000000e-01, v2  }
0x241: {  	v5 =	vld [tilespmem:s11+$0x410];
	[tilespmem:s4+$0x420] =	vst v4;
	v0 =	vmul.f32 $5.000000000e-01, v0  }
.Ltmp13:
0x242: {  	v4 =	vld [tilespmem:s11+$0x420];
	[tilespmem:s4+$0x430] =	vst v2;
	v1 =	vmul.f32 $5.000000000e-01, v1;
	(pc) =	sbr.rel @p1 .LBB2_28-.Ltmp13, $4  }
0x243: {  	v2 =	vld [tilespmem:s11+$0x430];
	[tilespmem:s4+$0x440] =	vst v0;
	v3 =	vmul.f32 $5.000000000e-01, v3  }
0x244: {  	v0 =	vld [tilespmem:s11+$0x440];
	[tilespmem:s4+$0x450] =	vst v1;
	v8 =	vmul.f32 $5.000000000e-01, v6  }
0x245: {  	v6 =	vmul.f32 $5.000000000e-01, v7;
	v1 =	vld [tilespmem:s11+$0x450];
	[tilespmem:s4+$0x460] =	vst v3  }
0x246: {  	s5 =	sadd.s32 $0x200, s5;
	v5 =	vmul.f32 $5.000000000e-01, v5;
	v3 =	vld [tilespmem:s11+$0x460];
	[tilespmem:s4+$0x470] =	vst v8;
	s4 =	smov.u32 s11  }
0x247: {  	[tilespmem:s4+$0x400] =	vst v6;
	v4 =	vmul.f32 $5.000000000e-01, v4;
	v6 =	vld [tilespmem:s4+$0x470]  }
0x248: {  	[tilespmem:s4+$0x410] =	vst v5;
	v2 =	vmul.f32 $5.000000000e-01, v2  }
0x249: {  	[tilespmem:s4+$0x420] =	vst v4;
	v0 =	vmul.f32 $5.000000000e-01, v0  }
0x24a: {  	[tilespmem:s4+$0x430] =	vst v2;
	v1 =	vmul.f32 $5.000000000e-01, v1  }
0x24b: {  	[tilespmem:s4+$0x440] =	vst v0;
	v0 =	vmul.f32 $5.000000000e-01, v3  }
0x24c: {  	[tilespmem:s4+$0x450] =	vst v1;
	v1 =	vmul.f32 $5.000000000e-01, v6  }
0x24d: {  	[tilespmem:s4+$0x460] =	vst v0  }
0x24e: {  	s28 =	simm.s32 $0x0;
	s5 =	rddreg [dreg:$0x1a];
	[tilespmem:s4+$0x470] =	vst v1  }
0x24f: {  	[hbm4b:s5+s28] =	stream.linear.scatter [tilespmem:s16], [sflag:$0xD], $0x2800, $0x38;
	[tilespmem:$0xA400] =	vst v63  }
0x250: {  	_ =	swait.ge [sflag:s30], $0x2800  }
0x251: {  	[sflag:s30] =	ssyncset.done $0x0  }
0x252: {  	s4 =	simm.s32 $0x0;
	[sflag:s30] =	ssyncadd.s32 $0xFFFFD800  }
0x253: {  	v3 =	vld [tilespmem:s4+$0x2C00]  }
0x254: {  	v5 =	vld [tilespmem:s4+$0x2C10]  }
0x255: {  	v4 =	vld [tilespmem:s4+$0x2C20]  }
0x256: {  	v2 =	vld [tilespmem:s4+$0x2C30]  }
0x257: {  	v0 =	vld [tilespmem:s4+$0x2C40]  }
0x258: {  	v1 =	vld [tilespmem:s4+$0x2C50];
	v6 =	vmul.f32 $5.000000000e-01, v3  }
0x259: {  	s5 =	simm.s32 $0x200;
	v5 =	vmul.f32 $5.000000000e-01, v5;
	v3 =	vld [tilespmem:s4+$0x2C60]  }
.LBB2_30:
0x25a: {  	s11 =	sshra.s32 s5, $0x2;
	p1 =	sne.s32 s5, $0x9E00;
	[tilespmem:s4+$0x2C00] =	vst v6;
	v4 =	vmul.f32 $5.000000000e-01, v4;
	v6 =	vld [tilespmem:s4+$0x2C70]  }
0x25b: {  	v7 =	vld [tilespmem:s11+$0x2C00];
	[tilespmem:s4+$0x2C10] =	vst v5;
	v2 =	vmul.f32 $5.000000000e-01, v2  }
0x25c: {  	v5 =	vld [tilespmem:s11+$0x2C10];
	[tilespmem:s4+$0x2C20] =	vst v4;
	v0 =	vmul.f32 $5.000000000e-01, v0  }
.Ltmp14:
0x25d: {  	v4 =	vld [tilespmem:s11+$0x2C20];
	[tilespmem:s4+$0x2C30] =	vst v2;
	v1 =	vmul.f32 $5.000000000e-01, v1;
	(pc) =	sbr.rel @p1 .LBB2_30-.Ltmp14, $4  }
0x25e: {  	v2 =	vld [tilespmem:s11+$0x2C30];
	[tilespmem:s4+$0x2C40] =	vst v0;
	v3 =	vmul.f32 $5.000000000e-01, v3  }
0x25f: {  	v0 =	vld [tilespmem:s11+$0x2C40];
	[tilespmem:s4+$0x2C50] =	vst v1;
	v8 =	vmul.f32 $5.000000000e-01, v6  }
0x260: {  	v6 =	vmul.f32 $5.000000000e-01, v7;
	v1 =	vld [tilespmem:s11+$0x2C50];
	[tilespmem:s4+$0x2C60] =	vst v3  }
0x261: {  	s5 =	sadd.s32 $0x200, s5;
	v5 =	vmul.f32 $5.000000000e-01, v5;
	v3 =	vld [tilespmem:s11+$0x2C60];
	[tilespmem:s4+$0x2C70] =	vst v8;
	s4 =	smov.u32 s11  }
0x262: {  	[tilespmem:s4+$0x2C00] =	vst v6;
	v4 =	vmul.f32 $5.000000000e-01, v4;
	v61 =	vld [tilespmem:s4+$0x2C70]  }
0x263: {  	[tilespmem:s4+$0x2C10] =	vst v5;
	v2 =	vmul.f32 $5.000000000e-01, v2  }
0x264: {  	[tilespmem:s4+$0x2C20] =	vst v4;
	v0 =	vmul.f32 $5.000000000e-01, v0  }
0x265: {  	[tilespmem:s4+$0x2C30] =	vst v2;
	v1 =	vmul.f32 $5.000000000e-01, v1  }
0x266: {  	[tilespmem:s4+$0x2C40] =	vst v0;
	v62 =	vmul.f32 $5.000000000e-01, v3  }
0x267: {  	[tilespmem:s4+$0x2C50] =	vst v1;
	v63 =	vmul.f32 $5.000000000e-01, v61  }
0x268: {  	[tilespmem:s4+$0x2C60] =	vst v62  }
0x269: {  	s25 =	rddreg [dreg:$0x1b];
	[tilespmem:s4+$0x2C70] =	vst v63  }
0x26a: {  	[hbm4b:s25+s12] =	stream.linear.scatter [tilespmem:s18], [sflag:$0xE], $0x2800, $0x38;
	[tilespmem:$0xA400] =	vst v63  }
0x26b: {  	_ =	swait.ge [sflag:s8], $0x2800  }
0x26c: {  	[sflag:s8] =	ssyncset.done $0x0  }
0x26d: {  	[sflag:s8] =	ssyncadd.s32 $0xFFFFD800  }
0x26e: {  	_ =	swait.ge [sflag:s29], $0x2800  }
0x26f: {  	[sflag:s29] =	ssyncset.done $0x0  }
0x270: {  	[sflag:s29] =	ssyncadd.s32 $0xFFFFD800  }
0x271: {  	_ =	swait.ge [sflag:s0], $0x2800  }
0x272: {  	[sflag:s0] =	ssyncset.done $0x0  }
0x273: {  	[sflag:s0] =	ssyncadd.s32 $0xFFFFD800  }
0x274: {  	_ =	swait.ge [sflag:s20], $0x2800  }
0x275: {  	s5 =	sld [smem:$0x7FC];
	_ =	sdelay $0x2  }
0x276: {  	s28 =	rddreg [dreg:$0x1c];
	s5 =	sadd.s32 $0x1, s5  }
0x277: {  	p1 =	sne.s32 s5, s28  }
.Ltmp15:
0x278: {  	_ = 	snop;
	(pc) =	sbr.rel @p1 .LBB2_1-.Ltmp15, $3  }
0x279: {  	_ =	sdelay $0x1  }
0x27a: {  	[sflag:s20] =	ssyncset.done $0x0  }
0x27b: {  	[sflag:s20] =	ssyncadd.s32 $0xFFFFD800  }
0x27c: {  	_ =	sfence.sel $0x180000  }
0x27d: {  	[bflag:$0x0] =	sbarrier.arrive $0xFFFF  }
0x27e: {  	_ =	strace $0x90000047  }
0x27f: {  	s0 =	stileid.u32;
	[bflag:$0x2] =	sbarrier.arrive $0xFFFF  }
0x280: {  	p0 =	sne.s32 s0, $0x0;
	s0 =	rddreg [dreg:$0x3]  }
0x281: {  	s0 =	sadd.s32 @!p0 $0x100000, s0  }
0x282: {  	[sflag:s0] =	ssyncadd.tile.s32 @!p0 $0x1;
	_ =	shalt  }
.Lfunc_end2:
_tile_overlayer_lowered:
.L_overlay_start_2:
0x283: {  	(tag) =	ssettag $0x2  }
0x284: {  	s0 =	rddreg [dreg:$0x0];
	s2 =	stileid.u32  }
0x285: {  	s1 =	rddreg [dreg:$0x1];
	p0 =	sne.s32 s2, $0x0  }
0x286: {  	s3 =	rddreg [dreg:$0x2];
	[bflag:$0x3] =	sbarrier.arrive $0xFFFF;
	s2 =	simm.s32 @!p0 $0x1C11  }
0x287: {  	[timem:s3], [sflag:s2] =	dma.local @!p0 [hbm:s0], s1  }
0x288: {  	s0 =	simm.s32 @!p0 $0x11  }
0x289: {  	_ =	swait.ge @!p0 [sflag:s0], s1  }
0x28a: {  	s1 =	ssub.s32 @!p0 $0x0, s1;
	[sflag:s0] =	ssyncset.done @!p0 $0x0  }
0x28b: {  	[sflag:s0] =	ssyncadd.s32 @!p0 s1  }
0x28c: {  	[bflag:$0x3] =	sbarrier.arrive $0xFFFF  }
0x28d: {  	_ =	shalt  }

</sc_bundles>
